<compile_context>
chip_gen: v7x
topology: tpu7x:2x2x1
jax: 0.10.2.dev20260603
libtpu: 0.0.44.dev20260713+nightly
codegen_flags: <defaults>
</compile_context>

<pallas_src>
import functools

import jax
import jax.numpy as jnp
from jax import lax
from jax.experimental import pallas as pl
from jax.experimental.pallas import tpu as pltpu
from jax.experimental.pallas import tpu_sc as plsc

_N = 10000
_E = 320000
_H = 4
_NC, _NS = 2, 16
_K = 128
_TM = 1000


def _mm(x, w):
    m, kdim = x.shape
    f = w.shape[1]

    def body(x_ref, w_ref, o_ref):
        o_ref[...] = jnp.dot(x_ref[...], w_ref[...],
                             preferred_element_type=jnp.float32)

    return pl.pallas_call(
        body,
        grid=(m // _TM,),
        in_specs=[pl.BlockSpec((_TM, kdim), lambda i: (i, 0)),
                  pl.BlockSpec((kdim, f), lambda i: (0, 0))],
        out_specs=pl.BlockSpec((_TM, f), lambda i: (i, 0)),
        out_shape=jax.ShapeDtypeStruct((m, f), jnp.float32),
    )(x, w)


def _sc_edge(src, dst, esedA, esedB, hA, hB, C, Dp, npass, Nacc):
    twoC = 2 * C
    npt = Nacc // _NS
    n_chunks = _E // _K
    cpt = -(-n_chunks // _NS)
    span = _N // npass
    mesh = plsc.VectorSubcoreMesh(core_axis_name="c", subcore_axis_name="s")

    @functools.partial(
        pl.kernel, mesh=mesh,
        out_type=jax.ShapeDtypeStruct((_NC, npass, Nacc, Dp), jnp.float32),
        compiler_params=pltpu.CompilerParams(use_tc_tiling_on_sc=False),
        scratch_types=[
            pltpu.VMEM((_K,), jnp.int32),
            pltpu.VMEM((_K,), jnp.int32),
            pltpu.VMEM((_K, 16), jnp.float32),
            pltpu.VMEM((_K, 16), jnp.float32),
            pltpu.VMEM((_K, Dp), jnp.float32),
            pltpu.VMEM_SHARED((Nacc, Dp), jnp.float32),
            pltpu.SemaphoreType.DMA,
        ],
    )
    def k(src_h, dst_h, esedA_h, esedB_h, hA_h, hB_h, out_h,
          src_v, dst_v, esr_v, edr_v, rows_v, acc_s, sem):
        cid = lax.axis_index("c")
        sid = lax.axis_index("s")
        iota = lax.iota(jnp.int32, 16)
        zero16 = jnp.zeros((16,), jnp.float32)
        shift2 = jnp.where(iota == 0, 2, jnp.where(iota == 1, 3, 0))

        for p in range(npass):
            def zrow(r, carry):
                for b in range(Dp // 16):
                    rows_v[r, pl.ds(b * 16, 16)] = zero16
                return carry
            lax.fori_loop(0, _K, zrow, 0)
            off = 0
            while off < npt:
                cnt = min(_K, npt - off)
                pltpu.sync_copy(rows_v.at[pl.ds(0, cnt)],
                                acc_s.at[pl.ds(sid * npt + off, cnt)])
                off += cnt
            plsc.subcore_barrier()

            def chunk_body(q, carry):
                m = q * _NS + sid

                @pl.when(m < n_chunks)
                def _():
                    base = m * _K
                    pltpu.sync_copy(src_h.at[pl.ds(base, _K)], src_v)
                    pltpu.sync_copy(dst_h.at[pl.ds(base, _K)], dst_v)

                    @pl.when(cid == 0)
                    def _():
                        c1 = pltpu.async_copy(esedA_h.at[src_v], esr_v, sem)
                        c2 = pltpu.async_copy(esedA_h.at[dst_v], edr_v, sem)
                        c3 = pltpu.async_copy(hA_h.at[src_v], rows_v, sem)
                        c1.wait(); c2.wait(); c3.wait()

                    @pl.when(cid == 1)
                    def _():
                        c1 = pltpu.async_copy(esedB_h.at[src_v], esr_v, sem)
                        c2 = pltpu.async_copy(esedB_h.at[dst_v], edr_v, sem)
                        c3 = pltpu.async_copy(hB_h.at[src_v], rows_v, sem)
                        c1.wait(); c2.wait(); c3.wait()

                    if npass > 1:
                        for g in range(_K // 16):
                            d16 = dst_v[pl.ds(g * 16, 16)]
                            dl = d16 - p * span
                            dl = jnp.where((dl >= 0) & (dl < span),
                                           dl, Nacc - 1)
                            dst_v[pl.ds(g * 16, 16)] = dl

                    def edge_body(kk):
                        vs = esr_v[kk, :]
                        vd = edr_v[kk, :]
                        e = vs + vd.at[shift2].get(mode="promise_in_bounds")
                        e = jnp.where(e >= 0, e, 0.2 * e)
                        w = jnp.exp(e)
                        w0v = jnp.full((16,), w[0])
                        w1v = jnp.full((16,), w[1])
                        for b in range(Dp // 16):
                            lo = b * 16
                            cats = [0 if c < C else
                                    (1 if c < twoC else
                                     (2 if c <= twoC + 1 else 3))
                                    for c in range(lo, lo + 16)]
                            if all(x == 3 for x in cats):
                                continue
                            v = rows_v[kk, pl.ds(lo, 16)]
                            if all(x == 0 for x in cats):
                                sv = w0v
                            elif all(x == 1 for x in cats):
                                sv = w1v
                            else:
                                colv = iota + lo
                                sv = jnp.where(
                                    colv < C, w0v,
                                    jnp.where(colv < twoC, w1v,
                                              jnp.where(colv == twoC, w0v,
                                                        jnp.where(colv == twoC + 1,
                                                                  w1v, zero16))))
                            rows_v[kk, pl.ds(lo, 16)] = v * sv
                    plsc.parallel_loop(0, _K, unroll=4)(edge_body)

                    pltpu.sync_copy(rows_v, acc_s.at[dst_v], add=True)
                return carry
            lax.fori_loop(0, cpt, chunk_body, 0)

            plsc.subcore_barrier()
            off = 0
            while off < npt:
                cnt = min(_K, npt - off)
                pltpu.sync_copy(
                    acc_s.at[pl.ds(sid * npt + off, cnt)],
                    out_h.at[cid, p].at[pl.ds(sid * npt + off, cnt)])
                off += cnt
            plsc.subcore_barrier()

    return k(src, dst, esedA, esedB, hA, hB)


def _epi_concat(acc, r, b):
    def body(a_ref, r_ref, b_ref, o_ref):
        outs = []
        for c in range(2):
            a = a_ref[c, 0]
            for j in range(2):
                num = a[:, j * 64:(j + 1) * 64]
                den = a[:, 128 + j:129 + j] + 1e-16
                outs.append(num / den)
        o = jnp.concatenate(outs, axis=1) + r_ref[...] + b_ref[...]
        o_ref[...] = jnp.maximum(o, 0.0)

    return pl.pallas_call(
        body,
        grid=(_N // _TM,),
        in_specs=[pl.BlockSpec((2, 1, _TM, 144), lambda i: (0, 0, i, 0)),

                  pl.BlockSpec((_TM, 256), lambda i: (i, 0)),
                  pl.BlockSpec((1, 256), lambda i: (0, 0))],
        out_specs=pl.BlockSpec((_TM, 256), lambda i: (i, 0)),
        out_shape=jax.ShapeDtypeStruct((_N, 256), jnp.float32),
    )(acc, r, b.reshape(1, 256))


def _epi_mean(acc, r, b, Nacc):
    span_tiles = (_N // 2) // _TM

    def body(a_ref, r_ref, b_ref, o_ref):
        tot = None
        for c in range(2):
            a = a_ref[c, 0]
            for j in range(2):
                num = a[:, j * 121:(j + 1) * 121]
                den = a[:, 242 + j:243 + j] + 1e-16
                t = num / den
                tot = t if tot is None else tot + t
        o_ref[...] = tot * 0.25 + r_ref[...] + b_ref[...]

    return pl.pallas_call(
        body,
        grid=(_N // _TM,),
        in_specs=[pl.BlockSpec((2, 1, _TM, 256),
                               lambda i: (0, i // span_tiles, i % span_tiles, 0)),
                  pl.BlockSpec((_TM, 121), lambda i: (i, 0)),
                  pl.BlockSpec((1, 121), lambda i: (0, 0))],
        out_specs=pl.BlockSpec((_TM, 121), lambda i: (i, 0)),
        out_shape=jax.ShapeDtypeStruct((_N, 121), jnp.float32),
    )(acc, r, b.reshape(1, 121))


def _prep_weights(W, a_src, a_dst, Wres):
    d, hc = W.shape
    c = hc // _H
    wr = W.reshape(d, _H, c)
    vsrc = jnp.einsum('dhc,hc->dh', wr, a_src)
    vdst = jnp.einsum('dhc,hc->dh', wr, a_dst)
    return jnp.concatenate([W, Wres, vsrc, vdst], axis=1)


def _layer(x, src, dst, Wall, b, C, Dp, npass, Nacc):
    hc = _H * C
    f = b.shape[0]
    twoC = 2 * C
    z = _mm(x, Wall)
    h = z[:, :hc]
    r = z[:, hc:hc + f]
    es = z[:, hc + f:hc + f + 4]
    ed = z[:, hc + f + 4:hc + f + 8]
    ones2 = jnp.ones((_N, 2), jnp.float32)
    padz = jnp.zeros((_N, Dp - twoC - 2), jnp.float32)
    hA = jnp.concatenate([h[:, :twoC], ones2, padz], axis=1)
    hB = jnp.concatenate([h[:, twoC:], ones2, padz], axis=1)
    pad12 = jnp.zeros((_N, 12), jnp.float32)
    esedA = jnp.concatenate([es[:, 0:2], ed[:, 0:2], pad12], axis=1)
    esedB = jnp.concatenate([es[:, 2:4], ed[:, 2:4], pad12], axis=1)
    acc = _sc_edge(src, dst, esedA, esedB, hA, hB, C, Dp, npass, Nacc)
    if npass == 1:
        return _epi_concat(acc, r, b)
    return _epi_mean(acc, r, b, Nacc)


def kernel(x0, edge_index, W1, a_src1, a_dst1, Wres1, b1,
           W2, a_src2, a_dst2, Wres2, b2,
           W3, a_src3, a_dst3, Wres3, b3):
    src = edge_index[0]
    dst = edge_index[1]
    x1 = _layer(x0, src, dst, _prep_weights(W1, a_src1, a_dst1, Wres1), b1,
                C=64, Dp=144, npass=1, Nacc=10240)
    x2 = _layer(x1, src, dst, _prep_weights(W2, a_src2, a_dst2, Wres2), b2,
                C=64, Dp=144, npass=1, Nacc=10240)
    x3 = _layer(x2, src, dst, _prep_weights(W3, a_src3, a_dst3, Wres3), b3,
                C=121, Dp=256, npass=2, Nacc=5120)
    return x3

# --- scband reference (transcript-rebuilt; emitter-appended) ---
"""Pipeline reference for scband-net-75995151335951 (READ-ONLY COPY).

The authoritative reference and input builder live on the scoring server;
editing this copy changes nothing except your own understanding.
"""

import jax, jax.numpy as jnp
import numpy as np

N = 10000
E = 320000
D_IN = 128
HEADS = 4
HID = 64
N_CLASSES = 121


def _gat(x, src, dst, W, a_src, a_dst, Wres, b, heads, out_ch, concat, n):
    h = (x @ W).reshape(n, heads, out_ch)
    es = (h * a_src[None, :, :]).sum(-1)  # [N, H]
    ed = (h * a_dst[None, :, :]).sum(-1)  # [N, H]
    e = es[src] + ed[dst]                 # [E, H]
    e = jax.nn.leaky_relu(e, 0.2)
    emax = jax.ops.segment_max(e, dst, num_segments=n)
    emax = jnp.where(jnp.isfinite(emax), emax, 0.0)
    w = jnp.exp(e - emax[dst])
    denom = jax.ops.segment_sum(w, dst, num_segments=n)
    alpha = w / (denom[dst] + 1e-16)
    out = jax.ops.segment_sum(h[src] * alpha[:, :, None], dst, num_segments=n)
    if concat:
        out = out.reshape(n, heads * out_ch)
    else:
        out = out.mean(axis=1)
    return out + x @ Wres + b


def setup_inputs(seed: int = 0):
    key = jax.random.key(seed)
    ks = jax.random.split(key, 20)
    x0 = jax.random.normal(ks[0], (N, D_IN), dtype=jnp.float32)
    edge_index = jax.random.randint(ks[1], (2, E), 0, N, dtype=jnp.int32)
    s = 0.1
    inp = {
        'x0': x0,
        'edge_index': edge_index,
        'W1': jax.random.normal(ks[2], (D_IN, HEADS * HID), dtype=jnp.float32) * s,
        'a_src1': jax.random.normal(ks[3], (HEADS, HID), dtype=jnp.float32) * s,
        'a_dst1': jax.random.normal(ks[4], (HEADS, HID), dtype=jnp.float32) * s,
        'Wres1': jax.random.normal(ks[5], (D_IN, HEADS * HID), dtype=jnp.float32) * s,
        'b1': jnp.zeros((HEADS * HID,), dtype=jnp.float32),
        'W2': jax.random.normal(ks[6], (HEADS * HID, HEADS * HID), dtype=jnp.float32) * s,
        'a_src2': jax.random.normal(ks[7], (HEADS, HID), dtype=jnp.float32) * s,
        'a_dst2': jax.random.normal(ks[8], (HEADS, HID), dtype=jnp.float32) * s,
        'Wres2': jax.random.normal(ks[9], (HEADS * HID, HEADS * HID), dtype=jnp.float32) * s,
        'b2': jnp.zeros((HEADS * HID,), dtype=jnp.float32),
        'W3': jax.random.normal(ks[10], (HEADS * HID, HEADS * N_CLASSES), dtype=jnp.float32) * s,
        'a_src3': jax.random.normal(ks[11], (HEADS, N_CLASSES), dtype=jnp.float32) * s,
        'a_dst3': jax.random.normal(ks[12], (HEADS, N_CLASSES), dtype=jnp.float32) * s,
        'Wres3': jax.random.normal(ks[13], (HEADS * HID, N_CLASSES), dtype=jnp.float32) * s,
        'b3': jnp.zeros((N_CLASSES,), dtype=jnp.float32),
    }
    return inp


def reference(x0, edge_index, W1, a_src1, a_dst1, Wres1, b1, W2, a_src2, a_dst2, Wres2, b2, W3, a_src3, a_dst3, Wres3, b3):
    src = edge_index[0]
    dst = edge_index[1]
    x1 = jax.nn.relu(_gat(x0, src, dst, W1, a_src1, a_dst1, Wres1, b1, HEADS, HID, True, N))
    x2 = jax.nn.relu(_gat(x1, src, dst, W2, a_src2, a_dst2, Wres2, b2, HEADS, HID, True, N))
    x3 = _gat(x2, src, dst, W3, a_src3, a_dst3, Wres3, b3, HEADS, N_CLASSES, False, N)
    return x3

if __name__ == "__main__":
    import jax
    _d = setup_inputs()
    print(jax.jit(kernel)(*tuple(_d.values())))

</pallas_src>

<mosaic_0001>
#map = affine_map<(d0, d1) -> (0)>
#map1 = affine_map<(d0, d1) -> (0, 0)>
#map2 = affine_map<(d0, d1) -> (0, 0, 0, 0)>
module attributes {stable_mosaic.version = 14 : i64} {
  func.func @k(%arg0: i32, %arg1: i32, %arg2: memref<320000xi32, #tpu.memory_space<hbm>>, %arg3: memref<320000xi32, #tpu.memory_space<hbm>>, %arg4: memref<10000x16xf32, #tpu.memory_space<hbm>>, %arg5: memref<10000x16xf32, #tpu.memory_space<hbm>>, %arg6: memref<10000x144xf32, #tpu.memory_space<hbm>>, %arg7: memref<10000x144xf32, #tpu.memory_space<hbm>>, %arg8: memref<2x1x10240x144xf32, #tpu.memory_space<hbm>>, %arg9: memref<128xi32, #tpu.memory_space<vmem>>, %arg10: memref<128xi32, #tpu.memory_space<vmem>>, %arg11: memref<128x16xf32, #tpu.memory_space<vmem>>, %arg12: memref<128x16xf32, #tpu.memory_space<vmem>>, %arg13: memref<128x144xf32, #tpu.memory_space<vmem>>, %arg14: memref<10240x144xf32, #tpu.memory_space<vmem_shared>>, %arg15: memref<!tpu.dma_semaphore, #tpu.memory_space<semaphore_mem>>) attributes {dimension_semantics = [#tpu.dimension_semantics<core_parallel>, #tpu.dimension_semantics<subcore_parallel>], iteration_bounds = array<i64: 2, 16>, scalar_prefetch = 0 : i64, scratch_operands = 7 : i64, tpu.core_type = #tpu.core_type<sc_vector_subcore>, window_params = [{transform_indices = #map}, {transform_indices = #map}, {transform_indices = #map1}, {transform_indices = #map1}, {transform_indices = #map1}, {transform_indices = #map1}, {transform_indices = #map2}]} {
    %iota3A = tpu.iota {dimensions = array<i32: 0>} : vector<16xi32>
    %broadcast_in_dim3A = arith.constant 0.000000e+00 : f32
    %broadcast_in_dim3A_0 = vector.broadcast %broadcast_in_dim3A : f32 to vector<16xf32>
    %eq3A = arith.constant 0 : i32
    %eq3A_1 = vector.broadcast %eq3A : i32 to vector<16xi32>
    %eq3A_2 = arith.cmpi eq, %iota3A, %eq3A_1 : vector<16xi32>
    %eq3A_3 = arith.constant 1 : i32
    %eq3A_4 = vector.broadcast %eq3A_3 : i32 to vector<16xi32>
    %eq3A_5 = arith.cmpi eq, %iota3A, %eq3A_4 : vector<16xi32>
    %jit3A = arith.constant 3 : i32
    %jit3A_6 = arith.constant 0 : i32
    %broadcast_in_dim3A_7 = vector.broadcast %jit3A : i32 to vector<16xi32>
    %broadcast_in_dim3A_8 = vector.broadcast %jit3A_6 : i32 to vector<16xi32>
    %select_n3A = arith.select %eq3A_5, %broadcast_in_dim3A_7, %broadcast_in_dim3A_8 : vector<16xi1>, vector<16xi32>
    %jit3A_9 = arith.constant 2 : i32
    %broadcast_in_dim3A_10 = vector.broadcast %jit3A_9 : i32 to vector<16xi32>
    %select_n3A_11 = arith.select %eq3A_2, %broadcast_in_dim3A_10, %select_n3A : vector<16xi1>, vector<16xi32>
    %scan3A = arith.constant 0 : i32
    %scan3A_12 = arith.constant 0 : i32
    %scan3A_13 = arith.constant 128 : i32
    %scan3A_14 = arith.addi %scan3A_12, %scan3A_13 : i32
    %scan3A_15 = arith.constant 1 : i32
    scf.for %scan3A_87 = %scan3A_12 to %scan3A_14 step %scan3A_15  : i32 {
      %swap3A = arith.index_cast %scan3A_87 : i32 to index
      %swap3A_88 = arith.constant 0 : index
      %swap3A_89 = tpu.vector_load %arg13[%swap3A, %swap3A_88] {strides = array<i32>} : memref<128x144xf32, #tpu.memory_space<vmem>>, vector<1x16xf32>,
      %swap3A_90 = vector.shape_cast %swap3A_89 : vector<1x16xf32> to vector<16xf32>
      %swap3A_91 = vector.shape_cast %broadcast_in_dim3A_0 : vector<16xf32> to vector<1x16xf32>
      tpu.vector_store %arg13[%swap3A, %swap3A_88], %swap3A_91 {strides = array<i32>} : memref<128x144xf32, #tpu.memory_space<vmem>>, vector<1x16xf32>,
      %swap3A_92 = arith.index_cast %scan3A_87 : i32 to index
      %swap3A_93 = arith.constant 16 : index
      %swap3A_94 = tpu.vector_load %arg13[%swap3A_92, %swap3A_93] {strides = array<i32>} : memref<128x144xf32, #tpu.memory_space<vmem>>, vector<1x16xf32>,
      %swap3A_95 = vector.shape_cast %swap3A_94 : vector<1x16xf32> to vector<16xf32>
      %swap3A_96 = vector.shape_cast %broadcast_in_dim3A_0 : vector<16xf32> to vector<1x16xf32>
      tpu.vector_store %arg13[%swap3A_92, %swap3A_93], %swap3A_96 {strides = array<i32>} : memref<128x144xf32, #tpu.memory_space<vmem>>, vector<1x16xf32>,
      %swap3A_97 = arith.index_cast %scan3A_87 : i32 to index
      %swap3A_98 = arith.constant 32 : index
      %swap3A_99 = tpu.vector_load %arg13[%swap3A_97, %swap3A_98] {strides = array<i32>} : memref<128x144xf32, #tpu.memory_space<vmem>>, vector<1x16xf32>,
      %swap3A_100 = vector.shape_cast %swap3A_99 : vector<1x16xf32> to vector<16xf32>
      %swap3A_101 = vector.shape_cast %broadcast_in_dim3A_0 : vector<16xf32> to vector<1x16xf32>
      tpu.vector_store %arg13[%swap3A_97, %swap3A_98], %swap3A_101 {strides = array<i32>} : memref<128x144xf32, #tpu.memory_space<vmem>>, vector<1x16xf32>,
      %swap3A_102 = arith.index_cast %scan3A_87 : i32 to index
      %swap3A_103 = arith.constant 48 : index
      %swap3A_104 = tpu.vector_load %arg13[%swap3A_102, %swap3A_103] {strides = array<i32>} : memref<128x144xf32, #tpu.memory_space<vmem>>, vector<1x16xf32>,
      %swap3A_105 = vector.shape_cast %swap3A_104 : vector<1x16xf32> to vector<16xf32>
      %swap3A_106 = vector.shape_cast %broadcast_in_dim3A_0 : vector<16xf32> to vector<1x16xf32>
      tpu.vector_store %arg13[%swap3A_102, %swap3A_103], %swap3A_106 {strides = array<i32>} : memref<128x144xf32, #tpu.memory_space<vmem>>, vector<1x16xf32>,
      %swap3A_107 = arith.index_cast %scan3A_87 : i32 to index
      %swap3A_108 = arith.constant 64 : index
      %swap3A_109 = tpu.vector_load %arg13[%swap3A_107, %swap3A_108] {strides = array<i32>} : memref<128x144xf32, #tpu.memory_space<vmem>>, vector<1x16xf32>,
      %swap3A_110 = vector.shape_cast %swap3A_109 : vector<1x16xf32> to vector<16xf32>
      %swap3A_111 = vector.shape_cast %broadcast_in_dim3A_0 : vector<16xf32> to vector<1x16xf32>
      tpu.vector_store %arg13[%swap3A_107, %swap3A_108], %swap3A_111 {strides = array<i32>} : memref<128x144xf32, #tpu.memory_space<vmem>>, vector<1x16xf32>,
      %swap3A_112 = arith.index_cast %scan3A_87 : i32 to index
      %swap3A_113 = arith.constant 80 : index
      %swap3A_114 = tpu.vector_load %arg13[%swap3A_112, %swap3A_113] {strides = array<i32>} : memref<128x144xf32, #tpu.memory_space<vmem>>, vector<1x16xf32>,
      %swap3A_115 = vector.shape_cast %swap3A_114 : vector<1x16xf32> to vector<16xf32>
      %swap3A_116 = vector.shape_cast %broadcast_in_dim3A_0 : vector<16xf32> to vector<1x16xf32>
      tpu.vector_store %arg13[%swap3A_112, %swap3A_113], %swap3A_116 {strides = array<i32>} : memref<128x144xf32, #tpu.memory_space<vmem>>, vector<1x16xf32>,
      %swap3A_117 = arith.index_cast %scan3A_87 : i32 to index
      %swap3A_118 = arith.constant 96 : index
      %swap3A_119 = tpu.vector_load %arg13[%swap3A_117, %swap3A_118] {strides = array<i32>} : memref<128x144xf32, #tpu.memory_space<vmem>>, vector<1x16xf32>,
      %swap3A_120 = vector.shape_cast %swap3A_119 : vector<1x16xf32> to vector<16xf32>
      %swap3A_121 = vector.shape_cast %broadcast_in_dim3A_0 : vector<16xf32> to vector<1x16xf32>
      tpu.vector_store %arg13[%swap3A_117, %swap3A_118], %swap3A_121 {strides = array<i32>} : memref<128x144xf32, #tpu.memory_space<vmem>>, vector<1x16xf32>,
      %swap3A_122 = arith.index_cast %scan3A_87 : i32 to index
      %swap3A_123 = arith.constant 112 : index
      %swap3A_124 = tpu.vector_load %arg13[%swap3A_122, %swap3A_123] {strides = array<i32>} : memref<128x144xf32, #tpu.memory_space<vmem>>, vector<1x16xf32>,
      %swap3A_125 = vector.shape_cast %swap3A_124 : vector<1x16xf32> to vector<16xf32>
      %swap3A_126 = vector.shape_cast %broadcast_in_dim3A_0 : vector<16xf32> to vector<1x16xf32>
      tpu.vector_store %arg13[%swap3A_122, %swap3A_123], %swap3A_126 {strides = array<i32>} : memref<128x144xf32, #tpu.memory_space<vmem>>, vector<1x16xf32>,
      %swap3A_127 = arith.index_cast %scan3A_87 : i32 to index
      %swap3A_128 = arith.constant 128 : index
      %swap3A_129 = tpu.vector_load %arg13[%swap3A_127, %swap3A_128] {strides = array<i32>} : memref<128x144xf32, #tpu.memory_space<vmem>>, vector<1x16xf32>,
      %swap3A_130 = vector.shape_cast %swap3A_129 : vector<1x16xf32> to vector<16xf32>
      %swap3A_131 = vector.shape_cast %broadcast_in_dim3A_0 : vector<16xf32> to vector<1x16xf32>
      tpu.vector_store %arg13[%swap3A_127, %swap3A_128], %swap3A_131 {strides = array<i32>} : memref<128x144xf32, #tpu.memory_space<vmem>>, vector<1x16xf32>,
    }
    %scan3A_16 = arith.constant 128 : i32
    %mul3A = arith.constant 640 : i32
    %mul3A_17 = arith.muli %arg1, %mul3A : i32
    %add3A = arith.constant 0 : i32
    %add3A_18 = arith.addi %mul3A_17, %add3A : i32
    "tpu.region"() ({
      %run_scoped3A_87 = tpu.sem_alloc : memref<!tpu.dma_semaphore, #tpu.memory_space<semaphore_mem>>
      %dma_start3A = arith.constant 0 : i32
      %dma_start3A_88 = arith.constant 0 : i32
      %dma_start3A_89 = tpu.memref_slice %arg13[%dma_start3A, %dma_start3A_88] : memref<128x144xf32, #tpu.memory_space<vmem>> -> memref<128x144xf32, #tpu.memory_space<vmem>>
      %dma_start3A_90 = arith.constant 0 : i32
      %dma_start3A_91 = tpu.memref_slice %arg14[%add3A_18, %dma_start3A_90] : memref<10240x144xf32, #tpu.memory_space<vmem_shared>> -> memref<128x144xf32, #tpu.memory_space<vmem_shared>>
      %dma_start3A_92 = arith.constant 0 : i32
      %dma_start3A_93 = tpu.memref_slice %arg14[%add3A_18, %dma_start3A_92] : memref<10240x144xf32, #tpu.memory_space<vmem_shared>> -> memref<128x144xf32, #tpu.memory_space<vmem_shared>>
      %dma_start3A_94 = arith.constant 0 : i32
      %dma_start3A_95 = arith.constant 0 : i32
      %dma_start3A_96 = tpu.memref_slice %arg13[%dma_start3A_94, %dma_start3A_95] : memref<128x144xf32, #tpu.memory_space<vmem>> -> memref<128x144xf32, #tpu.memory_space<vmem>>
      tpu.enqueue_dma source(%dma_start3A_96 : memref<128x144xf32, #tpu.memory_space<vmem>>) target(%dma_start3A_93 : memref<128x144xf32, #tpu.memory_space<vmem_shared>>) target_semaphore(%run_scoped3A_87 : memref<!tpu.dma_semaphore, #tpu.memory_space<semaphore_mem>>)
      %dma_wait3A = arith.constant 0 : i32
      %dma_wait3A_97 = arith.constant 0 : i32
      %dma_wait3A_98 = tpu.memref_slice %arg13[%dma_wait3A, %dma_wait3A_97] : memref<128x144xf32, #tpu.memory_space<vmem>> -> memref<128x144xf32, #tpu.memory_space<vmem>>
      %dma_wait3A_99 = arith.constant 0 : i32
      %dma_wait3A_100 = tpu.memref_slice %arg14[%add3A_18, %dma_wait3A_99] : memref<10240x144xf32, #tpu.memory_space<vmem_shared>> -> memref<128x144xf32, #tpu.memory_space<vmem_shared>>
      %dma_wait3A_101 = arith.constant 0 : i32
      %dma_wait3A_102 = tpu.memref_slice %arg14[%add3A_18, %dma_wait3A_101] : memref<10240x144xf32, #tpu.memory_space<vmem_shared>> -> memref<128x144xf32, #tpu.memory_space<vmem_shared>>
      %dma_wait3A_103 = arith.constant 0 : i32
      %dma_wait3A_104 = arith.constant 0 : i32
      %dma_wait3A_105 = tpu.memref_slice %arg13[%dma_wait3A_103, %dma_wait3A_104] : memref<128x144xf32, #tpu.memory_space<vmem>> -> memref<128x144xf32, #tpu.memory_space<vmem>>
      tpu.wait_dma2 semaphore(%run_scoped3A_87 : memref<!tpu.dma_semaphore, #tpu.memory_space<semaphore_mem>>) src(%dma_wait3A_105 : memref<128x144xf32, #tpu.memory_space<vmem>>) dst(%dma_wait3A_102 : memref<128x144xf32, #tpu.memory_space<vmem_shared>>)
      tpu.yield
    }) : () -> ()
    %mul3A_19 = arith.constant 640 : i32
    %mul3A_20 = arith.muli %arg1, %mul3A_19 : i32
    %add3A_21 = arith.constant 128 : i32
    %add3A_22 = arith.addi %mul3A_20, %add3A_21 : i32
    "tpu.region"() ({
      %run_scoped3A_87 = tpu.sem_alloc : memref<!tpu.dma_semaphore, #tpu.memory_space<semaphore_mem>>
      %dma_start3A = arith.constant 0 : i32
      %dma_start3A_88 = arith.constant 0 : i32
      %dma_start3A_89 = tpu.memref_slice %arg13[%dma_start3A, %dma_start3A_88] : memref<128x144xf32, #tpu.memory_space<vmem>> -> memref<128x144xf32, #tpu.memory_space<vmem>>
      %dma_start3A_90 = arith.constant 0 : i32
      %dma_start3A_91 = tpu.memref_slice %arg14[%add3A_22, %dma_start3A_90] : memref<10240x144xf32, #tpu.memory_space<vmem_shared>> -> memref<128x144xf32, #tpu.memory_space<vmem_shared>>
      %dma_start3A_92 = arith.constant 0 : i32
      %dma_start3A_93 = tpu.memref_slice %arg14[%add3A_22, %dma_start3A_92] : memref<10240x144xf32, #tpu.memory_space<vmem_shared>> -> memref<128x144xf32, #tpu.memory_space<vmem_shared>>
      %dma_start3A_94 = arith.constant 0 : i32
      %dma_start3A_95 = arith.constant 0 : i32
      %dma_start3A_96 = tpu.memref_slice %arg13[%dma_start3A_94, %dma_start3A_95] : memref<128x144xf32, #tpu.memory_space<vmem>> -> memref<128x144xf32, #tpu.memory_space<vmem>>
      tpu.enqueue_dma source(%dma_start3A_96 : memref<128x144xf32, #tpu.memory_space<vmem>>) target(%dma_start3A_93 : memref<128x144xf32, #tpu.memory_space<vmem_shared>>) target_semaphore(%run_scoped3A_87 : memref<!tpu.dma_semaphore, #tpu.memory_space<semaphore_mem>>)
      %dma_wait3A = arith.constant 0 : i32
      %dma_wait3A_97 = arith.constant 0 : i32
      %dma_wait3A_98 = tpu.memref_slice %arg13[%dma_wait3A, %dma_wait3A_97] : memref<128x144xf32, #tpu.memory_space<vmem>> -> memref<128x144xf32, #tpu.memory_space<vmem>>
      %dma_wait3A_99 = arith.constant 0 : i32
      %dma_wait3A_100 = tpu.memref_slice %arg14[%add3A_22, %dma_wait3A_99] : memref<10240x144xf32, #tpu.memory_space<vmem_shared>> -> memref<128x144xf32, #tpu.memory_space<vmem_shared>>
      %dma_wait3A_101 = arith.constant 0 : i32
      %dma_wait3A_102 = tpu.memref_slice %arg14[%add3A_22, %dma_wait3A_101] : memref<10240x144xf32, #tpu.memory_space<vmem_shared>> -> memref<128x144xf32, #tpu.memory_space<vmem_shared>>
      %dma_wait3A_103 = arith.constant 0 : i32
      %dma_wait3A_104 = arith.constant 0 : i32
      %dma_wait3A_105 = tpu.memref_slice %arg13[%dma_wait3A_103, %dma_wait3A_104] : memref<128x144xf32, #tpu.memory_space<vmem>> -> memref<128x144xf32, #tpu.memory_space<vmem>>
      tpu.wait_dma2 semaphore(%run_scoped3A_87 : memref<!tpu.dma_semaphore, #tpu.memory_space<semaphore_mem>>) src(%dma_wait3A_105 : memref<128x144xf32, #tpu.memory_space<vmem>>) dst(%dma_wait3A_102 : memref<128x144xf32, #tpu.memory_space<vmem_shared>>)
      tpu.yield
    }) : () -> ()
    %mul3A_23 = arith.constant 640 : i32
    %mul3A_24 = arith.muli %arg1, %mul3A_23 : i32
    %add3A_25 = arith.constant 256 : i32
    %add3A_26 = arith.addi %mul3A_24, %add3A_25 : i32
    "tpu.region"() ({
      %run_scoped3A_87 = tpu.sem_alloc : memref<!tpu.dma_semaphore, #tpu.memory_space<semaphore_mem>>
      %dma_start3A = arith.constant 0 : i32
      %dma_start3A_88 = arith.constant 0 : i32
      %dma_start3A_89 = tpu.memref_slice %arg13[%dma_start3A, %dma_start3A_88] : memref<128x144xf32, #tpu.memory_space<vmem>> -> memref<128x144xf32, #tpu.memory_space<vmem>>
      %dma_start3A_90 = arith.constant 0 : i32
      %dma_start3A_91 = tpu.memref_slice %arg14[%add3A_26, %dma_start3A_90] : memref<10240x144xf32, #tpu.memory_space<vmem_shared>> -> memref<128x144xf32, #tpu.memory_space<vmem_shared>>
      %dma_start3A_92 = arith.constant 0 : i32
      %dma_start3A_93 = tpu.memref_slice %arg14[%add3A_26, %dma_start3A_92] : memref<10240x144xf32, #tpu.memory_space<vmem_shared>> -> memref<128x144xf32, #tpu.memory_space<vmem_shared>>
      %dma_start3A_94 = arith.constant 0 : i32
      %dma_start3A_95 = arith.constant 0 : i32
      %dma_start3A_96 = tpu.memref_slice %arg13[%dma_start3A_94, %dma_start3A_95] : memref<128x144xf32, #tpu.memory_space<vmem>> -> memref<128x144xf32, #tpu.memory_space<vmem>>
      tpu.enqueue_dma source(%dma_start3A_96 : memref<128x144xf32, #tpu.memory_space<vmem>>) target(%dma_start3A_93 : memref<128x144xf32, #tpu.memory_space<vmem_shared>>) target_semaphore(%run_scoped3A_87 : memref<!tpu.dma_semaphore, #tpu.memory_space<semaphore_mem>>)
      %dma_wait3A = arith.constant 0 : i32
      %dma_wait3A_97 = arith.constant 0 : i32
      %dma_wait3A_98 = tpu.memref_slice %arg13[%dma_wait3A, %dma_wait3A_97] : memref<128x144xf32, #tpu.memory_space<vmem>> -> memref<128x144xf32, #tpu.memory_space<vmem>>
      %dma_wait3A_99 = arith.constant 0 : i32
      %dma_wait3A_100 = tpu.memref_slice %arg14[%add3A_26, %dma_wait3A_99] : memref<10240x144xf32, #tpu.memory_space<vmem_shared>> -> memref<128x144xf32, #tpu.memory_space<vmem_shared>>
      %dma_wait3A_101 = arith.constant 0 : i32
      %dma_wait3A_102 = tpu.memref_slice %arg14[%add3A_26, %dma_wait3A_101] : memref<10240x144xf32, #tpu.memory_space<vmem_shared>> -> memref<128x144xf32, #tpu.memory_space<vmem_shared>>
      %dma_wait3A_103 = arith.constant 0 : i32
      %dma_wait3A_104 = arith.constant 0 : i32
      %dma_wait3A_105 = tpu.memref_slice %arg13[%dma_wait3A_103, %dma_wait3A_104] : memref<128x144xf32, #tpu.memory_space<vmem>> -> memref<128x144xf32, #tpu.memory_space<vmem>>
      tpu.wait_dma2 semaphore(%run_scoped3A_87 : memref<!tpu.dma_semaphore, #tpu.memory_space<semaphore_mem>>) src(%dma_wait3A_105 : memref<128x144xf32, #tpu.memory_space<vmem>>) dst(%dma_wait3A_102 : memref<128x144xf32, #tpu.memory_space<vmem_shared>>)
      tpu.yield
    }) : () -> ()
    %mul3A_27 = arith.constant 640 : i32
    %mul3A_28 = arith.muli %arg1, %mul3A_27 : i32
    %add3A_29 = arith.constant 384 : i32
    %add3A_30 = arith.addi %mul3A_28, %add3A_29 : i32
    "tpu.region"() ({
      %run_scoped3A_87 = tpu.sem_alloc : memref<!tpu.dma_semaphore, #tpu.memory_space<semaphore_mem>>
      %dma_start3A = arith.constant 0 : i32
      %dma_start3A_88 = arith.constant 0 : i32
      %dma_start3A_89 = tpu.memref_slice %arg13[%dma_start3A, %dma_start3A_88] : memref<128x144xf32, #tpu.memory_space<vmem>> -> memref<128x144xf32, #tpu.memory_space<vmem>>
      %dma_start3A_90 = arith.constant 0 : i32
      %dma_start3A_91 = tpu.memref_slice %arg14[%add3A_30, %dma_start3A_90] : memref<10240x144xf32, #tpu.memory_space<vmem_shared>> -> memref<128x144xf32, #tpu.memory_space<vmem_shared>>
      %dma_start3A_92 = arith.constant 0 : i32
      %dma_start3A_93 = tpu.memref_slice %arg14[%add3A_30, %dma_start3A_92] : memref<10240x144xf32, #tpu.memory_space<vmem_shared>> -> memref<128x144xf32, #tpu.memory_space<vmem_shared>>
      %dma_start3A_94 = arith.constant 0 : i32
      %dma_start3A_95 = arith.constant 0 : i32
      %dma_start3A_96 = tpu.memref_slice %arg13[%dma_start3A_94, %dma_start3A_95] : memref<128x144xf32, #tpu.memory_space<vmem>> -> memref<128x144xf32, #tpu.memory_space<vmem>>
      tpu.enqueue_dma source(%dma_start3A_96 : memref<128x144xf32, #tpu.memory_space<vmem>>) target(%dma_start3A_93 : memref<128x144xf32, #tpu.memory_space<vmem_shared>>) target_semaphore(%run_scoped3A_87 : memref<!tpu.dma_semaphore, #tpu.memory_space<semaphore_mem>>)
      %dma_wait3A = arith.constant 0 : i32
      %dma_wait3A_97 = arith.constant 0 : i32
      %dma_wait3A_98 = tpu.memref_slice %arg13[%dma_wait3A, %dma_wait3A_97] : memref<128x144xf32, #tpu.memory_space<vmem>> -> memref<128x144xf32, #tpu.memory_space<vmem>>
      %dma_wait3A_99 = arith.constant 0 : i32
      %dma_wait3A_100 = tpu.memref_slice %arg14[%add3A_30, %dma_wait3A_99] : memref<10240x144xf32, #tpu.memory_space<vmem_shared>> -> memref<128x144xf32, #tpu.memory_space<vmem_shared>>
      %dma_wait3A_101 = arith.constant 0 : i32
      %dma_wait3A_102 = tpu.memref_slice %arg14[%add3A_30, %dma_wait3A_101] : memref<10240x144xf32, #tpu.memory_space<vmem_shared>> -> memref<128x144xf32, #tpu.memory_space<vmem_shared>>
      %dma_wait3A_103 = arith.constant 0 : i32
      %dma_wait3A_104 = arith.constant 0 : i32
      %dma_wait3A_105 = tpu.memref_slice %arg13[%dma_wait3A_103, %dma_wait3A_104] : memref<128x144xf32, #tpu.memory_space<vmem>> -> memref<128x144xf32, #tpu.memory_space<vmem>>
      tpu.wait_dma2 semaphore(%run_scoped3A_87 : memref<!tpu.dma_semaphore, #tpu.memory_space<semaphore_mem>>) src(%dma_wait3A_105 : memref<128x144xf32, #tpu.memory_space<vmem>>) dst(%dma_wait3A_102 : memref<128x144xf32, #tpu.memory_space<vmem_shared>>)
      tpu.yield
    }) : () -> ()
    %mul3A_31 = arith.constant 640 : i32
    %mul3A_32 = arith.muli %arg1, %mul3A_31 : i32
    %add3A_33 = arith.constant 512 : i32
    %add3A_34 = arith.addi %mul3A_32, %add3A_33 : i32
    "tpu.region"() ({
      %run_scoped3A_87 = tpu.sem_alloc : memref<!tpu.dma_semaphore, #tpu.memory_space<semaphore_mem>>
      %dma_start3A = arith.constant 0 : i32
      %dma_start3A_88 = arith.constant 0 : i32
      %dma_start3A_89 = tpu.memref_slice %arg13[%dma_start3A, %dma_start3A_88] : memref<128x144xf32, #tpu.memory_space<vmem>> -> memref<128x144xf32, #tpu.memory_space<vmem>>
      %dma_start3A_90 = arith.constant 0 : i32
      %dma_start3A_91 = tpu.memref_slice %arg14[%add3A_34, %dma_start3A_90] : memref<10240x144xf32, #tpu.memory_space<vmem_shared>> -> memref<128x144xf32, #tpu.memory_space<vmem_shared>>
      %dma_start3A_92 = arith.constant 0 : i32
      %dma_start3A_93 = tpu.memref_slice %arg14[%add3A_34, %dma_start3A_92] : memref<10240x144xf32, #tpu.memory_space<vmem_shared>> -> memref<128x144xf32, #tpu.memory_space<vmem_shared>>
      %dma_start3A_94 = arith.constant 0 : i32
      %dma_start3A_95 = arith.constant 0 : i32
      %dma_start3A_96 = tpu.memref_slice %arg13[%dma_start3A_94, %dma_start3A_95] : memref<128x144xf32, #tpu.memory_space<vmem>> -> memref<128x144xf32, #tpu.memory_space<vmem>>
      tpu.enqueue_dma source(%dma_start3A_96 : memref<128x144xf32, #tpu.memory_space<vmem>>) target(%dma_start3A_93 : memref<128x144xf32, #tpu.memory_space<vmem_shared>>) target_semaphore(%run_scoped3A_87 : memref<!tpu.dma_semaphore, #tpu.memory_space<semaphore_mem>>)
      %dma_wait3A = arith.constant 0 : i32
      %dma_wait3A_97 = arith.constant 0 : i32
      %dma_wait3A_98 = tpu.memref_slice %arg13[%dma_wait3A, %dma_wait3A_97] : memref<128x144xf32, #tpu.memory_space<vmem>> -> memref<128x144xf32, #tpu.memory_space<vmem>>
      %dma_wait3A_99 = arith.constant 0 : i32
      %dma_wait3A_100 = tpu.memref_slice %arg14[%add3A_34, %dma_wait3A_99] : memref<10240x144xf32, #tpu.memory_space<vmem_shared>> -> memref<128x144xf32, #tpu.memory_space<vmem_shared>>
      %dma_wait3A_101 = arith.constant 0 : i32
      %dma_wait3A_102 = tpu.memref_slice %arg14[%add3A_34, %dma_wait3A_101] : memref<10240x144xf32, #tpu.memory_space<vmem_shared>> -> memref<128x144xf32, #tpu.memory_space<vmem_shared>>
      %dma_wait3A_103 = arith.constant 0 : i32
      %dma_wait3A_104 = arith.constant 0 : i32
      %dma_wait3A_105 = tpu.memref_slice %arg13[%dma_wait3A_103, %dma_wait3A_104] : memref<128x144xf32, #tpu.memory_space<vmem>> -> memref<128x144xf32, #tpu.memory_space<vmem>>
      tpu.wait_dma2 semaphore(%run_scoped3A_87 : memref<!tpu.dma_semaphore, #tpu.memory_space<semaphore_mem>>) src(%dma_wait3A_105 : memref<128x144xf32, #tpu.memory_space<vmem>>) dst(%dma_wait3A_102 : memref<128x144xf32, #tpu.memory_space<vmem_shared>>)
      tpu.yield
    }) : () -> ()
    %barrier3A = arith.constant 0 : index
    tpu.barrier barrier_id(%barrier3A)
    %scan3A_35 = arith.constant 0 : i32
    %scan3A_36 = arith.constant 0 : i32
    %scan3A_37 = arith.constant 157 : i32
    %scan3A_38 = arith.addi %scan3A_36, %scan3A_37 : i32
    %scan3A_39 = arith.constant 1 : i32
    scf.for %scan3A_87 = %scan3A_36 to %scan3A_38 step %scan3A_39  : i32 {
      %mul3A_88 = arith.constant 16 : i32
      %mul3A_89 = arith.muli %scan3A_87, %mul3A_88 : i32
      %add3A_90 = arith.addi %mul3A_89, %arg1 : i32
      %lt3A = arith.constant 2500 : i32
      %lt3A_91 = arith.cmpi slt, %add3A_90, %lt3A : i32
      %convert_element_type3A = arith.extui %lt3A_91 : i1 to i32
      %cond3A = arith.constant 0 : i32
      %cond3A_92 = arith.cmpi ne, %convert_element_type3A, %cond3A : i32
      scf.if %cond3A_92 {
        %mul3A_93 = arith.constant 128 : i32
        %mul3A_94 = arith.muli %add3A_90, %mul3A_93 : i32
        "tpu.region"() ({
          %run_scoped3A_107 = tpu.sem_alloc : memref<!tpu.dma_semaphore, #tpu.memory_space<semaphore_mem>>
          %dma_start3A = tpu.memref_slice %arg2[%mul3A_94] : memref<320000xi32, #tpu.memory_space<hbm>> -> memref<128xi32, #tpu.memory_space<hbm>>
          %dma_start3A_108 = tpu.memref_slice %arg2[%mul3A_94] : memref<320000xi32, #tpu.memory_space<hbm>> -> memref<128xi32, #tpu.memory_space<hbm>>
          tpu.enqueue_dma source(%dma_start3A_108 : memref<128xi32, #tpu.memory_space<hbm>>) target(%arg9 : memref<128xi32, #tpu.memory_space<vmem>>) target_semaphore(%run_scoped3A_107 : memref<!tpu.dma_semaphore, #tpu.memory_space<semaphore_mem>>)
          %dma_wait3A = tpu.memref_slice %arg2[%mul3A_94] : memref<320000xi32, #tpu.memory_space<hbm>> -> memref<128xi32, #tpu.memory_space<hbm>>
          %dma_wait3A_109 = tpu.memref_slice %arg2[%mul3A_94] : memref<320000xi32, #tpu.memory_space<hbm>> -> memref<128xi32, #tpu.memory_space<hbm>>
          tpu.wait_dma2 semaphore(%run_scoped3A_107 : memref<!tpu.dma_semaphore, #tpu.memory_space<semaphore_mem>>) src(%dma_wait3A_109 : memref<128xi32, #tpu.memory_space<hbm>>) dst(%arg9 : memref<128xi32, #tpu.memory_space<vmem>>)
          tpu.yield
        }) : () -> ()
        "tpu.region"() ({
          %run_scoped3A_107 = tpu.sem_alloc : memref<!tpu.dma_semaphore, #tpu.memory_space<semaphore_mem>>
          %dma_start3A = tpu.memref_slice %arg3[%mul3A_94] : memref<320000xi32, #tpu.memory_space<hbm>> -> memref<128xi32, #tpu.memory_space<hbm>>
          %dma_start3A_108 = tpu.memref_slice %arg3[%mul3A_94] : memref<320000xi32, #tpu.memory_space<hbm>> -> memref<128xi32, #tpu.memory_space<hbm>>
          tpu.enqueue_dma source(%dma_start3A_108 : memref<128xi32, #tpu.memory_space<hbm>>) target(%arg10 : memref<128xi32, #tpu.memory_space<vmem>>) target_semaphore(%run_scoped3A_107 : memref<!tpu.dma_semaphore, #tpu.memory_space<semaphore_mem>>)
          %dma_wait3A = tpu.memref_slice %arg3[%mul3A_94] : memref<320000xi32, #tpu.memory_space<hbm>> -> memref<128xi32, #tpu.memory_space<hbm>>
          %dma_wait3A_109 = tpu.memref_slice %arg3[%mul3A_94] : memref<320000xi32, #tpu.memory_space<hbm>> -> memref<128xi32, #tpu.memory_space<hbm>>
          tpu.wait_dma2 semaphore(%run_scoped3A_107 : memref<!tpu.dma_semaphore, #tpu.memory_space<semaphore_mem>>) src(%dma_wait3A_109 : memref<128xi32, #tpu.memory_space<hbm>>) dst(%arg10 : memref<128xi32, #tpu.memory_space<vmem>>)
          tpu.yield
        }) : () -> ()
        %eq3A_95 = arith.constant 0 : i32
        %eq3A_96 = arith.cmpi eq, %arg0, %eq3A_95 : i32
        %convert_element_type3A_97 = arith.extui %eq3A_96 : i1 to i32
        %cond3A_98 = arith.constant 0 : i32
        %cond3A_99 = arith.cmpi ne, %convert_element_type3A_97, %cond3A_98 : i32
        scf.if %cond3A_99 {
          %dma_start3A = arith.constant 0 : i32
          %dma_start3A_107 = arith.constant 0 : i32
          %dma_start3A_108 = tpu.memref_slice %arg4[%dma_start3A, %dma_start3A_107] : memref<10000x16xf32, #tpu.memory_space<hbm>> -> memref<10000x16xf32, #tpu.memory_space<hbm>>
          tpu.enqueue_indirect_dma source(%dma_start3A_108 : memref<10000x16xf32, #tpu.memory_space<hbm>>) target(%arg11 : memref<128x16xf32, #tpu.memory_space<vmem>>) offsets(%arg9 : memref<128xi32, #tpu.memory_space<vmem>>) semaphore(%arg15 : memref<!tpu.dma_semaphore, #tpu.memory_space<semaphore_mem>>)
          %dma_start3A_109 = arith.constant 0 : i32
          %dma_start3A_110 = arith.constant 0 : i32
          %dma_start3A_111 = tpu.memref_slice %arg4[%dma_start3A_109, %dma_start3A_110] : memref<10000x16xf32, #tpu.memory_space<hbm>> -> memref<10000x16xf32, #tpu.memory_space<hbm>>
          tpu.enqueue_indirect_dma source(%dma_start3A_111 : memref<10000x16xf32, #tpu.memory_space<hbm>>) target(%arg12 : memref<128x16xf32, #tpu.memory_space<vmem>>) offsets(%arg10 : memref<128xi32, #tpu.memory_space<vmem>>) semaphore(%arg15 : memref<!tpu.dma_semaphore, #tpu.memory_space<semaphore_mem>>)
          %dma_start3A_112 = arith.constant 0 : i32
          %dma_start3A_113 = arith.constant 0 : i32
          %dma_start3A_114 = tpu.memref_slice %arg6[%dma_start3A_112, %dma_start3A_113] : memref<10000x144xf32, #tpu.memory_space<hbm>> -> memref<10000x144xf32, #tpu.memory_space<hbm>>
          tpu.enqueue_indirect_dma source(%dma_start3A_114 : memref<10000x144xf32, #tpu.memory_space<hbm>>) target(%arg13 : memref<128x144xf32, #tpu.memory_space<vmem>>) offsets(%arg9 : memref<128xi32, #tpu.memory_space<vmem>>) semaphore(%arg15 : memref<!tpu.dma_semaphore, #tpu.memory_space<semaphore_mem>>)
          %dma_wait3A = arith.constant 0 : i32
          %dma_wait3A_115 = arith.constant 0 : i32
          %dma_wait3A_116 = tpu.memref_slice %arg4[%dma_wait3A, %dma_wait3A_115] : memref<10000x16xf32, #tpu.memory_space<hbm>> -> memref<10000x16xf32, #tpu.memory_space<hbm>>
          tpu.wait_indirect_dma semaphore(%arg15 : memref<!tpu.dma_semaphore, #tpu.memory_space<semaphore_mem>>) src(%dma_wait3A_116 : memref<10000x16xf32, #tpu.memory_space<hbm>>) dst(%arg11 : memref<128x16xf32, #tpu.memory_space<vmem>>)
          %dma_wait3A_117 = arith.constant 0 : i32
          %dma_wait3A_118 = arith.constant 0 : i32
          %dma_wait3A_119 = tpu.memref_slice %arg4[%dma_wait3A_117, %dma_wait3A_118] : memref<10000x16xf32, #tpu.memory_space<hbm>> -> memref<10000x16xf32, #tpu.memory_space<hbm>>
          tpu.wait_indirect_dma semaphore(%arg15 : memref<!tpu.dma_semaphore, #tpu.memory_space<semaphore_mem>>) src(%dma_wait3A_119 : memref<10000x16xf32, #tpu.memory_space<hbm>>) dst(%arg12 : memref<128x16xf32, #tpu.memory_space<vmem>>)
          %dma_wait3A_120 = arith.constant 0 : i32
          %dma_wait3A_121 = arith.constant 0 : i32
          %dma_wait3A_122 = tpu.memref_slice %arg6[%dma_wait3A_120, %dma_wait3A_121] : memref<10000x144xf32, #tpu.memory_space<hbm>> -> memref<10000x144xf32, #tpu.memory_space<hbm>>
          tpu.wait_indirect_dma semaphore(%arg15 : memref<!tpu.dma_semaphore, #tpu.memory_space<semaphore_mem>>) src(%dma_wait3A_122 : memref<10000x144xf32, #tpu.memory_space<hbm>>) dst(%arg13 : memref<128x144xf32, #tpu.memory_space<vmem>>)
        } else {
        }
        %eq3A_100 = arith.constant 1 : i32
        %eq3A_101 = arith.cmpi eq, %arg0, %eq3A_100 : i32
        %convert_element_type3A_102 = arith.extui %eq3A_101 : i1 to i32
        %cond3A_103 = arith.constant 0 : i32
        %cond3A_104 = arith.cmpi ne, %convert_element_type3A_102, %cond3A_103 : i32
        scf.if %cond3A_104 {
          %dma_start3A = arith.constant 0 : i32
          %dma_start3A_107 = arith.constant 0 : i32
          %dma_start3A_108 = tpu.memref_slice %arg5[%dma_start3A, %dma_start3A_107] : memref<10000x16xf32, #tpu.memory_space<hbm>> -> memref<10000x16xf32, #tpu.memory_space<hbm>>
          tpu.enqueue_indirect_dma source(%dma_start3A_108 : memref<10000x16xf32, #tpu.memory_space<hbm>>) target(%arg11 : memref<128x16xf32, #tpu.memory_space<vmem>>) offsets(%arg9 : memref<128xi32, #tpu.memory_space<vmem>>) semaphore(%arg15 : memref<!tpu.dma_semaphore, #tpu.memory_space<semaphore_mem>>)
          %dma_start3A_109 = arith.constant 0 : i32
          %dma_start3A_110 = arith.constant 0 : i32
          %dma_start3A_111 = tpu.memref_slice %arg5[%dma_start3A_109, %dma_start3A_110] : memref<10000x16xf32, #tpu.memory_space<hbm>> -> memref<10000x16xf32, #tpu.memory_space<hbm>>
          tpu.enqueue_indirect_dma source(%dma_start3A_111 : memref<10000x16xf32, #tpu.memory_space<hbm>>) target(%arg12 : memref<128x16xf32, #tpu.memory_space<vmem>>) offsets(%arg10 : memref<128xi32, #tpu.memory_space<vmem>>) semaphore(%arg15 : memref<!tpu.dma_semaphore, #tpu.memory_space<semaphore_mem>>)
          %dma_start3A_112 = arith.constant 0 : i32
          %dma_start3A_113 = arith.constant 0 : i32
          %dma_start3A_114 = tpu.memref_slice %arg7[%dma_start3A_112, %dma_start3A_113] : memref<10000x144xf32, #tpu.memory_space<hbm>> -> memref<10000x144xf32, #tpu.memory_space<hbm>>
          tpu.enqueue_indirect_dma source(%dma_start3A_114 : memref<10000x144xf32, #tpu.memory_space<hbm>>) target(%arg13 : memref<128x144xf32, #tpu.memory_space<vmem>>) offsets(%arg9 : memref<128xi32, #tpu.memory_space<vmem>>) semaphore(%arg15 : memref<!tpu.dma_semaphore, #tpu.memory_space<semaphore_mem>>)
          %dma_wait3A = arith.constant 0 : i32
          %dma_wait3A_115 = arith.constant 0 : i32
          %dma_wait3A_116 = tpu.memref_slice %arg5[%dma_wait3A, %dma_wait3A_115] : memref<10000x16xf32, #tpu.memory_space<hbm>> -> memref<10000x16xf32, #tpu.memory_space<hbm>>
          tpu.wait_indirect_dma semaphore(%arg15 : memref<!tpu.dma_semaphore, #tpu.memory_space<semaphore_mem>>) src(%dma_wait3A_116 : memref<10000x16xf32, #tpu.memory_space<hbm>>) dst(%arg11 : memref<128x16xf32, #tpu.memory_space<vmem>>)
          %dma_wait3A_117 = arith.constant 0 : i32
          %dma_wait3A_118 = arith.constant 0 : i32
          %dma_wait3A_119 = tpu.memref_slice %arg5[%dma_wait3A_117, %dma_wait3A_118] : memref<10000x16xf32, #tpu.memory_space<hbm>> -> memref<10000x16xf32, #tpu.memory_space<hbm>>
          tpu.wait_indirect_dma semaphore(%arg15 : memref<!tpu.dma_semaphore, #tpu.memory_space<semaphore_mem>>) src(%dma_wait3A_119 : memref<10000x16xf32, #tpu.memory_space<hbm>>) dst(%arg12 : memref<128x16xf32, #tpu.memory_space<vmem>>)
          %dma_wait3A_120 = arith.constant 0 : i32
          %dma_wait3A_121 = arith.constant 0 : i32
          %dma_wait3A_122 = tpu.memref_slice %arg7[%dma_wait3A_120, %dma_wait3A_121] : memref<10000x144xf32, #tpu.memory_space<hbm>> -> memref<10000x144xf32, #tpu.memory_space<hbm>>
          tpu.wait_indirect_dma semaphore(%arg15 : memref<!tpu.dma_semaphore, #tpu.memory_space<semaphore_mem>>) src(%dma_wait3A_122 : memref<10000x144xf32, #tpu.memory_space<hbm>>) dst(%arg13 : memref<128x144xf32, #tpu.memory_space<vmem>>)
        } else {
        }
        %parallel_loop3A = arith.constant 0 : i32
        %parallel_loop3A_105 = arith.constant 128 : i32
        %parallel_loop3A_106 = arith.constant 1 : i32
        scf.for %parallel_loop3A_107 = %parallel_loop3A to %parallel_loop3A_105 step %parallel_loop3A_106  : i32 {
          %parallel_loop3A_108 = arith.index_cast %parallel_loop3A_107 : i32 to index
          %parallel_loop3A_109 = arith.constant 0 : index
          %parallel_loop3A_110 = tpu.vector_load %arg11[%parallel_loop3A_108, %parallel_loop3A_109] {strides = array<i32>} : memref<128x16xf32, #tpu.memory_space<vmem>>, vector<1x16xf32>,
          %parallel_loop3A_111 = vector.shape_cast %parallel_loop3A_110 : vector<1x16xf32> to vector<16xf32>
          %parallel_loop3A_112 = arith.index_cast %parallel_loop3A_107 : i32 to index
          %parallel_loop3A_113 = arith.constant 0 : index
          %parallel_loop3A_114 = tpu.vector_load %arg12[%parallel_loop3A_112, %parallel_loop3A_113] {strides = array<i32>} : memref<128x16xf32, #tpu.memory_space<vmem>>, vector<1x16xf32>,
          %parallel_loop3A_115 = vector.shape_cast %parallel_loop3A_114 : vector<1x16xf32> to vector<16xf32>
          %parallel_loop3A_116 = arith.constant 0 : i32
          %parallel_loop3A_117 = vector.broadcast %parallel_loop3A_116 : i32 to vector<16xi32>
          %parallel_loop3A_118 = arith.cmpi slt, %select_n3A_11, %parallel_loop3A_117 : vector<16xi32>
          %parallel_loop3A_119 = arith.constant 16 : i32
          %parallel_loop3A_120 = vector.broadcast %parallel_loop3A_119 : i32 to vector<16xi32>
          %parallel_loop3A_121 = arith.addi %select_n3A_11, %parallel_loop3A_120 : vector<16xi32>
          %parallel_loop3A_122 = arith.select %parallel_loop3A_118, %parallel_loop3A_121, %select_n3A_11 : vector<16xi1>, vector<16xi32>
          %parallel_loop3A_123 = vector.shape_cast %parallel_loop3A_122 : vector<16xi32> to vector<16x1xi32>
          %parallel_loop3A_124 = vector.shape_cast %parallel_loop3A_123 : vector<16x1xi32> to vector<16xi32>
          %parallel_loop3A_125 = tpu.dynamic_gather %parallel_loop3A_115[%parallel_loop3A_124] in [0] : vector<16xf32>, vector<16xi32> -> vector<16xf32>
          %parallel_loop3A_126 = arith.addf %parallel_loop3A_111, %parallel_loop3A_125 : vector<16xf32>
          %parallel_loop3A_127 = arith.constant 0.000000e+00 : f32
          %parallel_loop3A_128 = vector.broadcast %parallel_loop3A_127 : f32 to vector<16xf32>
          %parallel_loop3A_129 = arith.cmpf oge, %parallel_loop3A_126, %parallel_loop3A_128 : vector<16xf32>
          %parallel_loop3A_130 = arith.constant 2.000000e-01 : f32
          %parallel_loop3A_131 = vector.broadcast %parallel_loop3A_130 : f32 to vector<16xf32>
          %parallel_loop3A_132 = arith.mulf %parallel_loop3A_131, %parallel_loop3A_126 : vector<16xf32>
          %parallel_loop3A_133 = arith.select %parallel_loop3A_129, %parallel_loop3A_126, %parallel_loop3A_132 : vector<16xi1>, vector<16xf32>
          %parallel_loop3A_134 = math.exp %parallel_loop3A_133 : vector<16xf32>
          %parallel_loop3A_135 = vector.extract_strided_slice %parallel_loop3A_134 {offsets = [0], sizes = [1], strides = [1]} : vector<16xf32> to vector<1xf32>
          %parallel_loop3A_136 = vector.extract %parallel_loop3A_135[0] : f32 from vector<1xf32>
          %parallel_loop3A_137 = vector.broadcast %parallel_loop3A_136 : f32 to vector<16xf32>
          %parallel_loop3A_138 = vector.extract_strided_slice %parallel_loop3A_134 {offsets = [1], sizes = [1], strides = [1]} : vector<16xf32> to vector<1xf32>
          %parallel_loop3A_139 = vector.extract %parallel_loop3A_138[0] : f32 from vector<1xf32>
          %parallel_loop3A_140 = vector.broadcast %parallel_loop3A_139 : f32 to vector<16xf32>
          %parallel_loop3A_141 = arith.index_cast %parallel_loop3A_107 : i32 to index
          %parallel_loop3A_142 = arith.constant 0 : index
          %parallel_loop3A_143 = tpu.vector_load %arg13[%parallel_loop3A_141, %parallel_loop3A_142] {strides = array<i32>} : memref<128x144xf32, #tpu.memory_space<vmem>>, vector<1x16xf32>,
          %parallel_loop3A_144 = vector.shape_cast %parallel_loop3A_143 : vector<1x16xf32> to vector<16xf32>
          %parallel_loop3A_145 = arith.mulf %parallel_loop3A_144, %parallel_loop3A_137 : vector<16xf32>
          %parallel_loop3A_146 = arith.index_cast %parallel_loop3A_107 : i32 to index
          %parallel_loop3A_147 = arith.constant 0 : index
          %parallel_loop3A_148 = tpu.vector_load %arg13[%parallel_loop3A_146, %parallel_loop3A_147] {strides = array<i32>} : memref<128x144xf32, #tpu.memory_space<vmem>>, vector<1x16xf32>,
          %parallel_loop3A_149 = vector.shape_cast %parallel_loop3A_148 : vector<1x16xf32> to vector<16xf32>
          %parallel_loop3A_150 = vector.shape_cast %parallel_loop3A_145 : vector<16xf32> to vector<1x16xf32>
          tpu.vector_store %arg13[%parallel_loop3A_146, %parallel_loop3A_147], %parallel_loop3A_150 {strides = array<i32>} : memref<128x144xf32, #tpu.memory_space<vmem>>, vector<1x16xf32>,
          %parallel_loop3A_151 = arith.index_cast %parallel_loop3A_107 : i32 to index
          %parallel_loop3A_152 = arith.constant 16 : index
          %parallel_loop3A_153 = tpu.vector_load %arg13[%parallel_loop3A_151, %parallel_loop3A_152] {strides = array<i32>} : memref<128x144xf32, #tpu.memory_space<vmem>>, vector<1x16xf32>,
          %parallel_loop3A_154 = vector.shape_cast %parallel_loop3A_153 : vector<1x16xf32> to vector<16xf32>
          %parallel_loop3A_155 = arith.mulf %parallel_loop3A_154, %parallel_loop3A_137 : vector<16xf32>
          %parallel_loop3A_156 = arith.index_cast %parallel_loop3A_107 : i32 to index
          %parallel_loop3A_157 = arith.constant 16 : index
          %parallel_loop3A_158 = tpu.vector_load %arg13[%parallel_loop3A_156, %parallel_loop3A_157] {strides = array<i32>} : memref<128x144xf32, #tpu.memory_space<vmem>>, vector<1x16xf32>,
          %parallel_loop3A_159 = vector.shape_cast %parallel_loop3A_158 : vector<1x16xf32> to vector<16xf32>
          %parallel_loop3A_160 = vector.shape_cast %parallel_loop3A_155 : vector<16xf32> to vector<1x16xf32>
          tpu.vector_store %arg13[%parallel_loop3A_156, %parallel_loop3A_157], %parallel_loop3A_160 {strides = array<i32>} : memref<128x144xf32, #tpu.memory_space<vmem>>, vector<1x16xf32>,
          %parallel_loop3A_161 = arith.index_cast %parallel_loop3A_107 : i32 to index
          %parallel_loop3A_162 = arith.constant 32 : index
          %parallel_loop3A_163 = tpu.vector_load %arg13[%parallel_loop3A_161, %parallel_loop3A_162] {strides = array<i32>} : memref<128x144xf32, #tpu.memory_space<vmem>>, vector<1x16xf32>,
          %parallel_loop3A_164 = vector.shape_cast %parallel_loop3A_163 : vector<1x16xf32> to vector<16xf32>
          %parallel_loop3A_165 = arith.mulf %parallel_loop3A_164, %parallel_loop3A_137 : vector<16xf32>
          %parallel_loop3A_166 = arith.index_cast %parallel_loop3A_107 : i32 to index
          %parallel_loop3A_167 = arith.constant 32 : index
          %parallel_loop3A_168 = tpu.vector_load %arg13[%parallel_loop3A_166, %parallel_loop3A_167] {strides = array<i32>} : memref<128x144xf32, #tpu.memory_space<vmem>>, vector<1x16xf32>,
          %parallel_loop3A_169 = vector.shape_cast %parallel_loop3A_168 : vector<1x16xf32> to vector<16xf32>
          %parallel_loop3A_170 = vector.shape_cast %parallel_loop3A_165 : vector<16xf32> to vector<1x16xf32>
          tpu.vector_store %arg13[%parallel_loop3A_166, %parallel_loop3A_167], %parallel_loop3A_170 {strides = array<i32>} : memref<128x144xf32, #tpu.memory_space<vmem>>, vector<1x16xf32>,
          %parallel_loop3A_171 = arith.index_cast %parallel_loop3A_107 : i32 to index
          %parallel_loop3A_172 = arith.constant 48 : index
          %parallel_loop3A_173 = tpu.vector_load %arg13[%parallel_loop3A_171, %parallel_loop3A_172] {strides = array<i32>} : memref<128x144xf32, #tpu.memory_space<vmem>>, vector<1x16xf32>,
          %parallel_loop3A_174 = vector.shape_cast %parallel_loop3A_173 : vector<1x16xf32> to vector<16xf32>
          %parallel_loop3A_175 = arith.mulf %parallel_loop3A_174, %parallel_loop3A_137 : vector<16xf32>
          %parallel_loop3A_176 = arith.index_cast %parallel_loop3A_107 : i32 to index
          %parallel_loop3A_177 = arith.constant 48 : index
          %parallel_loop3A_178 = tpu.vector_load %arg13[%parallel_loop3A_176, %parallel_loop3A_177] {strides = array<i32>} : memref<128x144xf32, #tpu.memory_space<vmem>>, vector<1x16xf32>,
          %parallel_loop3A_179 = vector.shape_cast %parallel_loop3A_178 : vector<1x16xf32> to vector<16xf32>
          %parallel_loop3A_180 = vector.shape_cast %parallel_loop3A_175 : vector<16xf32> to vector<1x16xf32>
          tpu.vector_store %arg13[%parallel_loop3A_176, %parallel_loop3A_177], %parallel_loop3A_180 {strides = array<i32>} : memref<128x144xf32, #tpu.memory_space<vmem>>, vector<1x16xf32>,
          %parallel_loop3A_181 = arith.index_cast %parallel_loop3A_107 : i32 to index
          %parallel_loop3A_182 = arith.constant 64 : index
          %parallel_loop3A_183 = tpu.vector_load %arg13[%parallel_loop3A_181, %parallel_loop3A_182] {strides = array<i32>} : memref<128x144xf32, #tpu.memory_space<vmem>>, vector<1x16xf32>,
          %parallel_loop3A_184 = vector.shape_cast %parallel_loop3A_183 : vector<1x16xf32> to vector<16xf32>
          %parallel_loop3A_185 = arith.mulf %parallel_loop3A_184, %parallel_loop3A_140 : vector<16xf32>
          %parallel_loop3A_186 = arith.index_cast %parallel_loop3A_107 : i32 to index
          %parallel_loop3A_187 = arith.constant 64 : index
          %parallel_loop3A_188 = tpu.vector_load %arg13[%parallel_loop3A_186, %parallel_loop3A_187] {strides = array<i32>} : memref<128x144xf32, #tpu.memory_space<vmem>>, vector<1x16xf32>,
          %parallel_loop3A_189 = vector.shape_cast %parallel_loop3A_188 : vector<1x16xf32> to vector<16xf32>
          %parallel_loop3A_190 = vector.shape_cast %parallel_loop3A_185 : vector<16xf32> to vector<1x16xf32>
          tpu.vector_store %arg13[%parallel_loop3A_186, %parallel_loop3A_187], %parallel_loop3A_190 {strides = array<i32>} : memref<128x144xf32, #tpu.memory_space<vmem>>, vector<1x16xf32>,
          %parallel_loop3A_191 = arith.index_cast %parallel_loop3A_107 : i32 to index
          %parallel_loop3A_192 = arith.constant 80 : index
          %parallel_loop3A_193 = tpu.vector_load %arg13[%parallel_loop3A_191, %parallel_loop3A_192] {strides = array<i32>} : memref<128x144xf32, #tpu.memory_space<vmem>>, vector<1x16xf32>,
          %parallel_loop3A_194 = vector.shape_cast %parallel_loop3A_193 : vector<1x16xf32> to vector<16xf32>
          %parallel_loop3A_195 = arith.mulf %parallel_loop3A_194, %parallel_loop3A_140 : vector<16xf32>
          %parallel_loop3A_196 = arith.index_cast %parallel_loop3A_107 : i32 to index
          %parallel_loop3A_197 = arith.constant 80 : index
          %parallel_loop3A_198 = tpu.vector_load %arg13[%parallel_loop3A_196, %parallel_loop3A_197] {strides = array<i32>} : memref<128x144xf32, #tpu.memory_space<vmem>>, vector<1x16xf32>,
          %parallel_loop3A_199 = vector.shape_cast %parallel_loop3A_198 : vector<1x16xf32> to vector<16xf32>
          %parallel_loop3A_200 = vector.shape_cast %parallel_loop3A_195 : vector<16xf32> to vector<1x16xf32>
          tpu.vector_store %arg13[%parallel_loop3A_196, %parallel_loop3A_197], %parallel_loop3A_200 {strides = array<i32>} : memref<128x144xf32, #tpu.memory_space<vmem>>, vector<1x16xf32>,
          %parallel_loop3A_201 = arith.index_cast %parallel_loop3A_107 : i32 to index
          %parallel_loop3A_202 = arith.constant 96 : index
          %parallel_loop3A_203 = tpu.vector_load %arg13[%parallel_loop3A_201, %parallel_loop3A_202] {strides = array<i32>} : memref<128x144xf32, #tpu.memory_space<vmem>>, vector<1x16xf32>,
          %parallel_loop3A_204 = vector.shape_cast %parallel_loop3A_203 : vector<1x16xf32> to vector<16xf32>
          %parallel_loop3A_205 = arith.mulf %parallel_loop3A_204, %parallel_loop3A_140 : vector<16xf32>
          %parallel_loop3A_206 = arith.index_cast %parallel_loop3A_107 : i32 to index
          %parallel_loop3A_207 = arith.constant 96 : index
          %parallel_loop3A_208 = tpu.vector_load %arg13[%parallel_loop3A_206, %parallel_loop3A_207] {strides = array<i32>} : memref<128x144xf32, #tpu.memory_space<vmem>>, vector<1x16xf32>,
          %parallel_loop3A_209 = vector.shape_cast %parallel_loop3A_208 : vector<1x16xf32> to vector<16xf32>
          %parallel_loop3A_210 = vector.shape_cast %parallel_loop3A_205 : vector<16xf32> to vector<1x16xf32>
          tpu.vector_store %arg13[%parallel_loop3A_206, %parallel_loop3A_207], %parallel_loop3A_210 {strides = array<i32>} : memref<128x144xf32, #tpu.memory_space<vmem>>, vector<1x16xf32>,
          %parallel_loop3A_211 = arith.index_cast %parallel_loop3A_107 : i32 to index
          %parallel_loop3A_212 = arith.constant 112 : index
          %parallel_loop3A_213 = tpu.vector_load %arg13[%parallel_loop3A_211, %parallel_loop3A_212] {strides = array<i32>} : memref<128x144xf32, #tpu.memory_space<vmem>>, vector<1x16xf32>,
          %parallel_loop3A_214 = vector.shape_cast %parallel_loop3A_213 : vector<1x16xf32> to vector<16xf32>
          %parallel_loop3A_215 = arith.mulf %parallel_loop3A_214, %parallel_loop3A_140 : vector<16xf32>
          %parallel_loop3A_216 = arith.index_cast %parallel_loop3A_107 : i32 to index
          %parallel_loop3A_217 = arith.constant 112 : index
          %parallel_loop3A_218 = tpu.vector_load %arg13[%parallel_loop3A_216, %parallel_loop3A_217] {strides = array<i32>} : memref<128x144xf32, #tpu.memory_space<vmem>>, vector<1x16xf32>,
          %parallel_loop3A_219 = vector.shape_cast %parallel_loop3A_218 : vector<1x16xf32> to vector<16xf32>
          %parallel_loop3A_220 = vector.shape_cast %parallel_loop3A_215 : vector<16xf32> to vector<1x16xf32>
          tpu.vector_store %arg13[%parallel_loop3A_216, %parallel_loop3A_217], %parallel_loop3A_220 {strides = array<i32>} : memref<128x144xf32, #tpu.memory_space<vmem>>, vector<1x16xf32>,
          %parallel_loop3A_221 = arith.index_cast %parallel_loop3A_107 : i32 to index
          %parallel_loop3A_222 = arith.constant 128 : index
          %parallel_loop3A_223 = tpu.vector_load %arg13[%parallel_loop3A_221, %parallel_loop3A_222] {strides = array<i32>} : memref<128x144xf32, #tpu.memory_space<vmem>>, vector<1x16xf32>,
          %parallel_loop3A_224 = vector.shape_cast %parallel_loop3A_223 : vector<1x16xf32> to vector<16xf32>
          %parallel_loop3A_225 = arith.constant 128 : i32
          %parallel_loop3A_226 = vector.broadcast %parallel_loop3A_225 : i32 to vector<16xi32>
          %parallel_loop3A_227 = arith.addi %iota3A, %parallel_loop3A_226 : vector<16xi32>
          %parallel_loop3A_228 = arith.constant 64 : i32
          %parallel_loop3A_229 = vector.broadcast %parallel_loop3A_228 : i32 to vector<16xi32>
          %parallel_loop3A_230 = arith.cmpi slt, %parallel_loop3A_227, %parallel_loop3A_229 : vector<16xi32>
          %parallel_loop3A_231 = arith.constant 128 : i32
          %parallel_loop3A_232 = vector.broadcast %parallel_loop3A_231 : i32 to vector<16xi32>
          %parallel_loop3A_233 = arith.cmpi slt, %parallel_loop3A_227, %parallel_loop3A_232 : vector<16xi32>
          %parallel_loop3A_234 = arith.constant 128 : i32
          %parallel_loop3A_235 = vector.broadcast %parallel_loop3A_234 : i32 to vector<16xi32>
          %parallel_loop3A_236 = arith.cmpi eq, %parallel_loop3A_227, %parallel_loop3A_235 : vector<16xi32>
          %parallel_loop3A_237 = arith.constant 129 : i32
          %parallel_loop3A_238 = vector.broadcast %parallel_loop3A_237 : i32 to vector<16xi32>
          %parallel_loop3A_239 = arith.cmpi eq, %parallel_loop3A_227, %parallel_loop3A_238 : vector<16xi32>
          %parallel_loop3A_240 = arith.select %parallel_loop3A_239, %parallel_loop3A_140, %broadcast_in_dim3A_0 : vector<16xi1>, vector<16xf32>
          %parallel_loop3A_241 = arith.select %parallel_loop3A_236, %parallel_loop3A_137, %parallel_loop3A_240 : vector<16xi1>, vector<16xf32>
          %parallel_loop3A_242 = arith.select %parallel_loop3A_233, %parallel_loop3A_140, %parallel_loop3A_241 : vector<16xi1>, vector<16xf32>
          %parallel_loop3A_243 = arith.select %parallel_loop3A_230, %parallel_loop3A_137, %parallel_loop3A_242 : vector<16xi1>, vector<16xf32>
          %parallel_loop3A_244 = arith.mulf %parallel_loop3A_224, %parallel_loop3A_243 : vector<16xf32>
          %parallel_loop3A_245 = arith.index_cast %parallel_loop3A_107 : i32 to index
          %parallel_loop3A_246 = arith.constant 128 : index
          %parallel_loop3A_247 = tpu.vector_load %arg13[%parallel_loop3A_245, %parallel_loop3A_246] {strides = array<i32>} : memref<128x144xf32, #tpu.memory_space<vmem>>, vector<1x16xf32>,
          %parallel_loop3A_248 = vector.shape_cast %parallel_loop3A_247 : vector<1x16xf32> to vector<16xf32>
          %parallel_loop3A_249 = vector.shape_cast %parallel_loop3A_244 : vector<16xf32> to vector<1x16xf32>
          tpu.vector_store %arg13[%parallel_loop3A_245, %parallel_loop3A_246], %parallel_loop3A_249 {strides = array<i32>} : memref<128x144xf32, #tpu.memory_space<vmem>>, vector<1x16xf32>,
        } {sc.loop_unroll_factor = 4 : i64, sc.parallel_access}
        "tpu.region"() ({
          %run_scoped3A_107 = tpu.sem_alloc : memref<!tpu.dma_semaphore, #tpu.memory_space<semaphore_mem>>
          %dma_start3A = arith.constant 0 : i32
          %dma_start3A_108 = arith.constant 0 : i32
          %dma_start3A_109 = tpu.memref_slice %arg14[%dma_start3A, %dma_start3A_108] : memref<10240x144xf32, #tpu.memory_space<vmem_shared>> -> memref<10240x144xf32, #tpu.memory_space<vmem_shared>>
          tpu.enqueue_indirect_dma source(%arg13 : memref<128x144xf32, #tpu.memory_space<vmem>>) target(%dma_start3A_109 : memref<10240x144xf32, #tpu.memory_space<vmem_shared>>) offsets(%arg10 : memref<128xi32, #tpu.memory_space<vmem>>) semaphore(%run_scoped3A_107 : memref<!tpu.dma_semaphore, #tpu.memory_space<semaphore_mem>>) {add = true}
          %dma_wait3A = arith.constant 0 : i32
          %dma_wait3A_110 = arith.constant 0 : i32
          %dma_wait3A_111 = tpu.memref_slice %arg14[%dma_wait3A, %dma_wait3A_110] : memref<10240x144xf32, #tpu.memory_space<vmem_shared>> -> memref<10240x144xf32, #tpu.memory_space<vmem_shared>>
          tpu.wait_indirect_dma semaphore(%run_scoped3A_107 : memref<!tpu.dma_semaphore, #tpu.memory_space<semaphore_mem>>) src(%arg13 : memref<128x144xf32, #tpu.memory_space<vmem>>) dst(%dma_wait3A_111 : memref<10240x144xf32, #tpu.memory_space<vmem_shared>>)
          tpu.yield
        }) : () -> ()
      } else {
      }
    }
    %scan3A_40 = arith.constant 157 : i32
    %barrier3A_41 = arith.constant 0 : index
    tpu.barrier barrier_id(%barrier3A_41)
    %mul3A_42 = arith.constant 640 : i32
    %mul3A_43 = arith.muli %arg1, %mul3A_42 : i32
    %add3A_44 = arith.constant 0 : i32
    %add3A_45 = arith.addi %mul3A_43, %add3A_44 : i32
    %mul3A_46 = arith.constant 640 : i32
    %mul3A_47 = arith.muli %arg1, %mul3A_46 : i32
    %add3A_48 = arith.constant 0 : i32
    %add3A_49 = arith.addi %mul3A_47, %add3A_48 : i32
    %run_scoped3A = arith.constant 0 : i32
    "tpu.region"() ({
      %run_scoped3A_87 = tpu.sem_alloc : memref<!tpu.dma_semaphore, #tpu.memory_space<semaphore_mem>>
      %dma_start3A = arith.constant 0 : i32
      %dma_start3A_88 = arith.constant 0 : i32
      %dma_start3A_89 = tpu.memref_slice %arg8[%arg0, %run_scoped3A, %dma_start3A, %dma_start3A_88] : memref<2x1x10240x144xf32, #tpu.memory_space<hbm>> -> memref<1x1x10240x144xf32, #tpu.memory_space<hbm>>
      %dma_start3A_90 = tpu.memref_squeeze %dma_start3A_89 : memref<1x1x10240x144xf32, #tpu.memory_space<hbm>> -> memref<10240x144xf32, #tpu.memory_space<hbm>>
      %dma_start3A_91 = arith.constant 0 : i32
      %dma_start3A_92 = tpu.memref_slice %dma_start3A_90[%add3A_49, %dma_start3A_91] : memref<10240x144xf32, #tpu.memory_space<hbm>> -> memref<128x144xf32, #tpu.memory_space<hbm>>
      %dma_start3A_93 = arith.constant 0 : i32
      %dma_start3A_94 = tpu.memref_slice %arg14[%add3A_45, %dma_start3A_93] : memref<10240x144xf32, #tpu.memory_space<vmem_shared>> -> memref<128x144xf32, #tpu.memory_space<vmem_shared>>
      tpu.enqueue_dma source(%dma_start3A_94 : memref<128x144xf32, #tpu.memory_space<vmem_shared>>) target(%dma_start3A_92 : memref<128x144xf32, #tpu.memory_space<hbm>>) target_semaphore(%run_scoped3A_87 : memref<!tpu.dma_semaphore, #tpu.memory_space<semaphore_mem>>)
      %dma_wait3A = arith.constant 0 : i32
      %dma_wait3A_95 = arith.constant 0 : i32
      %dma_wait3A_96 = tpu.memref_slice %arg8[%arg0, %run_scoped3A, %dma_wait3A, %dma_wait3A_95] : memref<2x1x10240x144xf32, #tpu.memory_space<hbm>> -> memref<1x1x10240x144xf32, #tpu.memory_space<hbm>>
      %dma_wait3A_97 = tpu.memref_squeeze %dma_wait3A_96 : memref<1x1x10240x144xf32, #tpu.memory_space<hbm>> -> memref<10240x144xf32, #tpu.memory_space<hbm>>
      %dma_wait3A_98 = arith.constant 0 : i32
      %dma_wait3A_99 = tpu.memref_slice %dma_wait3A_97[%add3A_49, %dma_wait3A_98] : memref<10240x144xf32, #tpu.memory_space<hbm>> -> memref<128x144xf32, #tpu.memory_space<hbm>>
      %dma_wait3A_100 = arith.constant 0 : i32
      %dma_wait3A_101 = tpu.memref_slice %arg14[%add3A_45, %dma_wait3A_100] : memref<10240x144xf32, #tpu.memory_space<vmem_shared>> -> memref<128x144xf32, #tpu.memory_space<vmem_shared>>
      tpu.wait_dma2 semaphore(%run_scoped3A_87 : memref<!tpu.dma_semaphore, #tpu.memory_space<semaphore_mem>>) src(%dma_wait3A_101 : memref<128x144xf32, #tpu.memory_space<vmem_shared>>) dst(%dma_wait3A_99 : memref<128x144xf32, #tpu.memory_space<hbm>>)
      tpu.yield
    }) : () -> ()
    %mul3A_50 = arith.constant 640 : i32
    %mul3A_51 = arith.muli %arg1, %mul3A_50 : i32
    %add3A_52 = arith.constant 128 : i32
    %add3A_53 = arith.addi %mul3A_51, %add3A_52 : i32
    %mul3A_54 = arith.constant 640 : i32
    %mul3A_55 = arith.muli %arg1, %mul3A_54 : i32
    %add3A_56 = arith.constant 128 : i32
    %add3A_57 = arith.addi %mul3A_55, %add3A_56 : i32
    %run_scoped3A_58 = arith.constant 0 : i32
    "tpu.region"() ({
      %run_scoped3A_87 = tpu.sem_alloc : memref<!tpu.dma_semaphore, #tpu.memory_space<semaphore_mem>>
      %dma_start3A = arith.constant 0 : i32
      %dma_start3A_88 = arith.constant 0 : i32
      %dma_start3A_89 = tpu.memref_slice %arg8[%arg0, %run_scoped3A_58, %dma_start3A, %dma_start3A_88] : memref<2x1x10240x144xf32, #tpu.memory_space<hbm>> -> memref<1x1x10240x144xf32, #tpu.memory_space<hbm>>
      %dma_start3A_90 = tpu.memref_squeeze %dma_start3A_89 : memref<1x1x10240x144xf32, #tpu.memory_space<hbm>> -> memref<10240x144xf32, #tpu.memory_space<hbm>>
      %dma_start3A_91 = arith.constant 0 : i32
      %dma_start3A_92 = tpu.memref_slice %dma_start3A_90[%add3A_57, %dma_start3A_91] : memref<10240x144xf32, #tpu.memory_space<hbm>> -> memref<128x144xf32, #tpu.memory_space<hbm>>
      %dma_start3A_93 = arith.constant 0 : i32
      %dma_start3A_94 = tpu.memref_slice %arg14[%add3A_53, %dma_start3A_93] : memref<10240x144xf32, #tpu.memory_space<vmem_shared>> -> memref<128x144xf32, #tpu.memory_space<vmem_shared>>
      tpu.enqueue_dma source(%dma_start3A_94 : memref<128x144xf32, #tpu.memory_space<vmem_shared>>) target(%dma_start3A_92 : memref<128x144xf32, #tpu.memory_space<hbm>>) target_semaphore(%run_scoped3A_87 : memref<!tpu.dma_semaphore, #tpu.memory_space<semaphore_mem>>)
      %dma_wait3A = arith.constant 0 : i32
      %dma_wait3A_95 = arith.constant 0 : i32
      %dma_wait3A_96 = tpu.memref_slice %arg8[%arg0, %run_scoped3A_58, %dma_wait3A, %dma_wait3A_95] : memref<2x1x10240x144xf32, #tpu.memory_space<hbm>> -> memref<1x1x10240x144xf32, #tpu.memory_space<hbm>>
      %dma_wait3A_97 = tpu.memref_squeeze %dma_wait3A_96 : memref<1x1x10240x144xf32, #tpu.memory_space<hbm>> -> memref<10240x144xf32, #tpu.memory_space<hbm>>
      %dma_wait3A_98 = arith.constant 0 : i32
      %dma_wait3A_99 = tpu.memref_slice %dma_wait3A_97[%add3A_57, %dma_wait3A_98] : memref<10240x144xf32, #tpu.memory_space<hbm>> -> memref<128x144xf32, #tpu.memory_space<hbm>>
      %dma_wait3A_100 = arith.constant 0 : i32
      %dma_wait3A_101 = tpu.memref_slice %arg14[%add3A_53, %dma_wait3A_100] : memref<10240x144xf32, #tpu.memory_space<vmem_shared>> -> memref<128x144xf32, #tpu.memory_space<vmem_shared>>
      tpu.wait_dma2 semaphore(%run_scoped3A_87 : memref<!tpu.dma_semaphore, #tpu.memory_space<semaphore_mem>>) src(%dma_wait3A_101 : memref<128x144xf32, #tpu.memory_space<vmem_shared>>) dst(%dma_wait3A_99 : memref<128x144xf32, #tpu.memory_space<hbm>>)
      tpu.yield
    }) : () -> ()
    %mul3A_59 = arith.constant 640 : i32
    %mul3A_60 = arith.muli %arg1, %mul3A_59 : i32
    %add3A_61 = arith.constant 256 : i32
    %add3A_62 = arith.addi %mul3A_60, %add3A_61 : i32
    %mul3A_63 = arith.constant 640 : i32
    %mul3A_64 = arith.muli %arg1, %mul3A_63 : i32
    %add3A_65 = arith.constant 256 : i32
    %add3A_66 = arith.addi %mul3A_64, %add3A_65 : i32
    %run_scoped3A_67 = arith.constant 0 : i32
    "tpu.region"() ({
      %run_scoped3A_87 = tpu.sem_alloc : memref<!tpu.dma_semaphore, #tpu.memory_space<semaphore_mem>>
      %dma_start3A = arith.constant 0 : i32
      %dma_start3A_88 = arith.constant 0 : i32
      %dma_start3A_89 = tpu.memref_slice %arg8[%arg0, %run_scoped3A_67, %dma_start3A, %dma_start3A_88] : memref<2x1x10240x144xf32, #tpu.memory_space<hbm>> -> memref<1x1x10240x144xf32, #tpu.memory_space<hbm>>
      %dma_start3A_90 = tpu.memref_squeeze %dma_start3A_89 : memref<1x1x10240x144xf32, #tpu.memory_space<hbm>> -> memref<10240x144xf32, #tpu.memory_space<hbm>>
      %dma_start3A_91 = arith.constant 0 : i32
      %dma_start3A_92 = tpu.memref_slice %dma_start3A_90[%add3A_66, %dma_start3A_91] : memref<10240x144xf32, #tpu.memory_space<hbm>> -> memref<128x144xf32, #tpu.memory_space<hbm>>
      %dma_start3A_93 = arith.constant 0 : i32
      %dma_start3A_94 = tpu.memref_slice %arg14[%add3A_62, %dma_start3A_93] : memref<10240x144xf32, #tpu.memory_space<vmem_shared>> -> memref<128x144xf32, #tpu.memory_space<vmem_shared>>
      tpu.enqueue_dma source(%dma_start3A_94 : memref<128x144xf32, #tpu.memory_space<vmem_shared>>) target(%dma_start3A_92 : memref<128x144xf32, #tpu.memory_space<hbm>>) target_semaphore(%run_scoped3A_87 : memref<!tpu.dma_semaphore, #tpu.memory_space<semaphore_mem>>)
      %dma_wait3A = arith.constant 0 : i32
      %dma_wait3A_95 = arith.constant 0 : i32
      %dma_wait3A_96 = tpu.memref_slice %arg8[%arg0, %run_scoped3A_67, %dma_wait3A, %dma_wait3A_95] : memref<2x1x10240x144xf32, #tpu.memory_space<hbm>> -> memref<1x1x10240x144xf32, #tpu.memory_space<hbm>>
      %dma_wait3A_97 = tpu.memref_squeeze %dma_wait3A_96 : memref<1x1x10240x144xf32, #tpu.memory_space<hbm>> -> memref<10240x144xf32, #tpu.memory_space<hbm>>
      %dma_wait3A_98 = arith.constant 0 : i32
      %dma_wait3A_99 = tpu.memref_slice %dma_wait3A_97[%add3A_66, %dma_wait3A_98] : memref<10240x144xf32, #tpu.memory_space<hbm>> -> memref<128x144xf32, #tpu.memory_space<hbm>>
      %dma_wait3A_100 = arith.constant 0 : i32
      %dma_wait3A_101 = tpu.memref_slice %arg14[%add3A_62, %dma_wait3A_100] : memref<10240x144xf32, #tpu.memory_space<vmem_shared>> -> memref<128x144xf32, #tpu.memory_space<vmem_shared>>
      tpu.wait_dma2 semaphore(%run_scoped3A_87 : memref<!tpu.dma_semaphore, #tpu.memory_space<semaphore_mem>>) src(%dma_wait3A_101 : memref<128x144xf32, #tpu.memory_space<vmem_shared>>) dst(%dma_wait3A_99 : memref<128x144xf32, #tpu.memory_space<hbm>>)
      tpu.yield
    }) : () -> ()
    %mul3A_68 = arith.constant 640 : i32
    %mul3A_69 = arith.muli %arg1, %mul3A_68 : i32
    %add3A_70 = arith.constant 384 : i32
    %add3A_71 = arith.addi %mul3A_69, %add3A_70 : i32
    %mul3A_72 = arith.constant 640 : i32
    %mul3A_73 = arith.muli %arg1, %mul3A_72 : i32
    %add3A_74 = arith.constant 384 : i32
    %add3A_75 = arith.addi %mul3A_73, %add3A_74 : i32
    %run_scoped3A_76 = arith.constant 0 : i32
    "tpu.region"() ({
      %run_scoped3A_87 = tpu.sem_alloc : memref<!tpu.dma_semaphore, #tpu.memory_space<semaphore_mem>>
      %dma_start3A = arith.constant 0 : i32
      %dma_start3A_88 = arith.constant 0 : i32
      %dma_start3A_89 = tpu.memref_slice %arg8[%arg0, %run_scoped3A_76, %dma_start3A, %dma_start3A_88] : memref<2x1x10240x144xf32, #tpu.memory_space<hbm>> -> memref<1x1x10240x144xf32, #tpu.memory_space<hbm>>
      %dma_start3A_90 = tpu.memref_squeeze %dma_start3A_89 : memref<1x1x10240x144xf32, #tpu.memory_space<hbm>> -> memref<10240x144xf32, #tpu.memory_space<hbm>>
      %dma_start3A_91 = arith.constant 0 : i32
      %dma_start3A_92 = tpu.memref_slice %dma_start3A_90[%add3A_75, %dma_start3A_91] : memref<10240x144xf32, #tpu.memory_space<hbm>> -> memref<128x144xf32, #tpu.memory_space<hbm>>
      %dma_start3A_93 = arith.constant 0 : i32
      %dma_start3A_94 = tpu.memref_slice %arg14[%add3A_71, %dma_start3A_93] : memref<10240x144xf32, #tpu.memory_space<vmem_shared>> -> memref<128x144xf32, #tpu.memory_space<vmem_shared>>
      tpu.enqueue_dma source(%dma_start3A_94 : memref<128x144xf32, #tpu.memory_space<vmem_shared>>) target(%dma_start3A_92 : memref<128x144xf32, #tpu.memory_space<hbm>>) target_semaphore(%run_scoped3A_87 : memref<!tpu.dma_semaphore, #tpu.memory_space<semaphore_mem>>)
      %dma_wait3A = arith.constant 0 : i32
      %dma_wait3A_95 = arith.constant 0 : i32
      %dma_wait3A_96 = tpu.memref_slice %arg8[%arg0, %run_scoped3A_76, %dma_wait3A, %dma_wait3A_95] : memref<2x1x10240x144xf32, #tpu.memory_space<hbm>> -> memref<1x1x10240x144xf32, #tpu.memory_space<hbm>>
      %dma_wait3A_97 = tpu.memref_squeeze %dma_wait3A_96 : memref<1x1x10240x144xf32, #tpu.memory_space<hbm>> -> memref<10240x144xf32, #tpu.memory_space<hbm>>
      %dma_wait3A_98 = arith.constant 0 : i32
      %dma_wait3A_99 = tpu.memref_slice %dma_wait3A_97[%add3A_75, %dma_wait3A_98] : memref<10240x144xf32, #tpu.memory_space<hbm>> -> memref<128x144xf32, #tpu.memory_space<hbm>>
      %dma_wait3A_100 = arith.constant 0 : i32
      %dma_wait3A_101 = tpu.memref_slice %arg14[%add3A_71, %dma_wait3A_100] : memref<10240x144xf32, #tpu.memory_space<vmem_shared>> -> memref<128x144xf32, #tpu.memory_space<vmem_shared>>
      tpu.wait_dma2 semaphore(%run_scoped3A_87 : memref<!tpu.dma_semaphore, #tpu.memory_space<semaphore_mem>>) src(%dma_wait3A_101 : memref<128x144xf32, #tpu.memory_space<vmem_shared>>) dst(%dma_wait3A_99 : memref<128x144xf32, #tpu.memory_space<hbm>>)
      tpu.yield
    }) : () -> ()
    %mul3A_77 = arith.constant 640 : i32
    %mul3A_78 = arith.muli %arg1, %mul3A_77 : i32
    %add3A_79 = arith.constant 512 : i32
    %add3A_80 = arith.addi %mul3A_78, %add3A_79 : i32
    %mul3A_81 = arith.constant 640 : i32
    %mul3A_82 = arith.muli %arg1, %mul3A_81 : i32
    %add3A_83 = arith.constant 512 : i32
    %add3A_84 = arith.addi %mul3A_82, %add3A_83 : i32
    %run_scoped3A_85 = arith.constant 0 : i32
    "tpu.region"() ({
      %run_scoped3A_87 = tpu.sem_alloc : memref<!tpu.dma_semaphore, #tpu.memory_space<semaphore_mem>>
      %dma_start3A = arith.constant 0 : i32
      %dma_start3A_88 = arith.constant 0 : i32
      %dma_start3A_89 = tpu.memref_slice %arg8[%arg0, %run_scoped3A_85, %dma_start3A, %dma_start3A_88] : memref<2x1x10240x144xf32, #tpu.memory_space<hbm>> -> memref<1x1x10240x144xf32, #tpu.memory_space<hbm>>
      %dma_start3A_90 = tpu.memref_squeeze %dma_start3A_89 : memref<1x1x10240x144xf32, #tpu.memory_space<hbm>> -> memref<10240x144xf32, #tpu.memory_space<hbm>>
      %dma_start3A_91 = arith.constant 0 : i32
      %dma_start3A_92 = tpu.memref_slice %dma_start3A_90[%add3A_84, %dma_start3A_91] : memref<10240x144xf32, #tpu.memory_space<hbm>> -> memref<128x144xf32, #tpu.memory_space<hbm>>
      %dma_start3A_93 = arith.constant 0 : i32
      %dma_start3A_94 = tpu.memref_slice %arg14[%add3A_80, %dma_start3A_93] : memref<10240x144xf32, #tpu.memory_space<vmem_shared>> -> memref<128x144xf32, #tpu.memory_space<vmem_shared>>
      tpu.enqueue_dma source(%dma_start3A_94 : memref<128x144xf32, #tpu.memory_space<vmem_shared>>) target(%dma_start3A_92 : memref<128x144xf32, #tpu.memory_space<hbm>>) target_semaphore(%run_scoped3A_87 : memref<!tpu.dma_semaphore, #tpu.memory_space<semaphore_mem>>)
      %dma_wait3A = arith.constant 0 : i32
      %dma_wait3A_95 = arith.constant 0 : i32
      %dma_wait3A_96 = tpu.memref_slice %arg8[%arg0, %run_scoped3A_85, %dma_wait3A, %dma_wait3A_95] : memref<2x1x10240x144xf32, #tpu.memory_space<hbm>> -> memref<1x1x10240x144xf32, #tpu.memory_space<hbm>>
      %dma_wait3A_97 = tpu.memref_squeeze %dma_wait3A_96 : memref<1x1x10240x144xf32, #tpu.memory_space<hbm>> -> memref<10240x144xf32, #tpu.memory_space<hbm>>
      %dma_wait3A_98 = arith.constant 0 : i32
      %dma_wait3A_99 = tpu.memref_slice %dma_wait3A_97[%add3A_84, %dma_wait3A_98] : memref<10240x144xf32, #tpu.memory_space<hbm>> -> memref<128x144xf32, #tpu.memory_space<hbm>>
      %dma_wait3A_100 = arith.constant 0 : i32
      %dma_wait3A_101 = tpu.memref_slice %arg14[%add3A_80, %dma_wait3A_100] : memref<10240x144xf32, #tpu.memory_space<vmem_shared>> -> memref<128x144xf32, #tpu.memory_space<vmem_shared>>
      tpu.wait_dma2 semaphore(%run_scoped3A_87 : memref<!tpu.dma_semaphore, #tpu.memory_space<semaphore_mem>>) src(%dma_wait3A_101 : memref<128x144xf32, #tpu.memory_space<vmem_shared>>) dst(%dma_wait3A_99 : memref<128x144xf32, #tpu.memory_space<hbm>>)
      tpu.yield
    }) : () -> ()
    %barrier3A_86 = arith.constant 0 : index
    tpu.barrier barrier_id(%barrier3A_86)
    return
  }
}

#map = affine_map<(d0, d1) -> (0)>
#map1 = affine_map<(d0, d1) -> (0, 0)>
#map2 = affine_map<(d0, d1) -> (0, 0, 0, 0)>
module attributes {stable_mosaic.version = 14 : i64} {
  func.func @k(%arg0: i32, %arg1: i32, %arg2: memref<320000xi32, #tpu.memory_space<hbm>>, %arg3: memref<320000xi32, #tpu.memory_space<hbm>>, %arg4: memref<10000x16xf32, #tpu.memory_space<hbm>>, %arg5: memref<10000x16xf32, #tpu.memory_space<hbm>>, %arg6: memref<10000x256xf32, #tpu.memory_space<hbm>>, %arg7: memref<10000x256xf32, #tpu.memory_space<hbm>>, %arg8: memref<2x2x5120x256xf32, #tpu.memory_space<hbm>>, %arg9: memref<128xi32, #tpu.memory_space<vmem>>, %arg10: memref<128xi32, #tpu.memory_space<vmem>>, %arg11: memref<128x16xf32, #tpu.memory_space<vmem>>, %arg12: memref<128x16xf32, #tpu.memory_space<vmem>>, %arg13: memref<128x256xf32, #tpu.memory_space<vmem>>, %arg14: memref<5120x256xf32, #tpu.memory_space<vmem_shared>>, %arg15: memref<!tpu.dma_semaphore, #tpu.memory_space<semaphore_mem>>) attributes {dimension_semantics = [#tpu.dimension_semantics<core_parallel>, #tpu.dimension_semantics<subcore_parallel>], iteration_bounds = array<i64: 2, 16>, scalar_prefetch = 0 : i64, scratch_operands = 7 : i64, tpu.core_type = #tpu.core_type<sc_vector_subcore>, window_params = [{transform_indices = #map}, {transform_indices = #map}, {transform_indices = #map1}, {transform_indices = #map1}, {transform_indices = #map1}, {transform_indices = #map1}, {transform_indices = #map2}]} {
    %iota3A = tpu.iota {dimensions = array<i32: 0>} : vector<16xi32>
    %broadcast_in_dim3A = arith.constant 0.000000e+00 : f32
    %broadcast_in_dim3A_0 = vector.broadcast %broadcast_in_dim3A : f32 to vector<16xf32>
    %eq3A = arith.constant 0 : i32
    %eq3A_1 = vector.broadcast %eq3A : i32 to vector<16xi32>
    %eq3A_2 = arith.cmpi eq, %iota3A, %eq3A_1 : vector<16xi32>
    %eq3A_3 = arith.constant 1 : i32
    %eq3A_4 = vector.broadcast %eq3A_3 : i32 to vector<16xi32>
    %eq3A_5 = arith.cmpi eq, %iota3A, %eq3A_4 : vector<16xi32>
    %jit3A = arith.constant 3 : i32
    %jit3A_6 = arith.constant 0 : i32
    %broadcast_in_dim3A_7 = vector.broadcast %jit3A : i32 to vector<16xi32>
    %broadcast_in_dim3A_8 = vector.broadcast %jit3A_6 : i32 to vector<16xi32>
    %select_n3A = arith.select %eq3A_5, %broadcast_in_dim3A_7, %broadcast_in_dim3A_8 : vector<16xi1>, vector<16xi32>
    %jit3A_9 = arith.constant 2 : i32
    %broadcast_in_dim3A_10 = vector.broadcast %jit3A_9 : i32 to vector<16xi32>
    %select_n3A_11 = arith.select %eq3A_2, %broadcast_in_dim3A_10, %select_n3A : vector<16xi1>, vector<16xi32>
    %scan3A = arith.constant 0 : i32
    %scan3A_12 = arith.constant 0 : i32
    %scan3A_13 = arith.constant 128 : i32
    %scan3A_14 = arith.addi %scan3A_12, %scan3A_13 : i32
    %scan3A_15 = arith.constant 1 : i32
    scf.for %scan3A_115 = %scan3A_12 to %scan3A_14 step %scan3A_15  : i32 {
      %swap3A = arith.index_cast %scan3A_115 : i32 to index
      %swap3A_116 = arith.constant 0 : index
      %swap3A_117 = tpu.vector_load %arg13[%swap3A, %swap3A_116] {strides = array<i32>} : memref<128x256xf32, #tpu.memory_space<vmem>>, vector<1x16xf32>,
      %swap3A_118 = vector.shape_cast %swap3A_117 : vector<1x16xf32> to vector<16xf32>
      %swap3A_119 = vector.shape_cast %broadcast_in_dim3A_0 : vector<16xf32> to vector<1x16xf32>
      tpu.vector_store %arg13[%swap3A, %swap3A_116], %swap3A_119 {strides = array<i32>} : memref<128x256xf32, #tpu.memory_space<vmem>>, vector<1x16xf32>,
      %swap3A_120 = arith.index_cast %scan3A_115 : i32 to index
      %swap3A_121 = arith.constant 16 : index
      %swap3A_122 = tpu.vector_load %arg13[%swap3A_120, %swap3A_121] {strides = array<i32>} : memref<128x256xf32, #tpu.memory_space<vmem>>, vector<1x16xf32>,
      %swap3A_123 = vector.shape_cast %swap3A_122 : vector<1x16xf32> to vector<16xf32>
      %swap3A_124 = vector.shape_cast %broadcast_in_dim3A_0 : vector<16xf32> to vector<1x16xf32>
      tpu.vector_store %arg13[%swap3A_120, %swap3A_121], %swap3A_124 {strides = array<i32>} : memref<128x256xf32, #tpu.memory_space<vmem>>, vector<1x16xf32>,
      %swap3A_125 = arith.index_cast %scan3A_115 : i32 to index
      %swap3A_126 = arith.constant 32 : index
      %swap3A_127 = tpu.vector_load %arg13[%swap3A_125, %swap3A_126] {strides = array<i32>} : memref<128x256xf32, #tpu.memory_space<vmem>>, vector<1x16xf32>,
      %swap3A_128 = vector.shape_cast %swap3A_127 : vector<1x16xf32> to vector<16xf32>
      %swap3A_129 = vector.shape_cast %broadcast_in_dim3A_0 : vector<16xf32> to vector<1x16xf32>
      tpu.vector_store %arg13[%swap3A_125, %swap3A_126], %swap3A_129 {strides = array<i32>} : memref<128x256xf32, #tpu.memory_space<vmem>>, vector<1x16xf32>,
      %swap3A_130 = arith.index_cast %scan3A_115 : i32 to index
      %swap3A_131 = arith.constant 48 : index
      %swap3A_132 = tpu.vector_load %arg13[%swap3A_130, %swap3A_131] {strides = array<i32>} : memref<128x256xf32, #tpu.memory_space<vmem>>, vector<1x16xf32>,
      %swap3A_133 = vector.shape_cast %swap3A_132 : vector<1x16xf32> to vector<16xf32>
      %swap3A_134 = vector.shape_cast %broadcast_in_dim3A_0 : vector<16xf32> to vector<1x16xf32>
      tpu.vector_store %arg13[%swap3A_130, %swap3A_131], %swap3A_134 {strides = array<i32>} : memref<128x256xf32, #tpu.memory_space<vmem>>, vector<1x16xf32>,
      %swap3A_135 = arith.index_cast %scan3A_115 : i32 to index
      %swap3A_136 = arith.constant 64 : index
      %swap3A_137 = tpu.vector_load %arg13[%swap3A_135, %swap3A_136] {strides = array<i32>} : memref<128x256xf32, #tpu.memory_space<vmem>>, vector<1x16xf32>,
      %swap3A_138 = vector.shape_cast %swap3A_137 : vector<1x16xf32> to vector<16xf32>
      %swap3A_139 = vector.shape_cast %broadcast_in_dim3A_0 : vector<16xf32> to vector<1x16xf32>
      tpu.vector_store %arg13[%swap3A_135, %swap3A_136], %swap3A_139 {strides = array<i32>} : memref<128x256xf32, #tpu.memory_space<vmem>>, vector<1x16xf32>,
      %swap3A_140 = arith.index_cast %scan3A_115 : i32 to index
      %swap3A_141 = arith.constant 80 : index
      %swap3A_142 = tpu.vector_load %arg13[%swap3A_140, %swap3A_141] {strides = array<i32>} : memref<128x256xf32, #tpu.memory_space<vmem>>, vector<1x16xf32>,
      %swap3A_143 = vector.shape_cast %swap3A_142 : vector<1x16xf32> to vector<16xf32>
      %swap3A_144 = vector.shape_cast %broadcast_in_dim3A_0 : vector<16xf32> to vector<1x16xf32>
      tpu.vector_store %arg13[%swap3A_140, %swap3A_141], %swap3A_144 {strides = array<i32>} : memref<128x256xf32, #tpu.memory_space<vmem>>, vector<1x16xf32>,
      %swap3A_145 = arith.index_cast %scan3A_115 : i32 to index
      %swap3A_146 = arith.constant 96 : index
      %swap3A_147 = tpu.vector_load %arg13[%swap3A_145, %swap3A_146] {strides = array<i32>} : memref<128x256xf32, #tpu.memory_space<vmem>>, vector<1x16xf32>,
      %swap3A_148 = vector.shape_cast %swap3A_147 : vector<1x16xf32> to vector<16xf32>
      %swap3A_149 = vector.shape_cast %broadcast_in_dim3A_0 : vector<16xf32> to vector<1x16xf32>
      tpu.vector_store %arg13[%swap3A_145, %swap3A_146], %swap3A_149 {strides = array<i32>} : memref<128x256xf32, #tpu.memory_space<vmem>>, vector<1x16xf32>,
      %swap3A_150 = arith.index_cast %scan3A_115 : i32 to index
      %swap3A_151 = arith.constant 112 : index
      %swap3A_152 = tpu.vector_load %arg13[%swap3A_150, %swap3A_151] {strides = array<i32>} : memref<128x256xf32, #tpu.memory_space<vmem>>, vector<1x16xf32>,
      %swap3A_153 = vector.shape_cast %swap3A_152 : vector<1x16xf32> to vector<16xf32>
      %swap3A_154 = vector.shape_cast %broadcast_in_dim3A_0 : vector<16xf32> to vector<1x16xf32>
      tpu.vector_store %arg13[%swap3A_150, %swap3A_151], %swap3A_154 {strides = array<i32>} : memref<128x256xf32, #tpu.memory_space<vmem>>, vector<1x16xf32>,
      %swap3A_155 = arith.index_cast %scan3A_115 : i32 to index
      %swap3A_156 = arith.constant 128 : index
      %swap3A_157 = tpu.vector_load %arg13[%swap3A_155, %swap3A_156] {strides = array<i32>} : memref<128x256xf32, #tpu.memory_space<vmem>>, vector<1x16xf32>,
      %swap3A_158 = vector.shape_cast %swap3A_157 : vector<1x16xf32> to vector<16xf32>
      %swap3A_159 = vector.shape_cast %broadcast_in_dim3A_0 : vector<16xf32> to vector<1x16xf32>
      tpu.vector_store %arg13[%swap3A_155, %swap3A_156], %swap3A_159 {strides = array<i32>} : memref<128x256xf32, #tpu.memory_space<vmem>>, vector<1x16xf32>,
      %swap3A_160 = arith.index_cast %scan3A_115 : i32 to index
      %swap3A_161 = arith.constant 144 : index
      %swap3A_162 = tpu.vector_load %arg13[%swap3A_160, %swap3A_161] {strides = array<i32>} : memref<128x256xf32, #tpu.memory_space<vmem>>, vector<1x16xf32>,
      %swap3A_163 = vector.shape_cast %swap3A_162 : vector<1x16xf32> to vector<16xf32>
      %swap3A_164 = vector.shape_cast %broadcast_in_dim3A_0 : vector<16xf32> to vector<1x16xf32>
      tpu.vector_store %arg13[%swap3A_160, %swap3A_161], %swap3A_164 {strides = array<i32>} : memref<128x256xf32, #tpu.memory_space<vmem>>, vector<1x16xf32>,
      %swap3A_165 = arith.index_cast %scan3A_115 : i32 to index
      %swap3A_166 = arith.constant 160 : index
      %swap3A_167 = tpu.vector_load %arg13[%swap3A_165, %swap3A_166] {strides = array<i32>} : memref<128x256xf32, #tpu.memory_space<vmem>>, vector<1x16xf32>,
      %swap3A_168 = vector.shape_cast %swap3A_167 : vector<1x16xf32> to vector<16xf32>
      %swap3A_169 = vector.shape_cast %broadcast_in_dim3A_0 : vector<16xf32> to vector<1x16xf32>
      tpu.vector_store %arg13[%swap3A_165, %swap3A_166], %swap3A_169 {strides = array<i32>} : memref<128x256xf32, #tpu.memory_space<vmem>>, vector<1x16xf32>,
      %swap3A_170 = arith.index_cast %scan3A_115 : i32 to index
      %swap3A_171 = arith.constant 176 : index
      %swap3A_172 = tpu.vector_load %arg13[%swap3A_170, %swap3A_171] {strides = array<i32>} : memref<128x256xf32, #tpu.memory_space<vmem>>, vector<1x16xf32>,
      %swap3A_173 = vector.shape_cast %swap3A_172 : vector<1x16xf32> to vector<16xf32>
      %swap3A_174 = vector.shape_cast %broadcast_in_dim3A_0 : vector<16xf32> to vector<1x16xf32>
      tpu.vector_store %arg13[%swap3A_170, %swap3A_171], %swap3A_174 {strides = array<i32>} : memref<128x256xf32, #tpu.memory_space<vmem>>, vector<1x16xf32>,
      %swap3A_175 = arith.index_cast %scan3A_115 : i32 to index
      %swap3A_176 = arith.constant 192 : index
      %swap3A_177 = tpu.vector_load %arg13[%swap3A_175, %swap3A_176] {strides = array<i32>} : memref<128x256xf32, #tpu.memory_space<vmem>>, vector<1x16xf32>,
      %swap3A_178 = vector.shape_cast %swap3A_177 : vector<1x16xf32> to vector<16xf32>
      %swap3A_179 = vector.shape_cast %broadcast_in_dim3A_0 : vector<16xf32> to vector<1x16xf32>
      tpu.vector_store %arg13[%swap3A_175, %swap3A_176], %swap3A_179 {strides = array<i32>} : memref<128x256xf32, #tpu.memory_space<vmem>>, vector<1x16xf32>,
      %swap3A_180 = arith.index_cast %scan3A_115 : i32 to index
      %swap3A_181 = arith.constant 208 : index
      %swap3A_182 = tpu.vector_load %arg13[%swap3A_180, %swap3A_181] {strides = array<i32>} : memref<128x256xf32, #tpu.memory_space<vmem>>, vector<1x16xf32>,
      %swap3A_183 = vector.shape_cast %swap3A_182 : vector<1x16xf32> to vector<16xf32>
      %swap3A_184 = vector.shape_cast %broadcast_in_dim3A_0 : vector<16xf32> to vector<1x16xf32>
      tpu.vector_store %arg13[%swap3A_180, %swap3A_181], %swap3A_184 {strides = array<i32>} : memref<128x256xf32, #tpu.memory_space<vmem>>, vector<1x16xf32>,
      %swap3A_185 = arith.index_cast %scan3A_115 : i32 to index
      %swap3A_186 = arith.constant 224 : index
      %swap3A_187 = tpu.vector_load %arg13[%swap3A_185, %swap3A_186] {strides = array<i32>} : memref<128x256xf32, #tpu.memory_space<vmem>>, vector<1x16xf32>,
      %swap3A_188 = vector.shape_cast %swap3A_187 : vector<1x16xf32> to vector<16xf32>
      %swap3A_189 = vector.shape_cast %broadcast_in_dim3A_0 : vector<16xf32> to vector<1x16xf32>
      tpu.vector_store %arg13[%swap3A_185, %swap3A_186], %swap3A_189 {strides = array<i32>} : memref<128x256xf32, #tpu.memory_space<vmem>>, vector<1x16xf32>,
      %swap3A_190 = arith.index_cast %scan3A_115 : i32 to index
      %swap3A_191 = arith.constant 240 : index
      %swap3A_192 = tpu.vector_load %arg13[%swap3A_190, %swap3A_191] {strides = array<i32>} : memref<128x256xf32, #tpu.memory_space<vmem>>, vector<1x16xf32>,
      %swap3A_193 = vector.shape_cast %swap3A_192 : vector<1x16xf32> to vector<16xf32>
      %swap3A_194 = vector.shape_cast %broadcast_in_dim3A_0 : vector<16xf32> to vector<1x16xf32>
      tpu.vector_store %arg13[%swap3A_190, %swap3A_191], %swap3A_194 {strides = array<i32>} : memref<128x256xf32, #tpu.memory_space<vmem>>, vector<1x16xf32>,
    }
    %scan3A_16 = arith.constant 128 : i32
    %mul3A = arith.constant 320 : i32
    %mul3A_17 = arith.muli %arg1, %mul3A : i32
    %add3A = arith.constant 0 : i32
    %add3A_18 = arith.addi %mul3A_17, %add3A : i32
    "tpu.region"() ({
      %run_scoped3A_115 = tpu.sem_alloc : memref<!tpu.dma_semaphore, #tpu.memory_space<semaphore_mem>>
      %dma_start3A = arith.constant 0 : i32
      %dma_start3A_116 = arith.constant 0 : i32
      %dma_start3A_117 = tpu.memref_slice %arg13[%dma_start3A, %dma_start3A_116] : memref<128x256xf32, #tpu.memory_space<vmem>> -> memref<128x256xf32, #tpu.memory_space<vmem>>
      %dma_start3A_118 = arith.constant 0 : i32
      %dma_start3A_119 = tpu.memref_slice %arg14[%add3A_18, %dma_start3A_118] : memref<5120x256xf32, #tpu.memory_space<vmem_shared>> -> memref<128x256xf32, #tpu.memory_space<vmem_shared>>
      %dma_start3A_120 = arith.constant 0 : i32
      %dma_start3A_121 = tpu.memref_slice %arg14[%add3A_18, %dma_start3A_120] : memref<5120x256xf32, #tpu.memory_space<vmem_shared>> -> memref<128x256xf32, #tpu.memory_space<vmem_shared>>
      %dma_start3A_122 = arith.constant 0 : i32
      %dma_start3A_123 = arith.constant 0 : i32
      %dma_start3A_124 = tpu.memref_slice %arg13[%dma_start3A_122, %dma_start3A_123] : memref<128x256xf32, #tpu.memory_space<vmem>> -> memref<128x256xf32, #tpu.memory_space<vmem>>
      tpu.enqueue_dma source(%dma_start3A_124 : memref<128x256xf32, #tpu.memory_space<vmem>>) target(%dma_start3A_121 : memref<128x256xf32, #tpu.memory_space<vmem_shared>>) target_semaphore(%run_scoped3A_115 : memref<!tpu.dma_semaphore, #tpu.memory_space<semaphore_mem>>)
      %dma_wait3A = arith.constant 0 : i32
      %dma_wait3A_125 = arith.constant 0 : i32
      %dma_wait3A_126 = tpu.memref_slice %arg13[%dma_wait3A, %dma_wait3A_125] : memref<128x256xf32, #tpu.memory_space<vmem>> -> memref<128x256xf32, #tpu.memory_space<vmem>>
      %dma_wait3A_127 = arith.constant 0 : i32
      %dma_wait3A_128 = tpu.memref_slice %arg14[%add3A_18, %dma_wait3A_127] : memref<5120x256xf32, #tpu.memory_space<vmem_shared>> -> memref<128x256xf32, #tpu.memory_space<vmem_shared>>
      %dma_wait3A_129 = arith.constant 0 : i32
      %dma_wait3A_130 = tpu.memref_slice %arg14[%add3A_18, %dma_wait3A_129] : memref<5120x256xf32, #tpu.memory_space<vmem_shared>> -> memref<128x256xf32, #tpu.memory_space<vmem_shared>>
      %dma_wait3A_131 = arith.constant 0 : i32
      %dma_wait3A_132 = arith.constant 0 : i32
      %dma_wait3A_133 = tpu.memref_slice %arg13[%dma_wait3A_131, %dma_wait3A_132] : memref<128x256xf32, #tpu.memory_space<vmem>> -> memref<128x256xf32, #tpu.memory_space<vmem>>
      tpu.wait_dma2 semaphore(%run_scoped3A_115 : memref<!tpu.dma_semaphore, #tpu.memory_space<semaphore_mem>>) src(%dma_wait3A_133 : memref<128x256xf32, #tpu.memory_space<vmem>>) dst(%dma_wait3A_130 : memref<128x256xf32, #tpu.memory_space<vmem_shared>>)
      tpu.yield
    }) : () -> ()
    %mul3A_19 = arith.constant 320 : i32
    %mul3A_20 = arith.muli %arg1, %mul3A_19 : i32
    %add3A_21 = arith.constant 128 : i32
    %add3A_22 = arith.addi %mul3A_20, %add3A_21 : i32
    "tpu.region"() ({
      %run_scoped3A_115 = tpu.sem_alloc : memref<!tpu.dma_semaphore, #tpu.memory_space<semaphore_mem>>
      %dma_start3A = arith.constant 0 : i32
      %dma_start3A_116 = arith.constant 0 : i32
      %dma_start3A_117 = tpu.memref_slice %arg13[%dma_start3A, %dma_start3A_116] : memref<128x256xf32, #tpu.memory_space<vmem>> -> memref<128x256xf32, #tpu.memory_space<vmem>>
      %dma_start3A_118 = arith.constant 0 : i32
      %dma_start3A_119 = tpu.memref_slice %arg14[%add3A_22, %dma_start3A_118] : memref<5120x256xf32, #tpu.memory_space<vmem_shared>> -> memref<128x256xf32, #tpu.memory_space<vmem_shared>>
      %dma_start3A_120 = arith.constant 0 : i32
      %dma_start3A_121 = tpu.memref_slice %arg14[%add3A_22, %dma_start3A_120] : memref<5120x256xf32, #tpu.memory_space<vmem_shared>> -> memref<128x256xf32, #tpu.memory_space<vmem_shared>>
      %dma_start3A_122 = arith.constant 0 : i32
      %dma_start3A_123 = arith.constant 0 : i32
      %dma_start3A_124 = tpu.memref_slice %arg13[%dma_start3A_122, %dma_start3A_123] : memref<128x256xf32, #tpu.memory_space<vmem>> -> memref<128x256xf32, #tpu.memory_space<vmem>>
      tpu.enqueue_dma source(%dma_start3A_124 : memref<128x256xf32, #tpu.memory_space<vmem>>) target(%dma_start3A_121 : memref<128x256xf32, #tpu.memory_space<vmem_shared>>) target_semaphore(%run_scoped3A_115 : memref<!tpu.dma_semaphore, #tpu.memory_space<semaphore_mem>>)
      %dma_wait3A = arith.constant 0 : i32
      %dma_wait3A_125 = arith.constant 0 : i32
      %dma_wait3A_126 = tpu.memref_slice %arg13[%dma_wait3A, %dma_wait3A_125] : memref<128x256xf32, #tpu.memory_space<vmem>> -> memref<128x256xf32, #tpu.memory_space<vmem>>
      %dma_wait3A_127 = arith.constant 0 : i32
      %dma_wait3A_128 = tpu.memref_slice %arg14[%add3A_22, %dma_wait3A_127] : memref<5120x256xf32, #tpu.memory_space<vmem_shared>> -> memref<128x256xf32, #tpu.memory_space<vmem_shared>>
      %dma_wait3A_129 = arith.constant 0 : i32
      %dma_wait3A_130 = tpu.memref_slice %arg14[%add3A_22, %dma_wait3A_129] : memref<5120x256xf32, #tpu.memory_space<vmem_shared>> -> memref<128x256xf32, #tpu.memory_space<vmem_shared>>
      %dma_wait3A_131 = arith.constant 0 : i32
      %dma_wait3A_132 = arith.constant 0 : i32
      %dma_wait3A_133 = tpu.memref_slice %arg13[%dma_wait3A_131, %dma_wait3A_132] : memref<128x256xf32, #tpu.memory_space<vmem>> -> memref<128x256xf32, #tpu.memory_space<vmem>>
      tpu.wait_dma2 semaphore(%run_scoped3A_115 : memref<!tpu.dma_semaphore, #tpu.memory_space<semaphore_mem>>) src(%dma_wait3A_133 : memref<128x256xf32, #tpu.memory_space<vmem>>) dst(%dma_wait3A_130 : memref<128x256xf32, #tpu.memory_space<vmem_shared>>)
      tpu.yield
    }) : () -> ()
    %mul3A_23 = arith.constant 320 : i32
    %mul3A_24 = arith.muli %arg1, %mul3A_23 : i32
    %add3A_25 = arith.constant 256 : i32
    %add3A_26 = arith.addi %mul3A_24, %add3A_25 : i32
    "tpu.region"() ({
      %run_scoped3A_115 = tpu.sem_alloc : memref<!tpu.dma_semaphore, #tpu.memory_space<semaphore_mem>>
      %dma_start3A = arith.constant 0 : i32
      %dma_start3A_116 = arith.constant 0 : i32
      %dma_start3A_117 = tpu.memref_slice %arg13[%dma_start3A, %dma_start3A_116] : memref<128x256xf32, #tpu.memory_space<vmem>> -> memref<64x256xf32, #tpu.memory_space<vmem>>
      %dma_start3A_118 = arith.constant 0 : i32
      %dma_start3A_119 = tpu.memref_slice %arg14[%add3A_26, %dma_start3A_118] : memref<5120x256xf32, #tpu.memory_space<vmem_shared>> -> memref<64x256xf32, #tpu.memory_space<vmem_shared>>
      %dma_start3A_120 = arith.constant 0 : i32
      %dma_start3A_121 = tpu.memref_slice %arg14[%add3A_26, %dma_start3A_120] : memref<5120x256xf32, #tpu.memory_space<vmem_shared>> -> memref<64x256xf32, #tpu.memory_space<vmem_shared>>
      %dma_start3A_122 = arith.constant 0 : i32
      %dma_start3A_123 = arith.constant 0 : i32
      %dma_start3A_124 = tpu.memref_slice %arg13[%dma_start3A_122, %dma_start3A_123] : memref<128x256xf32, #tpu.memory_space<vmem>> -> memref<64x256xf32, #tpu.memory_space<vmem>>
      tpu.enqueue_dma source(%dma_start3A_124 : memref<64x256xf32, #tpu.memory_space<vmem>>) target(%dma_start3A_121 : memref<64x256xf32, #tpu.memory_space<vmem_shared>>) target_semaphore(%run_scoped3A_115 : memref<!tpu.dma_semaphore, #tpu.memory_space<semaphore_mem>>)
      %dma_wait3A = arith.constant 0 : i32
      %dma_wait3A_125 = arith.constant 0 : i32
      %dma_wait3A_126 = tpu.memref_slice %arg13[%dma_wait3A, %dma_wait3A_125] : memref<128x256xf32, #tpu.memory_space<vmem>> -> memref<64x256xf32, #tpu.memory_space<vmem>>
      %dma_wait3A_127 = arith.constant 0 : i32
      %dma_wait3A_128 = tpu.memref_slice %arg14[%add3A_26, %dma_wait3A_127] : memref<5120x256xf32, #tpu.memory_space<vmem_shared>> -> memref<64x256xf32, #tpu.memory_space<vmem_shared>>
      %dma_wait3A_129 = arith.constant 0 : i32
      %dma_wait3A_130 = tpu.memref_slice %arg14[%add3A_26, %dma_wait3A_129] : memref<5120x256xf32, #tpu.memory_space<vmem_shared>> -> memref<64x256xf32, #tpu.memory_space<vmem_shared>>
      %dma_wait3A_131 = arith.constant 0 : i32
      %dma_wait3A_132 = arith.constant 0 : i32
      %dma_wait3A_133 = tpu.memref_slice %arg13[%dma_wait3A_131, %dma_wait3A_132] : memref<128x256xf32, #tpu.memory_space<vmem>> -> memref<64x256xf32, #tpu.memory_space<vmem>>
      tpu.wait_dma2 semaphore(%run_scoped3A_115 : memref<!tpu.dma_semaphore, #tpu.memory_space<semaphore_mem>>) src(%dma_wait3A_133 : memref<64x256xf32, #tpu.memory_space<vmem>>) dst(%dma_wait3A_130 : memref<64x256xf32, #tpu.memory_space<vmem_shared>>)
      tpu.yield
    }) : () -> ()
    %barrier3A = arith.constant 0 : index
    tpu.barrier barrier_id(%barrier3A)
    %scan3A_27 = arith.constant 0 : i32
    %scan3A_28 = arith.constant 0 : i32
    %scan3A_29 = arith.constant 157 : i32
    %scan3A_30 = arith.addi %scan3A_28, %scan3A_29 : i32
    %scan3A_31 = arith.constant 1 : i32
    scf.for %scan3A_115 = %scan3A_28 to %scan3A_30 step %scan3A_31  : i32 {
      %mul3A_116 = arith.constant 16 : i32
      %mul3A_117 = arith.muli %scan3A_115, %mul3A_116 : i32
      %add3A_118 = arith.addi %mul3A_117, %arg1 : i32
      %lt3A = arith.constant 2500 : i32
      %lt3A_119 = arith.cmpi slt, %add3A_118, %lt3A : i32
      %convert_element_type3A = arith.extui %lt3A_119 : i1 to i32
      %cond3A = arith.constant 0 : i32
      %cond3A_120 = arith.cmpi ne, %convert_element_type3A, %cond3A : i32
      scf.if %cond3A_120 {
        %mul3A_121 = arith.constant 128 : i32
        %mul3A_122 = arith.muli %add3A_118, %mul3A_121 : i32
        "tpu.region"() ({
          %run_scoped3A_290 = tpu.sem_alloc : memref<!tpu.dma_semaphore, #tpu.memory_space<semaphore_mem>>
          %dma_start3A = tpu.memref_slice %arg2[%mul3A_122] : memref<320000xi32, #tpu.memory_space<hbm>> -> memref<128xi32, #tpu.memory_space<hbm>>
          %dma_start3A_291 = tpu.memref_slice %arg2[%mul3A_122] : memref<320000xi32, #tpu.memory_space<hbm>> -> memref<128xi32, #tpu.memory_space<hbm>>
          tpu.enqueue_dma source(%dma_start3A_291 : memref<128xi32, #tpu.memory_space<hbm>>) target(%arg9 : memref<128xi32, #tpu.memory_space<vmem>>) target_semaphore(%run_scoped3A_290 : memref<!tpu.dma_semaphore, #tpu.memory_space<semaphore_mem>>)
          %dma_wait3A = tpu.memref_slice %arg2[%mul3A_122] : memref<320000xi32, #tpu.memory_space<hbm>> -> memref<128xi32, #tpu.memory_space<hbm>>
          %dma_wait3A_292 = tpu.memref_slice %arg2[%mul3A_122] : memref<320000xi32, #tpu.memory_space<hbm>> -> memref<128xi32, #tpu.memory_space<hbm>>
          tpu.wait_dma2 semaphore(%run_scoped3A_290 : memref<!tpu.dma_semaphore, #tpu.memory_space<semaphore_mem>>) src(%dma_wait3A_292 : memref<128xi32, #tpu.memory_space<hbm>>) dst(%arg9 : memref<128xi32, #tpu.memory_space<vmem>>)
          tpu.yield
        }) : () -> ()
        "tpu.region"() ({
          %run_scoped3A_290 = tpu.sem_alloc : memref<!tpu.dma_semaphore, #tpu.memory_space<semaphore_mem>>
          %dma_start3A = tpu.memref_slice %arg3[%mul3A_122] : memref<320000xi32, #tpu.memory_space<hbm>> -> memref<128xi32, #tpu.memory_space<hbm>>
          %dma_start3A_291 = tpu.memref_slice %arg3[%mul3A_122] : memref<320000xi32, #tpu.memory_space<hbm>> -> memref<128xi32, #tpu.memory_space<hbm>>
          tpu.enqueue_dma source(%dma_start3A_291 : memref<128xi32, #tpu.memory_space<hbm>>) target(%arg10 : memref<128xi32, #tpu.memory_space<vmem>>) target_semaphore(%run_scoped3A_290 : memref<!tpu.dma_semaphore, #tpu.memory_space<semaphore_mem>>)
          %dma_wait3A = tpu.memref_slice %arg3[%mul3A_122] : memref<320000xi32, #tpu.memory_space<hbm>> -> memref<128xi32, #tpu.memory_space<hbm>>
          %dma_wait3A_292 = tpu.memref_slice %arg3[%mul3A_122] : memref<320000xi32, #tpu.memory_space<hbm>> -> memref<128xi32, #tpu.memory_space<hbm>>
          tpu.wait_dma2 semaphore(%run_scoped3A_290 : memref<!tpu.dma_semaphore, #tpu.memory_space<semaphore_mem>>) src(%dma_wait3A_292 : memref<128xi32, #tpu.memory_space<hbm>>) dst(%arg10 : memref<128xi32, #tpu.memory_space<vmem>>)
          tpu.yield
        }) : () -> ()
        %eq3A_123 = arith.constant 0 : i32
        %eq3A_124 = arith.cmpi eq, %arg0, %eq3A_123 : i32
        %convert_element_type3A_125 = arith.extui %eq3A_124 : i1 to i32
        %cond3A_126 = arith.constant 0 : i32
        %cond3A_127 = arith.cmpi ne, %convert_element_type3A_125, %cond3A_126 : i32
        scf.if %cond3A_127 {
          %dma_start3A = arith.constant 0 : i32
          %dma_start3A_290 = arith.constant 0 : i32
          %dma_start3A_291 = tpu.memref_slice %arg4[%dma_start3A, %dma_start3A_290] : memref<10000x16xf32, #tpu.memory_space<hbm>> -> memref<10000x16xf32, #tpu.memory_space<hbm>>
          tpu.enqueue_indirect_dma source(%dma_start3A_291 : memref<10000x16xf32, #tpu.memory_space<hbm>>) target(%arg11 : memref<128x16xf32, #tpu.memory_space<vmem>>) offsets(%arg9 : memref<128xi32, #tpu.memory_space<vmem>>) semaphore(%arg15 : memref<!tpu.dma_semaphore, #tpu.memory_space<semaphore_mem>>)
          %dma_start3A_292 = arith.constant 0 : i32
          %dma_start3A_293 = arith.constant 0 : i32
          %dma_start3A_294 = tpu.memref_slice %arg4[%dma_start3A_292, %dma_start3A_293] : memref<10000x16xf32, #tpu.memory_space<hbm>> -> memref<10000x16xf32, #tpu.memory_space<hbm>>
          tpu.enqueue_indirect_dma source(%dma_start3A_294 : memref<10000x16xf32, #tpu.memory_space<hbm>>) target(%arg12 : memref<128x16xf32, #tpu.memory_space<vmem>>) offsets(%arg10 : memref<128xi32, #tpu.memory_space<vmem>>) semaphore(%arg15 : memref<!tpu.dma_semaphore, #tpu.memory_space<semaphore_mem>>)
          %dma_start3A_295 = arith.constant 0 : i32
          %dma_start3A_296 = arith.constant 0 : i32
          %dma_start3A_297 = tpu.memref_slice %arg6[%dma_start3A_295, %dma_start3A_296] : memref<10000x256xf32, #tpu.memory_space<hbm>> -> memref<10000x256xf32, #tpu.memory_space<hbm>>
          tpu.enqueue_indirect_dma source(%dma_start3A_297 : memref<10000x256xf32, #tpu.memory_space<hbm>>) target(%arg13 : memref<128x256xf32, #tpu.memory_space<vmem>>) offsets(%arg9 : memref<128xi32, #tpu.memory_space<vmem>>) semaphore(%arg15 : memref<!tpu.dma_semaphore, #tpu.memory_space<semaphore_mem>>)
          %dma_wait3A = arith.constant 0 : i32
          %dma_wait3A_298 = arith.constant 0 : i32
          %dma_wait3A_299 = tpu.memref_slice %arg4[%dma_wait3A, %dma_wait3A_298] : memref<10000x16xf32, #tpu.memory_space<hbm>> -> memref<10000x16xf32, #tpu.memory_space<hbm>>
          tpu.wait_indirect_dma semaphore(%arg15 : memref<!tpu.dma_semaphore, #tpu.memory_space<semaphore_mem>>) src(%dma_wait3A_299 : memref<10000x16xf32, #tpu.memory_space<hbm>>) dst(%arg11 : memref<128x16xf32, #tpu.memory_space<vmem>>)
          %dma_wait3A_300 = arith.constant 0 : i32
          %dma_wait3A_301 = arith.constant 0 : i32
          %dma_wait3A_302 = tpu.memref_slice %arg4[%dma_wait3A_300, %dma_wait3A_301] : memref<10000x16xf32, #tpu.memory_space<hbm>> -> memref<10000x16xf32, #tpu.memory_space<hbm>>
          tpu.wait_indirect_dma semaphore(%arg15 : memref<!tpu.dma_semaphore, #tpu.memory_space<semaphore_mem>>) src(%dma_wait3A_302 : memref<10000x16xf32, #tpu.memory_space<hbm>>) dst(%arg12 : memref<128x16xf32, #tpu.memory_space<vmem>>)
          %dma_wait3A_303 = arith.constant 0 : i32
          %dma_wait3A_304 = arith.constant 0 : i32
          %dma_wait3A_305 = tpu.memref_slice %arg6[%dma_wait3A_303, %dma_wait3A_304] : memref<10000x256xf32, #tpu.memory_space<hbm>> -> memref<10000x256xf32, #tpu.memory_space<hbm>>
          tpu.wait_indirect_dma semaphore(%arg15 : memref<!tpu.dma_semaphore, #tpu.memory_space<semaphore_mem>>) src(%dma_wait3A_305 : memref<10000x256xf32, #tpu.memory_space<hbm>>) dst(%arg13 : memref<128x256xf32, #tpu.memory_space<vmem>>)
        } else {
        }
        %eq3A_128 = arith.constant 1 : i32
        %eq3A_129 = arith.cmpi eq, %arg0, %eq3A_128 : i32
        %convert_element_type3A_130 = arith.extui %eq3A_129 : i1 to i32
        %cond3A_131 = arith.constant 0 : i32
        %cond3A_132 = arith.cmpi ne, %convert_element_type3A_130, %cond3A_131 : i32
        scf.if %cond3A_132 {
          %dma_start3A = arith.constant 0 : i32
          %dma_start3A_290 = arith.constant 0 : i32
          %dma_start3A_291 = tpu.memref_slice %arg5[%dma_start3A, %dma_start3A_290] : memref<10000x16xf32, #tpu.memory_space<hbm>> -> memref<10000x16xf32, #tpu.memory_space<hbm>>
          tpu.enqueue_indirect_dma source(%dma_start3A_291 : memref<10000x16xf32, #tpu.memory_space<hbm>>) target(%arg11 : memref<128x16xf32, #tpu.memory_space<vmem>>) offsets(%arg9 : memref<128xi32, #tpu.memory_space<vmem>>) semaphore(%arg15 : memref<!tpu.dma_semaphore, #tpu.memory_space<semaphore_mem>>)
          %dma_start3A_292 = arith.constant 0 : i32
          %dma_start3A_293 = arith.constant 0 : i32
          %dma_start3A_294 = tpu.memref_slice %arg5[%dma_start3A_292, %dma_start3A_293] : memref<10000x16xf32, #tpu.memory_space<hbm>> -> memref<10000x16xf32, #tpu.memory_space<hbm>>
          tpu.enqueue_indirect_dma source(%dma_start3A_294 : memref<10000x16xf32, #tpu.memory_space<hbm>>) target(%arg12 : memref<128x16xf32, #tpu.memory_space<vmem>>) offsets(%arg10 : memref<128xi32, #tpu.memory_space<vmem>>) semaphore(%arg15 : memref<!tpu.dma_semaphore, #tpu.memory_space<semaphore_mem>>)
          %dma_start3A_295 = arith.constant 0 : i32
          %dma_start3A_296 = arith.constant 0 : i32
          %dma_start3A_297 = tpu.memref_slice %arg7[%dma_start3A_295, %dma_start3A_296] : memref<10000x256xf32, #tpu.memory_space<hbm>> -> memref<10000x256xf32, #tpu.memory_space<hbm>>
          tpu.enqueue_indirect_dma source(%dma_start3A_297 : memref<10000x256xf32, #tpu.memory_space<hbm>>) target(%arg13 : memref<128x256xf32, #tpu.memory_space<vmem>>) offsets(%arg9 : memref<128xi32, #tpu.memory_space<vmem>>) semaphore(%arg15 : memref<!tpu.dma_semaphore, #tpu.memory_space<semaphore_mem>>)
          %dma_wait3A = arith.constant 0 : i32
          %dma_wait3A_298 = arith.constant 0 : i32
          %dma_wait3A_299 = tpu.memref_slice %arg5[%dma_wait3A, %dma_wait3A_298] : memref<10000x16xf32, #tpu.memory_space<hbm>> -> memref<10000x16xf32, #tpu.memory_space<hbm>>
          tpu.wait_indirect_dma semaphore(%arg15 : memref<!tpu.dma_semaphore, #tpu.memory_space<semaphore_mem>>) src(%dma_wait3A_299 : memref<10000x16xf32, #tpu.memory_space<hbm>>) dst(%arg11 : memref<128x16xf32, #tpu.memory_space<vmem>>)
          %dma_wait3A_300 = arith.constant 0 : i32
          %dma_wait3A_301 = arith.constant 0 : i32
          %dma_wait3A_302 = tpu.memref_slice %arg5[%dma_wait3A_300, %dma_wait3A_301] : memref<10000x16xf32, #tpu.memory_space<hbm>> -> memref<10000x16xf32, #tpu.memory_space<hbm>>
          tpu.wait_indirect_dma semaphore(%arg15 : memref<!tpu.dma_semaphore, #tpu.memory_space<semaphore_mem>>) src(%dma_wait3A_302 : memref<10000x16xf32, #tpu.memory_space<hbm>>) dst(%arg12 : memref<128x16xf32, #tpu.memory_space<vmem>>)
          %dma_wait3A_303 = arith.constant 0 : i32
          %dma_wait3A_304 = arith.constant 0 : i32
          %dma_wait3A_305 = tpu.memref_slice %arg7[%dma_wait3A_303, %dma_wait3A_304] : memref<10000x256xf32, #tpu.memory_space<hbm>> -> memref<10000x256xf32, #tpu.memory_space<hbm>>
          tpu.wait_indirect_dma semaphore(%arg15 : memref<!tpu.dma_semaphore, #tpu.memory_space<semaphore_mem>>) src(%dma_wait3A_305 : memref<10000x256xf32, #tpu.memory_space<hbm>>) dst(%arg13 : memref<128x256xf32, #tpu.memory_space<vmem>>)
        } else {
        }
        %get3A = arith.constant 0 : index
        %get3A_133 = tpu.vector_load %arg10[%get3A] {strides = array<i32>} : memref<128xi32, #tpu.memory_space<vmem>>, vector<16xi32>,
        %get3A_134 = vector.shape_cast %get3A_133 : vector<16xi32> to vector<16xi32>
        %sub3A = arith.constant 0 : i32
        %sub3A_135 = vector.broadcast %sub3A : i32 to vector<16xi32>
        %sub3A_136 = arith.subi %get3A_134, %sub3A_135 : vector<16xi32>
        %ge3A = arith.constant 0 : i32
        %ge3A_137 = vector.broadcast %ge3A : i32 to vector<16xi32>
        %ge3A_138 = arith.cmpi sge, %sub3A_136, %ge3A_137 : vector<16xi32>
        %lt3A_139 = arith.constant 5000 : i32
        %lt3A_140 = vector.broadcast %lt3A_139 : i32 to vector<16xi32>
        %lt3A_141 = arith.cmpi slt, %sub3A_136, %lt3A_140 : vector<16xi32>
        %and3A = arith.andi %ge3A_138, %lt3A_141 : vector<16xi1>
        %jit3A_142 = arith.constant 5119 : i32
        %broadcast_in_dim3A_143 = vector.broadcast %jit3A_142 : i32 to vector<16xi32>
        %select_n3A_144 = arith.select %and3A, %sub3A_136, %broadcast_in_dim3A_143 : vector<16xi1>, vector<16xi32>
        %swap3A = arith.constant 0 : index
        %swap3A_145 = tpu.vector_load %arg10[%swap3A] {strides = array<i32>} : memref<128xi32, #tpu.memory_space<vmem>>, vector<16xi32>,
        %swap3A_146 = vector.shape_cast %swap3A_145 : vector<16xi32> to vector<16xi32>
        %swap3A_147 = vector.shape_cast %select_n3A_144 : vector<16xi32> to vector<16xi32>
        tpu.vector_store %arg10[%swap3A], %swap3A_147 {strides = array<i32>} : memref<128xi32, #tpu.memory_space<vmem>>, vector<16xi32>,
        %get3A_148 = arith.constant 16 : index
        %get3A_149 = tpu.vector_load %arg10[%get3A_148] {strides = array<i32>} : memref<128xi32, #tpu.memory_space<vmem>>, vector<16xi32>,
        %get3A_150 = vector.shape_cast %get3A_149 : vector<16xi32> to vector<16xi32>
        %sub3A_151 = arith.constant 0 : i32
        %sub3A_152 = vector.broadcast %sub3A_151 : i32 to vector<16xi32>
        %sub3A_153 = arith.subi %get3A_150, %sub3A_152 : vector<16xi32>
        %ge3A_154 = arith.constant 0 : i32
        %ge3A_155 = vector.broadcast %ge3A_154 : i32 to vector<16xi32>
        %ge3A_156 = arith.cmpi sge, %sub3A_153, %ge3A_155 : vector<16xi32>
        %lt3A_157 = arith.constant 5000 : i32
        %lt3A_158 = vector.broadcast %lt3A_157 : i32 to vector<16xi32>
        %lt3A_159 = arith.cmpi slt, %sub3A_153, %lt3A_158 : vector<16xi32>
        %and3A_160 = arith.andi %ge3A_156, %lt3A_159 : vector<16xi1>
        %jit3A_161 = arith.constant 5119 : i32
        %broadcast_in_dim3A_162 = vector.broadcast %jit3A_161 : i32 to vector<16xi32>
        %select_n3A_163 = arith.select %and3A_160, %sub3A_153, %broadcast_in_dim3A_162 : vector<16xi1>, vector<16xi32>
        %swap3A_164 = arith.constant 16 : index
        %swap3A_165 = tpu.vector_load %arg10[%swap3A_164] {strides = array<i32>} : memref<128xi32, #tpu.memory_space<vmem>>, vector<16xi32>,
        %swap3A_166 = vector.shape_cast %swap3A_165 : vector<16xi32> to vector<16xi32>
        %swap3A_167 = vector.shape_cast %select_n3A_163 : vector<16xi32> to vector<16xi32>
        tpu.vector_store %arg10[%swap3A_164], %swap3A_167 {strides = array<i32>} : memref<128xi32, #tpu.memory_space<vmem>>, vector<16xi32>,
        %get3A_168 = arith.constant 32 : index
        %get3A_169 = tpu.vector_load %arg10[%get3A_168] {strides = array<i32>} : memref<128xi32, #tpu.memory_space<vmem>>, vector<16xi32>,
        %get3A_170 = vector.shape_cast %get3A_169 : vector<16xi32> to vector<16xi32>
        %sub3A_171 = arith.constant 0 : i32
        %sub3A_172 = vector.broadcast %sub3A_171 : i32 to vector<16xi32>
        %sub3A_173 = arith.subi %get3A_170, %sub3A_172 : vector<16xi32>
        %ge3A_174 = arith.constant 0 : i32
        %ge3A_175 = vector.broadcast %ge3A_174 : i32 to vector<16xi32>
        %ge3A_176 = arith.cmpi sge, %sub3A_173, %ge3A_175 : vector<16xi32>
        %lt3A_177 = arith.constant 5000 : i32
        %lt3A_178 = vector.broadcast %lt3A_177 : i32 to vector<16xi32>
        %lt3A_179 = arith.cmpi slt, %sub3A_173, %lt3A_178 : vector<16xi32>
        %and3A_180 = arith.andi %ge3A_176, %lt3A_179 : vector<16xi1>
        %jit3A_181 = arith.constant 5119 : i32
        %broadcast_in_dim3A_182 = vector.broadcast %jit3A_181 : i32 to vector<16xi32>
        %select_n3A_183 = arith.select %and3A_180, %sub3A_173, %broadcast_in_dim3A_182 : vector<16xi1>, vector<16xi32>
        %swap3A_184 = arith.constant 32 : index
        %swap3A_185 = tpu.vector_load %arg10[%swap3A_184] {strides = array<i32>} : memref<128xi32, #tpu.memory_space<vmem>>, vector<16xi32>,
        %swap3A_186 = vector.shape_cast %swap3A_185 : vector<16xi32> to vector<16xi32>
        %swap3A_187 = vector.shape_cast %select_n3A_183 : vector<16xi32> to vector<16xi32>
        tpu.vector_store %arg10[%swap3A_184], %swap3A_187 {strides = array<i32>} : memref<128xi32, #tpu.memory_space<vmem>>, vector<16xi32>,
        %get3A_188 = arith.constant 48 : index
        %get3A_189 = tpu.vector_load %arg10[%get3A_188] {strides = array<i32>} : memref<128xi32, #tpu.memory_space<vmem>>, vector<16xi32>,
        %get3A_190 = vector.shape_cast %get3A_189 : vector<16xi32> to vector<16xi32>
        %sub3A_191 = arith.constant 0 : i32
        %sub3A_192 = vector.broadcast %sub3A_191 : i32 to vector<16xi32>
        %sub3A_193 = arith.subi %get3A_190, %sub3A_192 : vector<16xi32>
        %ge3A_194 = arith.constant 0 : i32
        %ge3A_195 = vector.broadcast %ge3A_194 : i32 to vector<16xi32>
        %ge3A_196 = arith.cmpi sge, %sub3A_193, %ge3A_195 : vector<16xi32>
        %lt3A_197 = arith.constant 5000 : i32
        %lt3A_198 = vector.broadcast %lt3A_197 : i32 to vector<16xi32>
        %lt3A_199 = arith.cmpi slt, %sub3A_193, %lt3A_198 : vector<16xi32>
        %and3A_200 = arith.andi %ge3A_196, %lt3A_199 : vector<16xi1>
        %jit3A_201 = arith.constant 5119 : i32
        %broadcast_in_dim3A_202 = vector.broadcast %jit3A_201 : i32 to vector<16xi32>
        %select_n3A_203 = arith.select %and3A_200, %sub3A_193, %broadcast_in_dim3A_202 : vector<16xi1>, vector<16xi32>
        %swap3A_204 = arith.constant 48 : index
        %swap3A_205 = tpu.vector_load %arg10[%swap3A_204] {strides = array<i32>} : memref<128xi32, #tpu.memory_space<vmem>>, vector<16xi32>,
        %swap3A_206 = vector.shape_cast %swap3A_205 : vector<16xi32> to vector<16xi32>
        %swap3A_207 = vector.shape_cast %select_n3A_203 : vector<16xi32> to vector<16xi32>
        tpu.vector_store %arg10[%swap3A_204], %swap3A_207 {strides = array<i32>} : memref<128xi32, #tpu.memory_space<vmem>>, vector<16xi32>,
        %get3A_208 = arith.constant 64 : index
        %get3A_209 = tpu.vector_load %arg10[%get3A_208] {strides = array<i32>} : memref<128xi32, #tpu.memory_space<vmem>>, vector<16xi32>,
        %get3A_210 = vector.shape_cast %get3A_209 : vector<16xi32> to vector<16xi32>
        %sub3A_211 = arith.constant 0 : i32
        %sub3A_212 = vector.broadcast %sub3A_211 : i32 to vector<16xi32>
        %sub3A_213 = arith.subi %get3A_210, %sub3A_212 : vector<16xi32>
        %ge3A_214 = arith.constant 0 : i32
        %ge3A_215 = vector.broadcast %ge3A_214 : i32 to vector<16xi32>
        %ge3A_216 = arith.cmpi sge, %sub3A_213, %ge3A_215 : vector<16xi32>
        %lt3A_217 = arith.constant 5000 : i32
        %lt3A_218 = vector.broadcast %lt3A_217 : i32 to vector<16xi32>
        %lt3A_219 = arith.cmpi slt, %sub3A_213, %lt3A_218 : vector<16xi32>
        %and3A_220 = arith.andi %ge3A_216, %lt3A_219 : vector<16xi1>
        %jit3A_221 = arith.constant 5119 : i32
        %broadcast_in_dim3A_222 = vector.broadcast %jit3A_221 : i32 to vector<16xi32>
        %select_n3A_223 = arith.select %and3A_220, %sub3A_213, %broadcast_in_dim3A_222 : vector<16xi1>, vector<16xi32>
        %swap3A_224 = arith.constant 64 : index
        %swap3A_225 = tpu.vector_load %arg10[%swap3A_224] {strides = array<i32>} : memref<128xi32, #tpu.memory_space<vmem>>, vector<16xi32>,
        %swap3A_226 = vector.shape_cast %swap3A_225 : vector<16xi32> to vector<16xi32>
        %swap3A_227 = vector.shape_cast %select_n3A_223 : vector<16xi32> to vector<16xi32>
        tpu.vector_store %arg10[%swap3A_224], %swap3A_227 {strides = array<i32>} : memref<128xi32, #tpu.memory_space<vmem>>, vector<16xi32>,
        %get3A_228 = arith.constant 80 : index
        %get3A_229 = tpu.vector_load %arg10[%get3A_228] {strides = array<i32>} : memref<128xi32, #tpu.memory_space<vmem>>, vector<16xi32>,
        %get3A_230 = vector.shape_cast %get3A_229 : vector<16xi32> to vector<16xi32>
        %sub3A_231 = arith.constant 0 : i32
        %sub3A_232 = vector.broadcast %sub3A_231 : i32 to vector<16xi32>
        %sub3A_233 = arith.subi %get3A_230, %sub3A_232 : vector<16xi32>
        %ge3A_234 = arith.constant 0 : i32
        %ge3A_235 = vector.broadcast %ge3A_234 : i32 to vector<16xi32>
        %ge3A_236 = arith.cmpi sge, %sub3A_233, %ge3A_235 : vector<16xi32>
        %lt3A_237 = arith.constant 5000 : i32
        %lt3A_238 = vector.broadcast %lt3A_237 : i32 to vector<16xi32>
        %lt3A_239 = arith.cmpi slt, %sub3A_233, %lt3A_238 : vector<16xi32>
        %and3A_240 = arith.andi %ge3A_236, %lt3A_239 : vector<16xi1>
        %jit3A_241 = arith.constant 5119 : i32
        %broadcast_in_dim3A_242 = vector.broadcast %jit3A_241 : i32 to vector<16xi32>
        %select_n3A_243 = arith.select %and3A_240, %sub3A_233, %broadcast_in_dim3A_242 : vector<16xi1>, vector<16xi32>
        %swap3A_244 = arith.constant 80 : index
        %swap3A_245 = tpu.vector_load %arg10[%swap3A_244] {strides = array<i32>} : memref<128xi32, #tpu.memory_space<vmem>>, vector<16xi32>,
        %swap3A_246 = vector.shape_cast %swap3A_245 : vector<16xi32> to vector<16xi32>
        %swap3A_247 = vector.shape_cast %select_n3A_243 : vector<16xi32> to vector<16xi32>
        tpu.vector_store %arg10[%swap3A_244], %swap3A_247 {strides = array<i32>} : memref<128xi32, #tpu.memory_space<vmem>>, vector<16xi32>,
        %get3A_248 = arith.constant 96 : index
        %get3A_249 = tpu.vector_load %arg10[%get3A_248] {strides = array<i32>} : memref<128xi32, #tpu.memory_space<vmem>>, vector<16xi32>,
        %get3A_250 = vector.shape_cast %get3A_249 : vector<16xi32> to vector<16xi32>
        %sub3A_251 = arith.constant 0 : i32
        %sub3A_252 = vector.broadcast %sub3A_251 : i32 to vector<16xi32>
        %sub3A_253 = arith.subi %get3A_250, %sub3A_252 : vector<16xi32>
        %ge3A_254 = arith.constant 0 : i32
        %ge3A_255 = vector.broadcast %ge3A_254 : i32 to vector<16xi32>
        %ge3A_256 = arith.cmpi sge, %sub3A_253, %ge3A_255 : vector<16xi32>
        %lt3A_257 = arith.constant 5000 : i32
        %lt3A_258 = vector.broadcast %lt3A_257 : i32 to vector<16xi32>
        %lt3A_259 = arith.cmpi slt, %sub3A_253, %lt3A_258 : vector<16xi32>
        %and3A_260 = arith.andi %ge3A_256, %lt3A_259 : vector<16xi1>
        %jit3A_261 = arith.constant 5119 : i32
        %broadcast_in_dim3A_262 = vector.broadcast %jit3A_261 : i32 to vector<16xi32>
        %select_n3A_263 = arith.select %and3A_260, %sub3A_253, %broadcast_in_dim3A_262 : vector<16xi1>, vector<16xi32>
        %swap3A_264 = arith.constant 96 : index
        %swap3A_265 = tpu.vector_load %arg10[%swap3A_264] {strides = array<i32>} : memref<128xi32, #tpu.memory_space<vmem>>, vector<16xi32>,
        %swap3A_266 = vector.shape_cast %swap3A_265 : vector<16xi32> to vector<16xi32>
        %swap3A_267 = vector.shape_cast %select_n3A_263 : vector<16xi32> to vector<16xi32>
        tpu.vector_store %arg10[%swap3A_264], %swap3A_267 {strides = array<i32>} : memref<128xi32, #tpu.memory_space<vmem>>, vector<16xi32>,
        %get3A_268 = arith.constant 112 : index
        %get3A_269 = tpu.vector_load %arg10[%get3A_268] {strides = array<i32>} : memref<128xi32, #tpu.memory_space<vmem>>, vector<16xi32>,
        %get3A_270 = vector.shape_cast %get3A_269 : vector<16xi32> to vector<16xi32>
        %sub3A_271 = arith.constant 0 : i32
        %sub3A_272 = vector.broadcast %sub3A_271 : i32 to vector<16xi32>
        %sub3A_273 = arith.subi %get3A_270, %sub3A_272 : vector<16xi32>
        %ge3A_274 = arith.constant 0 : i32
        %ge3A_275 = vector.broadcast %ge3A_274 : i32 to vector<16xi32>
        %ge3A_276 = arith.cmpi sge, %sub3A_273, %ge3A_275 : vector<16xi32>
        %lt3A_277 = arith.constant 5000 : i32
        %lt3A_278 = vector.broadcast %lt3A_277 : i32 to vector<16xi32>
        %lt3A_279 = arith.cmpi slt, %sub3A_273, %lt3A_278 : vector<16xi32>
        %and3A_280 = arith.andi %ge3A_276, %lt3A_279 : vector<16xi1>
        %jit3A_281 = arith.constant 5119 : i32
        %broadcast_in_dim3A_282 = vector.broadcast %jit3A_281 : i32 to vector<16xi32>
        %select_n3A_283 = arith.select %and3A_280, %sub3A_273, %broadcast_in_dim3A_282 : vector<16xi1>, vector<16xi32>
        %swap3A_284 = arith.constant 112 : index
        %swap3A_285 = tpu.vector_load %arg10[%swap3A_284] {strides = array<i32>} : memref<128xi32, #tpu.memory_space<vmem>>, vector<16xi32>,
        %swap3A_286 = vector.shape_cast %swap3A_285 : vector<16xi32> to vector<16xi32>
        %swap3A_287 = vector.shape_cast %select_n3A_283 : vector<16xi32> to vector<16xi32>
        tpu.vector_store %arg10[%swap3A_284], %swap3A_287 {strides = array<i32>} : memref<128xi32, #tpu.memory_space<vmem>>, vector<16xi32>,
        %parallel_loop3A = arith.constant 0 : i32
        %parallel_loop3A_288 = arith.constant 128 : i32
        %parallel_loop3A_289 = arith.constant 1 : i32
        scf.for %parallel_loop3A_290 = %parallel_loop3A to %parallel_loop3A_288 step %parallel_loop3A_289  : i32 {
          %parallel_loop3A_291 = arith.index_cast %parallel_loop3A_290 : i32 to index
          %parallel_loop3A_292 = arith.constant 0 : index
          %parallel_loop3A_293 = tpu.vector_load %arg11[%parallel_loop3A_291, %parallel_loop3A_292] {strides = array<i32>} : memref<128x16xf32, #tpu.memory_space<vmem>>, vector<1x16xf32>,
          %parallel_loop3A_294 = vector.shape_cast %parallel_loop3A_293 : vector<1x16xf32> to vector<16xf32>
          %parallel_loop3A_295 = arith.index_cast %parallel_loop3A_290 : i32 to index
          %parallel_loop3A_296 = arith.constant 0 : index
          %parallel_loop3A_297 = tpu.vector_load %arg12[%parallel_loop3A_295, %parallel_loop3A_296] {strides = array<i32>} : memref<128x16xf32, #tpu.memory_space<vmem>>, vector<1x16xf32>,
          %parallel_loop3A_298 = vector.shape_cast %parallel_loop3A_297 : vector<1x16xf32> to vector<16xf32>
          %parallel_loop3A_299 = arith.constant 0 : i32
          %parallel_loop3A_300 = vector.broadcast %parallel_loop3A_299 : i32 to vector<16xi32>
          %parallel_loop3A_301 = arith.cmpi slt, %select_n3A_11, %parallel_loop3A_300 : vector<16xi32>
          %parallel_loop3A_302 = arith.constant 16 : i32
          %parallel_loop3A_303 = vector.broadcast %parallel_loop3A_302 : i32 to vector<16xi32>
          %parallel_loop3A_304 = arith.addi %select_n3A_11, %parallel_loop3A_303 : vector<16xi32>
          %parallel_loop3A_305 = arith.select %parallel_loop3A_301, %parallel_loop3A_304, %select_n3A_11 : vector<16xi1>, vector<16xi32>
          %parallel_loop3A_306 = vector.shape_cast %parallel_loop3A_305 : vector<16xi32> to vector<16x1xi32>
          %parallel_loop3A_307 = vector.shape_cast %parallel_loop3A_306 : vector<16x1xi32> to vector<16xi32>
          %parallel_loop3A_308 = tpu.dynamic_gather %parallel_loop3A_298[%parallel_loop3A_307] in [0] : vector<16xf32>, vector<16xi32> -> vector<16xf32>
          %parallel_loop3A_309 = arith.addf %parallel_loop3A_294, %parallel_loop3A_308 : vector<16xf32>
          %parallel_loop3A_310 = arith.constant 0.000000e+00 : f32
          %parallel_loop3A_311 = vector.broadcast %parallel_loop3A_310 : f32 to vector<16xf32>
          %parallel_loop3A_312 = arith.cmpf oge, %parallel_loop3A_309, %parallel_loop3A_311 : vector<16xf32>
          %parallel_loop3A_313 = arith.constant 2.000000e-01 : f32
          %parallel_loop3A_314 = vector.broadcast %parallel_loop3A_313 : f32 to vector<16xf32>
          %parallel_loop3A_315 = arith.mulf %parallel_loop3A_314, %parallel_loop3A_309 : vector<16xf32>
          %parallel_loop3A_316 = arith.select %parallel_loop3A_312, %parallel_loop3A_309, %parallel_loop3A_315 : vector<16xi1>, vector<16xf32>
          %parallel_loop3A_317 = math.exp %parallel_loop3A_316 : vector<16xf32>
          %parallel_loop3A_318 = vector.extract_strided_slice %parallel_loop3A_317 {offsets = [0], sizes = [1], strides = [1]} : vector<16xf32> to vector<1xf32>
          %parallel_loop3A_319 = vector.extract %parallel_loop3A_318[0] : f32 from vector<1xf32>
          %parallel_loop3A_320 = vector.broadcast %parallel_loop3A_319 : f32 to vector<16xf32>
          %parallel_loop3A_321 = vector.extract_strided_slice %parallel_loop3A_317 {offsets = [1], sizes = [1], strides = [1]} : vector<16xf32> to vector<1xf32>
          %parallel_loop3A_322 = vector.extract %parallel_loop3A_321[0] : f32 from vector<1xf32>
          %parallel_loop3A_323 = vector.broadcast %parallel_loop3A_322 : f32 to vector<16xf32>
          %parallel_loop3A_324 = arith.index_cast %parallel_loop3A_290 : i32 to index
          %parallel_loop3A_325 = arith.constant 0 : index
          %parallel_loop3A_326 = tpu.vector_load %arg13[%parallel_loop3A_324, %parallel_loop3A_325] {strides = array<i32>} : memref<128x256xf32, #tpu.memory_space<vmem>>, vector<1x16xf32>,
          %parallel_loop3A_327 = vector.shape_cast %parallel_loop3A_326 : vector<1x16xf32> to vector<16xf32>
          %parallel_loop3A_328 = arith.mulf %parallel_loop3A_327, %parallel_loop3A_320 : vector<16xf32>
          %parallel_loop3A_329 = arith.index_cast %parallel_loop3A_290 : i32 to index
          %parallel_loop3A_330 = arith.constant 0 : index
          %parallel_loop3A_331 = tpu.vector_load %arg13[%parallel_loop3A_329, %parallel_loop3A_330] {strides = array<i32>} : memref<128x256xf32, #tpu.memory_space<vmem>>, vector<1x16xf32>,
          %parallel_loop3A_332 = vector.shape_cast %parallel_loop3A_331 : vector<1x16xf32> to vector<16xf32>
          %parallel_loop3A_333 = vector.shape_cast %parallel_loop3A_328 : vector<16xf32> to vector<1x16xf32>
          tpu.vector_store %arg13[%parallel_loop3A_329, %parallel_loop3A_330], %parallel_loop3A_333 {strides = array<i32>} : memref<128x256xf32, #tpu.memory_space<vmem>>, vector<1x16xf32>,
          %parallel_loop3A_334 = arith.index_cast %parallel_loop3A_290 : i32 to index
          %parallel_loop3A_335 = arith.constant 16 : index
          %parallel_loop3A_336 = tpu.vector_load %arg13[%parallel_loop3A_334, %parallel_loop3A_335] {strides = array<i32>} : memref<128x256xf32, #tpu.memory_space<vmem>>, vector<1x16xf32>,
          %parallel_loop3A_337 = vector.shape_cast %parallel_loop3A_336 : vector<1x16xf32> to vector<16xf32>
          %parallel_loop3A_338 = arith.mulf %parallel_loop3A_337, %parallel_loop3A_320 : vector<16xf32>
          %parallel_loop3A_339 = arith.index_cast %parallel_loop3A_290 : i32 to index
          %parallel_loop3A_340 = arith.constant 16 : index
          %parallel_loop3A_341 = tpu.vector_load %arg13[%parallel_loop3A_339, %parallel_loop3A_340] {strides = array<i32>} : memref<128x256xf32, #tpu.memory_space<vmem>>, vector<1x16xf32>,
          %parallel_loop3A_342 = vector.shape_cast %parallel_loop3A_341 : vector<1x16xf32> to vector<16xf32>
          %parallel_loop3A_343 = vector.shape_cast %parallel_loop3A_338 : vector<16xf32> to vector<1x16xf32>
          tpu.vector_store %arg13[%parallel_loop3A_339, %parallel_loop3A_340], %parallel_loop3A_343 {strides = array<i32>} : memref<128x256xf32, #tpu.memory_space<vmem>>, vector<1x16xf32>,
          %parallel_loop3A_344 = arith.index_cast %parallel_loop3A_290 : i32 to index
          %parallel_loop3A_345 = arith.constant 32 : index
          %parallel_loop3A_346 = tpu.vector_load %arg13[%parallel_loop3A_344, %parallel_loop3A_345] {strides = array<i32>} : memref<128x256xf32, #tpu.memory_space<vmem>>, vector<1x16xf32>,
          %parallel_loop3A_347 = vector.shape_cast %parallel_loop3A_346 : vector<1x16xf32> to vector<16xf32>
          %parallel_loop3A_348 = arith.mulf %parallel_loop3A_347, %parallel_loop3A_320 : vector<16xf32>
          %parallel_loop3A_349 = arith.index_cast %parallel_loop3A_290 : i32 to index
          %parallel_loop3A_350 = arith.constant 32 : index
          %parallel_loop3A_351 = tpu.vector_load %arg13[%parallel_loop3A_349, %parallel_loop3A_350] {strides = array<i32>} : memref<128x256xf32, #tpu.memory_space<vmem>>, vector<1x16xf32>,
          %parallel_loop3A_352 = vector.shape_cast %parallel_loop3A_351 : vector<1x16xf32> to vector<16xf32>
          %parallel_loop3A_353 = vector.shape_cast %parallel_loop3A_348 : vector<16xf32> to vector<1x16xf32>
          tpu.vector_store %arg13[%parallel_loop3A_349, %parallel_loop3A_350], %parallel_loop3A_353 {strides = array<i32>} : memref<128x256xf32, #tpu.memory_space<vmem>>, vector<1x16xf32>,
          %parallel_loop3A_354 = arith.index_cast %parallel_loop3A_290 : i32 to index
          %parallel_loop3A_355 = arith.constant 48 : index
          %parallel_loop3A_356 = tpu.vector_load %arg13[%parallel_loop3A_354, %parallel_loop3A_355] {strides = array<i32>} : memref<128x256xf32, #tpu.memory_space<vmem>>, vector<1x16xf32>,
          %parallel_loop3A_357 = vector.shape_cast %parallel_loop3A_356 : vector<1x16xf32> to vector<16xf32>
          %parallel_loop3A_358 = arith.mulf %parallel_loop3A_357, %parallel_loop3A_320 : vector<16xf32>
          %parallel_loop3A_359 = arith.index_cast %parallel_loop3A_290 : i32 to index
          %parallel_loop3A_360 = arith.constant 48 : index
          %parallel_loop3A_361 = tpu.vector_load %arg13[%parallel_loop3A_359, %parallel_loop3A_360] {strides = array<i32>} : memref<128x256xf32, #tpu.memory_space<vmem>>, vector<1x16xf32>,
          %parallel_loop3A_362 = vector.shape_cast %parallel_loop3A_361 : vector<1x16xf32> to vector<16xf32>
          %parallel_loop3A_363 = vector.shape_cast %parallel_loop3A_358 : vector<16xf32> to vector<1x16xf32>
          tpu.vector_store %arg13[%parallel_loop3A_359, %parallel_loop3A_360], %parallel_loop3A_363 {strides = array<i32>} : memref<128x256xf32, #tpu.memory_space<vmem>>, vector<1x16xf32>,
          %parallel_loop3A_364 = arith.index_cast %parallel_loop3A_290 : i32 to index
          %parallel_loop3A_365 = arith.constant 64 : index
          %parallel_loop3A_366 = tpu.vector_load %arg13[%parallel_loop3A_364, %parallel_loop3A_365] {strides = array<i32>} : memref<128x256xf32, #tpu.memory_space<vmem>>, vector<1x16xf32>,
          %parallel_loop3A_367 = vector.shape_cast %parallel_loop3A_366 : vector<1x16xf32> to vector<16xf32>
          %parallel_loop3A_368 = arith.mulf %parallel_loop3A_367, %parallel_loop3A_320 : vector<16xf32>
          %parallel_loop3A_369 = arith.index_cast %parallel_loop3A_290 : i32 to index
          %parallel_loop3A_370 = arith.constant 64 : index
          %parallel_loop3A_371 = tpu.vector_load %arg13[%parallel_loop3A_369, %parallel_loop3A_370] {strides = array<i32>} : memref<128x256xf32, #tpu.memory_space<vmem>>, vector<1x16xf32>,
          %parallel_loop3A_372 = vector.shape_cast %parallel_loop3A_371 : vector<1x16xf32> to vector<16xf32>
          %parallel_loop3A_373 = vector.shape_cast %parallel_loop3A_368 : vector<16xf32> to vector<1x16xf32>
          tpu.vector_store %arg13[%parallel_loop3A_369, %parallel_loop3A_370], %parallel_loop3A_373 {strides = array<i32>} : memref<128x256xf32, #tpu.memory_space<vmem>>, vector<1x16xf32>,
          %parallel_loop3A_374 = arith.index_cast %parallel_loop3A_290 : i32 to index
          %parallel_loop3A_375 = arith.constant 80 : index
          %parallel_loop3A_376 = tpu.vector_load %arg13[%parallel_loop3A_374, %parallel_loop3A_375] {strides = array<i32>} : memref<128x256xf32, #tpu.memory_space<vmem>>, vector<1x16xf32>,
          %parallel_loop3A_377 = vector.shape_cast %parallel_loop3A_376 : vector<1x16xf32> to vector<16xf32>
          %parallel_loop3A_378 = arith.mulf %parallel_loop3A_377, %parallel_loop3A_320 : vector<16xf32>
          %parallel_loop3A_379 = arith.index_cast %parallel_loop3A_290 : i32 to index
          %parallel_loop3A_380 = arith.constant 80 : index
          %parallel_loop3A_381 = tpu.vector_load %arg13[%parallel_loop3A_379, %parallel_loop3A_380] {strides = array<i32>} : memref<128x256xf32, #tpu.memory_space<vmem>>, vector<1x16xf32>,
          %parallel_loop3A_382 = vector.shape_cast %parallel_loop3A_381 : vector<1x16xf32> to vector<16xf32>
          %parallel_loop3A_383 = vector.shape_cast %parallel_loop3A_378 : vector<16xf32> to vector<1x16xf32>
          tpu.vector_store %arg13[%parallel_loop3A_379, %parallel_loop3A_380], %parallel_loop3A_383 {strides = array<i32>} : memref<128x256xf32, #tpu.memory_space<vmem>>, vector<1x16xf32>,
          %parallel_loop3A_384 = arith.index_cast %parallel_loop3A_290 : i32 to index
          %parallel_loop3A_385 = arith.constant 96 : index
          %parallel_loop3A_386 = tpu.vector_load %arg13[%parallel_loop3A_384, %parallel_loop3A_385] {strides = array<i32>} : memref<128x256xf32, #tpu.memory_space<vmem>>, vector<1x16xf32>,
          %parallel_loop3A_387 = vector.shape_cast %parallel_loop3A_386 : vector<1x16xf32> to vector<16xf32>
          %parallel_loop3A_388 = arith.mulf %parallel_loop3A_387, %parallel_loop3A_320 : vector<16xf32>
          %parallel_loop3A_389 = arith.index_cast %parallel_loop3A_290 : i32 to index
          %parallel_loop3A_390 = arith.constant 96 : index
          %parallel_loop3A_391 = tpu.vector_load %arg13[%parallel_loop3A_389, %parallel_loop3A_390] {strides = array<i32>} : memref<128x256xf32, #tpu.memory_space<vmem>>, vector<1x16xf32>,
          %parallel_loop3A_392 = vector.shape_cast %parallel_loop3A_391 : vector<1x16xf32> to vector<16xf32>
          %parallel_loop3A_393 = vector.shape_cast %parallel_loop3A_388 : vector<16xf32> to vector<1x16xf32>
          tpu.vector_store %arg13[%parallel_loop3A_389, %parallel_loop3A_390], %parallel_loop3A_393 {strides = array<i32>} : memref<128x256xf32, #tpu.memory_space<vmem>>, vector<1x16xf32>,
          %parallel_loop3A_394 = arith.index_cast %parallel_loop3A_290 : i32 to index
          %parallel_loop3A_395 = arith.constant 112 : index
          %parallel_loop3A_396 = tpu.vector_load %arg13[%parallel_loop3A_394, %parallel_loop3A_395] {strides = array<i32>} : memref<128x256xf32, #tpu.memory_space<vmem>>, vector<1x16xf32>,
          %parallel_loop3A_397 = vector.shape_cast %parallel_loop3A_396 : vector<1x16xf32> to vector<16xf32>
          %parallel_loop3A_398 = arith.constant 112 : i32
          %parallel_loop3A_399 = vector.broadcast %parallel_loop3A_398 : i32 to vector<16xi32>
          %parallel_loop3A_400 = arith.addi %iota3A, %parallel_loop3A_399 : vector<16xi32>
          %parallel_loop3A_401 = arith.constant 121 : i32
          %parallel_loop3A_402 = vector.broadcast %parallel_loop3A_401 : i32 to vector<16xi32>
          %parallel_loop3A_403 = arith.cmpi slt, %parallel_loop3A_400, %parallel_loop3A_402 : vector<16xi32>
          %parallel_loop3A_404 = arith.constant 242 : i32
          %parallel_loop3A_405 = vector.broadcast %parallel_loop3A_404 : i32 to vector<16xi32>
          %parallel_loop3A_406 = arith.cmpi slt, %parallel_loop3A_400, %parallel_loop3A_405 : vector<16xi32>
          %parallel_loop3A_407 = arith.constant 242 : i32
          %parallel_loop3A_408 = vector.broadcast %parallel_loop3A_407 : i32 to vector<16xi32>
          %parallel_loop3A_409 = arith.cmpi eq, %parallel_loop3A_400, %parallel_loop3A_408 : vector<16xi32>
          %parallel_loop3A_410 = arith.constant 243 : i32
          %parallel_loop3A_411 = vector.broadcast %parallel_loop3A_410 : i32 to vector<16xi32>
          %parallel_loop3A_412 = arith.cmpi eq, %parallel_loop3A_400, %parallel_loop3A_411 : vector<16xi32>
          %parallel_loop3A_413 = arith.select %parallel_loop3A_412, %parallel_loop3A_323, %broadcast_in_dim3A_0 : vector<16xi1>, vector<16xf32>
          %parallel_loop3A_414 = arith.select %parallel_loop3A_409, %parallel_loop3A_320, %parallel_loop3A_413 : vector<16xi1>, vector<16xf32>
          %parallel_loop3A_415 = arith.select %parallel_loop3A_406, %parallel_loop3A_323, %parallel_loop3A_414 : vector<16xi1>, vector<16xf32>
          %parallel_loop3A_416 = arith.select %parallel_loop3A_403, %parallel_loop3A_320, %parallel_loop3A_415 : vector<16xi1>, vector<16xf32>
          %parallel_loop3A_417 = arith.mulf %parallel_loop3A_397, %parallel_loop3A_416 : vector<16xf32>
          %parallel_loop3A_418 = arith.index_cast %parallel_loop3A_290 : i32 to index
          %parallel_loop3A_419 = arith.constant 112 : index
          %parallel_loop3A_420 = tpu.vector_load %arg13[%parallel_loop3A_418, %parallel_loop3A_419] {strides = array<i32>} : memref<128x256xf32, #tpu.memory_space<vmem>>, vector<1x16xf32>,
          %parallel_loop3A_421 = vector.shape_cast %parallel_loop3A_420 : vector<1x16xf32> to vector<16xf32>
          %parallel_loop3A_422 = vector.shape_cast %parallel_loop3A_417 : vector<16xf32> to vector<1x16xf32>
          tpu.vector_store %arg13[%parallel_loop3A_418, %parallel_loop3A_419], %parallel_loop3A_422 {strides = array<i32>} : memref<128x256xf32, #tpu.memory_space<vmem>>, vector<1x16xf32>,
          %parallel_loop3A_423 = arith.index_cast %parallel_loop3A_290 : i32 to index
          %parallel_loop3A_424 = arith.constant 128 : index
          %parallel_loop3A_425 = tpu.vector_load %arg13[%parallel_loop3A_423, %parallel_loop3A_424] {strides = array<i32>} : memref<128x256xf32, #tpu.memory_space<vmem>>, vector<1x16xf32>,
          %parallel_loop3A_426 = vector.shape_cast %parallel_loop3A_425 : vector<1x16xf32> to vector<16xf32>
          %parallel_loop3A_427 = arith.mulf %parallel_loop3A_426, %parallel_loop3A_323 : vector<16xf32>
          %parallel_loop3A_428 = arith.index_cast %parallel_loop3A_290 : i32 to index
          %parallel_loop3A_429 = arith.constant 128 : index
          %parallel_loop3A_430 = tpu.vector_load %arg13[%parallel_loop3A_428, %parallel_loop3A_429] {strides = array<i32>} : memref<128x256xf32, #tpu.memory_space<vmem>>, vector<1x16xf32>,
          %parallel_loop3A_431 = vector.shape_cast %parallel_loop3A_430 : vector<1x16xf32> to vector<16xf32>
          %parallel_loop3A_432 = vector.shape_cast %parallel_loop3A_427 : vector<16xf32> to vector<1x16xf32>
          tpu.vector_store %arg13[%parallel_loop3A_428, %parallel_loop3A_429], %parallel_loop3A_432 {strides = array<i32>} : memref<128x256xf32, #tpu.memory_space<vmem>>, vector<1x16xf32>,
          %parallel_loop3A_433 = arith.index_cast %parallel_loop3A_290 : i32 to index
          %parallel_loop3A_434 = arith.constant 144 : index
          %parallel_loop3A_435 = tpu.vector_load %arg13[%parallel_loop3A_433, %parallel_loop3A_434] {strides = array<i32>} : memref<128x256xf32, #tpu.memory_space<vmem>>, vector<1x16xf32>,
          %parallel_loop3A_436 = vector.shape_cast %parallel_loop3A_435 : vector<1x16xf32> to vector<16xf32>
          %parallel_loop3A_437 = arith.mulf %parallel_loop3A_436, %parallel_loop3A_323 : vector<16xf32>
          %parallel_loop3A_438 = arith.index_cast %parallel_loop3A_290 : i32 to index
          %parallel_loop3A_439 = arith.constant 144 : index
          %parallel_loop3A_440 = tpu.vector_load %arg13[%parallel_loop3A_438, %parallel_loop3A_439] {strides = array<i32>} : memref<128x256xf32, #tpu.memory_space<vmem>>, vector<1x16xf32>,
          %parallel_loop3A_441 = vector.shape_cast %parallel_loop3A_440 : vector<1x16xf32> to vector<16xf32>
          %parallel_loop3A_442 = vector.shape_cast %parallel_loop3A_437 : vector<16xf32> to vector<1x16xf32>
          tpu.vector_store %arg13[%parallel_loop3A_438, %parallel_loop3A_439], %parallel_loop3A_442 {strides = array<i32>} : memref<128x256xf32, #tpu.memory_space<vmem>>, vector<1x16xf32>,
          %parallel_loop3A_443 = arith.index_cast %parallel_loop3A_290 : i32 to index
          %parallel_loop3A_444 = arith.constant 160 : index
          %parallel_loop3A_445 = tpu.vector_load %arg13[%parallel_loop3A_443, %parallel_loop3A_444] {strides = array<i32>} : memref<128x256xf32, #tpu.memory_space<vmem>>, vector<1x16xf32>,
          %parallel_loop3A_446 = vector.shape_cast %parallel_loop3A_445 : vector<1x16xf32> to vector<16xf32>
          %parallel_loop3A_447 = arith.mulf %parallel_loop3A_446, %parallel_loop3A_323 : vector<16xf32>
          %parallel_loop3A_448 = arith.index_cast %parallel_loop3A_290 : i32 to index
          %parallel_loop3A_449 = arith.constant 160 : index
          %parallel_loop3A_450 = tpu.vector_load %arg13[%parallel_loop3A_448, %parallel_loop3A_449] {strides = array<i32>} : memref<128x256xf32, #tpu.memory_space<vmem>>, vector<1x16xf32>,
          %parallel_loop3A_451 = vector.shape_cast %parallel_loop3A_450 : vector<1x16xf32> to vector<16xf32>
          %parallel_loop3A_452 = vector.shape_cast %parallel_loop3A_447 : vector<16xf32> to vector<1x16xf32>
          tpu.vector_store %arg13[%parallel_loop3A_448, %parallel_loop3A_449], %parallel_loop3A_452 {strides = array<i32>} : memref<128x256xf32, #tpu.memory_space<vmem>>, vector<1x16xf32>,
          %parallel_loop3A_453 = arith.index_cast %parallel_loop3A_290 : i32 to index
          %parallel_loop3A_454 = arith.constant 176 : index
          %parallel_loop3A_455 = tpu.vector_load %arg13[%parallel_loop3A_453, %parallel_loop3A_454] {strides = array<i32>} : memref<128x256xf32, #tpu.memory_space<vmem>>, vector<1x16xf32>,
          %parallel_loop3A_456 = vector.shape_cast %parallel_loop3A_455 : vector<1x16xf32> to vector<16xf32>
          %parallel_loop3A_457 = arith.mulf %parallel_loop3A_456, %parallel_loop3A_323 : vector<16xf32>
          %parallel_loop3A_458 = arith.index_cast %parallel_loop3A_290 : i32 to index
          %parallel_loop3A_459 = arith.constant 176 : index
          %parallel_loop3A_460 = tpu.vector_load %arg13[%parallel_loop3A_458, %parallel_loop3A_459] {strides = array<i32>} : memref<128x256xf32, #tpu.memory_space<vmem>>, vector<1x16xf32>,
          %parallel_loop3A_461 = vector.shape_cast %parallel_loop3A_460 : vector<1x16xf32> to vector<16xf32>
          %parallel_loop3A_462 = vector.shape_cast %parallel_loop3A_457 : vector<16xf32> to vector<1x16xf32>
          tpu.vector_store %arg13[%parallel_loop3A_458, %parallel_loop3A_459], %parallel_loop3A_462 {strides = array<i32>} : memref<128x256xf32, #tpu.memory_space<vmem>>, vector<1x16xf32>,
          %parallel_loop3A_463 = arith.index_cast %parallel_loop3A_290 : i32 to index
          %parallel_loop3A_464 = arith.constant 192 : index
          %parallel_loop3A_465 = tpu.vector_load %arg13[%parallel_loop3A_463, %parallel_loop3A_464] {strides = array<i32>} : memref<128x256xf32, #tpu.memory_space<vmem>>, vector<1x16xf32>,
          %parallel_loop3A_466 = vector.shape_cast %parallel_loop3A_465 : vector<1x16xf32> to vector<16xf32>
          %parallel_loop3A_467 = arith.mulf %parallel_loop3A_466, %parallel_loop3A_323 : vector<16xf32>
          %parallel_loop3A_468 = arith.index_cast %parallel_loop3A_290 : i32 to index
          %parallel_loop3A_469 = arith.constant 192 : index
          %parallel_loop3A_470 = tpu.vector_load %arg13[%parallel_loop3A_468, %parallel_loop3A_469] {strides = array<i32>} : memref<128x256xf32, #tpu.memory_space<vmem>>, vector<1x16xf32>,
          %parallel_loop3A_471 = vector.shape_cast %parallel_loop3A_470 : vector<1x16xf32> to vector<16xf32>
          %parallel_loop3A_472 = vector.shape_cast %parallel_loop3A_467 : vector<16xf32> to vector<1x16xf32>
          tpu.vector_store %arg13[%parallel_loop3A_468, %parallel_loop3A_469], %parallel_loop3A_472 {strides = array<i32>} : memref<128x256xf32, #tpu.memory_space<vmem>>, vector<1x16xf32>,
          %parallel_loop3A_473 = arith.index_cast %parallel_loop3A_290 : i32 to index
          %parallel_loop3A_474 = arith.constant 208 : index
          %parallel_loop3A_475 = tpu.vector_load %arg13[%parallel_loop3A_473, %parallel_loop3A_474] {strides = array<i32>} : memref<128x256xf32, #tpu.memory_space<vmem>>, vector<1x16xf32>,
          %parallel_loop3A_476 = vector.shape_cast %parallel_loop3A_475 : vector<1x16xf32> to vector<16xf32>
          %parallel_loop3A_477 = arith.mulf %parallel_loop3A_476, %parallel_loop3A_323 : vector<16xf32>
          %parallel_loop3A_478 = arith.index_cast %parallel_loop3A_290 : i32 to index
          %parallel_loop3A_479 = arith.constant 208 : index
          %parallel_loop3A_480 = tpu.vector_load %arg13[%parallel_loop3A_478, %parallel_loop3A_479] {strides = array<i32>} : memref<128x256xf32, #tpu.memory_space<vmem>>, vector<1x16xf32>,
          %parallel_loop3A_481 = vector.shape_cast %parallel_loop3A_480 : vector<1x16xf32> to vector<16xf32>
          %parallel_loop3A_482 = vector.shape_cast %parallel_loop3A_477 : vector<16xf32> to vector<1x16xf32>
          tpu.vector_store %arg13[%parallel_loop3A_478, %parallel_loop3A_479], %parallel_loop3A_482 {strides = array<i32>} : memref<128x256xf32, #tpu.memory_space<vmem>>, vector<1x16xf32>,
          %parallel_loop3A_483 = arith.index_cast %parallel_loop3A_290 : i32 to index
          %parallel_loop3A_484 = arith.constant 224 : index
          %parallel_loop3A_485 = tpu.vector_load %arg13[%parallel_loop3A_483, %parallel_loop3A_484] {strides = array<i32>} : memref<128x256xf32, #tpu.memory_space<vmem>>, vector<1x16xf32>,
          %parallel_loop3A_486 = vector.shape_cast %parallel_loop3A_485 : vector<1x16xf32> to vector<16xf32>
          %parallel_loop3A_487 = arith.mulf %parallel_loop3A_486, %parallel_loop3A_323 : vector<16xf32>
          %parallel_loop3A_488 = arith.index_cast %parallel_loop3A_290 : i32 to index
          %parallel_loop3A_489 = arith.constant 224 : index
          %parallel_loop3A_490 = tpu.vector_load %arg13[%parallel_loop3A_488, %parallel_loop3A_489] {strides = array<i32>} : memref<128x256xf32, #tpu.memory_space<vmem>>, vector<1x16xf32>,
          %parallel_loop3A_491 = vector.shape_cast %parallel_loop3A_490 : vector<1x16xf32> to vector<16xf32>
          %parallel_loop3A_492 = vector.shape_cast %parallel_loop3A_487 : vector<16xf32> to vector<1x16xf32>
          tpu.vector_store %arg13[%parallel_loop3A_488, %parallel_loop3A_489], %parallel_loop3A_492 {strides = array<i32>} : memref<128x256xf32, #tpu.memory_space<vmem>>, vector<1x16xf32>,
          %parallel_loop3A_493 = arith.index_cast %parallel_loop3A_290 : i32 to index
          %parallel_loop3A_494 = arith.constant 240 : index
          %parallel_loop3A_495 = tpu.vector_load %arg13[%parallel_loop3A_493, %parallel_loop3A_494] {strides = array<i32>} : memref<128x256xf32, #tpu.memory_space<vmem>>, vector<1x16xf32>,
          %parallel_loop3A_496 = vector.shape_cast %parallel_loop3A_495 : vector<1x16xf32> to vector<16xf32>
          %parallel_loop3A_497 = arith.constant 240 : i32
          %parallel_loop3A_498 = vector.broadcast %parallel_loop3A_497 : i32 to vector<16xi32>
          %parallel_loop3A_499 = arith.addi %iota3A, %parallel_loop3A_498 : vector<16xi32>
          %parallel_loop3A_500 = arith.constant 121 : i32
          %parallel_loop3A_501 = vector.broadcast %parallel_loop3A_500 : i32 to vector<16xi32>
          %parallel_loop3A_502 = arith.cmpi slt, %parallel_loop3A_499, %parallel_loop3A_501 : vector<16xi32>
          %parallel_loop3A_503 = arith.constant 242 : i32
          %parallel_loop3A_504 = vector.broadcast %parallel_loop3A_503 : i32 to vector<16xi32>
          %parallel_loop3A_505 = arith.cmpi slt, %parallel_loop3A_499, %parallel_loop3A_504 : vector<16xi32>
          %parallel_loop3A_506 = arith.constant 242 : i32
          %parallel_loop3A_507 = vector.broadcast %parallel_loop3A_506 : i32 to vector<16xi32>
          %parallel_loop3A_508 = arith.cmpi eq, %parallel_loop3A_499, %parallel_loop3A_507 : vector<16xi32>
          %parallel_loop3A_509 = arith.constant 243 : i32
          %parallel_loop3A_510 = vector.broadcast %parallel_loop3A_509 : i32 to vector<16xi32>
          %parallel_loop3A_511 = arith.cmpi eq, %parallel_loop3A_499, %parallel_loop3A_510 : vector<16xi32>
          %parallel_loop3A_512 = arith.select %parallel_loop3A_511, %parallel_loop3A_323, %broadcast_in_dim3A_0 : vector<16xi1>, vector<16xf32>
          %parallel_loop3A_513 = arith.select %parallel_loop3A_508, %parallel_loop3A_320, %parallel_loop3A_512 : vector<16xi1>, vector<16xf32>
          %parallel_loop3A_514 = arith.select %parallel_loop3A_505, %parallel_loop3A_323, %parallel_loop3A_513 : vector<16xi1>, vector<16xf32>
          %parallel_loop3A_515 = arith.select %parallel_loop3A_502, %parallel_loop3A_320, %parallel_loop3A_514 : vector<16xi1>, vector<16xf32>
          %parallel_loop3A_516 = arith.mulf %parallel_loop3A_496, %parallel_loop3A_515 : vector<16xf32>
          %parallel_loop3A_517 = arith.index_cast %parallel_loop3A_290 : i32 to index
          %parallel_loop3A_518 = arith.constant 240 : index
          %parallel_loop3A_519 = tpu.vector_load %arg13[%parallel_loop3A_517, %parallel_loop3A_518] {strides = array<i32>} : memref<128x256xf32, #tpu.memory_space<vmem>>, vector<1x16xf32>,
          %parallel_loop3A_520 = vector.shape_cast %parallel_loop3A_519 : vector<1x16xf32> to vector<16xf32>
          %parallel_loop3A_521 = vector.shape_cast %parallel_loop3A_516 : vector<16xf32> to vector<1x16xf32>
          tpu.vector_store %arg13[%parallel_loop3A_517, %parallel_loop3A_518], %parallel_loop3A_521 {strides = array<i32>} : memref<128x256xf32, #tpu.memory_space<vmem>>, vector<1x16xf32>,
        } {sc.loop_unroll_factor = 4 : i64, sc.parallel_access}
        "tpu.region"() ({
          %run_scoped3A_290 = tpu.sem_alloc : memref<!tpu.dma_semaphore, #tpu.memory_space<semaphore_mem>>
          %dma_start3A = arith.constant 0 : i32
          %dma_start3A_291 = arith.constant 0 : i32
          %dma_start3A_292 = tpu.memref_slice %arg14[%dma_start3A, %dma_start3A_291] : memref<5120x256xf32, #tpu.memory_space<vmem_shared>> -> memref<5120x256xf32, #tpu.memory_space<vmem_shared>>
          tpu.enqueue_indirect_dma source(%arg13 : memref<128x256xf32, #tpu.memory_space<vmem>>) target(%dma_start3A_292 : memref<5120x256xf32, #tpu.memory_space<vmem_shared>>) offsets(%arg10 : memref<128xi32, #tpu.memory_space<vmem>>) semaphore(%run_scoped3A_290 : memref<!tpu.dma_semaphore, #tpu.memory_space<semaphore_mem>>) {add = true}
          %dma_wait3A = arith.constant 0 : i32
          %dma_wait3A_293 = arith.constant 0 : i32
          %dma_wait3A_294 = tpu.memref_slice %arg14[%dma_wait3A, %dma_wait3A_293] : memref<5120x256xf32, #tpu.memory_space<vmem_shared>> -> memref<5120x256xf32, #tpu.memory_space<vmem_shared>>
          tpu.wait_indirect_dma semaphore(%run_scoped3A_290 : memref<!tpu.dma_semaphore, #tpu.memory_space<semaphore_mem>>) src(%arg13 : memref<128x256xf32, #tpu.memory_space<vmem>>) dst(%dma_wait3A_294 : memref<5120x256xf32, #tpu.memory_space<vmem_shared>>)
          tpu.yield
        }) : () -> ()
      } else {
      }
    }
    %scan3A_32 = arith.constant 157 : i32
    %barrier3A_33 = arith.constant 0 : index
    tpu.barrier barrier_id(%barrier3A_33)
    %mul3A_34 = arith.constant 320 : i32
    %mul3A_35 = arith.muli %arg1, %mul3A_34 : i32
    %add3A_36 = arith.constant 0 : i32
    %add3A_37 = arith.addi %mul3A_35, %add3A_36 : i32
    %mul3A_38 = arith.constant 320 : i32
    %mul3A_39 = arith.muli %arg1, %mul3A_38 : i32
    %add3A_40 = arith.constant 0 : i32
    %add3A_41 = arith.addi %mul3A_39, %add3A_40 : i32
    %run_scoped3A = arith.constant 0 : i32
    "tpu.region"() ({
      %run_scoped3A_115 = tpu.sem_alloc : memref<!tpu.dma_semaphore, #tpu.memory_space<semaphore_mem>>
      %dma_start3A = arith.constant 0 : i32
      %dma_start3A_116 = arith.constant 0 : i32
      %dma_start3A_117 = tpu.memref_slice %arg8[%arg0, %run_scoped3A, %dma_start3A, %dma_start3A_116] : memref<2x2x5120x256xf32, #tpu.memory_space<hbm>> -> memref<1x1x5120x256xf32, #tpu.memory_space<hbm>>
      %dma_start3A_118 = tpu.memref_squeeze %dma_start3A_117 : memref<1x1x5120x256xf32, #tpu.memory_space<hbm>> -> memref<5120x256xf32, #tpu.memory_space<hbm>>
      %dma_start3A_119 = arith.constant 0 : i32
      %dma_start3A_120 = tpu.memref_slice %dma_start3A_118[%add3A_41, %dma_start3A_119] : memref<5120x256xf32, #tpu.memory_space<hbm>> -> memref<128x256xf32, #tpu.memory_space<hbm>>
      %dma_start3A_121 = arith.constant 0 : i32
      %dma_start3A_122 = tpu.memref_slice %arg14[%add3A_37, %dma_start3A_121] : memref<5120x256xf32, #tpu.memory_space<vmem_shared>> -> memref<128x256xf32, #tpu.memory_space<vmem_shared>>
      tpu.enqueue_dma source(%dma_start3A_122 : memref<128x256xf32, #tpu.memory_space<vmem_shared>>) target(%dma_start3A_120 : memref<128x256xf32, #tpu.memory_space<hbm>>) target_semaphore(%run_scoped3A_115 : memref<!tpu.dma_semaphore, #tpu.memory_space<semaphore_mem>>)
      %dma_wait3A = arith.constant 0 : i32
      %dma_wait3A_123 = arith.constant 0 : i32
      %dma_wait3A_124 = tpu.memref_slice %arg8[%arg0, %run_scoped3A, %dma_wait3A, %dma_wait3A_123] : memref<2x2x5120x256xf32, #tpu.memory_space<hbm>> -> memref<1x1x5120x256xf32, #tpu.memory_space<hbm>>
      %dma_wait3A_125 = tpu.memref_squeeze %dma_wait3A_124 : memref<1x1x5120x256xf32, #tpu.memory_space<hbm>> -> memref<5120x256xf32, #tpu.memory_space<hbm>>
      %dma_wait3A_126 = arith.constant 0 : i32
      %dma_wait3A_127 = tpu.memref_slice %dma_wait3A_125[%add3A_41, %dma_wait3A_126] : memref<5120x256xf32, #tpu.memory_space<hbm>> -> memref<128x256xf32, #tpu.memory_space<hbm>>
      %dma_wait3A_128 = arith.constant 0 : i32
      %dma_wait3A_129 = tpu.memref_slice %arg14[%add3A_37, %dma_wait3A_128] : memref<5120x256xf32, #tpu.memory_space<vmem_shared>> -> memref<128x256xf32, #tpu.memory_space<vmem_shared>>
      tpu.wait_dma2 semaphore(%run_scoped3A_115 : memref<!tpu.dma_semaphore, #tpu.memory_space<semaphore_mem>>) src(%dma_wait3A_129 : memref<128x256xf32, #tpu.memory_space<vmem_shared>>) dst(%dma_wait3A_127 : memref<128x256xf32, #tpu.memory_space<hbm>>)
      tpu.yield
    }) : () -> ()
    %mul3A_42 = arith.constant 320 : i32
    %mul3A_43 = arith.muli %arg1, %mul3A_42 : i32
    %add3A_44 = arith.constant 128 : i32
    %add3A_45 = arith.addi %mul3A_43, %add3A_44 : i32
    %mul3A_46 = arith.constant 320 : i32
    %mul3A_47 = arith.muli %arg1, %mul3A_46 : i32
    %add3A_48 = arith.constant 128 : i32
    %add3A_49 = arith.addi %mul3A_47, %add3A_48 : i32
    %run_scoped3A_50 = arith.constant 0 : i32
    "tpu.region"() ({
      %run_scoped3A_115 = tpu.sem_alloc : memref<!tpu.dma_semaphore, #tpu.memory_space<semaphore_mem>>
      %dma_start3A = arith.constant 0 : i32
      %dma_start3A_116 = arith.constant 0 : i32
      %dma_start3A_117 = tpu.memref_slice %arg8[%arg0, %run_scoped3A_50, %dma_start3A, %dma_start3A_116] : memref<2x2x5120x256xf32, #tpu.memory_space<hbm>> -> memref<1x1x5120x256xf32, #tpu.memory_space<hbm>>
      %dma_start3A_118 = tpu.memref_squeeze %dma_start3A_117 : memref<1x1x5120x256xf32, #tpu.memory_space<hbm>> -> memref<5120x256xf32, #tpu.memory_space<hbm>>
      %dma_start3A_119 = arith.constant 0 : i32
      %dma_start3A_120 = tpu.memref_slice %dma_start3A_118[%add3A_49, %dma_start3A_119] : memref<5120x256xf32, #tpu.memory_space<hbm>> -> memref<128x256xf32, #tpu.memory_space<hbm>>
      %dma_start3A_121 = arith.constant 0 : i32
      %dma_start3A_122 = tpu.memref_slice %arg14[%add3A_45, %dma_start3A_121] : memref<5120x256xf32, #tpu.memory_space<vmem_shared>> -> memref<128x256xf32, #tpu.memory_space<vmem_shared>>
      tpu.enqueue_dma source(%dma_start3A_122 : memref<128x256xf32, #tpu.memory_space<vmem_shared>>) target(%dma_start3A_120 : memref<128x256xf32, #tpu.memory_space<hbm>>) target_semaphore(%run_scoped3A_115 : memref<!tpu.dma_semaphore, #tpu.memory_space<semaphore_mem>>)
      %dma_wait3A = arith.constant 0 : i32
      %dma_wait3A_123 = arith.constant 0 : i32
      %dma_wait3A_124 = tpu.memref_slice %arg8[%arg0, %run_scoped3A_50, %dma_wait3A, %dma_wait3A_123] : memref<2x2x5120x256xf32, #tpu.memory_space<hbm>> -> memref<1x1x5120x256xf32, #tpu.memory_space<hbm>>
      %dma_wait3A_125 = tpu.memref_squeeze %dma_wait3A_124 : memref<1x1x5120x256xf32, #tpu.memory_space<hbm>> -> memref<5120x256xf32, #tpu.memory_space<hbm>>
      %dma_wait3A_126 = arith.constant 0 : i32
      %dma_wait3A_127 = tpu.memref_slice %dma_wait3A_125[%add3A_49, %dma_wait3A_126] : memref<5120x256xf32, #tpu.memory_space<hbm>> -> memref<128x256xf32, #tpu.memory_space<hbm>>
      %dma_wait3A_128 = arith.constant 0 : i32
      %dma_wait3A_129 = tpu.memref_slice %arg14[%add3A_45, %dma_wait3A_128] : memref<5120x256xf32, #tpu.memory_space<vmem_shared>> -> memref<128x256xf32, #tpu.memory_space<vmem_shared>>
      tpu.wait_dma2 semaphore(%run_scoped3A_115 : memref<!tpu.dma_semaphore, #tpu.memory_space<semaphore_mem>>) src(%dma_wait3A_129 : memref<128x256xf32, #tpu.memory_space<vmem_shared>>) dst(%dma_wait3A_127 : memref<128x256xf32, #tpu.memory_space<hbm>>)
      tpu.yield
    }) : () -> ()
    %mul3A_51 = arith.constant 320 : i32
    %mul3A_52 = arith.muli %arg1, %mul3A_51 : i32
    %add3A_53 = arith.constant 256 : i32
    %add3A_54 = arith.addi %mul3A_52, %add3A_53 : i32
    %mul3A_55 = arith.constant 320 : i32
    %mul3A_56 = arith.muli %arg1, %mul3A_55 : i32
    %add3A_57 = arith.constant 256 : i32
    %add3A_58 = arith.addi %mul3A_56, %add3A_57 : i32
    %run_scoped3A_59 = arith.constant 0 : i32
    "tpu.region"() ({
      %run_scoped3A_115 = tpu.sem_alloc : memref<!tpu.dma_semaphore, #tpu.memory_space<semaphore_mem>>
      %dma_start3A = arith.constant 0 : i32
      %dma_start3A_116 = arith.constant 0 : i32
      %dma_start3A_117 = tpu.memref_slice %arg8[%arg0, %run_scoped3A_59, %dma_start3A, %dma_start3A_116] : memref<2x2x5120x256xf32, #tpu.memory_space<hbm>> -> memref<1x1x5120x256xf32, #tpu.memory_space<hbm>>
      %dma_start3A_118 = tpu.memref_squeeze %dma_start3A_117 : memref<1x1x5120x256xf32, #tpu.memory_space<hbm>> -> memref<5120x256xf32, #tpu.memory_space<hbm>>
      %dma_start3A_119 = arith.constant 0 : i32
      %dma_start3A_120 = tpu.memref_slice %dma_start3A_118[%add3A_58, %dma_start3A_119] : memref<5120x256xf32, #tpu.memory_space<hbm>> -> memref<64x256xf32, #tpu.memory_space<hbm>>
      %dma_start3A_121 = arith.constant 0 : i32
      %dma_start3A_122 = tpu.memref_slice %arg14[%add3A_54, %dma_start3A_121] : memref<5120x256xf32, #tpu.memory_space<vmem_shared>> -> memref<64x256xf32, #tpu.memory_space<vmem_shared>>
      tpu.enqueue_dma source(%dma_start3A_122 : memref<64x256xf32, #tpu.memory_space<vmem_shared>>) target(%dma_start3A_120 : memref<64x256xf32, #tpu.memory_space<hbm>>) target_semaphore(%run_scoped3A_115 : memref<!tpu.dma_semaphore, #tpu.memory_space<semaphore_mem>>)
      %dma_wait3A = arith.constant 0 : i32
      %dma_wait3A_123 = arith.constant 0 : i32
      %dma_wait3A_124 = tpu.memref_slice %arg8[%arg0, %run_scoped3A_59, %dma_wait3A, %dma_wait3A_123] : memref<2x2x5120x256xf32, #tpu.memory_space<hbm>> -> memref<1x1x5120x256xf32, #tpu.memory_space<hbm>>
      %dma_wait3A_125 = tpu.memref_squeeze %dma_wait3A_124 : memref<1x1x5120x256xf32, #tpu.memory_space<hbm>> -> memref<5120x256xf32, #tpu.memory_space<hbm>>
      %dma_wait3A_126 = arith.constant 0 : i32
      %dma_wait3A_127 = tpu.memref_slice %dma_wait3A_125[%add3A_58, %dma_wait3A_126] : memref<5120x256xf32, #tpu.memory_space<hbm>> -> memref<64x256xf32, #tpu.memory_space<hbm>>
      %dma_wait3A_128 = arith.constant 0 : i32
      %dma_wait3A_129 = tpu.memref_slice %arg14[%add3A_54, %dma_wait3A_128] : memref<5120x256xf32, #tpu.memory_space<vmem_shared>> -> memref<64x256xf32, #tpu.memory_space<vmem_shared>>
      tpu.wait_dma2 semaphore(%run_scoped3A_115 : memref<!tpu.dma_semaphore, #tpu.memory_space<semaphore_mem>>) src(%dma_wait3A_129 : memref<64x256xf32, #tpu.memory_space<vmem_shared>>) dst(%dma_wait3A_127 : memref<64x256xf32, #tpu.memory_space<hbm>>)
      tpu.yield
    }) : () -> ()
    %barrier3A_60 = arith.constant 0 : index
    tpu.barrier barrier_id(%barrier3A_60)
    %scan3A_61 = arith.constant 0 : i32
    %scan3A_62 = arith.constant 0 : i32
    %scan3A_63 = arith.constant 128 : i32
    %scan3A_64 = arith.addi %scan3A_62, %scan3A_63 : i32
    %scan3A_65 = arith.constant 1 : i32
    scf.for %scan3A_115 = %scan3A_62 to %scan3A_64 step %scan3A_65  : i32 {
      %swap3A = arith.index_cast %scan3A_115 : i32 to index
      %swap3A_116 = arith.constant 0 : index
      %swap3A_117 = tpu.vector_load %arg13[%swap3A, %swap3A_116] {strides = array<i32>} : memref<128x256xf32, #tpu.memory_space<vmem>>, vector<1x16xf32>,
      %swap3A_118 = vector.shape_cast %swap3A_117 : vector<1x16xf32> to vector<16xf32>
      %swap3A_119 = vector.shape_cast %broadcast_in_dim3A_0 : vector<16xf32> to vector<1x16xf32>
      tpu.vector_store %arg13[%swap3A, %swap3A_116], %swap3A_119 {strides = array<i32>} : memref<128x256xf32, #tpu.memory_space<vmem>>, vector<1x16xf32>,
      %swap3A_120 = arith.index_cast %scan3A_115 : i32 to index
      %swap3A_121 = arith.constant 16 : index
      %swap3A_122 = tpu.vector_load %arg13[%swap3A_120, %swap3A_121] {strides = array<i32>} : memref<128x256xf32, #tpu.memory_space<vmem>>, vector<1x16xf32>,
      %swap3A_123 = vector.shape_cast %swap3A_122 : vector<1x16xf32> to vector<16xf32>
      %swap3A_124 = vector.shape_cast %broadcast_in_dim3A_0 : vector<16xf32> to vector<1x16xf32>
      tpu.vector_store %arg13[%swap3A_120, %swap3A_121], %swap3A_124 {strides = array<i32>} : memref<128x256xf32, #tpu.memory_space<vmem>>, vector<1x16xf32>,
      %swap3A_125 = arith.index_cast %scan3A_115 : i32 to index
      %swap3A_126 = arith.constant 32 : index
      %swap3A_127 = tpu.vector_load %arg13[%swap3A_125, %swap3A_126] {strides = array<i32>} : memref<128x256xf32, #tpu.memory_space<vmem>>, vector<1x16xf32>,
      %swap3A_128 = vector.shape_cast %swap3A_127 : vector<1x16xf32> to vector<16xf32>
      %swap3A_129 = vector.shape_cast %broadcast_in_dim3A_0 : vector<16xf32> to vector<1x16xf32>
      tpu.vector_store %arg13[%swap3A_125, %swap3A_126], %swap3A_129 {strides = array<i32>} : memref<128x256xf32, #tpu.memory_space<vmem>>, vector<1x16xf32>,
      %swap3A_130 = arith.index_cast %scan3A_115 : i32 to index
      %swap3A_131 = arith.constant 48 : index
      %swap3A_132 = tpu.vector_load %arg13[%swap3A_130, %swap3A_131] {strides = array<i32>} : memref<128x256xf32, #tpu.memory_space<vmem>>, vector<1x16xf32>,
      %swap3A_133 = vector.shape_cast %swap3A_132 : vector<1x16xf32> to vector<16xf32>
      %swap3A_134 = vector.shape_cast %broadcast_in_dim3A_0 : vector<16xf32> to vector<1x16xf32>
      tpu.vector_store %arg13[%swap3A_130, %swap3A_131], %swap3A_134 {strides = array<i32>} : memref<128x256xf32, #tpu.memory_space<vmem>>, vector<1x16xf32>,
      %swap3A_135 = arith.index_cast %scan3A_115 : i32 to index
      %swap3A_136 = arith.constant 64 : index
      %swap3A_137 = tpu.vector_load %arg13[%swap3A_135, %swap3A_136] {strides = array<i32>} : memref<128x256xf32, #tpu.memory_space<vmem>>, vector<1x16xf32>,
      %swap3A_138 = vector.shape_cast %swap3A_137 : vector<1x16xf32> to vector<16xf32>
      %swap3A_139 = vector.shape_cast %broadcast_in_dim3A_0 : vector<16xf32> to vector<1x16xf32>
      tpu.vector_store %arg13[%swap3A_135, %swap3A_136], %swap3A_139 {strides = array<i32>} : memref<128x256xf32, #tpu.memory_space<vmem>>, vector<1x16xf32>,
      %swap3A_140 = arith.index_cast %scan3A_115 : i32 to index
      %swap3A_141 = arith.constant 80 : index
      %swap3A_142 = tpu.vector_load %arg13[%swap3A_140, %swap3A_141] {strides = array<i32>} : memref<128x256xf32, #tpu.memory_space<vmem>>, vector<1x16xf32>,
      %swap3A_143 = vector.shape_cast %swap3A_142 : vector<1x16xf32> to vector<16xf32>
      %swap3A_144 = vector.shape_cast %broadcast_in_dim3A_0 : vector<16xf32> to vector<1x16xf32>
      tpu.vector_store %arg13[%swap3A_140, %swap3A_141], %swap3A_144 {strides = array<i32>} : memref<128x256xf32, #tpu.memory_space<vmem>>, vector<1x16xf32>,
      %swap3A_145 = arith.index_cast %scan3A_115 : i32 to index
      %swap3A_146 = arith.constant 96 : index
      %swap3A_147 = tpu.vector_load %arg13[%swap3A_145, %swap3A_146] {strides = array<i32>} : memref<128x256xf32, #tpu.memory_space<vmem>>, vector<1x16xf32>,
      %swap3A_148 = vector.shape_cast %swap3A_147 : vector<1x16xf32> to vector<16xf32>
      %swap3A_149 = vector.shape_cast %broadcast_in_dim3A_0 : vector<16xf32> to vector<1x16xf32>
      tpu.vector_store %arg13[%swap3A_145, %swap3A_146], %swap3A_149 {strides = array<i32>} : memref<128x256xf32, #tpu.memory_space<vmem>>, vector<1x16xf32>,
      %swap3A_150 = arith.index_cast %scan3A_115 : i32 to index
      %swap3A_151 = arith.constant 112 : index
      %swap3A_152 = tpu.vector_load %arg13[%swap3A_150, %swap3A_151] {strides = array<i32>} : memref<128x256xf32, #tpu.memory_space<vmem>>, vector<1x16xf32>,
      %swap3A_153 = vector.shape_cast %swap3A_152 : vector<1x16xf32> to vector<16xf32>
      %swap3A_154 = vector.shape_cast %broadcast_in_dim3A_0 : vector<16xf32> to vector<1x16xf32>
      tpu.vector_store %arg13[%swap3A_150, %swap3A_151], %swap3A_154 {strides = array<i32>} : memref<128x256xf32, #tpu.memory_space<vmem>>, vector<1x16xf32>,
      %swap3A_155 = arith.index_cast %scan3A_115 : i32 to index
      %swap3A_156 = arith.constant 128 : index
      %swap3A_157 = tpu.vector_load %arg13[%swap3A_155, %swap3A_156] {strides = array<i32>} : memref<128x256xf32, #tpu.memory_space<vmem>>, vector<1x16xf32>,
      %swap3A_158 = vector.shape_cast %swap3A_157 : vector<1x16xf32> to vector<16xf32>
      %swap3A_159 = vector.shape_cast %broadcast_in_dim3A_0 : vector<16xf32> to vector<1x16xf32>
      tpu.vector_store %arg13[%swap3A_155, %swap3A_156], %swap3A_159 {strides = array<i32>} : memref<128x256xf32, #tpu.memory_space<vmem>>, vector<1x16xf32>,
      %swap3A_160 = arith.index_cast %scan3A_115 : i32 to index
      %swap3A_161 = arith.constant 144 : index
      %swap3A_162 = tpu.vector_load %arg13[%swap3A_160, %swap3A_161] {strides = array<i32>} : memref<128x256xf32, #tpu.memory_space<vmem>>, vector<1x16xf32>,
      %swap3A_163 = vector.shape_cast %swap3A_162 : vector<1x16xf32> to vector<16xf32>
      %swap3A_164 = vector.shape_cast %broadcast_in_dim3A_0 : vector<16xf32> to vector<1x16xf32>
      tpu.vector_store %arg13[%swap3A_160, %swap3A_161], %swap3A_164 {strides = array<i32>} : memref<128x256xf32, #tpu.memory_space<vmem>>, vector<1x16xf32>,
      %swap3A_165 = arith.index_cast %scan3A_115 : i32 to index
      %swap3A_166 = arith.constant 160 : index
      %swap3A_167 = tpu.vector_load %arg13[%swap3A_165, %swap3A_166] {strides = array<i32>} : memref<128x256xf32, #tpu.memory_space<vmem>>, vector<1x16xf32>,
      %swap3A_168 = vector.shape_cast %swap3A_167 : vector<1x16xf32> to vector<16xf32>
      %swap3A_169 = vector.shape_cast %broadcast_in_dim3A_0 : vector<16xf32> to vector<1x16xf32>
      tpu.vector_store %arg13[%swap3A_165, %swap3A_166], %swap3A_169 {strides = array<i32>} : memref<128x256xf32, #tpu.memory_space<vmem>>, vector<1x16xf32>,
      %swap3A_170 = arith.index_cast %scan3A_115 : i32 to index
      %swap3A_171 = arith.constant 176 : index
      %swap3A_172 = tpu.vector_load %arg13[%swap3A_170, %swap3A_171] {strides = array<i32>} : memref<128x256xf32, #tpu.memory_space<vmem>>, vector<1x16xf32>,
      %swap3A_173 = vector.shape_cast %swap3A_172 : vector<1x16xf32> to vector<16xf32>
      %swap3A_174 = vector.shape_cast %broadcast_in_dim3A_0 : vector<16xf32> to vector<1x16xf32>
      tpu.vector_store %arg13[%swap3A_170, %swap3A_171], %swap3A_174 {strides = array<i32>} : memref<128x256xf32, #tpu.memory_space<vmem>>, vector<1x16xf32>,
      %swap3A_175 = arith.index_cast %scan3A_115 : i32 to index
      %swap3A_176 = arith.constant 192 : index
      %swap3A_177 = tpu.vector_load %arg13[%swap3A_175, %swap3A_176] {strides = array<i32>} : memref<128x256xf32, #tpu.memory_space<vmem>>, vector<1x16xf32>,
      %swap3A_178 = vector.shape_cast %swap3A_177 : vector<1x16xf32> to vector<16xf32>
      %swap3A_179 = vector.shape_cast %broadcast_in_dim3A_0 : vector<16xf32> to vector<1x16xf32>
      tpu.vector_store %arg13[%swap3A_175, %swap3A_176], %swap3A_179 {strides = array<i32>} : memref<128x256xf32, #tpu.memory_space<vmem>>, vector<1x16xf32>,
      %swap3A_180 = arith.index_cast %scan3A_115 : i32 to index
      %swap3A_181 = arith.constant 208 : index
      %swap3A_182 = tpu.vector_load %arg13[%swap3A_180, %swap3A_181] {strides = array<i32>} : memref<128x256xf32, #tpu.memory_space<vmem>>, vector<1x16xf32>,
      %swap3A_183 = vector.shape_cast %swap3A_182 : vector<1x16xf32> to vector<16xf32>
      %swap3A_184 = vector.shape_cast %broadcast_in_dim3A_0 : vector<16xf32> to vector<1x16xf32>
      tpu.vector_store %arg13[%swap3A_180, %swap3A_181], %swap3A_184 {strides = array<i32>} : memref<128x256xf32, #tpu.memory_space<vmem>>, vector<1x16xf32>,
      %swap3A_185 = arith.index_cast %scan3A_115 : i32 to index
      %swap3A_186 = arith.constant 224 : index
      %swap3A_187 = tpu.vector_load %arg13[%swap3A_185, %swap3A_186] {strides = array<i32>} : memref<128x256xf32, #tpu.memory_space<vmem>>, vector<1x16xf32>,
      %swap3A_188 = vector.shape_cast %swap3A_187 : vector<1x16xf32> to vector<16xf32>
      %swap3A_189 = vector.shape_cast %broadcast_in_dim3A_0 : vector<16xf32> to vector<1x16xf32>
      tpu.vector_store %arg13[%swap3A_185, %swap3A_186], %swap3A_189 {strides = array<i32>} : memref<128x256xf32, #tpu.memory_space<vmem>>, vector<1x16xf32>,
      %swap3A_190 = arith.index_cast %scan3A_115 : i32 to index
      %swap3A_191 = arith.constant 240 : index
      %swap3A_192 = tpu.vector_load %arg13[%swap3A_190, %swap3A_191] {strides = array<i32>} : memref<128x256xf32, #tpu.memory_space<vmem>>, vector<1x16xf32>,
      %swap3A_193 = vector.shape_cast %swap3A_192 : vector<1x16xf32> to vector<16xf32>
      %swap3A_194 = vector.shape_cast %broadcast_in_dim3A_0 : vector<16xf32> to vector<1x16xf32>
      tpu.vector_store %arg13[%swap3A_190, %swap3A_191], %swap3A_194 {strides = array<i32>} : memref<128x256xf32, #tpu.memory_space<vmem>>, vector<1x16xf32>,
    }
    %scan3A_66 = arith.constant 128 : i32
    %mul3A_67 = arith.constant 320 : i32
    %mul3A_68 = arith.muli %arg1, %mul3A_67 : i32
    %add3A_69 = arith.constant 0 : i32
    %add3A_70 = arith.addi %mul3A_68, %add3A_69 : i32
    "tpu.region"() ({
      %run_scoped3A_115 = tpu.sem_alloc : memref<!tpu.dma_semaphore, #tpu.memory_space<semaphore_mem>>
      %dma_start3A = arith.constant 0 : i32
      %dma_start3A_116 = arith.constant 0 : i32
      %dma_start3A_117 = tpu.memref_slice %arg13[%dma_start3A, %dma_start3A_116] : memref<128x256xf32, #tpu.memory_space<vmem>> -> memref<128x256xf32, #tpu.memory_space<vmem>>
      %dma_start3A_118 = arith.constant 0 : i32
      %dma_start3A_119 = tpu.memref_slice %arg14[%add3A_70, %dma_start3A_118] : memref<5120x256xf32, #tpu.memory_space<vmem_shared>> -> memref<128x256xf32, #tpu.memory_space<vmem_shared>>
      %dma_start3A_120 = arith.constant 0 : i32
      %dma_start3A_121 = tpu.memref_slice %arg14[%add3A_70, %dma_start3A_120] : memref<5120x256xf32, #tpu.memory_space<vmem_shared>> -> memref<128x256xf32, #tpu.memory_space<vmem_shared>>
      %dma_start3A_122 = arith.constant 0 : i32
      %dma_start3A_123 = arith.constant 0 : i32
      %dma_start3A_124 = tpu.memref_slice %arg13[%dma_start3A_122, %dma_start3A_123] : memref<128x256xf32, #tpu.memory_space<vmem>> -> memref<128x256xf32, #tpu.memory_space<vmem>>
      tpu.enqueue_dma source(%dma_start3A_124 : memref<128x256xf32, #tpu.memory_space<vmem>>) target(%dma_start3A_121 : memref<128x256xf32, #tpu.memory_space<vmem_shared>>) target_semaphore(%run_scoped3A_115 : memref<!tpu.dma_semaphore, #tpu.memory_space<semaphore_mem>>)
      %dma_wait3A = arith.constant 0 : i32
      %dma_wait3A_125 = arith.constant 0 : i32
      %dma_wait3A_126 = tpu.memref_slice %arg13[%dma_wait3A, %dma_wait3A_125] : memref<128x256xf32, #tpu.memory_space<vmem>> -> memref<128x256xf32, #tpu.memory_space<vmem>>
      %dma_wait3A_127 = arith.constant 0 : i32
      %dma_wait3A_128 = tpu.memref_slice %arg14[%add3A_70, %dma_wait3A_127] : memref<5120x256xf32, #tpu.memory_space<vmem_shared>> -> memref<128x256xf32, #tpu.memory_space<vmem_shared>>
      %dma_wait3A_129 = arith.constant 0 : i32
      %dma_wait3A_130 = tpu.memref_slice %arg14[%add3A_70, %dma_wait3A_129] : memref<5120x256xf32, #tpu.memory_space<vmem_shared>> -> memref<128x256xf32, #tpu.memory_space<vmem_shared>>
      %dma_wait3A_131 = arith.constant 0 : i32
      %dma_wait3A_132 = arith.constant 0 : i32
      %dma_wait3A_133 = tpu.memref_slice %arg13[%dma_wait3A_131, %dma_wait3A_132] : memref<128x256xf32, #tpu.memory_space<vmem>> -> memref<128x256xf32, #tpu.memory_space<vmem>>
      tpu.wait_dma2 semaphore(%run_scoped3A_115 : memref<!tpu.dma_semaphore, #tpu.memory_space<semaphore_mem>>) src(%dma_wait3A_133 : memref<128x256xf32, #tpu.memory_space<vmem>>) dst(%dma_wait3A_130 : memref<128x256xf32, #tpu.memory_space<vmem_shared>>)
      tpu.yield
    }) : () -> ()
    %mul3A_71 = arith.constant 320 : i32
    %mul3A_72 = arith.muli %arg1, %mul3A_71 : i32
    %add3A_73 = arith.constant 128 : i32
    %add3A_74 = arith.addi %mul3A_72, %add3A_73 : i32
    "tpu.region"() ({
      %run_scoped3A_115 = tpu.sem_alloc : memref<!tpu.dma_semaphore, #tpu.memory_space<semaphore_mem>>
      %dma_start3A = arith.constant 0 : i32
      %dma_start3A_116 = arith.constant 0 : i32
      %dma_start3A_117 = tpu.memref_slice %arg13[%dma_start3A, %dma_start3A_116] : memref<128x256xf32, #tpu.memory_space<vmem>> -> memref<128x256xf32, #tpu.memory_space<vmem>>
      %dma_start3A_118 = arith.constant 0 : i32
      %dma_start3A_119 = tpu.memref_slice %arg14[%add3A_74, %dma_start3A_118] : memref<5120x256xf32, #tpu.memory_space<vmem_shared>> -> memref<128x256xf32, #tpu.memory_space<vmem_shared>>
      %dma_start3A_120 = arith.constant 0 : i32
      %dma_start3A_121 = tpu.memref_slice %arg14[%add3A_74, %dma_start3A_120] : memref<5120x256xf32, #tpu.memory_space<vmem_shared>> -> memref<128x256xf32, #tpu.memory_space<vmem_shared>>
      %dma_start3A_122 = arith.constant 0 : i32
      %dma_start3A_123 = arith.constant 0 : i32
      %dma_start3A_124 = tpu.memref_slice %arg13[%dma_start3A_122, %dma_start3A_123] : memref<128x256xf32, #tpu.memory_space<vmem>> -> memref<128x256xf32, #tpu.memory_space<vmem>>
      tpu.enqueue_dma source(%dma_start3A_124 : memref<128x256xf32, #tpu.memory_space<vmem>>) target(%dma_start3A_121 : memref<128x256xf32, #tpu.memory_space<vmem_shared>>) target_semaphore(%run_scoped3A_115 : memref<!tpu.dma_semaphore, #tpu.memory_space<semaphore_mem>>)
      %dma_wait3A = arith.constant 0 : i32
      %dma_wait3A_125 = arith.constant 0 : i32
      %dma_wait3A_126 = tpu.memref_slice %arg13[%dma_wait3A, %dma_wait3A_125] : memref<128x256xf32, #tpu.memory_space<vmem>> -> memref<128x256xf32, #tpu.memory_space<vmem>>
      %dma_wait3A_127 = arith.constant 0 : i32
      %dma_wait3A_128 = tpu.memref_slice %arg14[%add3A_74, %dma_wait3A_127] : memref<5120x256xf32, #tpu.memory_space<vmem_shared>> -> memref<128x256xf32, #tpu.memory_space<vmem_shared>>
      %dma_wait3A_129 = arith.constant 0 : i32
      %dma_wait3A_130 = tpu.memref_slice %arg14[%add3A_74, %dma_wait3A_129] : memref<5120x256xf32, #tpu.memory_space<vmem_shared>> -> memref<128x256xf32, #tpu.memory_space<vmem_shared>>
      %dma_wait3A_131 = arith.constant 0 : i32
      %dma_wait3A_132 = arith.constant 0 : i32
      %dma_wait3A_133 = tpu.memref_slice %arg13[%dma_wait3A_131, %dma_wait3A_132] : memref<128x256xf32, #tpu.memory_space<vmem>> -> memref<128x256xf32, #tpu.memory_space<vmem>>
      tpu.wait_dma2 semaphore(%run_scoped3A_115 : memref<!tpu.dma_semaphore, #tpu.memory_space<semaphore_mem>>) src(%dma_wait3A_133 : memref<128x256xf32, #tpu.memory_space<vmem>>) dst(%dma_wait3A_130 : memref<128x256xf32, #tpu.memory_space<vmem_shared>>)
      tpu.yield
    }) : () -> ()
    %mul3A_75 = arith.constant 320 : i32
    %mul3A_76 = arith.muli %arg1, %mul3A_75 : i32
    %add3A_77 = arith.constant 256 : i32
    %add3A_78 = arith.addi %mul3A_76, %add3A_77 : i32
    "tpu.region"() ({
      %run_scoped3A_115 = tpu.sem_alloc : memref<!tpu.dma_semaphore, #tpu.memory_space<semaphore_mem>>
      %dma_start3A = arith.constant 0 : i32
      %dma_start3A_116 = arith.constant 0 : i32
      %dma_start3A_117 = tpu.memref_slice %arg13[%dma_start3A, %dma_start3A_116] : memref<128x256xf32, #tpu.memory_space<vmem>> -> memref<64x256xf32, #tpu.memory_space<vmem>>
      %dma_start3A_118 = arith.constant 0 : i32
      %dma_start3A_119 = tpu.memref_slice %arg14[%add3A_78, %dma_start3A_118] : memref<5120x256xf32, #tpu.memory_space<vmem_shared>> -> memref<64x256xf32, #tpu.memory_space<vmem_shared>>
      %dma_start3A_120 = arith.constant 0 : i32
      %dma_start3A_121 = tpu.memref_slice %arg14[%add3A_78, %dma_start3A_120] : memref<5120x256xf32, #tpu.memory_space<vmem_shared>> -> memref<64x256xf32, #tpu.memory_space<vmem_shared>>
      %dma_start3A_122 = arith.constant 0 : i32
      %dma_start3A_123 = arith.constant 0 : i32
      %dma_start3A_124 = tpu.memref_slice %arg13[%dma_start3A_122, %dma_start3A_123] : memref<128x256xf32, #tpu.memory_space<vmem>> -> memref<64x256xf32, #tpu.memory_space<vmem>>
      tpu.enqueue_dma source(%dma_start3A_124 : memref<64x256xf32, #tpu.memory_space<vmem>>) target(%dma_start3A_121 : memref<64x256xf32, #tpu.memory_space<vmem_shared>>) target_semaphore(%run_scoped3A_115 : memref<!tpu.dma_semaphore, #tpu.memory_space<semaphore_mem>>)
      %dma_wait3A = arith.constant 0 : i32
      %dma_wait3A_125 = arith.constant 0 : i32
      %dma_wait3A_126 = tpu.memref_slice %arg13[%dma_wait3A, %dma_wait3A_125] : memref<128x256xf32, #tpu.memory_space<vmem>> -> memref<64x256xf32, #tpu.memory_space<vmem>>
      %dma_wait3A_127 = arith.constant 0 : i32
      %dma_wait3A_128 = tpu.memref_slice %arg14[%add3A_78, %dma_wait3A_127] : memref<5120x256xf32, #tpu.memory_space<vmem_shared>> -> memref<64x256xf32, #tpu.memory_space<vmem_shared>>
      %dma_wait3A_129 = arith.constant 0 : i32
      %dma_wait3A_130 = tpu.memref_slice %arg14[%add3A_78, %dma_wait3A_129] : memref<5120x256xf32, #tpu.memory_space<vmem_shared>> -> memref<64x256xf32, #tpu.memory_space<vmem_shared>>
      %dma_wait3A_131 = arith.constant 0 : i32
      %dma_wait3A_132 = arith.constant 0 : i32
      %dma_wait3A_133 = tpu.memref_slice %arg13[%dma_wait3A_131, %dma_wait3A_132] : memref<128x256xf32, #tpu.memory_space<vmem>> -> memref<64x256xf32, #tpu.memory_space<vmem>>
      tpu.wait_dma2 semaphore(%run_scoped3A_115 : memref<!tpu.dma_semaphore, #tpu.memory_space<semaphore_mem>>) src(%dma_wait3A_133 : memref<64x256xf32, #tpu.memory_space<vmem>>) dst(%dma_wait3A_130 : memref<64x256xf32, #tpu.memory_space<vmem_shared>>)
      tpu.yield
    }) : () -> ()
    %barrier3A_79 = arith.constant 0 : index
    tpu.barrier barrier_id(%barrier3A_79)
    %scan3A_80 = arith.constant 0 : i32
    %scan3A_81 = arith.constant 0 : i32
    %scan3A_82 = arith.constant 157 : i32
    %scan3A_83 = arith.addi %scan3A_81, %scan3A_82 : i32
    %scan3A_84 = arith.constant 1 : i32
    scf.for %scan3A_115 = %scan3A_81 to %scan3A_83 step %scan3A_84  : i32 {
      %mul3A_116 = arith.constant 16 : i32
      %mul3A_117 = arith.muli %scan3A_115, %mul3A_116 : i32
      %add3A_118 = arith.addi %mul3A_117, %arg1 : i32
      %lt3A = arith.constant 2500 : i32
      %lt3A_119 = arith.cmpi slt, %add3A_118, %lt3A : i32
      %convert_element_type3A = arith.extui %lt3A_119 : i1 to i32
      %cond3A = arith.constant 0 : i32
      %cond3A_120 = arith.cmpi ne, %convert_element_type3A, %cond3A : i32
      scf.if %cond3A_120 {
        %mul3A_121 = arith.constant 128 : i32
        %mul3A_122 = arith.muli %add3A_118, %mul3A_121 : i32
        "tpu.region"() ({
          %run_scoped3A_290 = tpu.sem_alloc : memref<!tpu.dma_semaphore, #tpu.memory_space<semaphore_mem>>
          %dma_start3A = tpu.memref_slice %arg2[%mul3A_122] : memref<320000xi32, #tpu.memory_space<hbm>> -> memref<128xi32, #tpu.memory_space<hbm>>
          %dma_start3A_291 = tpu.memref_slice %arg2[%mul3A_122] : memref<320000xi32, #tpu.memory_space<hbm>> -> memref<128xi32, #tpu.memory_space<hbm>>
          tpu.enqueue_dma source(%dma_start3A_291 : memref<128xi32, #tpu.memory_space<hbm>>) target(%arg9 : memref<128xi32, #tpu.memory_space<vmem>>) target_semaphore(%run_scoped3A_290 : memref<!tpu.dma_semaphore, #tpu.memory_space<semaphore_mem>>)
          %dma_wait3A = tpu.memref_slice %arg2[%mul3A_122] : memref<320000xi32, #tpu.memory_space<hbm>> -> memref<128xi32, #tpu.memory_space<hbm>>
          %dma_wait3A_292 = tpu.memref_slice %arg2[%mul3A_122] : memref<320000xi32, #tpu.memory_space<hbm>> -> memref<128xi32, #tpu.memory_space<hbm>>
          tpu.wait_dma2 semaphore(%run_scoped3A_290 : memref<!tpu.dma_semaphore, #tpu.memory_space<semaphore_mem>>) src(%dma_wait3A_292 : memref<128xi32, #tpu.memory_space<hbm>>) dst(%arg9 : memref<128xi32, #tpu.memory_space<vmem>>)
          tpu.yield
        }) : () -> ()
        "tpu.region"() ({
          %run_scoped3A_290 = tpu.sem_alloc : memref<!tpu.dma_semaphore, #tpu.memory_space<semaphore_mem>>
          %dma_start3A = tpu.memref_slice %arg3[%mul3A_122] : memref<320000xi32, #tpu.memory_space<hbm>> -> memref<128xi32, #tpu.memory_space<hbm>>
          %dma_start3A_291 = tpu.memref_slice %arg3[%mul3A_122] : memref<320000xi32, #tpu.memory_space<hbm>> -> memref<128xi32, #tpu.memory_space<hbm>>
          tpu.enqueue_dma source(%dma_start3A_291 : memref<128xi32, #tpu.memory_space<hbm>>) target(%arg10 : memref<128xi32, #tpu.memory_space<vmem>>) target_semaphore(%run_scoped3A_290 : memref<!tpu.dma_semaphore, #tpu.memory_space<semaphore_mem>>)
          %dma_wait3A = tpu.memref_slice %arg3[%mul3A_122] : memref<320000xi32, #tpu.memory_space<hbm>> -> memref<128xi32, #tpu.memory_space<hbm>>
          %dma_wait3A_292 = tpu.memref_slice %arg3[%mul3A_122] : memref<320000xi32, #tpu.memory_space<hbm>> -> memref<128xi32, #tpu.memory_space<hbm>>
          tpu.wait_dma2 semaphore(%run_scoped3A_290 : memref<!tpu.dma_semaphore, #tpu.memory_space<semaphore_mem>>) src(%dma_wait3A_292 : memref<128xi32, #tpu.memory_space<hbm>>) dst(%arg10 : memref<128xi32, #tpu.memory_space<vmem>>)
          tpu.yield
        }) : () -> ()
        %eq3A_123 = arith.constant 0 : i32
        %eq3A_124 = arith.cmpi eq, %arg0, %eq3A_123 : i32
        %convert_element_type3A_125 = arith.extui %eq3A_124 : i1 to i32
        %cond3A_126 = arith.constant 0 : i32
        %cond3A_127 = arith.cmpi ne, %convert_element_type3A_125, %cond3A_126 : i32
        scf.if %cond3A_127 {
          %dma_start3A = arith.constant 0 : i32
          %dma_start3A_290 = arith.constant 0 : i32
          %dma_start3A_291 = tpu.memref_slice %arg4[%dma_start3A, %dma_start3A_290] : memref<10000x16xf32, #tpu.memory_space<hbm>> -> memref<10000x16xf32, #tpu.memory_space<hbm>>
          tpu.enqueue_indirect_dma source(%dma_start3A_291 : memref<10000x16xf32, #tpu.memory_space<hbm>>) target(%arg11 : memref<128x16xf32, #tpu.memory_space<vmem>>) offsets(%arg9 : memref<128xi32, #tpu.memory_space<vmem>>) semaphore(%arg15 : memref<!tpu.dma_semaphore, #tpu.memory_space<semaphore_mem>>)
          %dma_start3A_292 = arith.constant 0 : i32
          %dma_start3A_293 = arith.constant 0 : i32
          %dma_start3A_294 = tpu.memref_slice %arg4[%dma_start3A_292, %dma_start3A_293] : memref<10000x16xf32, #tpu.memory_space<hbm>> -> memref<10000x16xf32, #tpu.memory_space<hbm>>
          tpu.enqueue_indirect_dma source(%dma_start3A_294 : memref<10000x16xf32, #tpu.memory_space<hbm>>) target(%arg12 : memref<128x16xf32, #tpu.memory_space<vmem>>) offsets(%arg10 : memref<128xi32, #tpu.memory_space<vmem>>) semaphore(%arg15 : memref<!tpu.dma_semaphore, #tpu.memory_space<semaphore_mem>>)
          %dma_start3A_295 = arith.constant 0 : i32
          %dma_start3A_296 = arith.constant 0 : i32
          %dma_start3A_297 = tpu.memref_slice %arg6[%dma_start3A_295, %dma_start3A_296] : memref<10000x256xf32, #tpu.memory_space<hbm>> -> memref<10000x256xf32, #tpu.memory_space<hbm>>
          tpu.enqueue_indirect_dma source(%dma_start3A_297 : memref<10000x256xf32, #tpu.memory_space<hbm>>) target(%arg13 : memref<128x256xf32, #tpu.memory_space<vmem>>) offsets(%arg9 : memref<128xi32, #tpu.memory_space<vmem>>) semaphore(%arg15 : memref<!tpu.dma_semaphore, #tpu.memory_space<semaphore_mem>>)
          %dma_wait3A = arith.constant 0 : i32
          %dma_wait3A_298 = arith.constant 0 : i32
          %dma_wait3A_299 = tpu.memref_slice %arg4[%dma_wait3A, %dma_wait3A_298] : memref<10000x16xf32, #tpu.memory_space<hbm>> -> memref<10000x16xf32, #tpu.memory_space<hbm>>
          tpu.wait_indirect_dma semaphore(%arg15 : memref<!tpu.dma_semaphore, #tpu.memory_space<semaphore_mem>>) src(%dma_wait3A_299 : memref<10000x16xf32, #tpu.memory_space<hbm>>) dst(%arg11 : memref<128x16xf32, #tpu.memory_space<vmem>>)
          %dma_wait3A_300 = arith.constant 0 : i32
          %dma_wait3A_301 = arith.constant 0 : i32
          %dma_wait3A_302 = tpu.memref_slice %arg4[%dma_wait3A_300, %dma_wait3A_301] : memref<10000x16xf32, #tpu.memory_space<hbm>> -> memref<10000x16xf32, #tpu.memory_space<hbm>>
          tpu.wait_indirect_dma semaphore(%arg15 : memref<!tpu.dma_semaphore, #tpu.memory_space<semaphore_mem>>) src(%dma_wait3A_302 : memref<10000x16xf32, #tpu.memory_space<hbm>>) dst(%arg12 : memref<128x16xf32, #tpu.memory_space<vmem>>)
          %dma_wait3A_303 = arith.constant 0 : i32
          %dma_wait3A_304 = arith.constant 0 : i32
          %dma_wait3A_305 = tpu.memref_slice %arg6[%dma_wait3A_303, %dma_wait3A_304] : memref<10000x256xf32, #tpu.memory_space<hbm>> -> memref<10000x256xf32, #tpu.memory_space<hbm>>
          tpu.wait_indirect_dma semaphore(%arg15 : memref<!tpu.dma_semaphore, #tpu.memory_space<semaphore_mem>>) src(%dma_wait3A_305 : memref<10000x256xf32, #tpu.memory_space<hbm>>) dst(%arg13 : memref<128x256xf32, #tpu.memory_space<vmem>>)
        } else {
        }
        %eq3A_128 = arith.constant 1 : i32
        %eq3A_129 = arith.cmpi eq, %arg0, %eq3A_128 : i32
        %convert_element_type3A_130 = arith.extui %eq3A_129 : i1 to i32
        %cond3A_131 = arith.constant 0 : i32
        %cond3A_132 = arith.cmpi ne, %convert_element_type3A_130, %cond3A_131 : i32
        scf.if %cond3A_132 {
          %dma_start3A = arith.constant 0 : i32
          %dma_start3A_290 = arith.constant 0 : i32
          %dma_start3A_291 = tpu.memref_slice %arg5[%dma_start3A, %dma_start3A_290] : memref<10000x16xf32, #tpu.memory_space<hbm>> -> memref<10000x16xf32, #tpu.memory_space<hbm>>
          tpu.enqueue_indirect_dma source(%dma_start3A_291 : memref<10000x16xf32, #tpu.memory_space<hbm>>) target(%arg11 : memref<128x16xf32, #tpu.memory_space<vmem>>) offsets(%arg9 : memref<128xi32, #tpu.memory_space<vmem>>) semaphore(%arg15 : memref<!tpu.dma_semaphore, #tpu.memory_space<semaphore_mem>>)
          %dma_start3A_292 = arith.constant 0 : i32
          %dma_start3A_293 = arith.constant 0 : i32
          %dma_start3A_294 = tpu.memref_slice %arg5[%dma_start3A_292, %dma_start3A_293] : memref<10000x16xf32, #tpu.memory_space<hbm>> -> memref<10000x16xf32, #tpu.memory_space<hbm>>
          tpu.enqueue_indirect_dma source(%dma_start3A_294 : memref<10000x16xf32, #tpu.memory_space<hbm>>) target(%arg12 : memref<128x16xf32, #tpu.memory_space<vmem>>) offsets(%arg10 : memref<128xi32, #tpu.memory_space<vmem>>) semaphore(%arg15 : memref<!tpu.dma_semaphore, #tpu.memory_space<semaphore_mem>>)
          %dma_start3A_295 = arith.constant 0 : i32
          %dma_start3A_296 = arith.constant 0 : i32
          %dma_start3A_297 = tpu.memref_slice %arg7[%dma_start3A_295, %dma_start3A_296] : memref<10000x256xf32, #tpu.memory_space<hbm>> -> memref<10000x256xf32, #tpu.memory_space<hbm>>
          tpu.enqueue_indirect_dma source(%dma_start3A_297 : memref<10000x256xf32, #tpu.memory_space<hbm>>) target(%arg13 : memref<128x256xf32, #tpu.memory_space<vmem>>) offsets(%arg9 : memref<128xi32, #tpu.memory_space<vmem>>) semaphore(%arg15 : memref<!tpu.dma_semaphore, #tpu.memory_space<semaphore_mem>>)
          %dma_wait3A = arith.constant 0 : i32
          %dma_wait3A_298 = arith.constant 0 : i32
          %dma_wait3A_299 = tpu.memref_slice %arg5[%dma_wait3A, %dma_wait3A_298] : memref<10000x16xf32, #tpu.memory_space<hbm>> -> memref<10000x16xf32, #tpu.memory_space<hbm>>
          tpu.wait_indirect_dma semaphore(%arg15 : memref<!tpu.dma_semaphore, #tpu.memory_space<semaphore_mem>>) src(%dma_wait3A_299 : memref<10000x16xf32, #tpu.memory_space<hbm>>) dst(%arg11 : memref<128x16xf32, #tpu.memory_space<vmem>>)
          %dma_wait3A_300 = arith.constant 0 : i32
          %dma_wait3A_301 = arith.constant 0 : i32
          %dma_wait3A_302 = tpu.memref_slice %arg5[%dma_wait3A_300, %dma_wait3A_301] : memref<10000x16xf32, #tpu.memory_space<hbm>> -> memref<10000x16xf32, #tpu.memory_space<hbm>>
          tpu.wait_indirect_dma semaphore(%arg15 : memref<!tpu.dma_semaphore, #tpu.memory_space<semaphore_mem>>) src(%dma_wait3A_302 : memref<10000x16xf32, #tpu.memory_space<hbm>>) dst(%arg12 : memref<128x16xf32, #tpu.memory_space<vmem>>)
          %dma_wait3A_303 = arith.constant 0 : i32
          %dma_wait3A_304 = arith.constant 0 : i32
          %dma_wait3A_305 = tpu.memref_slice %arg7[%dma_wait3A_303, %dma_wait3A_304] : memref<10000x256xf32, #tpu.memory_space<hbm>> -> memref<10000x256xf32, #tpu.memory_space<hbm>>
          tpu.wait_indirect_dma semaphore(%arg15 : memref<!tpu.dma_semaphore, #tpu.memory_space<semaphore_mem>>) src(%dma_wait3A_305 : memref<10000x256xf32, #tpu.memory_space<hbm>>) dst(%arg13 : memref<128x256xf32, #tpu.memory_space<vmem>>)
        } else {
        }
        %get3A = arith.constant 0 : index
        %get3A_133 = tpu.vector_load %arg10[%get3A] {strides = array<i32>} : memref<128xi32, #tpu.memory_space<vmem>>, vector<16xi32>,
        %get3A_134 = vector.shape_cast %get3A_133 : vector<16xi32> to vector<16xi32>
        %sub3A = arith.constant 5000 : i32
        %sub3A_135 = vector.broadcast %sub3A : i32 to vector<16xi32>
        %sub3A_136 = arith.subi %get3A_134, %sub3A_135 : vector<16xi32>
        %ge3A = arith.constant 0 : i32
        %ge3A_137 = vector.broadcast %ge3A : i32 to vector<16xi32>
        %ge3A_138 = arith.cmpi sge, %sub3A_136, %ge3A_137 : vector<16xi32>
        %lt3A_139 = arith.constant 5000 : i32
        %lt3A_140 = vector.broadcast %lt3A_139 : i32 to vector<16xi32>
        %lt3A_141 = arith.cmpi slt, %sub3A_136, %lt3A_140 : vector<16xi32>
        %and3A = arith.andi %ge3A_138, %lt3A_141 : vector<16xi1>
        %jit3A_142 = arith.constant 5119 : i32
        %broadcast_in_dim3A_143 = vector.broadcast %jit3A_142 : i32 to vector<16xi32>
        %select_n3A_144 = arith.select %and3A, %sub3A_136, %broadcast_in_dim3A_143 : vector<16xi1>, vector<16xi32>
        %swap3A = arith.constant 0 : index
        %swap3A_145 = tpu.vector_load %arg10[%swap3A] {strides = array<i32>} : memref<128xi32, #tpu.memory_space<vmem>>, vector<16xi32>,
        %swap3A_146 = vector.shape_cast %swap3A_145 : vector<16xi32> to vector<16xi32>
        %swap3A_147 = vector.shape_cast %select_n3A_144 : vector<16xi32> to vector<16xi32>
        tpu.vector_store %arg10[%swap3A], %swap3A_147 {strides = array<i32>} : memref<128xi32, #tpu.memory_space<vmem>>, vector<16xi32>,
        %get3A_148 = arith.constant 16 : index
        %get3A_149 = tpu.vector_load %arg10[%get3A_148] {strides = array<i32>} : memref<128xi32, #tpu.memory_space<vmem>>, vector<16xi32>,
        %get3A_150 = vector.shape_cast %get3A_149 : vector<16xi32> to vector<16xi32>
        %sub3A_151 = arith.constant 5000 : i32
        %sub3A_152 = vector.broadcast %sub3A_151 : i32 to vector<16xi32>
        %sub3A_153 = arith.subi %get3A_150, %sub3A_152 : vector<16xi32>
        %ge3A_154 = arith.constant 0 : i32
        %ge3A_155 = vector.broadcast %ge3A_154 : i32 to vector<16xi32>
        %ge3A_156 = arith.cmpi sge, %sub3A_153, %ge3A_155 : vector<16xi32>
        %lt3A_157 = arith.constant 5000 : i32
        %lt3A_158 = vector.broadcast %lt3A_157 : i32 to vector<16xi32>
        %lt3A_159 = arith.cmpi slt, %sub3A_153, %lt3A_158 : vector<16xi32>
        %and3A_160 = arith.andi %ge3A_156, %lt3A_159 : vector<16xi1>
        %jit3A_161 = arith.constant 5119 : i32
        %broadcast_in_dim3A_162 = vector.broadcast %jit3A_161 : i32 to vector<16xi32>
        %select_n3A_163 = arith.select %and3A_160, %sub3A_153, %broadcast_in_dim3A_162 : vector<16xi1>, vector<16xi32>
        %swap3A_164 = arith.constant 16 : index
        %swap3A_165 = tpu.vector_load %arg10[%swap3A_164] {strides = array<i32>} : memref<128xi32, #tpu.memory_space<vmem>>, vector<16xi32>,
        %swap3A_166 = vector.shape_cast %swap3A_165 : vector<16xi32> to vector<16xi32>
        %swap3A_167 = vector.shape_cast %select_n3A_163 : vector<16xi32> to vector<16xi32>
        tpu.vector_store %arg10[%swap3A_164], %swap3A_167 {strides = array<i32>} : memref<128xi32, #tpu.memory_space<vmem>>, vector<16xi32>,
        %get3A_168 = arith.constant 32 : index
        %get3A_169 = tpu.vector_load %arg10[%get3A_168] {strides = array<i32>} : memref<128xi32, #tpu.memory_space<vmem>>, vector<16xi32>,
        %get3A_170 = vector.shape_cast %get3A_169 : vector<16xi32> to vector<16xi32>
        %sub3A_171 = arith.constant 5000 : i32
        %sub3A_172 = vector.broadcast %sub3A_171 : i32 to vector<16xi32>
        %sub3A_173 = arith.subi %get3A_170, %sub3A_172 : vector<16xi32>
        %ge3A_174 = arith.constant 0 : i32
        %ge3A_175 = vector.broadcast %ge3A_174 : i32 to vector<16xi32>
        %ge3A_176 = arith.cmpi sge, %sub3A_173, %ge3A_175 : vector<16xi32>
        %lt3A_177 = arith.constant 5000 : i32
        %lt3A_178 = vector.broadcast %lt3A_177 : i32 to vector<16xi32>
        %lt3A_179 = arith.cmpi slt, %sub3A_173, %lt3A_178 : vector<16xi32>
        %and3A_180 = arith.andi %ge3A_176, %lt3A_179 : vector<16xi1>
        %jit3A_181 = arith.constant 5119 : i32
        %broadcast_in_dim3A_182 = vector.broadcast %jit3A_181 : i32 to vector<16xi32>
        %select_n3A_183 = arith.select %and3A_180, %sub3A_173, %broadcast_in_dim3A_182 : vector<16xi1>, vector<16xi32>
        %swap3A_184 = arith.constant 32 : index
        %swap3A_185 = tpu.vector_load %arg10[%swap3A_184] {strides = array<i32>} : memref<128xi32, #tpu.memory_space<vmem>>, vector<16xi32>,
        %swap3A_186 = vector.shape_cast %swap3A_185 : vector<16xi32> to vector<16xi32>
        %swap3A_187 = vector.shape_cast %select_n3A_183 : vector<16xi32> to vector<16xi32>
        tpu.vector_store %arg10[%swap3A_184], %swap3A_187 {strides = array<i32>} : memref<128xi32, #tpu.memory_space<vmem>>, vector<16xi32>,
        %get3A_188 = arith.constant 48 : index
        %get3A_189 = tpu.vector_load %arg10[%get3A_188] {strides = array<i32>} : memref<128xi32, #tpu.memory_space<vmem>>, vector<16xi32>,
        %get3A_190 = vector.shape_cast %get3A_189 : vector<16xi32> to vector<16xi32>
        %sub3A_191 = arith.constant 5000 : i32
        %sub3A_192 = vector.broadcast %sub3A_191 : i32 to vector<16xi32>
        %sub3A_193 = arith.subi %get3A_190, %sub3A_192 : vector<16xi32>
        %ge3A_194 = arith.constant 0 : i32
        %ge3A_195 = vector.broadcast %ge3A_194 : i32 to vector<16xi32>
        %ge3A_196 = arith.cmpi sge, %sub3A_193, %ge3A_195 : vector<16xi32>
        %lt3A_197 = arith.constant 5000 : i32
        %lt3A_198 = vector.broadcast %lt3A_197 : i32 to vector<16xi32>
        %lt3A_199 = arith.cmpi slt, %sub3A_193, %lt3A_198 : vector<16xi32>
        %and3A_200 = arith.andi %ge3A_196, %lt3A_199 : vector<16xi1>
        %jit3A_201 = arith.constant 5119 : i32
        %broadcast_in_dim3A_202 = vector.broadcast %jit3A_201 : i32 to vector<16xi32>
        %select_n3A_203 = arith.select %and3A_200, %sub3A_193, %broadcast_in_dim3A_202 : vector<16xi1>, vector<16xi32>
        %swap3A_204 = arith.constant 48 : index
        %swap3A_205 = tpu.vector_load %arg10[%swap3A_204] {strides = array<i32>} : memref<128xi32, #tpu.memory_space<vmem>>, vector<16xi32>,
        %swap3A_206 = vector.shape_cast %swap3A_205 : vector<16xi32> to vector<16xi32>
        %swap3A_207 = vector.shape_cast %select_n3A_203 : vector<16xi32> to vector<16xi32>
        tpu.vector_store %arg10[%swap3A_204], %swap3A_207 {strides = array<i32>} : memref<128xi32, #tpu.memory_space<vmem>>, vector<16xi32>,
        %get3A_208 = arith.constant 64 : index
        %get3A_209 = tpu.vector_load %arg10[%get3A_208] {strides = array<i32>} : memref<128xi32, #tpu.memory_space<vmem>>, vector<16xi32>,
        %get3A_210 = vector.shape_cast %get3A_209 : vector<16xi32> to vector<16xi32>
        %sub3A_211 = arith.constant 5000 : i32
        %sub3A_212 = vector.broadcast %sub3A_211 : i32 to vector<16xi32>
        %sub3A_213 = arith.subi %get3A_210, %sub3A_212 : vector<16xi32>
        %ge3A_214 = arith.constant 0 : i32
        %ge3A_215 = vector.broadcast %ge3A_214 : i32 to vector<16xi32>
        %ge3A_216 = arith.cmpi sge, %sub3A_213, %ge3A_215 : vector<16xi32>
        %lt3A_217 = arith.constant 5000 : i32
        %lt3A_218 = vector.broadcast %lt3A_217 : i32 to vector<16xi32>
        %lt3A_219 = arith.cmpi slt, %sub3A_213, %lt3A_218 : vector<16xi32>
        %and3A_220 = arith.andi %ge3A_216, %lt3A_219 : vector<16xi1>
        %jit3A_221 = arith.constant 5119 : i32
        %broadcast_in_dim3A_222 = vector.broadcast %jit3A_221 : i32 to vector<16xi32>
        %select_n3A_223 = arith.select %and3A_220, %sub3A_213, %broadcast_in_dim3A_222 : vector<16xi1>, vector<16xi32>
        %swap3A_224 = arith.constant 64 : index
        %swap3A_225 = tpu.vector_load %arg10[%swap3A_224] {strides = array<i32>} : memref<128xi32, #tpu.memory_space<vmem>>, vector<16xi32>,
        %swap3A_226 = vector.shape_cast %swap3A_225 : vector<16xi32> to vector<16xi32>
        %swap3A_227 = vector.shape_cast %select_n3A_223 : vector<16xi32> to vector<16xi32>
        tpu.vector_store %arg10[%swap3A_224], %swap3A_227 {strides = array<i32>} : memref<128xi32, #tpu.memory_space<vmem>>, vector<16xi32>,
        %get3A_228 = arith.constant 80 : index
        %get3A_229 = tpu.vector_load %arg10[%get3A_228] {strides = array<i32>} : memref<128xi32, #tpu.memory_space<vmem>>, vector<16xi32>,
        %get3A_230 = vector.shape_cast %get3A_229 : vector<16xi32> to vector<16xi32>
        %sub3A_231 = arith.constant 5000 : i32
        %sub3A_232 = vector.broadcast %sub3A_231 : i32 to vector<16xi32>
        %sub3A_233 = arith.subi %get3A_230, %sub3A_232 : vector<16xi32>
        %ge3A_234 = arith.constant 0 : i32
        %ge3A_235 = vector.broadcast %ge3A_234 : i32 to vector<16xi32>
        %ge3A_236 = arith.cmpi sge, %sub3A_233, %ge3A_235 : vector<16xi32>
        %lt3A_237 = arith.constant 5000 : i32
        %lt3A_238 = vector.broadcast %lt3A_237 : i32 to vector<16xi32>
        %lt3A_239 = arith.cmpi slt, %sub3A_233, %lt3A_238 : vector<16xi32>
        %and3A_240 = arith.andi %ge3A_236, %lt3A_239 : vector<16xi1>
        %jit3A_241 = arith.constant 5119 : i32
        %broadcast_in_dim3A_242 = vector.broadcast %jit3A_241 : i32 to vector<16xi32>
        %select_n3A_243 = arith.select %and3A_240, %sub3A_233, %broadcast_in_dim3A_242 : vector<16xi1>, vector<16xi32>
        %swap3A_244 = arith.constant 80 : index
        %swap3A_245 = tpu.vector_load %arg10[%swap3A_244] {strides = array<i32>} : memref<128xi32, #tpu.memory_space<vmem>>, vector<16xi32>,
        %swap3A_246 = vector.shape_cast %swap3A_245 : vector<16xi32> to vector<16xi32>
        %swap3A_247 = vector.shape_cast %select_n3A_243 : vector<16xi32> to vector<16xi32>
        tpu.vector_store %arg10[%swap3A_244], %swap3A_247 {strides = array<i32>} : memref<128xi32, #tpu.memory_space<vmem>>, vector<16xi32>,
        %get3A_248 = arith.constant 96 : index
        %get3A_249 = tpu.vector_load %arg10[%get3A_248] {strides = array<i32>} : memref<128xi32, #tpu.memory_space<vmem>>, vector<16xi32>,
        %get3A_250 = vector.shape_cast %get3A_249 : vector<16xi32> to vector<16xi32>
        %sub3A_251 = arith.constant 5000 : i32
        %sub3A_252 = vector.broadcast %sub3A_251 : i32 to vector<16xi32>
        %sub3A_253 = arith.subi %get3A_250, %sub3A_252 : vector<16xi32>
        %ge3A_254 = arith.constant 0 : i32
        %ge3A_255 = vector.broadcast %ge3A_254 : i32 to vector<16xi32>
        %ge3A_256 = arith.cmpi sge, %sub3A_253, %ge3A_255 : vector<16xi32>
        %lt3A_257 = arith.constant 5000 : i32
        %lt3A_258 = vector.broadcast %lt3A_257 : i32 to vector<16xi32>
        %lt3A_259 = arith.cmpi slt, %sub3A_253, %lt3A_258 : vector<16xi32>
        %and3A_260 = arith.andi %ge3A_256, %lt3A_259 : vector<16xi1>
        %jit3A_261 = arith.constant 5119 : i32
        %broadcast_in_dim3A_262 = vector.broadcast %jit3A_261 : i32 to vector<16xi32>
        %select_n3A_263 = arith.select %and3A_260, %sub3A_253, %broadcast_in_dim3A_262 : vector<16xi1>, vector<16xi32>
        %swap3A_264 = arith.constant 96 : index
        %swap3A_265 = tpu.vector_load %arg10[%swap3A_264] {strides = array<i32>} : memref<128xi32, #tpu.memory_space<vmem>>, vector<16xi32>,
        %swap3A_266 = vector.shape_cast %swap3A_265 : vector<16xi32> to vector<16xi32>
        %swap3A_267 = vector.shape_cast %select_n3A_263 : vector<16xi32> to vector<16xi32>
        tpu.vector_store %arg10[%swap3A_264], %swap3A_267 {strides = array<i32>} : memref<128xi32, #tpu.memory_space<vmem>>, vector<16xi32>,
        %get3A_268 = arith.constant 112 : index
        %get3A_269 = tpu.vector_load %arg10[%get3A_268] {strides = array<i32>} : memref<128xi32, #tpu.memory_space<vmem>>, vector<16xi32>,
        %get3A_270 = vector.shape_cast %get3A_269 : vector<16xi32> to vector<16xi32>
        %sub3A_271 = arith.constant 5000 : i32
        %sub3A_272 = vector.broadcast %sub3A_271 : i32 to vector<16xi32>
        %sub3A_273 = arith.subi %get3A_270, %sub3A_272 : vector<16xi32>
        %ge3A_274 = arith.constant 0 : i32
        %ge3A_275 = vector.broadcast %ge3A_274 : i32 to vector<16xi32>
        %ge3A_276 = arith.cmpi sge, %sub3A_273, %ge3A_275 : vector<16xi32>
        %lt3A_277 = arith.constant 5000 : i32
        %lt3A_278 = vector.broadcast %lt3A_277 : i32 to vector<16xi32>
        %lt3A_279 = arith.cmpi slt, %sub3A_273, %lt3A_278 : vector<16xi32>
        %and3A_280 = arith.andi %ge3A_276, %lt3A_279 : vector<16xi1>
        %jit3A_281 = arith.constant 5119 : i32
        %broadcast_in_dim3A_282 = vector.broadcast %jit3A_281 : i32 to vector<16xi32>
        %select_n3A_283 = arith.select %and3A_280, %sub3A_273, %broadcast_in_dim3A_282 : vector<16xi1>, vector<16xi32>
        %swap3A_284 = arith.constant 112 : index
        %swap3A_285 = tpu.vector_load %arg10[%swap3A_284] {strides = array<i32>} : memref<128xi32, #tpu.memory_space<vmem>>, vector<16xi32>,
        %swap3A_286 = vector.shape_cast %swap3A_285 : vector<16xi32> to vector<16xi32>
        %swap3A_287 = vector.shape_cast %select_n3A_283 : vector<16xi32> to vector<16xi32>
        tpu.vector_store %arg10[%swap3A_284], %swap3A_287 {strides = array<i32>} : memref<128xi32, #tpu.memory_space<vmem>>, vector<16xi32>,
        %parallel_loop3A = arith.constant 0 : i32
        %parallel_loop3A_288 = arith.constant 128 : i32
        %parallel_loop3A_289 = arith.constant 1 : i32
        scf.for %parallel_loop3A_290 = %parallel_loop3A to %parallel_loop3A_288 step %parallel_loop3A_289  : i32 {
          %parallel_loop3A_291 = arith.index_cast %parallel_loop3A_290 : i32 to index
          %parallel_loop3A_292 = arith.constant 0 : index
          %parallel_loop3A_293 = tpu.vector_load %arg11[%parallel_loop3A_291, %parallel_loop3A_292] {strides = array<i32>} : memref<128x16xf32, #tpu.memory_space<vmem>>, vector<1x16xf32>,
          %parallel_loop3A_294 = vector.shape_cast %parallel_loop3A_293 : vector<1x16xf32> to vector<16xf32>
          %parallel_loop3A_295 = arith.index_cast %parallel_loop3A_290 : i32 to index
          %parallel_loop3A_296 = arith.constant 0 : index
          %parallel_loop3A_297 = tpu.vector_load %arg12[%parallel_loop3A_295, %parallel_loop3A_296] {strides = array<i32>} : memref<128x16xf32, #tpu.memory_space<vmem>>, vector<1x16xf32>,
          %parallel_loop3A_298 = vector.shape_cast %parallel_loop3A_297 : vector<1x16xf32> to vector<16xf32>
          %parallel_loop3A_299 = arith.constant 0 : i32
          %parallel_loop3A_300 = vector.broadcast %parallel_loop3A_299 : i32 to vector<16xi32>
          %parallel_loop3A_301 = arith.cmpi slt, %select_n3A_11, %parallel_loop3A_300 : vector<16xi32>
          %parallel_loop3A_302 = arith.constant 16 : i32
          %parallel_loop3A_303 = vector.broadcast %parallel_loop3A_302 : i32 to vector<16xi32>
          %parallel_loop3A_304 = arith.addi %select_n3A_11, %parallel_loop3A_303 : vector<16xi32>
          %parallel_loop3A_305 = arith.select %parallel_loop3A_301, %parallel_loop3A_304, %select_n3A_11 : vector<16xi1>, vector<16xi32>
          %parallel_loop3A_306 = vector.shape_cast %parallel_loop3A_305 : vector<16xi32> to vector<16x1xi32>
          %parallel_loop3A_307 = vector.shape_cast %parallel_loop3A_306 : vector<16x1xi32> to vector<16xi32>
          %parallel_loop3A_308 = tpu.dynamic_gather %parallel_loop3A_298[%parallel_loop3A_307] in [0] : vector<16xf32>, vector<16xi32> -> vector<16xf32>
          %parallel_loop3A_309 = arith.addf %parallel_loop3A_294, %parallel_loop3A_308 : vector<16xf32>
          %parallel_loop3A_310 = arith.constant 0.000000e+00 : f32
          %parallel_loop3A_311 = vector.broadcast %parallel_loop3A_310 : f32 to vector<16xf32>
          %parallel_loop3A_312 = arith.cmpf oge, %parallel_loop3A_309, %parallel_loop3A_311 : vector<16xf32>
          %parallel_loop3A_313 = arith.constant 2.000000e-01 : f32
          %parallel_loop3A_314 = vector.broadcast %parallel_loop3A_313 : f32 to vector<16xf32>
          %parallel_loop3A_315 = arith.mulf %parallel_loop3A_314, %parallel_loop3A_309 : vector<16xf32>
          %parallel_loop3A_316 = arith.select %parallel_loop3A_312, %parallel_loop3A_309, %parallel_loop3A_315 : vector<16xi1>, vector<16xf32>
          %parallel_loop3A_317 = math.exp %parallel_loop3A_316 : vector<16xf32>
          %parallel_loop3A_318 = vector.extract_strided_slice %parallel_loop3A_317 {offsets = [0], sizes = [1], strides = [1]} : vector<16xf32> to vector<1xf32>
          %parallel_loop3A_319 = vector.extract %parallel_loop3A_318[0] : f32 from vector<1xf32>
          %parallel_loop3A_320 = vector.broadcast %parallel_loop3A_319 : f32 to vector<16xf32>
          %parallel_loop3A_321 = vector.extract_strided_slice %parallel_loop3A_317 {offsets = [1], sizes = [1], strides = [1]} : vector<16xf32> to vector<1xf32>
          %parallel_loop3A_322 = vector.extract %parallel_loop3A_321[0] : f32 from vector<1xf32>
          %parallel_loop3A_323 = vector.broadcast %parallel_loop3A_322 : f32 to vector<16xf32>
          %parallel_loop3A_324 = arith.index_cast %parallel_loop3A_290 : i32 to index
          %parallel_loop3A_325 = arith.constant 0 : index
          %parallel_loop3A_326 = tpu.vector_load %arg13[%parallel_loop3A_324, %parallel_loop3A_325] {strides = array<i32>} : memref<128x256xf32, #tpu.memory_space<vmem>>, vector<1x16xf32>,
          %parallel_loop3A_327 = vector.shape_cast %parallel_loop3A_326 : vector<1x16xf32> to vector<16xf32>
          %parallel_loop3A_328 = arith.mulf %parallel_loop3A_327, %parallel_loop3A_320 : vector<16xf32>
          %parallel_loop3A_329 = arith.index_cast %parallel_loop3A_290 : i32 to index
          %parallel_loop3A_330 = arith.constant 0 : index
          %parallel_loop3A_331 = tpu.vector_load %arg13[%parallel_loop3A_329, %parallel_loop3A_330] {strides = array<i32>} : memref<128x256xf32, #tpu.memory_space<vmem>>, vector<1x16xf32>,
          %parallel_loop3A_332 = vector.shape_cast %parallel_loop3A_331 : vector<1x16xf32> to vector<16xf32>
          %parallel_loop3A_333 = vector.shape_cast %parallel_loop3A_328 : vector<16xf32> to vector<1x16xf32>
          tpu.vector_store %arg13[%parallel_loop3A_329, %parallel_loop3A_330], %parallel_loop3A_333 {strides = array<i32>} : memref<128x256xf32, #tpu.memory_space<vmem>>, vector<1x16xf32>,
          %parallel_loop3A_334 = arith.index_cast %parallel_loop3A_290 : i32 to index
          %parallel_loop3A_335 = arith.constant 16 : index
          %parallel_loop3A_336 = tpu.vector_load %arg13[%parallel_loop3A_334, %parallel_loop3A_335] {strides = array<i32>} : memref<128x256xf32, #tpu.memory_space<vmem>>, vector<1x16xf32>,
          %parallel_loop3A_337 = vector.shape_cast %parallel_loop3A_336 : vector<1x16xf32> to vector<16xf32>
          %parallel_loop3A_338 = arith.mulf %parallel_loop3A_337, %parallel_loop3A_320 : vector<16xf32>
          %parallel_loop3A_339 = arith.index_cast %parallel_loop3A_290 : i32 to index
          %parallel_loop3A_340 = arith.constant 16 : index
          %parallel_loop3A_341 = tpu.vector_load %arg13[%parallel_loop3A_339, %parallel_loop3A_340] {strides = array<i32>} : memref<128x256xf32, #tpu.memory_space<vmem>>, vector<1x16xf32>,
          %parallel_loop3A_342 = vector.shape_cast %parallel_loop3A_341 : vector<1x16xf32> to vector<16xf32>
          %parallel_loop3A_343 = vector.shape_cast %parallel_loop3A_338 : vector<16xf32> to vector<1x16xf32>
          tpu.vector_store %arg13[%parallel_loop3A_339, %parallel_loop3A_340], %parallel_loop3A_343 {strides = array<i32>} : memref<128x256xf32, #tpu.memory_space<vmem>>, vector<1x16xf32>,
          %parallel_loop3A_344 = arith.index_cast %parallel_loop3A_290 : i32 to index
          %parallel_loop3A_345 = arith.constant 32 : index
          %parallel_loop3A_346 = tpu.vector_load %arg13[%parallel_loop3A_344, %parallel_loop3A_345] {strides = array<i32>} : memref<128x256xf32, #tpu.memory_space<vmem>>, vector<1x16xf32>,
          %parallel_loop3A_347 = vector.shape_cast %parallel_loop3A_346 : vector<1x16xf32> to vector<16xf32>
          %parallel_loop3A_348 = arith.mulf %parallel_loop3A_347, %parallel_loop3A_320 : vector<16xf32>
          %parallel_loop3A_349 = arith.index_cast %parallel_loop3A_290 : i32 to index
          %parallel_loop3A_350 = arith.constant 32 : index
          %parallel_loop3A_351 = tpu.vector_load %arg13[%parallel_loop3A_349, %parallel_loop3A_350] {strides = array<i32>} : memref<128x256xf32, #tpu.memory_space<vmem>>, vector<1x16xf32>,
          %parallel_loop3A_352 = vector.shape_cast %parallel_loop3A_351 : vector<1x16xf32> to vector<16xf32>
          %parallel_loop3A_353 = vector.shape_cast %parallel_loop3A_348 : vector<16xf32> to vector<1x16xf32>
          tpu.vector_store %arg13[%parallel_loop3A_349, %parallel_loop3A_350], %parallel_loop3A_353 {strides = array<i32>} : memref<128x256xf32, #tpu.memory_space<vmem>>, vector<1x16xf32>,
          %parallel_loop3A_354 = arith.index_cast %parallel_loop3A_290 : i32 to index
          %parallel_loop3A_355 = arith.constant 48 : index
          %parallel_loop3A_356 = tpu.vector_load %arg13[%parallel_loop3A_354, %parallel_loop3A_355] {strides = array<i32>} : memref<128x256xf32, #tpu.memory_space<vmem>>, vector<1x16xf32>,
          %parallel_loop3A_357 = vector.shape_cast %parallel_loop3A_356 : vector<1x16xf32> to vector<16xf32>
          %parallel_loop3A_358 = arith.mulf %parallel_loop3A_357, %parallel_loop3A_320 : vector<16xf32>
          %parallel_loop3A_359 = arith.index_cast %parallel_loop3A_290 : i32 to index
          %parallel_loop3A_360 = arith.constant 48 : index
          %parallel_loop3A_361 = tpu.vector_load %arg13[%parallel_loop3A_359, %parallel_loop3A_360] {strides = array<i32>} : memref<128x256xf32, #tpu.memory_space<vmem>>, vector<1x16xf32>,
          %parallel_loop3A_362 = vector.shape_cast %parallel_loop3A_361 : vector<1x16xf32> to vector<16xf32>
          %parallel_loop3A_363 = vector.shape_cast %parallel_loop3A_358 : vector<16xf32> to vector<1x16xf32>
          tpu.vector_store %arg13[%parallel_loop3A_359, %parallel_loop3A_360], %parallel_loop3A_363 {strides = array<i32>} : memref<128x256xf32, #tpu.memory_space<vmem>>, vector<1x16xf32>,
          %parallel_loop3A_364 = arith.index_cast %parallel_loop3A_290 : i32 to index
          %parallel_loop3A_365 = arith.constant 64 : index
          %parallel_loop3A_366 = tpu.vector_load %arg13[%parallel_loop3A_364, %parallel_loop3A_365] {strides = array<i32>} : memref<128x256xf32, #tpu.memory_space<vmem>>, vector<1x16xf32>,
          %parallel_loop3A_367 = vector.shape_cast %parallel_loop3A_366 : vector<1x16xf32> to vector<16xf32>
          %parallel_loop3A_368 = arith.mulf %parallel_loop3A_367, %parallel_loop3A_320 : vector<16xf32>
          %parallel_loop3A_369 = arith.index_cast %parallel_loop3A_290 : i32 to index
          %parallel_loop3A_370 = arith.constant 64 : index
          %parallel_loop3A_371 = tpu.vector_load %arg13[%parallel_loop3A_369, %parallel_loop3A_370] {strides = array<i32>} : memref<128x256xf32, #tpu.memory_space<vmem>>, vector<1x16xf32>,
          %parallel_loop3A_372 = vector.shape_cast %parallel_loop3A_371 : vector<1x16xf32> to vector<16xf32>
          %parallel_loop3A_373 = vector.shape_cast %parallel_loop3A_368 : vector<16xf32> to vector<1x16xf32>
          tpu.vector_store %arg13[%parallel_loop3A_369, %parallel_loop3A_370], %parallel_loop3A_373 {strides = array<i32>} : memref<128x256xf32, #tpu.memory_space<vmem>>, vector<1x16xf32>,
          %parallel_loop3A_374 = arith.index_cast %parallel_loop3A_290 : i32 to index
          %parallel_loop3A_375 = arith.constant 80 : index
          %parallel_loop3A_376 = tpu.vector_load %arg13[%parallel_loop3A_374, %parallel_loop3A_375] {strides = array<i32>} : memref<128x256xf32, #tpu.memory_space<vmem>>, vector<1x16xf32>,
          %parallel_loop3A_377 = vector.shape_cast %parallel_loop3A_376 : vector<1x16xf32> to vector<16xf32>
          %parallel_loop3A_378 = arith.mulf %parallel_loop3A_377, %parallel_loop3A_320 : vector<16xf32>
          %parallel_loop3A_379 = arith.index_cast %parallel_loop3A_290 : i32 to index
          %parallel_loop3A_380 = arith.constant 80 : index
          %parallel_loop3A_381 = tpu.vector_load %arg13[%parallel_loop3A_379, %parallel_loop3A_380] {strides = array<i32>} : memref<128x256xf32, #tpu.memory_space<vmem>>, vector<1x16xf32>,
          %parallel_loop3A_382 = vector.shape_cast %parallel_loop3A_381 : vector<1x16xf32> to vector<16xf32>
          %parallel_loop3A_383 = vector.shape_cast %parallel_loop3A_378 : vector<16xf32> to vector<1x16xf32>
          tpu.vector_store %arg13[%parallel_loop3A_379, %parallel_loop3A_380], %parallel_loop3A_383 {strides = array<i32>} : memref<128x256xf32, #tpu.memory_space<vmem>>, vector<1x16xf32>,
          %parallel_loop3A_384 = arith.index_cast %parallel_loop3A_290 : i32 to index
          %parallel_loop3A_385 = arith.constant 96 : index
          %parallel_loop3A_386 = tpu.vector_load %arg13[%parallel_loop3A_384, %parallel_loop3A_385] {strides = array<i32>} : memref<128x256xf32, #tpu.memory_space<vmem>>, vector<1x16xf32>,
          %parallel_loop3A_387 = vector.shape_cast %parallel_loop3A_386 : vector<1x16xf32> to vector<16xf32>
          %parallel_loop3A_388 = arith.mulf %parallel_loop3A_387, %parallel_loop3A_320 : vector<16xf32>
          %parallel_loop3A_389 = arith.index_cast %parallel_loop3A_290 : i32 to index
          %parallel_loop3A_390 = arith.constant 96 : index
          %parallel_loop3A_391 = tpu.vector_load %arg13[%parallel_loop3A_389, %parallel_loop3A_390] {strides = array<i32>} : memref<128x256xf32, #tpu.memory_space<vmem>>, vector<1x16xf32>,
          %parallel_loop3A_392 = vector.shape_cast %parallel_loop3A_391 : vector<1x16xf32> to vector<16xf32>
          %parallel_loop3A_393 = vector.shape_cast %parallel_loop3A_388 : vector<16xf32> to vector<1x16xf32>
          tpu.vector_store %arg13[%parallel_loop3A_389, %parallel_loop3A_390], %parallel_loop3A_393 {strides = array<i32>} : memref<128x256xf32, #tpu.memory_space<vmem>>, vector<1x16xf32>,
          %parallel_loop3A_394 = arith.index_cast %parallel_loop3A_290 : i32 to index
          %parallel_loop3A_395 = arith.constant 112 : index
          %parallel_loop3A_396 = tpu.vector_load %arg13[%parallel_loop3A_394, %parallel_loop3A_395] {strides = array<i32>} : memref<128x256xf32, #tpu.memory_space<vmem>>, vector<1x16xf32>,
          %parallel_loop3A_397 = vector.shape_cast %parallel_loop3A_396 : vector<1x16xf32> to vector<16xf32>
          %parallel_loop3A_398 = arith.constant 112 : i32
          %parallel_loop3A_399 = vector.broadcast %parallel_loop3A_398 : i32 to vector<16xi32>
          %parallel_loop3A_400 = arith.addi %iota3A, %parallel_loop3A_399 : vector<16xi32>
          %parallel_loop3A_401 = arith.constant 121 : i32
          %parallel_loop3A_402 = vector.broadcast %parallel_loop3A_401 : i32 to vector<16xi32>
          %parallel_loop3A_403 = arith.cmpi slt, %parallel_loop3A_400, %parallel_loop3A_402 : vector<16xi32>
          %parallel_loop3A_404 = arith.constant 242 : i32
          %parallel_loop3A_405 = vector.broadcast %parallel_loop3A_404 : i32 to vector<16xi32>
          %parallel_loop3A_406 = arith.cmpi slt, %parallel_loop3A_400, %parallel_loop3A_405 : vector<16xi32>
          %parallel_loop3A_407 = arith.constant 242 : i32
          %parallel_loop3A_408 = vector.broadcast %parallel_loop3A_407 : i32 to vector<16xi32>
          %parallel_loop3A_409 = arith.cmpi eq, %parallel_loop3A_400, %parallel_loop3A_408 : vector<16xi32>
          %parallel_loop3A_410 = arith.constant 243 : i32
          %parallel_loop3A_411 = vector.broadcast %parallel_loop3A_410 : i32 to vector<16xi32>
          %parallel_loop3A_412 = arith.cmpi eq, %parallel_loop3A_400, %parallel_loop3A_411 : vector<16xi32>
          %parallel_loop3A_413 = arith.select %parallel_loop3A_412, %parallel_loop3A_323, %broadcast_in_dim3A_0 : vector<16xi1>, vector<16xf32>
          %parallel_loop3A_414 = arith.select %parallel_loop3A_409, %parallel_loop3A_320, %parallel_loop3A_413 : vector<16xi1>, vector<16xf32>
          %parallel_loop3A_415 = arith.select %parallel_loop3A_406, %parallel_loop3A_323, %parallel_loop3A_414 : vector<16xi1>, vector<16xf32>
          %parallel_loop3A_416 = arith.select %parallel_loop3A_403, %parallel_loop3A_320, %parallel_loop3A_415 : vector<16xi1>, vector<16xf32>
          %parallel_loop3A_417 = arith.mulf %parallel_loop3A_397, %parallel_loop3A_416 : vector<16xf32>
          %parallel_loop3A_418 = arith.index_cast %parallel_loop3A_290 : i32 to index
          %parallel_loop3A_419 = arith.constant 112 : index
          %parallel_loop3A_420 = tpu.vector_load %arg13[%parallel_loop3A_418, %parallel_loop3A_419] {strides = array<i32>} : memref<128x256xf32, #tpu.memory_space<vmem>>, vector<1x16xf32>,
          %parallel_loop3A_421 = vector.shape_cast %parallel_loop3A_420 : vector<1x16xf32> to vector<16xf32>
          %parallel_loop3A_422 = vector.shape_cast %parallel_loop3A_417 : vector<16xf32> to vector<1x16xf32>
          tpu.vector_store %arg13[%parallel_loop3A_418, %parallel_loop3A_419], %parallel_loop3A_422 {strides = array<i32>} : memref<128x256xf32, #tpu.memory_space<vmem>>, vector<1x16xf32>,
          %parallel_loop3A_423 = arith.index_cast %parallel_loop3A_290 : i32 to index
          %parallel_loop3A_424 = arith.constant 128 : index
          %parallel_loop3A_425 = tpu.vector_load %arg13[%parallel_loop3A_423, %parallel_loop3A_424] {strides = array<i32>} : memref<128x256xf32, #tpu.memory_space<vmem>>, vector<1x16xf32>,
          %parallel_loop3A_426 = vector.shape_cast %parallel_loop3A_425 : vector<1x16xf32> to vector<16xf32>
          %parallel_loop3A_427 = arith.mulf %parallel_loop3A_426, %parallel_loop3A_323 : vector<16xf32>
          %parallel_loop3A_428 = arith.index_cast %parallel_loop3A_290 : i32 to index
          %parallel_loop3A_429 = arith.constant 128 : index
          %parallel_loop3A_430 = tpu.vector_load %arg13[%parallel_loop3A_428, %parallel_loop3A_429] {strides = array<i32>} : memref<128x256xf32, #tpu.memory_space<vmem>>, vector<1x16xf32>,
          %parallel_loop3A_431 = vector.shape_cast %parallel_loop3A_430 : vector<1x16xf32> to vector<16xf32>
          %parallel_loop3A_432 = vector.shape_cast %parallel_loop3A_427 : vector<16xf32> to vector<1x16xf32>
          tpu.vector_store %arg13[%parallel_loop3A_428, %parallel_loop3A_429], %parallel_loop3A_432 {strides = array<i32>} : memref<128x256xf32, #tpu.memory_space<vmem>>, vector<1x16xf32>,
          %parallel_loop3A_433 = arith.index_cast %parallel_loop3A_290 : i32 to index
          %parallel_loop3A_434 = arith.constant 144 : index
          %parallel_loop3A_435 = tpu.vector_load %arg13[%parallel_loop3A_433, %parallel_loop3A_434] {strides = array<i32>} : memref<128x256xf32, #tpu.memory_space<vmem>>, vector<1x16xf32>,
          %parallel_loop3A_436 = vector.shape_cast %parallel_loop3A_435 : vector<1x16xf32> to vector<16xf32>
          %parallel_loop3A_437 = arith.mulf %parallel_loop3A_436, %parallel_loop3A_323 : vector<16xf32>
          %parallel_loop3A_438 = arith.index_cast %parallel_loop3A_290 : i32 to index
          %parallel_loop3A_439 = arith.constant 144 : index
          %parallel_loop3A_440 = tpu.vector_load %arg13[%parallel_loop3A_438, %parallel_loop3A_439] {strides = array<i32>} : memref<128x256xf32, #tpu.memory_space<vmem>>, vector<1x16xf32>,
          %parallel_loop3A_441 = vector.shape_cast %parallel_loop3A_440 : vector<1x16xf32> to vector<16xf32>
          %parallel_loop3A_442 = vector.shape_cast %parallel_loop3A_437 : vector<16xf32> to vector<1x16xf32>
          tpu.vector_store %arg13[%parallel_loop3A_438, %parallel_loop3A_439], %parallel_loop3A_442 {strides = array<i32>} : memref<128x256xf32, #tpu.memory_space<vmem>>, vector<1x16xf32>,
          %parallel_loop3A_443 = arith.index_cast %parallel_loop3A_290 : i32 to index
          %parallel_loop3A_444 = arith.constant 160 : index
          %parallel_loop3A_445 = tpu.vector_load %arg13[%parallel_loop3A_443, %parallel_loop3A_444] {strides = array<i32>} : memref<128x256xf32, #tpu.memory_space<vmem>>, vector<1x16xf32>,
          %parallel_loop3A_446 = vector.shape_cast %parallel_loop3A_445 : vector<1x16xf32> to vector<16xf32>
          %parallel_loop3A_447 = arith.mulf %parallel_loop3A_446, %parallel_loop3A_323 : vector<16xf32>
          %parallel_loop3A_448 = arith.index_cast %parallel_loop3A_290 : i32 to index
          %parallel_loop3A_449 = arith.constant 160 : index
          %parallel_loop3A_450 = tpu.vector_load %arg13[%parallel_loop3A_448, %parallel_loop3A_449] {strides = array<i32>} : memref<128x256xf32, #tpu.memory_space<vmem>>, vector<1x16xf32>,
          %parallel_loop3A_451 = vector.shape_cast %parallel_loop3A_450 : vector<1x16xf32> to vector<16xf32>
          %parallel_loop3A_452 = vector.shape_cast %parallel_loop3A_447 : vector<16xf32> to vector<1x16xf32>
          tpu.vector_store %arg13[%parallel_loop3A_448, %parallel_loop3A_449], %parallel_loop3A_452 {strides = array<i32>} : memref<128x256xf32, #tpu.memory_space<vmem>>, vector<1x16xf32>,
          %parallel_loop3A_453 = arith.index_cast %parallel_loop3A_290 : i32 to index
          %parallel_loop3A_454 = arith.constant 176 : index
          %parallel_loop3A_455 = tpu.vector_load %arg13[%parallel_loop3A_453, %parallel_loop3A_454] {strides = array<i32>} : memref<128x256xf32, #tpu.memory_space<vmem>>, vector<1x16xf32>,
          %parallel_loop3A_456 = vector.shape_cast %parallel_loop3A_455 : vector<1x16xf32> to vector<16xf32>
          %parallel_loop3A_457 = arith.mulf %parallel_loop3A_456, %parallel_loop3A_323 : vector<16xf32>
          %parallel_loop3A_458 = arith.index_cast %parallel_loop3A_290 : i32 to index
          %parallel_loop3A_459 = arith.constant 176 : index
          %parallel_loop3A_460 = tpu.vector_load %arg13[%parallel_loop3A_458, %parallel_loop3A_459] {strides = array<i32>} : memref<128x256xf32, #tpu.memory_space<vmem>>, vector<1x16xf32>,
          %parallel_loop3A_461 = vector.shape_cast %parallel_loop3A_460 : vector<1x16xf32> to vector<16xf32>
          %parallel_loop3A_462 = vector.shape_cast %parallel_loop3A_457 : vector<16xf32> to vector<1x16xf32>
          tpu.vector_store %arg13[%parallel_loop3A_458, %parallel_loop3A_459], %parallel_loop3A_462 {strides = array<i32>} : memref<128x256xf32, #tpu.memory_space<vmem>>, vector<1x16xf32>,
          %parallel_loop3A_463 = arith.index_cast %parallel_loop3A_290 : i32 to index
          %parallel_loop3A_464 = arith.constant 192 : index
          %parallel_loop3A_465 = tpu.vector_load %arg13[%parallel_loop3A_463, %parallel_loop3A_464] {strides = array<i32>} : memref<128x256xf32, #tpu.memory_space<vmem>>, vector<1x16xf32>,
          %parallel_loop3A_466 = vector.shape_cast %parallel_loop3A_465 : vector<1x16xf32> to vector<16xf32>
          %parallel_loop3A_467 = arith.mulf %parallel_loop3A_466, %parallel_loop3A_323 : vector<16xf32>
          %parallel_loop3A_468 = arith.index_cast %parallel_loop3A_290 : i32 to index
          %parallel_loop3A_469 = arith.constant 192 : index
          %parallel_loop3A_470 = tpu.vector_load %arg13[%parallel_loop3A_468, %parallel_loop3A_469] {strides = array<i32>} : memref<128x256xf32, #tpu.memory_space<vmem>>, vector<1x16xf32>,
          %parallel_loop3A_471 = vector.shape_cast %parallel_loop3A_470 : vector<1x16xf32> to vector<16xf32>
          %parallel_loop3A_472 = vector.shape_cast %parallel_loop3A_467 : vector<16xf32> to vector<1x16xf32>
          tpu.vector_store %arg13[%parallel_loop3A_468, %parallel_loop3A_469], %parallel_loop3A_472 {strides = array<i32>} : memref<128x256xf32, #tpu.memory_space<vmem>>, vector<1x16xf32>,
          %parallel_loop3A_473 = arith.index_cast %parallel_loop3A_290 : i32 to index
          %parallel_loop3A_474 = arith.constant 208 : index
          %parallel_loop3A_475 = tpu.vector_load %arg13[%parallel_loop3A_473, %parallel_loop3A_474] {strides = array<i32>} : memref<128x256xf32, #tpu.memory_space<vmem>>, vector<1x16xf32>,
          %parallel_loop3A_476 = vector.shape_cast %parallel_loop3A_475 : vector<1x16xf32> to vector<16xf32>
          %parallel_loop3A_477 = arith.mulf %parallel_loop3A_476, %parallel_loop3A_323 : vector<16xf32>
          %parallel_loop3A_478 = arith.index_cast %parallel_loop3A_290 : i32 to index
          %parallel_loop3A_479 = arith.constant 208 : index
          %parallel_loop3A_480 = tpu.vector_load %arg13[%parallel_loop3A_478, %parallel_loop3A_479] {strides = array<i32>} : memref<128x256xf32, #tpu.memory_space<vmem>>, vector<1x16xf32>,
          %parallel_loop3A_481 = vector.shape_cast %parallel_loop3A_480 : vector<1x16xf32> to vector<16xf32>
          %parallel_loop3A_482 = vector.shape_cast %parallel_loop3A_477 : vector<16xf32> to vector<1x16xf32>
          tpu.vector_store %arg13[%parallel_loop3A_478, %parallel_loop3A_479], %parallel_loop3A_482 {strides = array<i32>} : memref<128x256xf32, #tpu.memory_space<vmem>>, vector<1x16xf32>,
          %parallel_loop3A_483 = arith.index_cast %parallel_loop3A_290 : i32 to index
          %parallel_loop3A_484 = arith.constant 224 : index
          %parallel_loop3A_485 = tpu.vector_load %arg13[%parallel_loop3A_483, %parallel_loop3A_484] {strides = array<i32>} : memref<128x256xf32, #tpu.memory_space<vmem>>, vector<1x16xf32>,
          %parallel_loop3A_486 = vector.shape_cast %parallel_loop3A_485 : vector<1x16xf32> to vector<16xf32>
          %parallel_loop3A_487 = arith.mulf %parallel_loop3A_486, %parallel_loop3A_323 : vector<16xf32>
          %parallel_loop3A_488 = arith.index_cast %parallel_loop3A_290 : i32 to index
          %parallel_loop3A_489 = arith.constant 224 : index
          %parallel_loop3A_490 = tpu.vector_load %arg13[%parallel_loop3A_488, %parallel_loop3A_489] {strides = array<i32>} : memref<128x256xf32, #tpu.memory_space<vmem>>, vector<1x16xf32>,
          %parallel_loop3A_491 = vector.shape_cast %parallel_loop3A_490 : vector<1x16xf32> to vector<16xf32>
          %parallel_loop3A_492 = vector.shape_cast %parallel_loop3A_487 : vector<16xf32> to vector<1x16xf32>
          tpu.vector_store %arg13[%parallel_loop3A_488, %parallel_loop3A_489], %parallel_loop3A_492 {strides = array<i32>} : memref<128x256xf32, #tpu.memory_space<vmem>>, vector<1x16xf32>,
          %parallel_loop3A_493 = arith.index_cast %parallel_loop3A_290 : i32 to index
          %parallel_loop3A_494 = arith.constant 240 : index
          %parallel_loop3A_495 = tpu.vector_load %arg13[%parallel_loop3A_493, %parallel_loop3A_494] {strides = array<i32>} : memref<128x256xf32, #tpu.memory_space<vmem>>, vector<1x16xf32>,
          %parallel_loop3A_496 = vector.shape_cast %parallel_loop3A_495 : vector<1x16xf32> to vector<16xf32>
          %parallel_loop3A_497 = arith.constant 240 : i32
          %parallel_loop3A_498 = vector.broadcast %parallel_loop3A_497 : i32 to vector<16xi32>
          %parallel_loop3A_499 = arith.addi %iota3A, %parallel_loop3A_498 : vector<16xi32>
          %parallel_loop3A_500 = arith.constant 121 : i32
          %parallel_loop3A_501 = vector.broadcast %parallel_loop3A_500 : i32 to vector<16xi32>
          %parallel_loop3A_502 = arith.cmpi slt, %parallel_loop3A_499, %parallel_loop3A_501 : vector<16xi32>
          %parallel_loop3A_503 = arith.constant 242 : i32
          %parallel_loop3A_504 = vector.broadcast %parallel_loop3A_503 : i32 to vector<16xi32>
          %parallel_loop3A_505 = arith.cmpi slt, %parallel_loop3A_499, %parallel_loop3A_504 : vector<16xi32>
          %parallel_loop3A_506 = arith.constant 242 : i32
          %parallel_loop3A_507 = vector.broadcast %parallel_loop3A_506 : i32 to vector<16xi32>
          %parallel_loop3A_508 = arith.cmpi eq, %parallel_loop3A_499, %parallel_loop3A_507 : vector<16xi32>
          %parallel_loop3A_509 = arith.constant 243 : i32
          %parallel_loop3A_510 = vector.broadcast %parallel_loop3A_509 : i32 to vector<16xi32>
          %parallel_loop3A_511 = arith.cmpi eq, %parallel_loop3A_499, %parallel_loop3A_510 : vector<16xi32>
          %parallel_loop3A_512 = arith.select %parallel_loop3A_511, %parallel_loop3A_323, %broadcast_in_dim3A_0 : vector<16xi1>, vector<16xf32>
          %parallel_loop3A_513 = arith.select %parallel_loop3A_508, %parallel_loop3A_320, %parallel_loop3A_512 : vector<16xi1>, vector<16xf32>
          %parallel_loop3A_514 = arith.select %parallel_loop3A_505, %parallel_loop3A_323, %parallel_loop3A_513 : vector<16xi1>, vector<16xf32>
          %parallel_loop3A_515 = arith.select %parallel_loop3A_502, %parallel_loop3A_320, %parallel_loop3A_514 : vector<16xi1>, vector<16xf32>
          %parallel_loop3A_516 = arith.mulf %parallel_loop3A_496, %parallel_loop3A_515 : vector<16xf32>
          %parallel_loop3A_517 = arith.index_cast %parallel_loop3A_290 : i32 to index
          %parallel_loop3A_518 = arith.constant 240 : index
          %parallel_loop3A_519 = tpu.vector_load %arg13[%parallel_loop3A_517, %parallel_loop3A_518] {strides = array<i32>} : memref<128x256xf32, #tpu.memory_space<vmem>>, vector<1x16xf32>,
          %parallel_loop3A_520 = vector.shape_cast %parallel_loop3A_519 : vector<1x16xf32> to vector<16xf32>
          %parallel_loop3A_521 = vector.shape_cast %parallel_loop3A_516 : vector<16xf32> to vector<1x16xf32>
          tpu.vector_store %arg13[%parallel_loop3A_517, %parallel_loop3A_518], %parallel_loop3A_521 {strides = array<i32>} : memref<128x256xf32, #tpu.memory_space<vmem>>, vector<1x16xf32>,
        } {sc.loop_unroll_factor = 4 : i64, sc.parallel_access}
        "tpu.region"() ({
          %run_scoped3A_290 = tpu.sem_alloc : memref<!tpu.dma_semaphore, #tpu.memory_space<semaphore_mem>>
          %dma_start3A = arith.constant 0 : i32
          %dma_start3A_291 = arith.constant 0 : i32
          %dma_start3A_292 = tpu.memref_slice %arg14[%dma_start3A, %dma_start3A_291] : memref<5120x256xf32, #tpu.memory_space<vmem_shared>> -> memref<5120x256xf32, #tpu.memory_space<vmem_shared>>
          tpu.enqueue_indirect_dma source(%arg13 : memref<128x256xf32, #tpu.memory_space<vmem>>) target(%dma_start3A_292 : memref<5120x256xf32, #tpu.memory_space<vmem_shared>>) offsets(%arg10 : memref<128xi32, #tpu.memory_space<vmem>>) semaphore(%run_scoped3A_290 : memref<!tpu.dma_semaphore, #tpu.memory_space<semaphore_mem>>) {add = true}
          %dma_wait3A = arith.constant 0 : i32
          %dma_wait3A_293 = arith.constant 0 : i32
          %dma_wait3A_294 = tpu.memref_slice %arg14[%dma_wait3A, %dma_wait3A_293] : memref<5120x256xf32, #tpu.memory_space<vmem_shared>> -> memref<5120x256xf32, #tpu.memory_space<vmem_shared>>
          tpu.wait_indirect_dma semaphore(%run_scoped3A_290 : memref<!tpu.dma_semaphore, #tpu.memory_space<semaphore_mem>>) src(%arg13 : memref<128x256xf32, #tpu.memory_space<vmem>>) dst(%dma_wait3A_294 : memref<5120x256xf32, #tpu.memory_space<vmem_shared>>)
          tpu.yield
        }) : () -> ()
      } else {
      }
    }
    %scan3A_85 = arith.constant 157 : i32
    %barrier3A_86 = arith.constant 0 : index
    tpu.barrier barrier_id(%barrier3A_86)
    %mul3A_87 = arith.constant 320 : i32
    %mul3A_88 = arith.muli %arg1, %mul3A_87 : i32
    %add3A_89 = arith.constant 0 : i32
    %add3A_90 = arith.addi %mul3A_88, %add3A_89 : i32
    %mul3A_91 = arith.constant 320 : i32
    %mul3A_92 = arith.muli %arg1, %mul3A_91 : i32
    %add3A_93 = arith.constant 0 : i32
    %add3A_94 = arith.addi %mul3A_92, %add3A_93 : i32
    %run_scoped3A_95 = arith.constant 1 : i32
    "tpu.region"() ({
      %run_scoped3A_115 = tpu.sem_alloc : memref<!tpu.dma_semaphore, #tpu.memory_space<semaphore_mem>>
      %dma_start3A = arith.constant 0 : i32
      %dma_start3A_116 = arith.constant 0 : i32
      %dma_start3A_117 = tpu.memref_slice %arg8[%arg0, %run_scoped3A_95, %dma_start3A, %dma_start3A_116] : memref<2x2x5120x256xf32, #tpu.memory_space<hbm>> -> memref<1x1x5120x256xf32, #tpu.memory_space<hbm>>
      %dma_start3A_118 = tpu.memref_squeeze %dma_start3A_117 : memref<1x1x5120x256xf32, #tpu.memory_space<hbm>> -> memref<5120x256xf32, #tpu.memory_space<hbm>>
      %dma_start3A_119 = arith.constant 0 : i32
      %dma_start3A_120 = tpu.memref_slice %dma_start3A_118[%add3A_94, %dma_start3A_119] : memref<5120x256xf32, #tpu.memory_space<hbm>> -> memref<128x256xf32, #tpu.memory_space<hbm>>
      %dma_start3A_121 = arith.constant 0 : i32
      %dma_start3A_122 = tpu.memref_slice %arg14[%add3A_90, %dma_start3A_121] : memref<5120x256xf32, #tpu.memory_space<vmem_shared>> -> memref<128x256xf32, #tpu.memory_space<vmem_shared>>
      tpu.enqueue_dma source(%dma_start3A_122 : memref<128x256xf32, #tpu.memory_space<vmem_shared>>) target(%dma_start3A_120 : memref<128x256xf32, #tpu.memory_space<hbm>>) target_semaphore(%run_scoped3A_115 : memref<!tpu.dma_semaphore, #tpu.memory_space<semaphore_mem>>)
      %dma_wait3A = arith.constant 0 : i32
      %dma_wait3A_123 = arith.constant 0 : i32
      %dma_wait3A_124 = tpu.memref_slice %arg8[%arg0, %run_scoped3A_95, %dma_wait3A, %dma_wait3A_123] : memref<2x2x5120x256xf32, #tpu.memory_space<hbm>> -> memref<1x1x5120x256xf32, #tpu.memory_space<hbm>>
      %dma_wait3A_125 = tpu.memref_squeeze %dma_wait3A_124 : memref<1x1x5120x256xf32, #tpu.memory_space<hbm>> -> memref<5120x256xf32, #tpu.memory_space<hbm>>
      %dma_wait3A_126 = arith.constant 0 : i32
      %dma_wait3A_127 = tpu.memref_slice %dma_wait3A_125[%add3A_94, %dma_wait3A_126] : memref<5120x256xf32, #tpu.memory_space<hbm>> -> memref<128x256xf32, #tpu.memory_space<hbm>>
      %dma_wait3A_128 = arith.constant 0 : i32
      %dma_wait3A_129 = tpu.memref_slice %arg14[%add3A_90, %dma_wait3A_128] : memref<5120x256xf32, #tpu.memory_space<vmem_shared>> -> memref<128x256xf32, #tpu.memory_space<vmem_shared>>
      tpu.wait_dma2 semaphore(%run_scoped3A_115 : memref<!tpu.dma_semaphore, #tpu.memory_space<semaphore_mem>>) src(%dma_wait3A_129 : memref<128x256xf32, #tpu.memory_space<vmem_shared>>) dst(%dma_wait3A_127 : memref<128x256xf32, #tpu.memory_space<hbm>>)
      tpu.yield
    }) : () -> ()
    %mul3A_96 = arith.constant 320 : i32
    %mul3A_97 = arith.muli %arg1, %mul3A_96 : i32
    %add3A_98 = arith.constant 128 : i32
    %add3A_99 = arith.addi %mul3A_97, %add3A_98 : i32
    %mul3A_100 = arith.constant 320 : i32
    %mul3A_101 = arith.muli %arg1, %mul3A_100 : i32
    %add3A_102 = arith.constant 128 : i32
    %add3A_103 = arith.addi %mul3A_101, %add3A_102 : i32
    %run_scoped3A_104 = arith.constant 1 : i32
    "tpu.region"() ({
      %run_scoped3A_115 = tpu.sem_alloc : memref<!tpu.dma_semaphore, #tpu.memory_space<semaphore_mem>>
      %dma_start3A = arith.constant 0 : i32
      %dma_start3A_116 = arith.constant 0 : i32
      %dma_start3A_117 = tpu.memref_slice %arg8[%arg0, %run_scoped3A_104, %dma_start3A, %dma_start3A_116] : memref<2x2x5120x256xf32, #tpu.memory_space<hbm>> -> memref<1x1x5120x256xf32, #tpu.memory_space<hbm>>
      %dma_start3A_118 = tpu.memref_squeeze %dma_start3A_117 : memref<1x1x5120x256xf32, #tpu.memory_space<hbm>> -> memref<5120x256xf32, #tpu.memory_space<hbm>>
      %dma_start3A_119 = arith.constant 0 : i32
      %dma_start3A_120 = tpu.memref_slice %dma_start3A_118[%add3A_103, %dma_start3A_119] : memref<5120x256xf32, #tpu.memory_space<hbm>> -> memref<128x256xf32, #tpu.memory_space<hbm>>
      %dma_start3A_121 = arith.constant 0 : i32
      %dma_start3A_122 = tpu.memref_slice %arg14[%add3A_99, %dma_start3A_121] : memref<5120x256xf32, #tpu.memory_space<vmem_shared>> -> memref<128x256xf32, #tpu.memory_space<vmem_shared>>
      tpu.enqueue_dma source(%dma_start3A_122 : memref<128x256xf32, #tpu.memory_space<vmem_shared>>) target(%dma_start3A_120 : memref<128x256xf32, #tpu.memory_space<hbm>>) target_semaphore(%run_scoped3A_115 : memref<!tpu.dma_semaphore, #tpu.memory_space<semaphore_mem>>)
      %dma_wait3A = arith.constant 0 : i32
      %dma_wait3A_123 = arith.constant 0 : i32
      %dma_wait3A_124 = tpu.memref_slice %arg8[%arg0, %run_scoped3A_104, %dma_wait3A, %dma_wait3A_123] : memref<2x2x5120x256xf32, #tpu.memory_space<hbm>> -> memref<1x1x5120x256xf32, #tpu.memory_space<hbm>>
      %dma_wait3A_125 = tpu.memref_squeeze %dma_wait3A_124 : memref<1x1x5120x256xf32, #tpu.memory_space<hbm>> -> memref<5120x256xf32, #tpu.memory_space<hbm>>
      %dma_wait3A_126 = arith.constant 0 : i32
      %dma_wait3A_127 = tpu.memref_slice %dma_wait3A_125[%add3A_103, %dma_wait3A_126] : memref<5120x256xf32, #tpu.memory_space<hbm>> -> memref<128x256xf32, #tpu.memory_space<hbm>>
      %dma_wait3A_128 = arith.constant 0 : i32
      %dma_wait3A_129 = tpu.memref_slice %arg14[%add3A_99, %dma_wait3A_128] : memref<5120x256xf32, #tpu.memory_space<vmem_shared>> -> memref<128x256xf32, #tpu.memory_space<vmem_shared>>
      tpu.wait_dma2 semaphore(%run_scoped3A_115 : memref<!tpu.dma_semaphore, #tpu.memory_space<semaphore_mem>>) src(%dma_wait3A_129 : memref<128x256xf32, #tpu.memory_space<vmem_shared>>) dst(%dma_wait3A_127 : memref<128x256xf32, #tpu.memory_space<hbm>>)
      tpu.yield
    }) : () -> ()
    %mul3A_105 = arith.constant 320 : i32
    %mul3A_106 = arith.muli %arg1, %mul3A_105 : i32
    %add3A_107 = arith.constant 256 : i32
    %add3A_108 = arith.addi %mul3A_106, %add3A_107 : i32
    %mul3A_109 = arith.constant 320 : i32
    %mul3A_110 = arith.muli %arg1, %mul3A_109 : i32
    %add3A_111 = arith.constant 256 : i32
    %add3A_112 = arith.addi %mul3A_110, %add3A_111 : i32
    %run_scoped3A_113 = arith.constant 1 : i32
    "tpu.region"() ({
      %run_scoped3A_115 = tpu.sem_alloc : memref<!tpu.dma_semaphore, #tpu.memory_space<semaphore_mem>>
      %dma_start3A = arith.constant 0 : i32
      %dma_start3A_116 = arith.constant 0 : i32
      %dma_start3A_117 = tpu.memref_slice %arg8[%arg0, %run_scoped3A_113, %dma_start3A, %dma_start3A_116] : memref<2x2x5120x256xf32, #tpu.memory_space<hbm>> -> memref<1x1x5120x256xf32, #tpu.memory_space<hbm>>
      %dma_start3A_118 = tpu.memref_squeeze %dma_start3A_117 : memref<1x1x5120x256xf32, #tpu.memory_space<hbm>> -> memref<5120x256xf32, #tpu.memory_space<hbm>>
      %dma_start3A_119 = arith.constant 0 : i32
      %dma_start3A_120 = tpu.memref_slice %dma_start3A_118[%add3A_112, %dma_start3A_119] : memref<5120x256xf32, #tpu.memory_space<hbm>> -> memref<64x256xf32, #tpu.memory_space<hbm>>
      %dma_start3A_121 = arith.constant 0 : i32
      %dma_start3A_122 = tpu.memref_slice %arg14[%add3A_108, %dma_start3A_121] : memref<5120x256xf32, #tpu.memory_space<vmem_shared>> -> memref<64x256xf32, #tpu.memory_space<vmem_shared>>
      tpu.enqueue_dma source(%dma_start3A_122 : memref<64x256xf32, #tpu.memory_space<vmem_shared>>) target(%dma_start3A_120 : memref<64x256xf32, #tpu.memory_space<hbm>>) target_semaphore(%run_scoped3A_115 : memref<!tpu.dma_semaphore, #tpu.memory_space<semaphore_mem>>)
      %dma_wait3A = arith.constant 0 : i32
      %dma_wait3A_123 = arith.constant 0 : i32
      %dma_wait3A_124 = tpu.memref_slice %arg8[%arg0, %run_scoped3A_113, %dma_wait3A, %dma_wait3A_123] : memref<2x2x5120x256xf32, #tpu.memory_space<hbm>> -> memref<1x1x5120x256xf32, #tpu.memory_space<hbm>>
      %dma_wait3A_125 = tpu.memref_squeeze %dma_wait3A_124 : memref<1x1x5120x256xf32, #tpu.memory_space<hbm>> -> memref<5120x256xf32, #tpu.memory_space<hbm>>
      %dma_wait3A_126 = arith.constant 0 : i32
      %dma_wait3A_127 = tpu.memref_slice %dma_wait3A_125[%add3A_112, %dma_wait3A_126] : memref<5120x256xf32, #tpu.memory_space<hbm>> -> memref<64x256xf32, #tpu.memory_space<hbm>>
      %dma_wait3A_128 = arith.constant 0 : i32
      %dma_wait3A_129 = tpu.memref_slice %arg14[%add3A_108, %dma_wait3A_128] : memref<5120x256xf32, #tpu.memory_space<vmem_shared>> -> memref<64x256xf32, #tpu.memory_space<vmem_shared>>
      tpu.wait_dma2 semaphore(%run_scoped3A_115 : memref<!tpu.dma_semaphore, #tpu.memory_space<semaphore_mem>>) src(%dma_wait3A_129 : memref<64x256xf32, #tpu.memory_space<vmem_shared>>) dst(%dma_wait3A_127 : memref<64x256xf32, #tpu.memory_space<hbm>>)
      tpu.yield
    }) : () -> ()
    %barrier3A_114 = arith.constant 0 : index
    tpu.barrier barrier_id(%barrier3A_114)
    return
  }
}

#map = affine_map<(d0, d1) -> (0)>
#map1 = affine_map<(d0, d1) -> (0, 0)>
#map2 = affine_map<(d0, d1) -> (0, 0, 0, 0)>
module attributes {stable_mosaic.version = 14 : i64} {
  func.func @k(%arg0: i32, %arg1: i32, %arg2: memref<320000xi32, #tpu.memory_space<hbm>>, %arg3: memref<320000xi32, #tpu.memory_space<hbm>>, %arg4: memref<10000x16xf32, #tpu.memory_space<hbm>>, %arg5: memref<10000x16xf32, #tpu.memory_space<hbm>>, %arg6: memref<10000x144xf32, #tpu.memory_space<hbm>>, %arg7: memref<10000x144xf32, #tpu.memory_space<hbm>>, %arg8: memref<2x1x10240x144xf32, #tpu.memory_space<hbm>>, %arg9: memref<128xi32, #tpu.memory_space<vmem>>, %arg10: memref<128xi32, #tpu.memory_space<vmem>>, %arg11: memref<128x16xf32, #tpu.memory_space<vmem>>, %arg12: memref<128x16xf32, #tpu.memory_space<vmem>>, %arg13: memref<128x144xf32, #tpu.memory_space<vmem>>, %arg14: memref<10240x144xf32, #tpu.memory_space<vmem_shared>>, %arg15: memref<!tpu.dma_semaphore, #tpu.memory_space<semaphore_mem>>) attributes {dimension_semantics = [#tpu.dimension_semantics<core_parallel>, #tpu.dimension_semantics<subcore_parallel>], iteration_bounds = array<i64: 2, 16>, scalar_prefetch = 0 : i64, scratch_operands = 7 : i64, tpu.core_type = #tpu.core_type<sc_vector_subcore>, window_params = [{transform_indices = #map}, {transform_indices = #map}, {transform_indices = #map1}, {transform_indices = #map1}, {transform_indices = #map1}, {transform_indices = #map1}, {transform_indices = #map2}]} {
    %iota3A = tpu.iota {dimensions = array<i32: 0>} : vector<16xi32>
    %broadcast_in_dim3A = arith.constant 0.000000e+00 : f32
    %broadcast_in_dim3A_0 = vector.broadcast %broadcast_in_dim3A : f32 to vector<16xf32>
    %eq3A = arith.constant 0 : i32
    %eq3A_1 = vector.broadcast %eq3A : i32 to vector<16xi32>
    %eq3A_2 = arith.cmpi eq, %iota3A, %eq3A_1 : vector<16xi32>
    %eq3A_3 = arith.constant 1 : i32
    %eq3A_4 = vector.broadcast %eq3A_3 : i32 to vector<16xi32>
    %eq3A_5 = arith.cmpi eq, %iota3A, %eq3A_4 : vector<16xi32>
    %jit3A = arith.constant 3 : i32
    %jit3A_6 = arith.constant 0 : i32
    %broadcast_in_dim3A_7 = vector.broadcast %jit3A : i32 to vector<16xi32>
    %broadcast_in_dim3A_8 = vector.broadcast %jit3A_6 : i32 to vector<16xi32>
    %select_n3A = arith.select %eq3A_5, %broadcast_in_dim3A_7, %broadcast_in_dim3A_8 : vector<16xi1>, vector<16xi32>
    %jit3A_9 = arith.constant 2 : i32
    %broadcast_in_dim3A_10 = vector.broadcast %jit3A_9 : i32 to vector<16xi32>
    %select_n3A_11 = arith.select %eq3A_2, %broadcast_in_dim3A_10, %select_n3A : vector<16xi1>, vector<16xi32>
    %scan3A = arith.constant 0 : i32
    %scan3A_12 = arith.constant 0 : i32
    %scan3A_13 = arith.constant 128 : i32
    %scan3A_14 = arith.addi %scan3A_12, %scan3A_13 : i32
    %scan3A_15 = arith.constant 1 : i32
    scf.for %scan3A_87 = %scan3A_12 to %scan3A_14 step %scan3A_15  : i32 {
      %swap3A = arith.index_cast %scan3A_87 : i32 to index
      %swap3A_88 = arith.constant 0 : index
      %swap3A_89 = tpu.vector_load %arg13[%swap3A, %swap3A_88] {strides = array<i32>} : memref<128x144xf32, #tpu.memory_space<vmem>>, vector<1x16xf32>,
      %swap3A_90 = vector.shape_cast %swap3A_89 : vector<1x16xf32> to vector<16xf32>
      %swap3A_91 = vector.shape_cast %broadcast_in_dim3A_0 : vector<16xf32> to vector<1x16xf32>
      tpu.vector_store %arg13[%swap3A, %swap3A_88], %swap3A_91 {strides = array<i32>} : memref<128x144xf32, #tpu.memory_space<vmem>>, vector<1x16xf32>,
      %swap3A_92 = arith.index_cast %scan3A_87 : i32 to index
      %swap3A_93 = arith.constant 16 : index
      %swap3A_94 = tpu.vector_load %arg13[%swap3A_92, %swap3A_93] {strides = array<i32>} : memref<128x144xf32, #tpu.memory_space<vmem>>, vector<1x16xf32>,
      %swap3A_95 = vector.shape_cast %swap3A_94 : vector<1x16xf32> to vector<16xf32>
      %swap3A_96 = vector.shape_cast %broadcast_in_dim3A_0 : vector<16xf32> to vector<1x16xf32>
      tpu.vector_store %arg13[%swap3A_92, %swap3A_93], %swap3A_96 {strides = array<i32>} : memref<128x144xf32, #tpu.memory_space<vmem>>, vector<1x16xf32>,
      %swap3A_97 = arith.index_cast %scan3A_87 : i32 to index
      %swap3A_98 = arith.constant 32 : index
      %swap3A_99 = tpu.vector_load %arg13[%swap3A_97, %swap3A_98] {strides = array<i32>} : memref<128x144xf32, #tpu.memory_space<vmem>>, vector<1x16xf32>,
      %swap3A_100 = vector.shape_cast %swap3A_99 : vector<1x16xf32> to vector<16xf32>
      %swap3A_101 = vector.shape_cast %broadcast_in_dim3A_0 : vector<16xf32> to vector<1x16xf32>
      tpu.vector_store %arg13[%swap3A_97, %swap3A_98], %swap3A_101 {strides = array<i32>} : memref<128x144xf32, #tpu.memory_space<vmem>>, vector<1x16xf32>,
      %swap3A_102 = arith.index_cast %scan3A_87 : i32 to index
      %swap3A_103 = arith.constant 48 : index
      %swap3A_104 = tpu.vector_load %arg13[%swap3A_102, %swap3A_103] {strides = array<i32>} : memref<128x144xf32, #tpu.memory_space<vmem>>, vector<1x16xf32>,
      %swap3A_105 = vector.shape_cast %swap3A_104 : vector<1x16xf32> to vector<16xf32>
      %swap3A_106 = vector.shape_cast %broadcast_in_dim3A_0 : vector<16xf32> to vector<1x16xf32>
      tpu.vector_store %arg13[%swap3A_102, %swap3A_103], %swap3A_106 {strides = array<i32>} : memref<128x144xf32, #tpu.memory_space<vmem>>, vector<1x16xf32>,
      %swap3A_107 = arith.index_cast %scan3A_87 : i32 to index
      %swap3A_108 = arith.constant 64 : index
      %swap3A_109 = tpu.vector_load %arg13[%swap3A_107, %swap3A_108] {strides = array<i32>} : memref<128x144xf32, #tpu.memory_space<vmem>>, vector<1x16xf32>,
      %swap3A_110 = vector.shape_cast %swap3A_109 : vector<1x16xf32> to vector<16xf32>
      %swap3A_111 = vector.shape_cast %broadcast_in_dim3A_0 : vector<16xf32> to vector<1x16xf32>
      tpu.vector_store %arg13[%swap3A_107, %swap3A_108], %swap3A_111 {strides = array<i32>} : memref<128x144xf32, #tpu.memory_space<vmem>>, vector<1x16xf32>,
      %swap3A_112 = arith.index_cast %scan3A_87 : i32 to index
      %swap3A_113 = arith.constant 80 : index
      %swap3A_114 = tpu.vector_load %arg13[%swap3A_112, %swap3A_113] {strides = array<i32>} : memref<128x144xf32, #tpu.memory_space<vmem>>, vector<1x16xf32>,
      %swap3A_115 = vector.shape_cast %swap3A_114 : vector<1x16xf32> to vector<16xf32>
      %swap3A_116 = vector.shape_cast %broadcast_in_dim3A_0 : vector<16xf32> to vector<1x16xf32>
      tpu.vector_store %arg13[%swap3A_112, %swap3A_113], %swap3A_116 {strides = array<i32>} : memref<128x144xf32, #tpu.memory_space<vmem>>, vector<1x16xf32>,
      %swap3A_117 = arith.index_cast %scan3A_87 : i32 to index
      %swap3A_118 = arith.constant 96 : index
      %swap3A_119 = tpu.vector_load %arg13[%swap3A_117, %swap3A_118] {strides = array<i32>} : memref<128x144xf32, #tpu.memory_space<vmem>>, vector<1x16xf32>,
      %swap3A_120 = vector.shape_cast %swap3A_119 : vector<1x16xf32> to vector<16xf32>
      %swap3A_121 = vector.shape_cast %broadcast_in_dim3A_0 : vector<16xf32> to vector<1x16xf32>
      tpu.vector_store %arg13[%swap3A_117, %swap3A_118], %swap3A_121 {strides = array<i32>} : memref<128x144xf32, #tpu.memory_space<vmem>>, vector<1x16xf32>,
      %swap3A_122 = arith.index_cast %scan3A_87 : i32 to index
      %swap3A_123 = arith.constant 112 : index
      %swap3A_124 = tpu.vector_load %arg13[%swap3A_122, %swap3A_123] {strides = array<i32>} : memref<128x144xf32, #tpu.memory_space<vmem>>, vector<1x16xf32>,
      %swap3A_125 = vector.shape_cast %swap3A_124 : vector<1x16xf32> to vector<16xf32>
      %swap3A_126 = vector.shape_cast %broadcast_in_dim3A_0 : vector<16xf32> to vector<1x16xf32>
      tpu.vector_store %arg13[%swap3A_122, %swap3A_123], %swap3A_126 {strides = array<i32>} : memref<128x144xf32, #tpu.memory_space<vmem>>, vector<1x16xf32>,
      %swap3A_127 = arith.index_cast %scan3A_87 : i32 to index
      %swap3A_128 = arith.constant 128 : index
      %swap3A_129 = tpu.vector_load %arg13[%swap3A_127, %swap3A_128] {strides = array<i32>} : memref<128x144xf32, #tpu.memory_space<vmem>>, vector<1x16xf32>,
      %swap3A_130 = vector.shape_cast %swap3A_129 : vector<1x16xf32> to vector<16xf32>
      %swap3A_131 = vector.shape_cast %broadcast_in_dim3A_0 : vector<16xf32> to vector<1x16xf32>
      tpu.vector_store %arg13[%swap3A_127, %swap3A_128], %swap3A_131 {strides = array<i32>} : memref<128x144xf32, #tpu.memory_space<vmem>>, vector<1x16xf32>,
    }
    %scan3A_16 = arith.constant 128 : i32
    %mul3A = arith.constant 640 : i32
    %mul3A_17 = arith.muli %arg1, %mul3A : i32
    %add3A = arith.constant 0 : i32
    %add3A_18 = arith.addi %mul3A_17, %add3A : i32
    "tpu.region"() ({
      %run_scoped3A_87 = tpu.sem_alloc : memref<!tpu.dma_semaphore, #tpu.memory_space<semaphore_mem>>
      %dma_start3A = arith.constant 0 : i32
      %dma_start3A_88 = arith.constant 0 : i32
      %dma_start3A_89 = tpu.memref_slice %arg13[%dma_start3A, %dma_start3A_88] : memref<128x144xf32, #tpu.memory_space<vmem>> -> memref<128x144xf32, #tpu.memory_space<vmem>>
      %dma_start3A_90 = arith.constant 0 : i32
      %dma_start3A_91 = tpu.memref_slice %arg14[%add3A_18, %dma_start3A_90] : memref<10240x144xf32, #tpu.memory_space<vmem_shared>> -> memref<128x144xf32, #tpu.memory_space<vmem_shared>>
      %dma_start3A_92 = arith.constant 0 : i32
      %dma_start3A_93 = tpu.memref_slice %arg14[%add3A_18, %dma_start3A_92] : memref<10240x144xf32, #tpu.memory_space<vmem_shared>> -> memref<128x144xf32, #tpu.memory_space<vmem_shared>>
      %dma_start3A_94 = arith.constant 0 : i32
      %dma_start3A_95 = arith.constant 0 : i32
      %dma_start3A_96 = tpu.memref_slice %arg13[%dma_start3A_94, %dma_start3A_95] : memref<128x144xf32, #tpu.memory_space<vmem>> -> memref<128x144xf32, #tpu.memory_space<vmem>>
      tpu.enqueue_dma source(%dma_start3A_96 : memref<128x144xf32, #tpu.memory_space<vmem>>) target(%dma_start3A_93 : memref<128x144xf32, #tpu.memory_space<vmem_shared>>) target_semaphore(%run_scoped3A_87 : memref<!tpu.dma_semaphore, #tpu.memory_space<semaphore_mem>>)
      %dma_wait3A = arith.constant 0 : i32
      %dma_wait3A_97 = arith.constant 0 : i32
      %dma_wait3A_98 = tpu.memref_slice %arg13[%dma_wait3A, %dma_wait3A_97] : memref<128x144xf32, #tpu.memory_space<vmem>> -> memref<128x144xf32, #tpu.memory_space<vmem>>
      %dma_wait3A_99 = arith.constant 0 : i32
      %dma_wait3A_100 = tpu.memref_slice %arg14[%add3A_18, %dma_wait3A_99] : memref<10240x144xf32, #tpu.memory_space<vmem_shared>> -> memref<128x144xf32, #tpu.memory_space<vmem_shared>>
      %dma_wait3A_101 = arith.constant 0 : i32
      %dma_wait3A_102 = tpu.memref_slice %arg14[%add3A_18, %dma_wait3A_101] : memref<10240x144xf32, #tpu.memory_space<vmem_shared>> -> memref<128x144xf32, #tpu.memory_space<vmem_shared>>
      %dma_wait3A_103 = arith.constant 0 : i32
      %dma_wait3A_104 = arith.constant 0 : i32
      %dma_wait3A_105 = tpu.memref_slice %arg13[%dma_wait3A_103, %dma_wait3A_104] : memref<128x144xf32, #tpu.memory_space<vmem>> -> memref<128x144xf32, #tpu.memory_space<vmem>>
      tpu.wait_dma2 semaphore(%run_scoped3A_87 : memref<!tpu.dma_semaphore, #tpu.memory_space<semaphore_mem>>) src(%dma_wait3A_105 : memref<128x144xf32, #tpu.memory_space<vmem>>) dst(%dma_wait3A_102 : memref<128x144xf32, #tpu.memory_space<vmem_shared>>)
      tpu.yield
    }) : () -> ()
    %mul3A_19 = arith.constant 640 : i32
    %mul3A_20 = arith.muli %arg1, %mul3A_19 : i32
    %add3A_21 = arith.constant 128 : i32
    %add3A_22 = arith.addi %mul3A_20, %add3A_21 : i32
    "tpu.region"() ({
      %run_scoped3A_87 = tpu.sem_alloc : memref<!tpu.dma_semaphore, #tpu.memory_space<semaphore_mem>>
      %dma_start3A = arith.constant 0 : i32
      %dma_start3A_88 = arith.constant 0 : i32
      %dma_start3A_89 = tpu.memref_slice %arg13[%dma_start3A, %dma_start3A_88] : memref<128x144xf32, #tpu.memory_space<vmem>> -> memref<128x144xf32, #tpu.memory_space<vmem>>
      %dma_start3A_90 = arith.constant 0 : i32
      %dma_start3A_91 = tpu.memref_slice %arg14[%add3A_22, %dma_start3A_90] : memref<10240x144xf32, #tpu.memory_space<vmem_shared>> -> memref<128x144xf32, #tpu.memory_space<vmem_shared>>
      %dma_start3A_92 = arith.constant 0 : i32
      %dma_start3A_93 = tpu.memref_slice %arg14[%add3A_22, %dma_start3A_92] : memref<10240x144xf32, #tpu.memory_space<vmem_shared>> -> memref<128x144xf32, #tpu.memory_space<vmem_shared>>
      %dma_start3A_94 = arith.constant 0 : i32
      %dma_start3A_95 = arith.constant 0 : i32
      %dma_start3A_96 = tpu.memref_slice %arg13[%dma_start3A_94, %dma_start3A_95] : memref<128x144xf32, #tpu.memory_space<vmem>> -> memref<128x144xf32, #tpu.memory_space<vmem>>
      tpu.enqueue_dma source(%dma_start3A_96 : memref<128x144xf32, #tpu.memory_space<vmem>>) target(%dma_start3A_93 : memref<128x144xf32, #tpu.memory_space<vmem_shared>>) target_semaphore(%run_scoped3A_87 : memref<!tpu.dma_semaphore, #tpu.memory_space<semaphore_mem>>)
      %dma_wait3A = arith.constant 0 : i32
      %dma_wait3A_97 = arith.constant 0 : i32
      %dma_wait3A_98 = tpu.memref_slice %arg13[%dma_wait3A, %dma_wait3A_97] : memref<128x144xf32, #tpu.memory_space<vmem>> -> memref<128x144xf32, #tpu.memory_space<vmem>>
      %dma_wait3A_99 = arith.constant 0 : i32
      %dma_wait3A_100 = tpu.memref_slice %arg14[%add3A_22, %dma_wait3A_99] : memref<10240x144xf32, #tpu.memory_space<vmem_shared>> -> memref<128x144xf32, #tpu.memory_space<vmem_shared>>
      %dma_wait3A_101 = arith.constant 0 : i32
      %dma_wait3A_102 = tpu.memref_slice %arg14[%add3A_22, %dma_wait3A_101] : memref<10240x144xf32, #tpu.memory_space<vmem_shared>> -> memref<128x144xf32, #tpu.memory_space<vmem_shared>>
      %dma_wait3A_103 = arith.constant 0 : i32
      %dma_wait3A_104 = arith.constant 0 : i32
      %dma_wait3A_105 = tpu.memref_slice %arg13[%dma_wait3A_103, %dma_wait3A_104] : memref<128x144xf32, #tpu.memory_space<vmem>> -> memref<128x144xf32, #tpu.memory_space<vmem>>
      tpu.wait_dma2 semaphore(%run_scoped3A_87 : memref<!tpu.dma_semaphore, #tpu.memory_space<semaphore_mem>>) src(%dma_wait3A_105 : memref<128x144xf32, #tpu.memory_space<vmem>>) dst(%dma_wait3A_102 : memref<128x144xf32, #tpu.memory_space<vmem_shared>>)
      tpu.yield
    }) : () -> ()
    %mul3A_23 = arith.constant 640 : i32
    %mul3A_24 = arith.muli %arg1, %mul3A_23 : i32
    %add3A_25 = arith.constant 256 : i32
    %add3A_26 = arith.addi %mul3A_24, %add3A_25 : i32
    "tpu.region"() ({
      %run_scoped3A_87 = tpu.sem_alloc : memref<!tpu.dma_semaphore, #tpu.memory_space<semaphore_mem>>
      %dma_start3A = arith.constant 0 : i32
      %dma_start3A_88 = arith.constant 0 : i32
      %dma_start3A_89 = tpu.memref_slice %arg13[%dma_start3A, %dma_start3A_88] : memref<128x144xf32, #tpu.memory_space<vmem>> -> memref<128x144xf32, #tpu.memory_space<vmem>>
      %dma_start3A_90 = arith.constant 0 : i32
      %dma_start3A_91 = tpu.memref_slice %arg14[%add3A_26, %dma_start3A_90] : memref<10240x144xf32, #tpu.memory_space<vmem_shared>> -> memref<128x144xf32, #tpu.memory_space<vmem_shared>>
      %dma_start3A_92 = arith.constant 0 : i32
      %dma_start3A_93 = tpu.memref_slice %arg14[%add3A_26, %dma_start3A_92] : memref<10240x144xf32, #tpu.memory_space<vmem_shared>> -> memref<128x144xf32, #tpu.memory_space<vmem_shared>>
      %dma_start3A_94 = arith.constant 0 : i32
      %dma_start3A_95 = arith.constant 0 : i32
      %dma_start3A_96 = tpu.memref_slice %arg13[%dma_start3A_94, %dma_start3A_95] : memref<128x144xf32, #tpu.memory_space<vmem>> -> memref<128x144xf32, #tpu.memory_space<vmem>>
      tpu.enqueue_dma source(%dma_start3A_96 : memref<128x144xf32, #tpu.memory_space<vmem>>) target(%dma_start3A_93 : memref<128x144xf32, #tpu.memory_space<vmem_shared>>) target_semaphore(%run_scoped3A_87 : memref<!tpu.dma_semaphore, #tpu.memory_space<semaphore_mem>>)
      %dma_wait3A = arith.constant 0 : i32
      %dma_wait3A_97 = arith.constant 0 : i32
      %dma_wait3A_98 = tpu.memref_slice %arg13[%dma_wait3A, %dma_wait3A_97] : memref<128x144xf32, #tpu.memory_space<vmem>> -> memref<128x144xf32, #tpu.memory_space<vmem>>
      %dma_wait3A_99 = arith.constant 0 : i32
      %dma_wait3A_100 = tpu.memref_slice %arg14[%add3A_26, %dma_wait3A_99] : memref<10240x144xf32, #tpu.memory_space<vmem_shared>> -> memref<128x144xf32, #tpu.memory_space<vmem_shared>>
      %dma_wait3A_101 = arith.constant 0 : i32
      %dma_wait3A_102 = tpu.memref_slice %arg14[%add3A_26, %dma_wait3A_101] : memref<10240x144xf32, #tpu.memory_space<vmem_shared>> -> memref<128x144xf32, #tpu.memory_space<vmem_shared>>
      %dma_wait3A_103 = arith.constant 0 : i32
      %dma_wait3A_104 = arith.constant 0 : i32
      %dma_wait3A_105 = tpu.memref_slice %arg13[%dma_wait3A_103, %dma_wait3A_104] : memref<128x144xf32, #tpu.memory_space<vmem>> -> memref<128x144xf32, #tpu.memory_space<vmem>>
      tpu.wait_dma2 semaphore(%run_scoped3A_87 : memref<!tpu.dma_semaphore, #tpu.memory_space<semaphore_mem>>) src(%dma_wait3A_105 : memref<128x144xf32, #tpu.memory_space<vmem>>) dst(%dma_wait3A_102 : memref<128x144xf32, #tpu.memory_space<vmem_shared>>)
      tpu.yield
    }) : () -> ()
    %mul3A_27 = arith.constant 640 : i32
    %mul3A_28 = arith.muli %arg1, %mul3A_27 : i32
    %add3A_29 = arith.constant 384 : i32
    %add3A_30 = arith.addi %mul3A_28, %add3A_29 : i32
    "tpu.region"() ({
      %run_scoped3A_87 = tpu.sem_alloc : memref<!tpu.dma_semaphore, #tpu.memory_space<semaphore_mem>>
      %dma_start3A = arith.constant 0 : i32
      %dma_start3A_88 = arith.constant 0 : i32
      %dma_start3A_89 = tpu.memref_slice %arg13[%dma_start3A, %dma_start3A_88] : memref<128x144xf32, #tpu.memory_space<vmem>> -> memref<128x144xf32, #tpu.memory_space<vmem>>
      %dma_start3A_90 = arith.constant 0 : i32
      %dma_start3A_91 = tpu.memref_slice %arg14[%add3A_30, %dma_start3A_90] : memref<10240x144xf32, #tpu.memory_space<vmem_shared>> -> memref<128x144xf32, #tpu.memory_space<vmem_shared>>
      %dma_start3A_92 = arith.constant 0 : i32
      %dma_start3A_93 = tpu.memref_slice %arg14[%add3A_30, %dma_start3A_92] : memref<10240x144xf32, #tpu.memory_space<vmem_shared>> -> memref<128x144xf32, #tpu.memory_space<vmem_shared>>
      %dma_start3A_94 = arith.constant 0 : i32
      %dma_start3A_95 = arith.constant 0 : i32
      %dma_start3A_96 = tpu.memref_slice %arg13[%dma_start3A_94, %dma_start3A_95] : memref<128x144xf32, #tpu.memory_space<vmem>> -> memref<128x144xf32, #tpu.memory_space<vmem>>
      tpu.enqueue_dma source(%dma_start3A_96 : memref<128x144xf32, #tpu.memory_space<vmem>>) target(%dma_start3A_93 : memref<128x144xf32, #tpu.memory_space<vmem_shared>>) target_semaphore(%run_scoped3A_87 : memref<!tpu.dma_semaphore, #tpu.memory_space<semaphore_mem>>)
      %dma_wait3A = arith.constant 0 : i32
      %dma_wait3A_97 = arith.constant 0 : i32
      %dma_wait3A_98 = tpu.memref_slice %arg13[%dma_wait3A, %dma_wait3A_97] : memref<128x144xf32, #tpu.memory_space<vmem>> -> memref<128x144xf32, #tpu.memory_space<vmem>>
      %dma_wait3A_99 = arith.constant 0 : i32
      %dma_wait3A_100 = tpu.memref_slice %arg14[%add3A_30, %dma_wait3A_99] : memref<10240x144xf32, #tpu.memory_space<vmem_shared>> -> memref<128x144xf32, #tpu.memory_space<vmem_shared>>
      %dma_wait3A_101 = arith.constant 0 : i32
      %dma_wait3A_102 = tpu.memref_slice %arg14[%add3A_30, %dma_wait3A_101] : memref<10240x144xf32, #tpu.memory_space<vmem_shared>> -> memref<128x144xf32, #tpu.memory_space<vmem_shared>>
      %dma_wait3A_103 = arith.constant 0 : i32
      %dma_wait3A_104 = arith.constant 0 : i32
      %dma_wait3A_105 = tpu.memref_slice %arg13[%dma_wait3A_103, %dma_wait3A_104] : memref<128x144xf32, #tpu.memory_space<vmem>> -> memref<128x144xf32, #tpu.memory_space<vmem>>
      tpu.wait_dma2 semaphore(%run_scoped3A_87 : memref<!tpu.dma_semaphore, #tpu.memory_space<semaphore_mem>>) src(%dma_wait3A_105 : memref<128x144xf32, #tpu.memory_space<vmem>>) dst(%dma_wait3A_102 : memref<128x144xf32, #tpu.memory_space<vmem_shared>>)
      tpu.yield
    }) : () -> ()
    %mul3A_31 = arith.constant 640 : i32
    %mul3A_32 = arith.muli %arg1, %mul3A_31 : i32
    %add3A_33 = arith.constant 512 : i32
    %add3A_34 = arith.addi %mul3A_32, %add3A_33 : i32
    "tpu.region"() ({
      %run_scoped3A_87 = tpu.sem_alloc : memref<!tpu.dma_semaphore, #tpu.memory_space<semaphore_mem>>
      %dma_start3A = arith.constant 0 : i32
      %dma_start3A_88 = arith.constant 0 : i32
      %dma_start3A_89 = tpu.memref_slice %arg13[%dma_start3A, %dma_start3A_88] : memref<128x144xf32, #tpu.memory_space<vmem>> -> memref<128x144xf32, #tpu.memory_space<vmem>>
      %dma_start3A_90 = arith.constant 0 : i32
      %dma_start3A_91 = tpu.memref_slice %arg14[%add3A_34, %dma_start3A_90] : memref<10240x144xf32, #tpu.memory_space<vmem_shared>> -> memref<128x144xf32, #tpu.memory_space<vmem_shared>>
      %dma_start3A_92 = arith.constant 0 : i32
      %dma_start3A_93 = tpu.memref_slice %arg14[%add3A_34, %dma_start3A_92] : memref<10240x144xf32, #tpu.memory_space<vmem_shared>> -> memref<128x144xf32, #tpu.memory_space<vmem_shared>>
      %dma_start3A_94 = arith.constant 0 : i32
      %dma_start3A_95 = arith.constant 0 : i32
      %dma_start3A_96 = tpu.memref_slice %arg13[%dma_start3A_94, %dma_start3A_95] : memref<128x144xf32, #tpu.memory_space<vmem>> -> memref<128x144xf32, #tpu.memory_space<vmem>>
      tpu.enqueue_dma source(%dma_start3A_96 : memref<128x144xf32, #tpu.memory_space<vmem>>) target(%dma_start3A_93 : memref<128x144xf32, #tpu.memory_space<vmem_shared>>) target_semaphore(%run_scoped3A_87 : memref<!tpu.dma_semaphore, #tpu.memory_space<semaphore_mem>>)
      %dma_wait3A = arith.constant 0 : i32
      %dma_wait3A_97 = arith.constant 0 : i32
      %dma_wait3A_98 = tpu.memref_slice %arg13[%dma_wait3A, %dma_wait3A_97] : memref<128x144xf32, #tpu.memory_space<vmem>> -> memref<128x144xf32, #tpu.memory_space<vmem>>
      %dma_wait3A_99 = arith.constant 0 : i32
      %dma_wait3A_100 = tpu.memref_slice %arg14[%add3A_34, %dma_wait3A_99] : memref<10240x144xf32, #tpu.memory_space<vmem_shared>> -> memref<128x144xf32, #tpu.memory_space<vmem_shared>>
      %dma_wait3A_101 = arith.constant 0 : i32
      %dma_wait3A_102 = tpu.memref_slice %arg14[%add3A_34, %dma_wait3A_101] : memref<10240x144xf32, #tpu.memory_space<vmem_shared>> -> memref<128x144xf32, #tpu.memory_space<vmem_shared>>
      %dma_wait3A_103 = arith.constant 0 : i32
      %dma_wait3A_104 = arith.constant 0 : i32
      %dma_wait3A_105 = tpu.memref_slice %arg13[%dma_wait3A_103, %dma_wait3A_104] : memref<128x144xf32, #tpu.memory_space<vmem>> -> memref<128x144xf32, #tpu.memory_space<vmem>>
      tpu.wait_dma2 semaphore(%run_scoped3A_87 : memref<!tpu.dma_semaphore, #tpu.memory_space<semaphore_mem>>) src(%dma_wait3A_105 : memref<128x144xf32, #tpu.memory_space<vmem>>) dst(%dma_wait3A_102 : memref<128x144xf32, #tpu.memory_space<vmem_shared>>)
      tpu.yield
    }) : () -> ()
    %barrier3A = arith.constant 0 : index
    tpu.barrier barrier_id(%barrier3A)
    %scan3A_35 = arith.constant 0 : i32
    %scan3A_36 = arith.constant 0 : i32
    %scan3A_37 = arith.constant 157 : i32
    %scan3A_38 = arith.addi %scan3A_36, %scan3A_37 : i32
    %scan3A_39 = arith.constant 1 : i32
    scf.for %scan3A_87 = %scan3A_36 to %scan3A_38 step %scan3A_39  : i32 {
      %mul3A_88 = arith.constant 16 : i32
      %mul3A_89 = arith.muli %scan3A_87, %mul3A_88 : i32
      %add3A_90 = arith.addi %mul3A_89, %arg1 : i32
      %lt3A = arith.constant 2500 : i32
      %lt3A_91 = arith.cmpi slt, %add3A_90, %lt3A : i32
      %convert_element_type3A = arith.extui %lt3A_91 : i1 to i32
      %cond3A = arith.constant 0 : i32
      %cond3A_92 = arith.cmpi ne, %convert_element_type3A, %cond3A : i32
      scf.if %cond3A_92 {
        %mul3A_93 = arith.constant 128 : i32
        %mul3A_94 = arith.muli %add3A_90, %mul3A_93 : i32
        "tpu.region"() ({
          %run_scoped3A_107 = tpu.sem_alloc : memref<!tpu.dma_semaphore, #tpu.memory_space<semaphore_mem>>
          %dma_start3A = tpu.memref_slice %arg2[%mul3A_94] : memref<320000xi32, #tpu.memory_space<hbm>> -> memref<128xi32, #tpu.memory_space<hbm>>
          %dma_start3A_108 = tpu.memref_slice %arg2[%mul3A_94] : memref<320000xi32, #tpu.memory_space<hbm>> -> memref<128xi32, #tpu.memory_space<hbm>>
          tpu.enqueue_dma source(%dma_start3A_108 : memref<128xi32, #tpu.memory_space<hbm>>) target(%arg9 : memref<128xi32, #tpu.memory_space<vmem>>) target_semaphore(%run_scoped3A_107 : memref<!tpu.dma_semaphore, #tpu.memory_space<semaphore_mem>>)
          %dma_wait3A = tpu.memref_slice %arg2[%mul3A_94] : memref<320000xi32, #tpu.memory_space<hbm>> -> memref<128xi32, #tpu.memory_space<hbm>>
          %dma_wait3A_109 = tpu.memref_slice %arg2[%mul3A_94] : memref<320000xi32, #tpu.memory_space<hbm>> -> memref<128xi32, #tpu.memory_space<hbm>>
          tpu.wait_dma2 semaphore(%run_scoped3A_107 : memref<!tpu.dma_semaphore, #tpu.memory_space<semaphore_mem>>) src(%dma_wait3A_109 : memref<128xi32, #tpu.memory_space<hbm>>) dst(%arg9 : memref<128xi32, #tpu.memory_space<vmem>>)
          tpu.yield
        }) : () -> ()
        "tpu.region"() ({
          %run_scoped3A_107 = tpu.sem_alloc : memref<!tpu.dma_semaphore, #tpu.memory_space<semaphore_mem>>
          %dma_start3A = tpu.memref_slice %arg3[%mul3A_94] : memref<320000xi32, #tpu.memory_space<hbm>> -> memref<128xi32, #tpu.memory_space<hbm>>
          %dma_start3A_108 = tpu.memref_slice %arg3[%mul3A_94] : memref<320000xi32, #tpu.memory_space<hbm>> -> memref<128xi32, #tpu.memory_space<hbm>>
          tpu.enqueue_dma source(%dma_start3A_108 : memref<128xi32, #tpu.memory_space<hbm>>) target(%arg10 : memref<128xi32, #tpu.memory_space<vmem>>) target_semaphore(%run_scoped3A_107 : memref<!tpu.dma_semaphore, #tpu.memory_space<semaphore_mem>>)
          %dma_wait3A = tpu.memref_slice %arg3[%mul3A_94] : memref<320000xi32, #tpu.memory_space<hbm>> -> memref<128xi32, #tpu.memory_space<hbm>>
          %dma_wait3A_109 = tpu.memref_slice %arg3[%mul3A_94] : memref<320000xi32, #tpu.memory_space<hbm>> -> memref<128xi32, #tpu.memory_space<hbm>>
          tpu.wait_dma2 semaphore(%run_scoped3A_107 : memref<!tpu.dma_semaphore, #tpu.memory_space<semaphore_mem>>) src(%dma_wait3A_109 : memref<128xi32, #tpu.memory_space<hbm>>) dst(%arg10 : memref<128xi32, #tpu.memory_space<vmem>>)
          tpu.yield
        }) : () -> ()
        %eq3A_95 = arith.constant 0 : i32
        %eq3A_96 = arith.cmpi eq, %arg0, %eq3A_95 : i32
        %convert_element_type3A_97 = arith.extui %eq3A_96 : i1 to i32
        %cond3A_98 = arith.constant 0 : i32
        %cond3A_99 = arith.cmpi ne, %convert_element_type3A_97, %cond3A_98 : i32
        scf.if %cond3A_99 {
          %dma_start3A = arith.constant 0 : i32
          %dma_start3A_107 = arith.constant 0 : i32
          %dma_start3A_108 = tpu.memref_slice %arg4[%dma_start3A, %dma_start3A_107] : memref<10000x16xf32, #tpu.memory_space<hbm>> -> memref<10000x16xf32, #tpu.memory_space<hbm>>
          tpu.enqueue_indirect_dma source(%dma_start3A_108 : memref<10000x16xf32, #tpu.memory_space<hbm>>) target(%arg11 : memref<128x16xf32, #tpu.memory_space<vmem>>) offsets(%arg9 : memref<128xi32, #tpu.memory_space<vmem>>) semaphore(%arg15 : memref<!tpu.dma_semaphore, #tpu.memory_space<semaphore_mem>>)
          %dma_start3A_109 = arith.constant 0 : i32
          %dma_start3A_110 = arith.constant 0 : i32
          %dma_start3A_111 = tpu.memref_slice %arg4[%dma_start3A_109, %dma_start3A_110] : memref<10000x16xf32, #tpu.memory_space<hbm>> -> memref<10000x16xf32, #tpu.memory_space<hbm>>
          tpu.enqueue_indirect_dma source(%dma_start3A_111 : memref<10000x16xf32, #tpu.memory_space<hbm>>) target(%arg12 : memref<128x16xf32, #tpu.memory_space<vmem>>) offsets(%arg10 : memref<128xi32, #tpu.memory_space<vmem>>) semaphore(%arg15 : memref<!tpu.dma_semaphore, #tpu.memory_space<semaphore_mem>>)
          %dma_start3A_112 = arith.constant 0 : i32
          %dma_start3A_113 = arith.constant 0 : i32
          %dma_start3A_114 = tpu.memref_slice %arg6[%dma_start3A_112, %dma_start3A_113] : memref<10000x144xf32, #tpu.memory_space<hbm>> -> memref<10000x144xf32, #tpu.memory_space<hbm>>
          tpu.enqueue_indirect_dma source(%dma_start3A_114 : memref<10000x144xf32, #tpu.memory_space<hbm>>) target(%arg13 : memref<128x144xf32, #tpu.memory_space<vmem>>) offsets(%arg9 : memref<128xi32, #tpu.memory_space<vmem>>) semaphore(%arg15 : memref<!tpu.dma_semaphore, #tpu.memory_space<semaphore_mem>>)
          %dma_wait3A = arith.constant 0 : i32
          %dma_wait3A_115 = arith.constant 0 : i32
          %dma_wait3A_116 = tpu.memref_slice %arg4[%dma_wait3A, %dma_wait3A_115] : memref<10000x16xf32, #tpu.memory_space<hbm>> -> memref<10000x16xf32, #tpu.memory_space<hbm>>
          tpu.wait_indirect_dma semaphore(%arg15 : memref<!tpu.dma_semaphore, #tpu.memory_space<semaphore_mem>>) src(%dma_wait3A_116 : memref<10000x16xf32, #tpu.memory_space<hbm>>) dst(%arg11 : memref<128x16xf32, #tpu.memory_space<vmem>>)
          %dma_wait3A_117 = arith.constant 0 : i32
          %dma_wait3A_118 = arith.constant 0 : i32
          %dma_wait3A_119 = tpu.memref_slice %arg4[%dma_wait3A_117, %dma_wait3A_118] : memref<10000x16xf32, #tpu.memory_space<hbm>> -> memref<10000x16xf32, #tpu.memory_space<hbm>>
          tpu.wait_indirect_dma semaphore(%arg15 : memref<!tpu.dma_semaphore, #tpu.memory_space<semaphore_mem>>) src(%dma_wait3A_119 : memref<10000x16xf32, #tpu.memory_space<hbm>>) dst(%arg12 : memref<128x16xf32, #tpu.memory_space<vmem>>)
          %dma_wait3A_120 = arith.constant 0 : i32
          %dma_wait3A_121 = arith.constant 0 : i32
          %dma_wait3A_122 = tpu.memref_slice %arg6[%dma_wait3A_120, %dma_wait3A_121] : memref<10000x144xf32, #tpu.memory_space<hbm>> -> memref<10000x144xf32, #tpu.memory_space<hbm>>
          tpu.wait_indirect_dma semaphore(%arg15 : memref<!tpu.dma_semaphore, #tpu.memory_space<semaphore_mem>>) src(%dma_wait3A_122 : memref<10000x144xf32, #tpu.memory_space<hbm>>) dst(%arg13 : memref<128x144xf32, #tpu.memory_space<vmem>>)
        } else {
        }
        %eq3A_100 = arith.constant 1 : i32
        %eq3A_101 = arith.cmpi eq, %arg0, %eq3A_100 : i32
        %convert_element_type3A_102 = arith.extui %eq3A_101 : i1 to i32
        %cond3A_103 = arith.constant 0 : i32
        %cond3A_104 = arith.cmpi ne, %convert_element_type3A_102, %cond3A_103 : i32
        scf.if %cond3A_104 {
          %dma_start3A = arith.constant 0 : i32
          %dma_start3A_107 = arith.constant 0 : i32
          %dma_start3A_108 = tpu.memref_slice %arg5[%dma_start3A, %dma_start3A_107] : memref<10000x16xf32, #tpu.memory_space<hbm>> -> memref<10000x16xf32, #tpu.memory_space<hbm>>
          tpu.enqueue_indirect_dma source(%dma_start3A_108 : memref<10000x16xf32, #tpu.memory_space<hbm>>) target(%arg11 : memref<128x16xf32, #tpu.memory_space<vmem>>) offsets(%arg9 : memref<128xi32, #tpu.memory_space<vmem>>) semaphore(%arg15 : memref<!tpu.dma_semaphore, #tpu.memory_space<semaphore_mem>>)
          %dma_start3A_109 = arith.constant 0 : i32
          %dma_start3A_110 = arith.constant 0 : i32
          %dma_start3A_111 = tpu.memref_slice %arg5[%dma_start3A_109, %dma_start3A_110] : memref<10000x16xf32, #tpu.memory_space<hbm>> -> memref<10000x16xf32, #tpu.memory_space<hbm>>
          tpu.enqueue_indirect_dma source(%dma_start3A_111 : memref<10000x16xf32, #tpu.memory_space<hbm>>) target(%arg12 : memref<128x16xf32, #tpu.memory_space<vmem>>) offsets(%arg10 : memref<128xi32, #tpu.memory_space<vmem>>) semaphore(%arg15 : memref<!tpu.dma_semaphore, #tpu.memory_space<semaphore_mem>>)
          %dma_start3A_112 = arith.constant 0 : i32
          %dma_start3A_113 = arith.constant 0 : i32
          %dma_start3A_114 = tpu.memref_slice %arg7[%dma_start3A_112, %dma_start3A_113] : memref<10000x144xf32, #tpu.memory_space<hbm>> -> memref<10000x144xf32, #tpu.memory_space<hbm>>
          tpu.enqueue_indirect_dma source(%dma_start3A_114 : memref<10000x144xf32, #tpu.memory_space<hbm>>) target(%arg13 : memref<128x144xf32, #tpu.memory_space<vmem>>) offsets(%arg9 : memref<128xi32, #tpu.memory_space<vmem>>) semaphore(%arg15 : memref<!tpu.dma_semaphore, #tpu.memory_space<semaphore_mem>>)
          %dma_wait3A = arith.constant 0 : i32
          %dma_wait3A_115 = arith.constant 0 : i32
          %dma_wait3A_116 = tpu.memref_slice %arg5[%dma_wait3A, %dma_wait3A_115] : memref<10000x16xf32, #tpu.memory_space<hbm>> -> memref<10000x16xf32, #tpu.memory_space<hbm>>
          tpu.wait_indirect_dma semaphore(%arg15 : memref<!tpu.dma_semaphore, #tpu.memory_space<semaphore_mem>>) src(%dma_wait3A_116 : memref<10000x16xf32, #tpu.memory_space<hbm>>) dst(%arg11 : memref<128x16xf32, #tpu.memory_space<vmem>>)
          %dma_wait3A_117 = arith.constant 0 : i32
          %dma_wait3A_118 = arith.constant 0 : i32
          %dma_wait3A_119 = tpu.memref_slice %arg5[%dma_wait3A_117, %dma_wait3A_118] : memref<10000x16xf32, #tpu.memory_space<hbm>> -> memref<10000x16xf32, #tpu.memory_space<hbm>>
          tpu.wait_indirect_dma semaphore(%arg15 : memref<!tpu.dma_semaphore, #tpu.memory_space<semaphore_mem>>) src(%dma_wait3A_119 : memref<10000x16xf32, #tpu.memory_space<hbm>>) dst(%arg12 : memref<128x16xf32, #tpu.memory_space<vmem>>)
          %dma_wait3A_120 = arith.constant 0 : i32
          %dma_wait3A_121 = arith.constant 0 : i32
          %dma_wait3A_122 = tpu.memref_slice %arg7[%dma_wait3A_120, %dma_wait3A_121] : memref<10000x144xf32, #tpu.memory_space<hbm>> -> memref<10000x144xf32, #tpu.memory_space<hbm>>
          tpu.wait_indirect_dma semaphore(%arg15 : memref<!tpu.dma_semaphore, #tpu.memory_space<semaphore_mem>>) src(%dma_wait3A_122 : memref<10000x144xf32, #tpu.memory_space<hbm>>) dst(%arg13 : memref<128x144xf32, #tpu.memory_space<vmem>>)
        } else {
        }
        %parallel_loop3A = arith.constant 0 : i32
        %parallel_loop3A_105 = arith.constant 128 : i32
        %parallel_loop3A_106 = arith.constant 1 : i32
        scf.for %parallel_loop3A_107 = %parallel_loop3A to %parallel_loop3A_105 step %parallel_loop3A_106  : i32 {
          %parallel_loop3A_108 = arith.index_cast %parallel_loop3A_107 : i32 to index
          %parallel_loop3A_109 = arith.constant 0 : index
          %parallel_loop3A_110 = tpu.vector_load %arg11[%parallel_loop3A_108, %parallel_loop3A_109] {strides = array<i32>} : memref<128x16xf32, #tpu.memory_space<vmem>>, vector<1x16xf32>,
          %parallel_loop3A_111 = vector.shape_cast %parallel_loop3A_110 : vector<1x16xf32> to vector<16xf32>
          %parallel_loop3A_112 = arith.index_cast %parallel_loop3A_107 : i32 to index
          %parallel_loop3A_113 = arith.constant 0 : index
          %parallel_loop3A_114 = tpu.vector_load %arg12[%parallel_loop3A_112, %parallel_loop3A_113] {strides = array<i32>} : memref<128x16xf32, #tpu.memory_space<vmem>>, vector<1x16xf32>,
          %parallel_loop3A_115 = vector.shape_cast %parallel_loop3A_114 : vector<1x16xf32> to vector<16xf32>
          %parallel_loop3A_116 = arith.constant 0 : i32
          %parallel_loop3A_117 = vector.broadcast %parallel_loop3A_116 : i32 to vector<16xi32>
          %parallel_loop3A_118 = arith.cmpi slt, %select_n3A_11, %parallel_loop3A_117 : vector<16xi32>
          %parallel_loop3A_119 = arith.constant 16 : i32
          %parallel_loop3A_120 = vector.broadcast %parallel_loop3A_119 : i32 to vector<16xi32>
          %parallel_loop3A_121 = arith.addi %select_n3A_11, %parallel_loop3A_120 : vector<16xi32>
          %parallel_loop3A_122 = arith.select %parallel_loop3A_118, %parallel_loop3A_121, %select_n3A_11 : vector<16xi1>, vector<16xi32>
          %parallel_loop3A_123 = vector.shape_cast %parallel_loop3A_122 : vector<16xi32> to vector<16x1xi32>
          %parallel_loop3A_124 = vector.shape_cast %parallel_loop3A_123 : vector<16x1xi32> to vector<16xi32>
          %parallel_loop3A_125 = tpu.dynamic_gather %parallel_loop3A_115[%parallel_loop3A_124] in [0] : vector<16xf32>, vector<16xi32> -> vector<16xf32>
          %parallel_loop3A_126 = arith.addf %parallel_loop3A_111, %parallel_loop3A_125 : vector<16xf32>
          %parallel_loop3A_127 = arith.constant 0.000000e+00 : f32
          %parallel_loop3A_128 = vector.broadcast %parallel_loop3A_127 : f32 to vector<16xf32>
          %parallel_loop3A_129 = arith.cmpf oge, %parallel_loop3A_126, %parallel_loop3A_128 : vector<16xf32>
          %parallel_loop3A_130 = arith.constant 2.000000e-01 : f32
          %parallel_loop3A_131 = vector.broadcast %parallel_loop3A_130 : f32 to vector<16xf32>
          %parallel_loop3A_132 = arith.mulf %parallel_loop3A_131, %parallel_loop3A_126 : vector<16xf32>
          %parallel_loop3A_133 = arith.select %parallel_loop3A_129, %parallel_loop3A_126, %parallel_loop3A_132 : vector<16xi1>, vector<16xf32>
          %parallel_loop3A_134 = math.exp %parallel_loop3A_133 : vector<16xf32>
          %parallel_loop3A_135 = vector.extract_strided_slice %parallel_loop3A_134 {offsets = [0], sizes = [1], strides = [1]} : vector<16xf32> to vector<1xf32>
          %parallel_loop3A_136 = vector.extract %parallel_loop3A_135[0] : f32 from vector<1xf32>
          %parallel_loop3A_137 = vector.broadcast %parallel_loop3A_136 : f32 to vector<16xf32>
          %parallel_loop3A_138 = vector.extract_strided_slice %parallel_loop3A_134 {offsets = [1], sizes = [1], strides = [1]} : vector<16xf32> to vector<1xf32>
          %parallel_loop3A_139 = vector.extract %parallel_loop3A_138[0] : f32 from vector<1xf32>
          %parallel_loop3A_140 = vector.broadcast %parallel_loop3A_139 : f32 to vector<16xf32>
          %parallel_loop3A_141 = arith.index_cast %parallel_loop3A_107 : i32 to index
          %parallel_loop3A_142 = arith.constant 0 : index
          %parallel_loop3A_143 = tpu.vector_load %arg13[%parallel_loop3A_141, %parallel_loop3A_142] {strides = array<i32>} : memref<128x144xf32, #tpu.memory_space<vmem>>, vector<1x16xf32>,
          %parallel_loop3A_144 = vector.shape_cast %parallel_loop3A_143 : vector<1x16xf32> to vector<16xf32>
          %parallel_loop3A_145 = arith.mulf %parallel_loop3A_144, %parallel_loop3A_137 : vector<16xf32>
          %parallel_loop3A_146 = arith.index_cast %parallel_loop3A_107 : i32 to index
          %parallel_loop3A_147 = arith.constant 0 : index
          %parallel_loop3A_148 = tpu.vector_load %arg13[%parallel_loop3A_146, %parallel_loop3A_147] {strides = array<i32>} : memref<128x144xf32, #tpu.memory_space<vmem>>, vector<1x16xf32>,
          %parallel_loop3A_149 = vector.shape_cast %parallel_loop3A_148 : vector<1x16xf32> to vector<16xf32>
          %parallel_loop3A_150 = vector.shape_cast %parallel_loop3A_145 : vector<16xf32> to vector<1x16xf32>
          tpu.vector_store %arg13[%parallel_loop3A_146, %parallel_loop3A_147], %parallel_loop3A_150 {strides = array<i32>} : memref<128x144xf32, #tpu.memory_space<vmem>>, vector<1x16xf32>,
          %parallel_loop3A_151 = arith.index_cast %parallel_loop3A_107 : i32 to index
          %parallel_loop3A_152 = arith.constant 16 : index
          %parallel_loop3A_153 = tpu.vector_load %arg13[%parallel_loop3A_151, %parallel_loop3A_152] {strides = array<i32>} : memref<128x144xf32, #tpu.memory_space<vmem>>, vector<1x16xf32>,
          %parallel_loop3A_154 = vector.shape_cast %parallel_loop3A_153 : vector<1x16xf32> to vector<16xf32>
          %parallel_loop3A_155 = arith.mulf %parallel_loop3A_154, %parallel_loop3A_137 : vector<16xf32>
          %parallel_loop3A_156 = arith.index_cast %parallel_loop3A_107 : i32 to index
          %parallel_loop3A_157 = arith.constant 16 : index
          %parallel_loop3A_158 = tpu.vector_load %arg13[%parallel_loop3A_156, %parallel_loop3A_157] {strides = array<i32>} : memref<128x144xf32, #tpu.memory_space<vmem>>, vector<1x16xf32>,
          %parallel_loop3A_159 = vector.shape_cast %parallel_loop3A_158 : vector<1x16xf32> to vector<16xf32>
          %parallel_loop3A_160 = vector.shape_cast %parallel_loop3A_155 : vector<16xf32> to vector<1x16xf32>
          tpu.vector_store %arg13[%parallel_loop3A_156, %parallel_loop3A_157], %parallel_loop3A_160 {strides = array<i32>} : memref<128x144xf32, #tpu.memory_space<vmem>>, vector<1x16xf32>,
          %parallel_loop3A_161 = arith.index_cast %parallel_loop3A_107 : i32 to index
          %parallel_loop3A_162 = arith.constant 32 : index
          %parallel_loop3A_163 = tpu.vector_load %arg13[%parallel_loop3A_161, %parallel_loop3A_162] {strides = array<i32>} : memref<128x144xf32, #tpu.memory_space<vmem>>, vector<1x16xf32>,
          %parallel_loop3A_164 = vector.shape_cast %parallel_loop3A_163 : vector<1x16xf32> to vector<16xf32>
          %parallel_loop3A_165 = arith.mulf %parallel_loop3A_164, %parallel_loop3A_137 : vector<16xf32>
          %parallel_loop3A_166 = arith.index_cast %parallel_loop3A_107 : i32 to index
          %parallel_loop3A_167 = arith.constant 32 : index
          %parallel_loop3A_168 = tpu.vector_load %arg13[%parallel_loop3A_166, %parallel_loop3A_167] {strides = array<i32>} : memref<128x144xf32, #tpu.memory_space<vmem>>, vector<1x16xf32>,
          %parallel_loop3A_169 = vector.shape_cast %parallel_loop3A_168 : vector<1x16xf32> to vector<16xf32>
          %parallel_loop3A_170 = vector.shape_cast %parallel_loop3A_165 : vector<16xf32> to vector<1x16xf32>
          tpu.vector_store %arg13[%parallel_loop3A_166, %parallel_loop3A_167], %parallel_loop3A_170 {strides = array<i32>} : memref<128x144xf32, #tpu.memory_space<vmem>>, vector<1x16xf32>,
          %parallel_loop3A_171 = arith.index_cast %parallel_loop3A_107 : i32 to index
          %parallel_loop3A_172 = arith.constant 48 : index
          %parallel_loop3A_173 = tpu.vector_load %arg13[%parallel_loop3A_171, %parallel_loop3A_172] {strides = array<i32>} : memref<128x144xf32, #tpu.memory_space<vmem>>, vector<1x16xf32>,
          %parallel_loop3A_174 = vector.shape_cast %parallel_loop3A_173 : vector<1x16xf32> to vector<16xf32>
          %parallel_loop3A_175 = arith.mulf %parallel_loop3A_174, %parallel_loop3A_137 : vector<16xf32>
          %parallel_loop3A_176 = arith.index_cast %parallel_loop3A_107 : i32 to index
          %parallel_loop3A_177 = arith.constant 48 : index
          %parallel_loop3A_178 = tpu.vector_load %arg13[%parallel_loop3A_176, %parallel_loop3A_177] {strides = array<i32>} : memref<128x144xf32, #tpu.memory_space<vmem>>, vector<1x16xf32>,
          %parallel_loop3A_179 = vector.shape_cast %parallel_loop3A_178 : vector<1x16xf32> to vector<16xf32>
          %parallel_loop3A_180 = vector.shape_cast %parallel_loop3A_175 : vector<16xf32> to vector<1x16xf32>
          tpu.vector_store %arg13[%parallel_loop3A_176, %parallel_loop3A_177], %parallel_loop3A_180 {strides = array<i32>} : memref<128x144xf32, #tpu.memory_space<vmem>>, vector<1x16xf32>,
          %parallel_loop3A_181 = arith.index_cast %parallel_loop3A_107 : i32 to index
          %parallel_loop3A_182 = arith.constant 64 : index
          %parallel_loop3A_183 = tpu.vector_load %arg13[%parallel_loop3A_181, %parallel_loop3A_182] {strides = array<i32>} : memref<128x144xf32, #tpu.memory_space<vmem>>, vector<1x16xf32>,
          %parallel_loop3A_184 = vector.shape_cast %parallel_loop3A_183 : vector<1x16xf32> to vector<16xf32>
          %parallel_loop3A_185 = arith.mulf %parallel_loop3A_184, %parallel_loop3A_140 : vector<16xf32>
          %parallel_loop3A_186 = arith.index_cast %parallel_loop3A_107 : i32 to index
          %parallel_loop3A_187 = arith.constant 64 : index
          %parallel_loop3A_188 = tpu.vector_load %arg13[%parallel_loop3A_186, %parallel_loop3A_187] {strides = array<i32>} : memref<128x144xf32, #tpu.memory_space<vmem>>, vector<1x16xf32>,
          %parallel_loop3A_189 = vector.shape_cast %parallel_loop3A_188 : vector<1x16xf32> to vector<16xf32>
          %parallel_loop3A_190 = vector.shape_cast %parallel_loop3A_185 : vector<16xf32> to vector<1x16xf32>
          tpu.vector_store %arg13[%parallel_loop3A_186, %parallel_loop3A_187], %parallel_loop3A_190 {strides = array<i32>} : memref<128x144xf32, #tpu.memory_space<vmem>>, vector<1x16xf32>,
          %parallel_loop3A_191 = arith.index_cast %parallel_loop3A_107 : i32 to index
          %parallel_loop3A_192 = arith.constant 80 : index
          %parallel_loop3A_193 = tpu.vector_load %arg13[%parallel_loop3A_191, %parallel_loop3A_192] {strides = array<i32>} : memref<128x144xf32, #tpu.memory_space<vmem>>, vector<1x16xf32>,
          %parallel_loop3A_194 = vector.shape_cast %parallel_loop3A_193 : vector<1x16xf32> to vector<16xf32>
          %parallel_loop3A_195 = arith.mulf %parallel_loop3A_194, %parallel_loop3A_140 : vector<16xf32>
          %parallel_loop3A_196 = arith.index_cast %parallel_loop3A_107 : i32 to index
          %parallel_loop3A_197 = arith.constant 80 : index
          %parallel_loop3A_198 = tpu.vector_load %arg13[%parallel_loop3A_196, %parallel_loop3A_197] {strides = array<i32>} : memref<128x144xf32, #tpu.memory_space<vmem>>, vector<1x16xf32>,
          %parallel_loop3A_199 = vector.shape_cast %parallel_loop3A_198 : vector<1x16xf32> to vector<16xf32>
          %parallel_loop3A_200 = vector.shape_cast %parallel_loop3A_195 : vector<16xf32> to vector<1x16xf32>
          tpu.vector_store %arg13[%parallel_loop3A_196, %parallel_loop3A_197], %parallel_loop3A_200 {strides = array<i32>} : memref<128x144xf32, #tpu.memory_space<vmem>>, vector<1x16xf32>,
          %parallel_loop3A_201 = arith.index_cast %parallel_loop3A_107 : i32 to index
          %parallel_loop3A_202 = arith.constant 96 : index
          %parallel_loop3A_203 = tpu.vector_load %arg13[%parallel_loop3A_201, %parallel_loop3A_202] {strides = array<i32>} : memref<128x144xf32, #tpu.memory_space<vmem>>, vector<1x16xf32>,
          %parallel_loop3A_204 = vector.shape_cast %parallel_loop3A_203 : vector<1x16xf32> to vector<16xf32>
          %parallel_loop3A_205 = arith.mulf %parallel_loop3A_204, %parallel_loop3A_140 : vector<16xf32>
          %parallel_loop3A_206 = arith.index_cast %parallel_loop3A_107 : i32 to index
          %parallel_loop3A_207 = arith.constant 96 : index
          %parallel_loop3A_208 = tpu.vector_load %arg13[%parallel_loop3A_206, %parallel_loop3A_207] {strides = array<i32>} : memref<128x144xf32, #tpu.memory_space<vmem>>, vector<1x16xf32>,
          %parallel_loop3A_209 = vector.shape_cast %parallel_loop3A_208 : vector<1x16xf32> to vector<16xf32>
          %parallel_loop3A_210 = vector.shape_cast %parallel_loop3A_205 : vector<16xf32> to vector<1x16xf32>
          tpu.vector_store %arg13[%parallel_loop3A_206, %parallel_loop3A_207], %parallel_loop3A_210 {strides = array<i32>} : memref<128x144xf32, #tpu.memory_space<vmem>>, vector<1x16xf32>,
          %parallel_loop3A_211 = arith.index_cast %parallel_loop3A_107 : i32 to index
          %parallel_loop3A_212 = arith.constant 112 : index
          %parallel_loop3A_213 = tpu.vector_load %arg13[%parallel_loop3A_211, %parallel_loop3A_212] {strides = array<i32>} : memref<128x144xf32, #tpu.memory_space<vmem>>, vector<1x16xf32>,
          %parallel_loop3A_214 = vector.shape_cast %parallel_loop3A_213 : vector<1x16xf32> to vector<16xf32>
          %parallel_loop3A_215 = arith.mulf %parallel_loop3A_214, %parallel_loop3A_140 : vector<16xf32>
          %parallel_loop3A_216 = arith.index_cast %parallel_loop3A_107 : i32 to index
          %parallel_loop3A_217 = arith.constant 112 : index
          %parallel_loop3A_218 = tpu.vector_load %arg13[%parallel_loop3A_216, %parallel_loop3A_217] {strides = array<i32>} : memref<128x144xf32, #tpu.memory_space<vmem>>, vector<1x16xf32>,
          %parallel_loop3A_219 = vector.shape_cast %parallel_loop3A_218 : vector<1x16xf32> to vector<16xf32>
          %parallel_loop3A_220 = vector.shape_cast %parallel_loop3A_215 : vector<16xf32> to vector<1x16xf32>
          tpu.vector_store %arg13[%parallel_loop3A_216, %parallel_loop3A_217], %parallel_loop3A_220 {strides = array<i32>} : memref<128x144xf32, #tpu.memory_space<vmem>>, vector<1x16xf32>,
          %parallel_loop3A_221 = arith.index_cast %parallel_loop3A_107 : i32 to index
          %parallel_loop3A_222 = arith.constant 128 : index
          %parallel_loop3A_223 = tpu.vector_load %arg13[%parallel_loop3A_221, %parallel_loop3A_222] {strides = array<i32>} : memref<128x144xf32, #tpu.memory_space<vmem>>, vector<1x16xf32>,
          %parallel_loop3A_224 = vector.shape_cast %parallel_loop3A_223 : vector<1x16xf32> to vector<16xf32>
          %parallel_loop3A_225 = arith.constant 128 : i32
          %parallel_loop3A_226 = vector.broadcast %parallel_loop3A_225 : i32 to vector<16xi32>
          %parallel_loop3A_227 = arith.addi %iota3A, %parallel_loop3A_226 : vector<16xi32>
          %parallel_loop3A_228 = arith.constant 64 : i32
          %parallel_loop3A_229 = vector.broadcast %parallel_loop3A_228 : i32 to vector<16xi32>
          %parallel_loop3A_230 = arith.cmpi slt, %parallel_loop3A_227, %parallel_loop3A_229 : vector<16xi32>
          %parallel_loop3A_231 = arith.constant 128 : i32
          %parallel_loop3A_232 = vector.broadcast %parallel_loop3A_231 : i32 to vector<16xi32>
          %parallel_loop3A_233 = arith.cmpi slt, %parallel_loop3A_227, %parallel_loop3A_232 : vector<16xi32>
          %parallel_loop3A_234 = arith.constant 128 : i32
          %parallel_loop3A_235 = vector.broadcast %parallel_loop3A_234 : i32 to vector<16xi32>
          %parallel_loop3A_236 = arith.cmpi eq, %parallel_loop3A_227, %parallel_loop3A_235 : vector<16xi32>
          %parallel_loop3A_237 = arith.constant 129 : i32
          %parallel_loop3A_238 = vector.broadcast %parallel_loop3A_237 : i32 to vector<16xi32>
          %parallel_loop3A_239 = arith.cmpi eq, %parallel_loop3A_227, %parallel_loop3A_238 : vector<16xi32>
          %parallel_loop3A_240 = arith.select %parallel_loop3A_239, %parallel_loop3A_140, %broadcast_in_dim3A_0 : vector<16xi1>, vector<16xf32>
          %parallel_loop3A_241 = arith.select %parallel_loop3A_236, %parallel_loop3A_137, %parallel_loop3A_240 : vector<16xi1>, vector<16xf32>
          %parallel_loop3A_242 = arith.select %parallel_loop3A_233, %parallel_loop3A_140, %parallel_loop3A_241 : vector<16xi1>, vector<16xf32>
          %parallel_loop3A_243 = arith.select %parallel_loop3A_230, %parallel_loop3A_137, %parallel_loop3A_242 : vector<16xi1>, vector<16xf32>
          %parallel_loop3A_244 = arith.mulf %parallel_loop3A_224, %parallel_loop3A_243 : vector<16xf32>
          %parallel_loop3A_245 = arith.index_cast %parallel_loop3A_107 : i32 to index
          %parallel_loop3A_246 = arith.constant 128 : index
          %parallel_loop3A_247 = tpu.vector_load %arg13[%parallel_loop3A_245, %parallel_loop3A_246] {strides = array<i32>} : memref<128x144xf32, #tpu.memory_space<vmem>>, vector<1x16xf32>,
          %parallel_loop3A_248 = vector.shape_cast %parallel_loop3A_247 : vector<1x16xf32> to vector<16xf32>
          %parallel_loop3A_249 = vector.shape_cast %parallel_loop3A_244 : vector<16xf32> to vector<1x16xf32>
          tpu.vector_store %arg13[%parallel_loop3A_245, %parallel_loop3A_246], %parallel_loop3A_249 {strides = array<i32>} : memref<128x144xf32, #tpu.memory_space<vmem>>, vector<1x16xf32>,
        } {sc.loop_unroll_factor = 4 : i64, sc.parallel_access}
        "tpu.region"() ({
          %run_scoped3A_107 = tpu.sem_alloc : memref<!tpu.dma_semaphore, #tpu.memory_space<semaphore_mem>>
          %dma_start3A = arith.constant 0 : i32
          %dma_start3A_108 = arith.constant 0 : i32
          %dma_start3A_109 = tpu.memref_slice %arg14[%dma_start3A, %dma_start3A_108] : memref<10240x144xf32, #tpu.memory_space<vmem_shared>> -> memref<10240x144xf32, #tpu.memory_space<vmem_shared>>
          tpu.enqueue_indirect_dma source(%arg13 : memref<128x144xf32, #tpu.memory_space<vmem>>) target(%dma_start3A_109 : memref<10240x144xf32, #tpu.memory_space<vmem_shared>>) offsets(%arg10 : memref<128xi32, #tpu.memory_space<vmem>>) semaphore(%run_scoped3A_107 : memref<!tpu.dma_semaphore, #tpu.memory_space<semaphore_mem>>) {add = true}
          %dma_wait3A = arith.constant 0 : i32
          %dma_wait3A_110 = arith.constant 0 : i32
          %dma_wait3A_111 = tpu.memref_slice %arg14[%dma_wait3A, %dma_wait3A_110] : memref<10240x144xf32, #tpu.memory_space<vmem_shared>> -> memref<10240x144xf32, #tpu.memory_space<vmem_shared>>
          tpu.wait_indirect_dma semaphore(%run_scoped3A_107 : memref<!tpu.dma_semaphore, #tpu.memory_space<semaphore_mem>>) src(%arg13 : memref<128x144xf32, #tpu.memory_space<vmem>>) dst(%dma_wait3A_111 : memref<10240x144xf32, #tpu.memory_space<vmem_shared>>)
          tpu.yield
        }) : () -> ()
      } else {
      }
    }
    %scan3A_40 = arith.constant 157 : i32
    %barrier3A_41 = arith.constant 0 : index
    tpu.barrier barrier_id(%barrier3A_41)
    %mul3A_42 = arith.constant 640 : i32
    %mul3A_43 = arith.muli %arg1, %mul3A_42 : i32
    %add3A_44 = arith.constant 0 : i32
    %add3A_45 = arith.addi %mul3A_43, %add3A_44 : i32
    %mul3A_46 = arith.constant 640 : i32
    %mul3A_47 = arith.muli %arg1, %mul3A_46 : i32
    %add3A_48 = arith.constant 0 : i32
    %add3A_49 = arith.addi %mul3A_47, %add3A_48 : i32
    %run_scoped3A = arith.constant 0 : i32
    "tpu.region"() ({
      %run_scoped3A_87 = tpu.sem_alloc : memref<!tpu.dma_semaphore, #tpu.memory_space<semaphore_mem>>
      %dma_start3A = arith.constant 0 : i32
      %dma_start3A_88 = arith.constant 0 : i32
      %dma_start3A_89 = tpu.memref_slice %arg8[%arg0, %run_scoped3A, %dma_start3A, %dma_start3A_88] : memref<2x1x10240x144xf32, #tpu.memory_space<hbm>> -> memref<1x1x10240x144xf32, #tpu.memory_space<hbm>>
      %dma_start3A_90 = tpu.memref_squeeze %dma_start3A_89 : memref<1x1x10240x144xf32, #tpu.memory_space<hbm>> -> memref<10240x144xf32, #tpu.memory_space<hbm>>
      %dma_start3A_91 = arith.constant 0 : i32
      %dma_start3A_92 = tpu.memref_slice %dma_start3A_90[%add3A_49, %dma_start3A_91] : memref<10240x144xf32, #tpu.memory_space<hbm>> -> memref<128x144xf32, #tpu.memory_space<hbm>>
      %dma_start3A_93 = arith.constant 0 : i32
      %dma_start3A_94 = tpu.memref_slice %arg14[%add3A_45, %dma_start3A_93] : memref<10240x144xf32, #tpu.memory_space<vmem_shared>> -> memref<128x144xf32, #tpu.memory_space<vmem_shared>>
      tpu.enqueue_dma source(%dma_start3A_94 : memref<128x144xf32, #tpu.memory_space<vmem_shared>>) target(%dma_start3A_92 : memref<128x144xf32, #tpu.memory_space<hbm>>) target_semaphore(%run_scoped3A_87 : memref<!tpu.dma_semaphore, #tpu.memory_space<semaphore_mem>>)
      %dma_wait3A = arith.constant 0 : i32
      %dma_wait3A_95 = arith.constant 0 : i32
      %dma_wait3A_96 = tpu.memref_slice %arg8[%arg0, %run_scoped3A, %dma_wait3A, %dma_wait3A_95] : memref<2x1x10240x144xf32, #tpu.memory_space<hbm>> -> memref<1x1x10240x144xf32, #tpu.memory_space<hbm>>
      %dma_wait3A_97 = tpu.memref_squeeze %dma_wait3A_96 : memref<1x1x10240x144xf32, #tpu.memory_space<hbm>> -> memref<10240x144xf32, #tpu.memory_space<hbm>>
      %dma_wait3A_98 = arith.constant 0 : i32
      %dma_wait3A_99 = tpu.memref_slice %dma_wait3A_97[%add3A_49, %dma_wait3A_98] : memref<10240x144xf32, #tpu.memory_space<hbm>> -> memref<128x144xf32, #tpu.memory_space<hbm>>
      %dma_wait3A_100 = arith.constant 0 : i32
      %dma_wait3A_101 = tpu.memref_slice %arg14[%add3A_45, %dma_wait3A_100] : memref<10240x144xf32, #tpu.memory_space<vmem_shared>> -> memref<128x144xf32, #tpu.memory_space<vmem_shared>>
      tpu.wait_dma2 semaphore(%run_scoped3A_87 : memref<!tpu.dma_semaphore, #tpu.memory_space<semaphore_mem>>) src(%dma_wait3A_101 : memref<128x144xf32, #tpu.memory_space<vmem_shared>>) dst(%dma_wait3A_99 : memref<128x144xf32, #tpu.memory_space<hbm>>)
      tpu.yield
    }) : () -> ()
    %mul3A_50 = arith.constant 640 : i32
    %mul3A_51 = arith.muli %arg1, %mul3A_50 : i32
    %add3A_52 = arith.constant 128 : i32
    %add3A_53 = arith.addi %mul3A_51, %add3A_52 : i32
    %mul3A_54 = arith.constant 640 : i32
    %mul3A_55 = arith.muli %arg1, %mul3A_54 : i32
    %add3A_56 = arith.constant 128 : i32
    %add3A_57 = arith.addi %mul3A_55, %add3A_56 : i32
    %run_scoped3A_58 = arith.constant 0 : i32
    "tpu.region"() ({
      %run_scoped3A_87 = tpu.sem_alloc : memref<!tpu.dma_semaphore, #tpu.memory_space<semaphore_mem>>
      %dma_start3A = arith.constant 0 : i32
      %dma_start3A_88 = arith.constant 0 : i32
      %dma_start3A_89 = tpu.memref_slice %arg8[%arg0, %run_scoped3A_58, %dma_start3A, %dma_start3A_88] : memref<2x1x10240x144xf32, #tpu.memory_space<hbm>> -> memref<1x1x10240x144xf32, #tpu.memory_space<hbm>>
      %dma_start3A_90 = tpu.memref_squeeze %dma_start3A_89 : memref<1x1x10240x144xf32, #tpu.memory_space<hbm>> -> memref<10240x144xf32, #tpu.memory_space<hbm>>
      %dma_start3A_91 = arith.constant 0 : i32
      %dma_start3A_92 = tpu.memref_slice %dma_start3A_90[%add3A_57, %dma_start3A_91] : memref<10240x144xf32, #tpu.memory_space<hbm>> -> memref<128x144xf32, #tpu.memory_space<hbm>>
      %dma_start3A_93 = arith.constant 0 : i32
      %dma_start3A_94 = tpu.memref_slice %arg14[%add3A_53, %dma_start3A_93] : memref<10240x144xf32, #tpu.memory_space<vmem_shared>> -> memref<128x144xf32, #tpu.memory_space<vmem_shared>>
      tpu.enqueue_dma source(%dma_start3A_94 : memref<128x144xf32, #tpu.memory_space<vmem_shared>>) target(%dma_start3A_92 : memref<128x144xf32, #tpu.memory_space<hbm>>) target_semaphore(%run_scoped3A_87 : memref<!tpu.dma_semaphore, #tpu.memory_space<semaphore_mem>>)
      %dma_wait3A = arith.constant 0 : i32
      %dma_wait3A_95 = arith.constant 0 : i32
      %dma_wait3A_96 = tpu.memref_slice %arg8[%arg0, %run_scoped3A_58, %dma_wait3A, %dma_wait3A_95] : memref<2x1x10240x144xf32, #tpu.memory_space<hbm>> -> memref<1x1x10240x144xf32, #tpu.memory_space<hbm>>
      %dma_wait3A_97 = tpu.memref_squeeze %dma_wait3A_96 : memref<1x1x10240x144xf32, #tpu.memory_space<hbm>> -> memref<10240x144xf32, #tpu.memory_space<hbm>>
      %dma_wait3A_98 = arith.constant 0 : i32
      %dma_wait3A_99 = tpu.memref_slice %dma_wait3A_97[%add3A_57, %dma_wait3A_98] : memref<10240x144xf32, #tpu.memory_space<hbm>> -> memref<128x144xf32, #tpu.memory_space<hbm>>
      %dma_wait3A_100 = arith.constant 0 : i32
      %dma_wait3A_101 = tpu.memref_slice %arg14[%add3A_53, %dma_wait3A_100] : memref<10240x144xf32, #tpu.memory_space<vmem_shared>> -> memref<128x144xf32, #tpu.memory_space<vmem_shared>>
      tpu.wait_dma2 semaphore(%run_scoped3A_87 : memref<!tpu.dma_semaphore, #tpu.memory_space<semaphore_mem>>) src(%dma_wait3A_101 : memref<128x144xf32, #tpu.memory_space<vmem_shared>>) dst(%dma_wait3A_99 : memref<128x144xf32, #tpu.memory_space<hbm>>)
      tpu.yield
    }) : () -> ()
    %mul3A_59 = arith.constant 640 : i32
    %mul3A_60 = arith.muli %arg1, %mul3A_59 : i32
    %add3A_61 = arith.constant 256 : i32
    %add3A_62 = arith.addi %mul3A_60, %add3A_61 : i32
    %mul3A_63 = arith.constant 640 : i32
    %mul3A_64 = arith.muli %arg1, %mul3A_63 : i32
    %add3A_65 = arith.constant 256 : i32
    %add3A_66 = arith.addi %mul3A_64, %add3A_65 : i32
    %run_scoped3A_67 = arith.constant 0 : i32
    "tpu.region"() ({
      %run_scoped3A_87 = tpu.sem_alloc : memref<!tpu.dma_semaphore, #tpu.memory_space<semaphore_mem>>
      %dma_start3A = arith.constant 0 : i32
      %dma_start3A_88 = arith.constant 0 : i32
      %dma_start3A_89 = tpu.memref_slice %arg8[%arg0, %run_scoped3A_67, %dma_start3A, %dma_start3A_88] : memref<2x1x10240x144xf32, #tpu.memory_space<hbm>> -> memref<1x1x10240x144xf32, #tpu.memory_space<hbm>>
      %dma_start3A_90 = tpu.memref_squeeze %dma_start3A_89 : memref<1x1x10240x144xf32, #tpu.memory_space<hbm>> -> memref<10240x144xf32, #tpu.memory_space<hbm>>
      %dma_start3A_91 = arith.constant 0 : i32
      %dma_start3A_92 = tpu.memref_slice %dma_start3A_90[%add3A_66, %dma_start3A_91] : memref<10240x144xf32, #tpu.memory_space<hbm>> -> memref<128x144xf32, #tpu.memory_space<hbm>>
      %dma_start3A_93 = arith.constant 0 : i32
      %dma_start3A_94 = tpu.memref_slice %arg14[%add3A_62, %dma_start3A_93] : memref<10240x144xf32, #tpu.memory_space<vmem_shared>> -> memref<128x144xf32, #tpu.memory_space<vmem_shared>>
      tpu.enqueue_dma source(%dma_start3A_94 : memref<128x144xf32, #tpu.memory_space<vmem_shared>>) target(%dma_start3A_92 : memref<128x144xf32, #tpu.memory_space<hbm>>) target_semaphore(%run_scoped3A_87 : memref<!tpu.dma_semaphore, #tpu.memory_space<semaphore_mem>>)
      %dma_wait3A = arith.constant 0 : i32
      %dma_wait3A_95 = arith.constant 0 : i32
      %dma_wait3A_96 = tpu.memref_slice %arg8[%arg0, %run_scoped3A_67, %dma_wait3A, %dma_wait3A_95] : memref<2x1x10240x144xf32, #tpu.memory_space<hbm>> -> memref<1x1x10240x144xf32, #tpu.memory_space<hbm>>
      %dma_wait3A_97 = tpu.memref_squeeze %dma_wait3A_96 : memref<1x1x10240x144xf32, #tpu.memory_space<hbm>> -> memref<10240x144xf32, #tpu.memory_space<hbm>>
      %dma_wait3A_98 = arith.constant 0 : i32
      %dma_wait3A_99 = tpu.memref_slice %dma_wait3A_97[%add3A_66, %dma_wait3A_98] : memref<10240x144xf32, #tpu.memory_space<hbm>> -> memref<128x144xf32, #tpu.memory_space<hbm>>
      %dma_wait3A_100 = arith.constant 0 : i32
      %dma_wait3A_101 = tpu.memref_slice %arg14[%add3A_62, %dma_wait3A_100] : memref<10240x144xf32, #tpu.memory_space<vmem_shared>> -> memref<128x144xf32, #tpu.memory_space<vmem_shared>>
      tpu.wait_dma2 semaphore(%run_scoped3A_87 : memref<!tpu.dma_semaphore, #tpu.memory_space<semaphore_mem>>) src(%dma_wait3A_101 : memref<128x144xf32, #tpu.memory_space<vmem_shared>>) dst(%dma_wait3A_99 : memref<128x144xf32, #tpu.memory_space<hbm>>)
      tpu.yield
    }) : () -> ()
    %mul3A_68 = arith.constant 640 : i32
    %mul3A_69 = arith.muli %arg1, %mul3A_68 : i32
    %add3A_70 = arith.constant 384 : i32
    %add3A_71 = arith.addi %mul3A_69, %add3A_70 : i32
    %mul3A_72 = arith.constant 640 : i32
    %mul3A_73 = arith.muli %arg1, %mul3A_72 : i32
    %add3A_74 = arith.constant 384 : i32
    %add3A_75 = arith.addi %mul3A_73, %add3A_74 : i32
    %run_scoped3A_76 = arith.constant 0 : i32
    "tpu.region"() ({
      %run_scoped3A_87 = tpu.sem_alloc : memref<!tpu.dma_semaphore, #tpu.memory_space<semaphore_mem>>
      %dma_start3A = arith.constant 0 : i32
      %dma_start3A_88 = arith.constant 0 : i32
      %dma_start3A_89 = tpu.memref_slice %arg8[%arg0, %run_scoped3A_76, %dma_start3A, %dma_start3A_88] : memref<2x1x10240x144xf32, #tpu.memory_space<hbm>> -> memref<1x1x10240x144xf32, #tpu.memory_space<hbm>>
      %dma_start3A_90 = tpu.memref_squeeze %dma_start3A_89 : memref<1x1x10240x144xf32, #tpu.memory_space<hbm>> -> memref<10240x144xf32, #tpu.memory_space<hbm>>
      %dma_start3A_91 = arith.constant 0 : i32
      %dma_start3A_92 = tpu.memref_slice %dma_start3A_90[%add3A_75, %dma_start3A_91] : memref<10240x144xf32, #tpu.memory_space<hbm>> -> memref<128x144xf32, #tpu.memory_space<hbm>>
      %dma_start3A_93 = arith.constant 0 : i32
      %dma_start3A_94 = tpu.memref_slice %arg14[%add3A_71, %dma_start3A_93] : memref<10240x144xf32, #tpu.memory_space<vmem_shared>> -> memref<128x144xf32, #tpu.memory_space<vmem_shared>>
      tpu.enqueue_dma source(%dma_start3A_94 : memref<128x144xf32, #tpu.memory_space<vmem_shared>>) target(%dma_start3A_92 : memref<128x144xf32, #tpu.memory_space<hbm>>) target_semaphore(%run_scoped3A_87 : memref<!tpu.dma_semaphore, #tpu.memory_space<semaphore_mem>>)
      %dma_wait3A = arith.constant 0 : i32
      %dma_wait3A_95 = arith.constant 0 : i32
      %dma_wait3A_96 = tpu.memref_slice %arg8[%arg0, %run_scoped3A_76, %dma_wait3A, %dma_wait3A_95] : memref<2x1x10240x144xf32, #tpu.memory_space<hbm>> -> memref<1x1x10240x144xf32, #tpu.memory_space<hbm>>
      %dma_wait3A_97 = tpu.memref_squeeze %dma_wait3A_96 : memref<1x1x10240x144xf32, #tpu.memory_space<hbm>> -> memref<10240x144xf32, #tpu.memory_space<hbm>>
      %dma_wait3A_98 = arith.constant 0 : i32
      %dma_wait3A_99 = tpu.memref_slice %dma_wait3A_97[%add3A_75, %dma_wait3A_98] : memref<10240x144xf32, #tpu.memory_space<hbm>> -> memref<128x144xf32, #tpu.memory_space<hbm>>
      %dma_wait3A_100 = arith.constant 0 : i32
      %dma_wait3A_101 = tpu.memref_slice %arg14[%add3A_71, %dma_wait3A_100] : memref<10240x144xf32, #tpu.memory_space<vmem_shared>> -> memref<128x144xf32, #tpu.memory_space<vmem_shared>>
      tpu.wait_dma2 semaphore(%run_scoped3A_87 : memref<!tpu.dma_semaphore, #tpu.memory_space<semaphore_mem>>) src(%dma_wait3A_101 : memref<128x144xf32, #tpu.memory_space<vmem_shared>>) dst(%dma_wait3A_99 : memref<128x144xf32, #tpu.memory_space<hbm>>)
      tpu.yield
    }) : () -> ()
    %mul3A_77 = arith.constant 640 : i32
    %mul3A_78 = arith.muli %arg1, %mul3A_77 : i32
    %add3A_79 = arith.constant 512 : i32
    %add3A_80 = arith.addi %mul3A_78, %add3A_79 : i32
    %mul3A_81 = arith.constant 640 : i32
    %mul3A_82 = arith.muli %arg1, %mul3A_81 : i32
    %add3A_83 = arith.constant 512 : i32
    %add3A_84 = arith.addi %mul3A_82, %add3A_83 : i32
    %run_scoped3A_85 = arith.constant 0 : i32
    "tpu.region"() ({
      %run_scoped3A_87 = tpu.sem_alloc : memref<!tpu.dma_semaphore, #tpu.memory_space<semaphore_mem>>
      %dma_start3A = arith.constant 0 : i32
      %dma_start3A_88 = arith.constant 0 : i32
      %dma_start3A_89 = tpu.memref_slice %arg8[%arg0, %run_scoped3A_85, %dma_start3A, %dma_start3A_88] : memref<2x1x10240x144xf32, #tpu.memory_space<hbm>> -> memref<1x1x10240x144xf32, #tpu.memory_space<hbm>>
      %dma_start3A_90 = tpu.memref_squeeze %dma_start3A_89 : memref<1x1x10240x144xf32, #tpu.memory_space<hbm>> -> memref<10240x144xf32, #tpu.memory_space<hbm>>
      %dma_start3A_91 = arith.constant 0 : i32
      %dma_start3A_92 = tpu.memref_slice %dma_start3A_90[%add3A_84, %dma_start3A_91] : memref<10240x144xf32, #tpu.memory_space<hbm>> -> memref<128x144xf32, #tpu.memory_space<hbm>>
      %dma_start3A_93 = arith.constant 0 : i32
      %dma_start3A_94 = tpu.memref_slice %arg14[%add3A_80, %dma_start3A_93] : memref<10240x144xf32, #tpu.memory_space<vmem_shared>> -> memref<128x144xf32, #tpu.memory_space<vmem_shared>>
      tpu.enqueue_dma source(%dma_start3A_94 : memref<128x144xf32, #tpu.memory_space<vmem_shared>>) target(%dma_start3A_92 : memref<128x144xf32, #tpu.memory_space<hbm>>) target_semaphore(%run_scoped3A_87 : memref<!tpu.dma_semaphore, #tpu.memory_space<semaphore_mem>>)
      %dma_wait3A = arith.constant 0 : i32
      %dma_wait3A_95 = arith.constant 0 : i32
      %dma_wait3A_96 = tpu.memref_slice %arg8[%arg0, %run_scoped3A_85, %dma_wait3A, %dma_wait3A_95] : memref<2x1x10240x144xf32, #tpu.memory_space<hbm>> -> memref<1x1x10240x144xf32, #tpu.memory_space<hbm>>
      %dma_wait3A_97 = tpu.memref_squeeze %dma_wait3A_96 : memref<1x1x10240x144xf32, #tpu.memory_space<hbm>> -> memref<10240x144xf32, #tpu.memory_space<hbm>>
      %dma_wait3A_98 = arith.constant 0 : i32
      %dma_wait3A_99 = tpu.memref_slice %dma_wait3A_97[%add3A_84, %dma_wait3A_98] : memref<10240x144xf32, #tpu.memory_space<hbm>> -> memref<128x144xf32, #tpu.memory_space<hbm>>
      %dma_wait3A_100 = arith.constant 0 : i32
      %dma_wait3A_101 = tpu.memref_slice %arg14[%add3A_80, %dma_wait3A_100] : memref<10240x144xf32, #tpu.memory_space<vmem_shared>> -> memref<128x144xf32, #tpu.memory_space<vmem_shared>>
      tpu.wait_dma2 semaphore(%run_scoped3A_87 : memref<!tpu.dma_semaphore, #tpu.memory_space<semaphore_mem>>) src(%dma_wait3A_101 : memref<128x144xf32, #tpu.memory_space<vmem_shared>>) dst(%dma_wait3A_99 : memref<128x144xf32, #tpu.memory_space<hbm>>)
      tpu.yield
    }) : () -> ()
    %barrier3A_86 = arith.constant 0 : index
    tpu.barrier barrier_id(%barrier3A_86)
    return
  }
}

module attributes {stable_mosaic.version = 14 : i64} {
  func.func @body(%arg0: i32, %arg1: memref<1000x128xf32, #tpu.memory_space<vmem>>, %arg2: memref<128x520xf32, #tpu.memory_space<vmem>>, %arg3: memref<1000x520xf32, #tpu.memory_space<vmem>>) attributes {dimension_semantics = [#tpu.dimension_semantics<arbitrary>], iteration_bounds = array<i64: 10>, scalar_prefetch = 0 : i64, scratch_operands = 0 : i64, tpu.core_type = #tpu.core_type<tc>, window_params = [{transform_indices = @transform_0, window_bounds = array<i64: 1000, 128>}, {pipeline_mode = #tpu.pipeline_mode<synchronous>, transform_indices = @transform_1, window_bounds = array<i64: 128, 520>}, {transform_indices = @transform_2, window_bounds = array<i64: 1000, 520>}]} {
    %get3A = arith.constant 0 : index
    %get3A_0 = arith.constant 0 : index
    %get3A_1 = vector.load %arg1[%get3A, %get3A_0] : memref<1000x128xf32, #tpu.memory_space<vmem>>, vector<1000x128xf32>
    %get3A_2 = arith.constant 0 : index
    %get3A_3 = arith.constant 0 : index
    %get3A_4 = vector.load %arg2[%get3A_2, %get3A_3] : memref<128x520xf32, #tpu.memory_space<vmem>>, vector<128x520xf32>
    %dot_general3A = arith.constant dense<0.000000e+00> : vector<1000x520xf32>
    %dot_general3A_5 = tpu.matmul %get3A_1, %get3A_4, %dot_general3A {dimension_numbers = #tpu.dot_dimension_numbers<[1], [0], [0], [1], [0, 0, 1, 1], [], []>, transpose_lhs_hint = false} : vector<1000x128xf32>, vector<128x520xf32>, vector<1000x520xf32> -> vector<1000x520xf32>
    %swap3A = arith.constant 0 : index
    %swap3A_6 = arith.constant 0 : index
    %swap3A_7 = vector.load %arg3[%swap3A, %swap3A_6] : memref<1000x520xf32, #tpu.memory_space<vmem>>, vector<1000x520xf32>
    tpu.vector_store %arg3[%swap3A, %swap3A_6], %dot_general3A_5 {strides = array<i32>} : memref<1000x520xf32, #tpu.memory_space<vmem>>, vector<1000x520xf32>,
    return
  }
  func.func @transform_0(%arg0: i32) -> (i32, i32) {
    %c0_i32 = arith.constant 0 : i32
    %c0_i32_0 = arith.constant 0 : i32
    return %arg0, %c0_i32 : i32, i32
  }
  func.func @transform_1(%arg0: i32) -> (i32, i32) {
    %c0_i32 = arith.constant 0 : i32
    %c0_i32_0 = arith.constant 0 : i32
    %c0_i32_1 = arith.constant 0 : i32
    return %c0_i32, %c0_i32_0 : i32, i32
  }
  func.func @transform_2(%arg0: i32) -> (i32, i32) {
    %c0_i32 = arith.constant 0 : i32
    %c0_i32_0 = arith.constant 0 : i32
    return %arg0, %c0_i32 : i32, i32
  }
}

module attributes {stable_mosaic.version = 14 : i64} {
  func.func @body(%arg0: i32, %arg1: memref<2x1x1000x144xf32, #tpu.memory_space<vmem>>, %arg2: memref<1000x256xf32, #tpu.memory_space<vmem>>, %arg3: memref<1x256xf32, #tpu.memory_space<vmem>>, %arg4: memref<1000x256xf32, #tpu.memory_space<vmem>>) attributes {dimension_semantics = [#tpu.dimension_semantics<arbitrary>], iteration_bounds = array<i64: 10>, scalar_prefetch = 0 : i64, scratch_operands = 0 : i64, tpu.core_type = #tpu.core_type<tc>, window_params = [{transform_indices = @transform_0, window_bounds = array<i64: 2, 1, 1000, 144>}, {transform_indices = @transform_1, window_bounds = array<i64: 1000, 256>}, {pipeline_mode = #tpu.pipeline_mode<synchronous>, transform_indices = @transform_2, window_bounds = array<i64: 1, 256>}, {transform_indices = @transform_3, window_bounds = array<i64: 1000, 256>}]} {
    %get3A = arith.constant 0 : index
    %get3A_0 = arith.constant 0 : index
    %get3A_1 = arith.constant 0 : index
    %get3A_2 = arith.constant 0 : index
    %get3A_3 = vector.load %arg1[%get3A, %get3A_0, %get3A_1, %get3A_2] : memref<2x1x1000x144xf32, #tpu.memory_space<vmem>>, vector<1x1x1000x144xf32>
    %get3A_4 = vector.shape_cast %get3A_3 : vector<1x1x1000x144xf32> to vector<1000x144xf32>
    %slice3A = vector.extract_strided_slice %get3A_4 {offsets = [0, 0], sizes = [1000, 64], strides = [1, 1]} : vector<1000x144xf32> to vector<1000x64xf32>
    %slice3A_5 = vector.extract_strided_slice %get3A_4 {offsets = [0, 128], sizes = [1000, 1], strides = [1, 1]} : vector<1000x144xf32> to vector<1000x1xf32>
    %add3A = arith.constant 1.000000e-16 : f32
    %add3A_6 = vector.broadcast %add3A : f32 to vector<1000x1xf32>
    %add3A_7 = arith.addf %slice3A_5, %add3A_6 : vector<1000x1xf32>
    %div3A = vector.broadcast %add3A_7 : vector<1000x1xf32> to vector<1000x64xf32>
    %div3A_8 = arith.divf %slice3A, %div3A : vector<1000x64xf32>
    %slice3A_9 = vector.extract_strided_slice %get3A_4 {offsets = [0, 64], sizes = [1000, 64], strides = [1, 1]} : vector<1000x144xf32> to vector<1000x64xf32>
    %slice3A_10 = vector.extract_strided_slice %get3A_4 {offsets = [0, 129], sizes = [1000, 1], strides = [1, 1]} : vector<1000x144xf32> to vector<1000x1xf32>
    %add3A_11 = arith.constant 1.000000e-16 : f32
    %add3A_12 = vector.broadcast %add3A_11 : f32 to vector<1000x1xf32>
    %add3A_13 = arith.addf %slice3A_10, %add3A_12 : vector<1000x1xf32>
    %div3A_14 = vector.broadcast %add3A_13 : vector<1000x1xf32> to vector<1000x64xf32>
    %div3A_15 = arith.divf %slice3A_9, %div3A_14 : vector<1000x64xf32>
    %get3A_16 = arith.constant 1 : index
    %get3A_17 = arith.constant 0 : index
    %get3A_18 = arith.constant 0 : index
    %get3A_19 = arith.constant 0 : index
    %get3A_20 = vector.load %arg1[%get3A_16, %get3A_17, %get3A_18, %get3A_19] : memref<2x1x1000x144xf32, #tpu.memory_space<vmem>>, vector<1x1x1000x144xf32>
    %get3A_21 = vector.shape_cast %get3A_20 : vector<1x1x1000x144xf32> to vector<1000x144xf32>
    %slice3A_22 = vector.extract_strided_slice %get3A_21 {offsets = [0, 0], sizes = [1000, 64], strides = [1, 1]} : vector<1000x144xf32> to vector<1000x64xf32>
    %slice3A_23 = vector.extract_strided_slice %get3A_21 {offsets = [0, 128], sizes = [1000, 1], strides = [1, 1]} : vector<1000x144xf32> to vector<1000x1xf32>
    %add3A_24 = arith.constant 1.000000e-16 : f32
    %add3A_25 = vector.broadcast %add3A_24 : f32 to vector<1000x1xf32>
    %add3A_26 = arith.addf %slice3A_23, %add3A_25 : vector<1000x1xf32>
    %div3A_27 = vector.broadcast %add3A_26 : vector<1000x1xf32> to vector<1000x64xf32>
    %div3A_28 = arith.divf %slice3A_22, %div3A_27 : vector<1000x64xf32>
    %slice3A_29 = vector.extract_strided_slice %get3A_21 {offsets = [0, 64], sizes = [1000, 64], strides = [1, 1]} : vector<1000x144xf32> to vector<1000x64xf32>
    %slice3A_30 = vector.extract_strided_slice %get3A_21 {offsets = [0, 129], sizes = [1000, 1], strides = [1, 1]} : vector<1000x144xf32> to vector<1000x1xf32>
    %add3A_31 = arith.constant 1.000000e-16 : f32
    %add3A_32 = vector.broadcast %add3A_31 : f32 to vector<1000x1xf32>
    %add3A_33 = arith.addf %slice3A_30, %add3A_32 : vector<1000x1xf32>
    %div3A_34 = vector.broadcast %add3A_33 : vector<1000x1xf32> to vector<1000x64xf32>
    %div3A_35 = arith.divf %slice3A_29, %div3A_34 : vector<1000x64xf32>
    %concatenate3A = tpu.concatenate %div3A_8, %div3A_15, %div3A_28, %div3A_35 in 1 : vector<1000x64xf32>, vector<1000x64xf32>, vector<1000x64xf32>, vector<1000x64xf32> -> vector<1000x256xf32>
    %get3A_36 = arith.constant 0 : index
    %get3A_37 = arith.constant 0 : index
    %get3A_38 = vector.load %arg2[%get3A_36, %get3A_37] : memref<1000x256xf32, #tpu.memory_space<vmem>>, vector<1000x256xf32>
    %add3A_39 = arith.addf %concatenate3A, %get3A_38 : vector<1000x256xf32>
    %get3A_40 = arith.constant 0 : index
    %get3A_41 = arith.constant 0 : index
    %get3A_42 = vector.load %arg3[%get3A_40, %get3A_41] : memref<1x256xf32, #tpu.memory_space<vmem>>, vector<1x256xf32>
    %add3A_43 = vector.broadcast %get3A_42 : vector<1x256xf32> to vector<1000x256xf32>
    %add3A_44 = arith.addf %add3A_39, %add3A_43 : vector<1000x256xf32>
    %max3A = arith.constant 0.000000e+00 : f32
    %max3A_45 = vector.broadcast %max3A : f32 to vector<1000x256xf32>
    %max3A_46 = arith.maximumf %add3A_44, %max3A_45 : vector<1000x256xf32>
    %swap3A = arith.constant 0 : index
    %swap3A_47 = arith.constant 0 : index
    %swap3A_48 = vector.load %arg4[%swap3A, %swap3A_47] : memref<1000x256xf32, #tpu.memory_space<vmem>>, vector<1000x256xf32>
    tpu.vector_store %arg4[%swap3A, %swap3A_47], %max3A_46 {strides = array<i32>} : memref<1000x256xf32, #tpu.memory_space<vmem>>, vector<1000x256xf32>,
    return
  }
  func.func @transform_0(%arg0: i32) -> (i32, i32, i32, i32) {
    %c0_i32 = arith.constant 0 : i32
    %c0_i32_0 = arith.constant 0 : i32
    %c0_i32_1 = arith.constant 0 : i32
    %c0_i32_2 = arith.constant 0 : i32
    return %c0_i32, %c0_i32_0, %arg0, %c0_i32_1 : i32, i32, i32, i32
  }
  func.func @transform_1(%arg0: i32) -> (i32, i32) {
    %c0_i32 = arith.constant 0 : i32
    %c0_i32_0 = arith.constant 0 : i32
    return %arg0, %c0_i32 : i32, i32
  }
  func.func @transform_2(%arg0: i32) -> (i32, i32) {
    %c0_i32 = arith.constant 0 : i32
    %c0_i32_0 = arith.constant 0 : i32
    %c0_i32_1 = arith.constant 0 : i32
    return %c0_i32, %c0_i32_0 : i32, i32
  }
  func.func @transform_3(%arg0: i32) -> (i32, i32) {
    %c0_i32 = arith.constant 0 : i32
    %c0_i32_0 = arith.constant 0 : i32
    return %arg0, %c0_i32 : i32, i32
  }
}

module attributes {stable_mosaic.version = 14 : i64} {
  func.func @body(%arg0: i32, %arg1: memref<1000x256xf32, #tpu.memory_space<vmem>>, %arg2: memref<256x520xf32, #tpu.memory_space<vmem>>, %arg3: memref<1000x520xf32, #tpu.memory_space<vmem>>) attributes {dimension_semantics = [#tpu.dimension_semantics<arbitrary>], iteration_bounds = array<i64: 10>, scalar_prefetch = 0 : i64, scratch_operands = 0 : i64, tpu.core_type = #tpu.core_type<tc>, window_params = [{transform_indices = @transform_0, window_bounds = array<i64: 1000, 256>}, {pipeline_mode = #tpu.pipeline_mode<synchronous>, transform_indices = @transform_1, window_bounds = array<i64: 256, 520>}, {transform_indices = @transform_2, window_bounds = array<i64: 1000, 520>}]} {
    %get3A = arith.constant 0 : index
    %get3A_0 = arith.constant 0 : index
    %get3A_1 = vector.load %arg1[%get3A, %get3A_0] : memref<1000x256xf32, #tpu.memory_space<vmem>>, vector<1000x256xf32>
    %get3A_2 = arith.constant 0 : index
    %get3A_3 = arith.constant 0 : index
    %get3A_4 = vector.load %arg2[%get3A_2, %get3A_3] : memref<256x520xf32, #tpu.memory_space<vmem>>, vector<256x520xf32>
    %dot_general3A = arith.constant dense<0.000000e+00> : vector<1000x520xf32>
    %dot_general3A_5 = tpu.matmul %get3A_1, %get3A_4, %dot_general3A {dimension_numbers = #tpu.dot_dimension_numbers<[1], [0], [0], [1], [0, 0, 1, 1], [], []>, transpose_lhs_hint = false} : vector<1000x256xf32>, vector<256x520xf32>, vector<1000x520xf32> -> vector<1000x520xf32>
    %swap3A = arith.constant 0 : index
    %swap3A_6 = arith.constant 0 : index
    %swap3A_7 = vector.load %arg3[%swap3A, %swap3A_6] : memref<1000x520xf32, #tpu.memory_space<vmem>>, vector<1000x520xf32>
    tpu.vector_store %arg3[%swap3A, %swap3A_6], %dot_general3A_5 {strides = array<i32>} : memref<1000x520xf32, #tpu.memory_space<vmem>>, vector<1000x520xf32>,
    return
  }
  func.func @transform_0(%arg0: i32) -> (i32, i32) {
    %c0_i32 = arith.constant 0 : i32
    %c0_i32_0 = arith.constant 0 : i32
    return %arg0, %c0_i32 : i32, i32
  }
  func.func @transform_1(%arg0: i32) -> (i32, i32) {
    %c0_i32 = arith.constant 0 : i32
    %c0_i32_0 = arith.constant 0 : i32
    %c0_i32_1 = arith.constant 0 : i32
    return %c0_i32, %c0_i32_0 : i32, i32
  }
  func.func @transform_2(%arg0: i32) -> (i32, i32) {
    %c0_i32 = arith.constant 0 : i32
    %c0_i32_0 = arith.constant 0 : i32
    return %arg0, %c0_i32 : i32, i32
  }
}

module attributes {stable_mosaic.version = 14 : i64} {
  func.func @body(%arg0: i32, %arg1: memref<1000x256xf32, #tpu.memory_space<vmem>>, %arg2: memref<256x613xf32, #tpu.memory_space<vmem>>, %arg3: memref<1000x613xf32, #tpu.memory_space<vmem>>) attributes {dimension_semantics = [#tpu.dimension_semantics<arbitrary>], iteration_bounds = array<i64: 10>, scalar_prefetch = 0 : i64, scratch_operands = 0 : i64, tpu.core_type = #tpu.core_type<tc>, window_params = [{transform_indices = @transform_0, window_bounds = array<i64: 1000, 256>}, {pipeline_mode = #tpu.pipeline_mode<synchronous>, transform_indices = @transform_1, window_bounds = array<i64: 256, 613>}, {transform_indices = @transform_2, window_bounds = array<i64: 1000, 613>}]} {
    %get3A = arith.constant 0 : index
    %get3A_0 = arith.constant 0 : index
    %get3A_1 = vector.load %arg1[%get3A, %get3A_0] : memref<1000x256xf32, #tpu.memory_space<vmem>>, vector<1000x256xf32>
    %get3A_2 = arith.constant 0 : index
    %get3A_3 = arith.constant 0 : index
    %get3A_4 = vector.load %arg2[%get3A_2, %get3A_3] : memref<256x613xf32, #tpu.memory_space<vmem>>, vector<256x613xf32>
    %dot_general3A = arith.constant dense<0.000000e+00> : vector<1000x613xf32>
    %dot_general3A_5 = tpu.matmul %get3A_1, %get3A_4, %dot_general3A {dimension_numbers = #tpu.dot_dimension_numbers<[1], [0], [0], [1], [0, 0, 1, 1], [], []>, transpose_lhs_hint = false} : vector<1000x256xf32>, vector<256x613xf32>, vector<1000x613xf32> -> vector<1000x613xf32>
    %swap3A = arith.constant 0 : index
    %swap3A_6 = arith.constant 0 : index
    %swap3A_7 = vector.load %arg3[%swap3A, %swap3A_6] : memref<1000x613xf32, #tpu.memory_space<vmem>>, vector<1000x613xf32>
    tpu.vector_store %arg3[%swap3A, %swap3A_6], %dot_general3A_5 {strides = array<i32>} : memref<1000x613xf32, #tpu.memory_space<vmem>>, vector<1000x613xf32>,
    return
  }
  func.func @transform_0(%arg0: i32) -> (i32, i32) {
    %c0_i32 = arith.constant 0 : i32
    %c0_i32_0 = arith.constant 0 : i32
    return %arg0, %c0_i32 : i32, i32
  }
  func.func @transform_1(%arg0: i32) -> (i32, i32) {
    %c0_i32 = arith.constant 0 : i32
    %c0_i32_0 = arith.constant 0 : i32
    %c0_i32_1 = arith.constant 0 : i32
    return %c0_i32, %c0_i32_0 : i32, i32
  }
  func.func @transform_2(%arg0: i32) -> (i32, i32) {
    %c0_i32 = arith.constant 0 : i32
    %c0_i32_0 = arith.constant 0 : i32
    return %arg0, %c0_i32 : i32, i32
  }
}

module attributes {stable_mosaic.version = 14 : i64} {
  func.func @body(%arg0: i32, %arg1: memref<2x1x1000x256xf32, #tpu.memory_space<vmem>>, %arg2: memref<1000x121xf32, #tpu.memory_space<vmem>>, %arg3: memref<1x121xf32, #tpu.memory_space<vmem>>, %arg4: memref<1000x121xf32, #tpu.memory_space<vmem>>) attributes {dimension_semantics = [#tpu.dimension_semantics<arbitrary>], iteration_bounds = array<i64: 10>, scalar_prefetch = 0 : i64, scratch_operands = 0 : i64, tpu.core_type = #tpu.core_type<tc>, window_params = [{transform_indices = @transform_0, window_bounds = array<i64: 2, 1, 1000, 256>}, {transform_indices = @transform_1, window_bounds = array<i64: 1000, 121>}, {pipeline_mode = #tpu.pipeline_mode<synchronous>, transform_indices = @transform_2, window_bounds = array<i64: 1, 121>}, {transform_indices = @transform_3, window_bounds = array<i64: 1000, 121>}]} {
    %get3A = arith.constant 0 : index
    %get3A_0 = arith.constant 0 : index
    %get3A_1 = arith.constant 0 : index
    %get3A_2 = arith.constant 0 : index
    %get3A_3 = vector.load %arg1[%get3A, %get3A_0, %get3A_1, %get3A_2] : memref<2x1x1000x256xf32, #tpu.memory_space<vmem>>, vector<1x1x1000x256xf32>
    %get3A_4 = vector.shape_cast %get3A_3 : vector<1x1x1000x256xf32> to vector<1000x256xf32>
    %slice3A = vector.extract_strided_slice %get3A_4 {offsets = [0, 0], sizes = [1000, 121], strides = [1, 1]} : vector<1000x256xf32> to vector<1000x121xf32>
    %slice3A_5 = vector.extract_strided_slice %get3A_4 {offsets = [0, 242], sizes = [1000, 1], strides = [1, 1]} : vector<1000x256xf32> to vector<1000x1xf32>
    %add3A = arith.constant 1.000000e-16 : f32
    %add3A_6 = vector.broadcast %add3A : f32 to vector<1000x1xf32>
    %add3A_7 = arith.addf %slice3A_5, %add3A_6 : vector<1000x1xf32>
    %div3A = vector.broadcast %add3A_7 : vector<1000x1xf32> to vector<1000x121xf32>
    %div3A_8 = arith.divf %slice3A, %div3A : vector<1000x121xf32>
    %slice3A_9 = vector.extract_strided_slice %get3A_4 {offsets = [0, 121], sizes = [1000, 121], strides = [1, 1]} : vector<1000x256xf32> to vector<1000x121xf32>
    %slice3A_10 = vector.extract_strided_slice %get3A_4 {offsets = [0, 243], sizes = [1000, 1], strides = [1, 1]} : vector<1000x256xf32> to vector<1000x1xf32>
    %add3A_11 = arith.constant 1.000000e-16 : f32
    %add3A_12 = vector.broadcast %add3A_11 : f32 to vector<1000x1xf32>
    %add3A_13 = arith.addf %slice3A_10, %add3A_12 : vector<1000x1xf32>
    %div3A_14 = vector.broadcast %add3A_13 : vector<1000x1xf32> to vector<1000x121xf32>
    %div3A_15 = arith.divf %slice3A_9, %div3A_14 : vector<1000x121xf32>
    %add3A_16 = arith.addf %div3A_8, %div3A_15 : vector<1000x121xf32>
    %get3A_17 = arith.constant 1 : index
    %get3A_18 = arith.constant 0 : index
    %get3A_19 = arith.constant 0 : index
    %get3A_20 = arith.constant 0 : index
    %get3A_21 = vector.load %arg1[%get3A_17, %get3A_18, %get3A_19, %get3A_20] : memref<2x1x1000x256xf32, #tpu.memory_space<vmem>>, vector<1x1x1000x256xf32>
    %get3A_22 = vector.shape_cast %get3A_21 : vector<1x1x1000x256xf32> to vector<1000x256xf32>
    %slice3A_23 = vector.extract_strided_slice %get3A_22 {offsets = [0, 0], sizes = [1000, 121], strides = [1, 1]} : vector<1000x256xf32> to vector<1000x121xf32>
    %slice3A_24 = vector.extract_strided_slice %get3A_22 {offsets = [0, 242], sizes = [1000, 1], strides = [1, 1]} : vector<1000x256xf32> to vector<1000x1xf32>
    %add3A_25 = arith.constant 1.000000e-16 : f32
    %add3A_26 = vector.broadcast %add3A_25 : f32 to vector<1000x1xf32>
    %add3A_27 = arith.addf %slice3A_24, %add3A_26 : vector<1000x1xf32>
    %div3A_28 = vector.broadcast %add3A_27 : vector<1000x1xf32> to vector<1000x121xf32>
    %div3A_29 = arith.divf %slice3A_23, %div3A_28 : vector<1000x121xf32>
    %add3A_30 = arith.addf %add3A_16, %div3A_29 : vector<1000x121xf32>
    %slice3A_31 = vector.extract_strided_slice %get3A_22 {offsets = [0, 121], sizes = [1000, 121], strides = [1, 1]} : vector<1000x256xf32> to vector<1000x121xf32>
    %slice3A_32 = vector.extract_strided_slice %get3A_22 {offsets = [0, 243], sizes = [1000, 1], strides = [1, 1]} : vector<1000x256xf32> to vector<1000x1xf32>
    %add3A_33 = arith.constant 1.000000e-16 : f32
    %add3A_34 = vector.broadcast %add3A_33 : f32 to vector<1000x1xf32>
    %add3A_35 = arith.addf %slice3A_32, %add3A_34 : vector<1000x1xf32>
    %div3A_36 = vector.broadcast %add3A_35 : vector<1000x1xf32> to vector<1000x121xf32>
    %div3A_37 = arith.divf %slice3A_31, %div3A_36 : vector<1000x121xf32>
    %add3A_38 = arith.addf %add3A_30, %div3A_37 : vector<1000x121xf32>
    %mul3A = arith.constant 2.500000e-01 : f32
    %mul3A_39 = vector.broadcast %mul3A : f32 to vector<1000x121xf32>
    %mul3A_40 = arith.mulf %add3A_38, %mul3A_39 : vector<1000x121xf32>
    %get3A_41 = arith.constant 0 : index
    %get3A_42 = arith.constant 0 : index
    %get3A_43 = vector.load %arg2[%get3A_41, %get3A_42] : memref<1000x121xf32, #tpu.memory_space<vmem>>, vector<1000x121xf32>
    %add3A_44 = arith.addf %mul3A_40, %get3A_43 : vector<1000x121xf32>
    %get3A_45 = arith.constant 0 : index
    %get3A_46 = arith.constant 0 : index
    %get3A_47 = vector.load %arg3[%get3A_45, %get3A_46] : memref<1x121xf32, #tpu.memory_space<vmem>>, vector<1x121xf32>
    %add3A_48 = vector.broadcast %get3A_47 : vector<1x121xf32> to vector<1000x121xf32>
    %add3A_49 = arith.addf %add3A_44, %add3A_48 : vector<1000x121xf32>
    %swap3A = arith.constant 0 : index
    %swap3A_50 = arith.constant 0 : index
    %swap3A_51 = vector.load %arg4[%swap3A, %swap3A_50] : memref<1000x121xf32, #tpu.memory_space<vmem>>, vector<1000x121xf32>
    tpu.vector_store %arg4[%swap3A, %swap3A_50], %add3A_49 {strides = array<i32>} : memref<1000x121xf32, #tpu.memory_space<vmem>>, vector<1000x121xf32>,
    return
  }
  func.func @transform_0(%arg0: i32) -> (i32, i32, i32, i32) {
    %jit3A = arith.constant 5 : i32
    %div3A = arith.divsi %arg0, %jit3A : i32
    %sign3A = arith.constant 0 : i32
    %sign3A_0 = arith.cmpi sgt, %arg0, %sign3A : i32
    %sign3A_1 = arith.extui %sign3A_0 : i1 to i32
    %sign3A_2 = arith.constant 0 : i32
    %sign3A_3 = arith.cmpi slt, %arg0, %sign3A_2 : i32
    %sign3A_4 = arith.extui %sign3A_3 : i1 to i32
    %sign3A_5 = arith.subi %sign3A_1, %sign3A_4 : i32
    %sign3A_6 = arith.constant 0 : i32
    %sign3A_7 = arith.cmpi sgt, %jit3A, %sign3A_6 : i32
    %sign3A_8 = arith.extui %sign3A_7 : i1 to i32
    %sign3A_9 = arith.constant 0 : i32
    %sign3A_10 = arith.cmpi slt, %jit3A, %sign3A_9 : i32
    %sign3A_11 = arith.extui %sign3A_10 : i1 to i32
    %sign3A_12 = arith.subi %sign3A_8, %sign3A_11 : i32
    %ne3A = arith.cmpi ne, %sign3A_5, %sign3A_12 : i32
    %rem3A = arith.remsi %arg0, %jit3A : i32
    %ne3A_13 = arith.constant 0 : i32
    %ne3A_14 = arith.cmpi ne, %rem3A, %ne3A_13 : i32
    %and3A = arith.andi %ne3A, %ne3A_14 : i1
    %sub3A = arith.constant 1 : i32
    %sub3A_15 = arith.subi %div3A, %sub3A : i32
    %select_n3A = arith.select %and3A, %sub3A_15, %div3A : i32
    %jit3A_16 = arith.constant 5 : i32
    %eq3A = arith.constant 0 : i32
    %eq3A_17 = arith.cmpi eq, %jit3A_16, %eq3A : i32
    %jit3A_18 = arith.constant 1 : i32
    %select_n3A_19 = arith.select %eq3A_17, %jit3A_18, %jit3A_16 : i32
    %rem3A_20 = arith.remsi %arg0, %select_n3A_19 : i32
    %ne3A_21 = arith.constant 0 : i32
    %ne3A_22 = arith.cmpi ne, %rem3A_20, %ne3A_21 : i32
    %lt3A = arith.constant 0 : i32
    %lt3A_23 = arith.cmpi slt, %rem3A_20, %lt3A : i32
    %lt3A_24 = arith.constant 0 : i32
    %lt3A_25 = arith.cmpi slt, %select_n3A_19, %lt3A_24 : i32
    %ne3A_26 = arith.xori %lt3A_23, %lt3A_25 : i1
    %and3A_27 = arith.andi %ne3A_26, %ne3A_22 : i1
    %add3A = arith.addi %rem3A_20, %select_n3A_19 : i32
    %select_n3A_28 = arith.select %and3A_27, %add3A, %rem3A_20 : i32
    %c0_i32 = arith.constant 0 : i32
    %c0_i32_29 = arith.constant 0 : i32
    %c0_i32_30 = arith.constant 0 : i32
    return %c0_i32, %select_n3A, %select_n3A_28, %c0_i32_29 : i32, i32, i32, i32
  }
  func.func @transform_1(%arg0: i32) -> (i32, i32) {
    %c0_i32 = arith.constant 0 : i32
    %c0_i32_0 = arith.constant 0 : i32
    return %arg0, %c0_i32 : i32, i32
  }
  func.func @transform_2(%arg0: i32) -> (i32, i32) {
    %c0_i32 = arith.constant 0 : i32
    %c0_i32_0 = arith.constant 0 : i32
    %c0_i32_1 = arith.constant 0 : i32
    return %c0_i32, %c0_i32_0 : i32, i32
  }
  func.func @transform_3(%arg0: i32) -> (i32, i32) {
    %c0_i32 = arith.constant 0 : i32
    %c0_i32_0 = arith.constant 0 : i32
    return %arg0, %c0_i32 : i32, i32
  }
}

</mosaic_0001>

<sc_bundles>
// kernel: kernel.11.cloned.1.call-start
scs
__scs_entry_jumppad:
0x0: {  	(pc) =	sbr.rel $0x88, $3  }
0x1: {  	(tag) =	ssettag $0x0;
	lr =	simm.s32 $0x1  }
0x2: {  	[smem:$0x3F90] =	sst lr;
	_ =	strace $0xD0000000  }
0x3: {  	_ = 	snop  }
0x4: {  	_ = 	snop  }
0x5: {  	_ = 	snop  }
0x6: {  	_ = 	snop  }
0x7: {  	_ = 	snop  }
__scs_overlays_trampoline_lowered:
0x8: {  	[smem:$0x3F9F] =	sst s0  }
0x9: {  	[smem:$0x3FA0] =	sst s1  }
0xa: {  	[smem:$0x3FA1] =	sst s2  }
0xb: {  	[smem:$0x3FA2] =	sst s3  }
0xc: {  	[smem:$0x3FA3] =	sst s4  }
0xd: {  	[smem:$0x3FA4] =	sst s5  }
0xe: {  	[smem:$0x3FA5] =	sst s6  }
0xf: {  	[smem:$0x3FA6] =	sst s7  }
0x10: {  	[smem:$0x3FA7] =	sst s8  }
0x11: {  	[smem:$0x3FA8] =	sst s9;
	s0 =	simm.s32 @!p0 $0x0  }
0x12: {  	s1 =	sld [smem:$0x3F8E];
	s0 =	simm.s32 @p0 $0x1  }
0x13: {  	[smem:$0x3FA9] =	sst s0;
	s0 =	simm.s32 @!p1 $0x0  }
0x14: {  	s2 =	sld [smem:$0x3F8D];
	s0 =	simm.s32 @p1 $0x1  }
0x15: {  	[smem:$0x3FAA] =	sst s0;
	s0 =	simm.s32 @!p2 $0x0  }
0x16: {  	s3 =	sld [smem:$0x3FDB];
	s0 =	simm.s32 @p2 $0x1  }
0x17: {  	s4 =	simm.s32 $0x1BF5;
	[smem:$0x3FAC] =	sst s0  }
0x18: {  	s0 =	sld [smem:$0x3F8F];
	_ =	swait.ge [sflag:s4], $0x0  }
0x19: {  	s7 =	sld [smem:$0x3F90]  }
0x1a: {  	s8 =	sadd.s32 $0xFFFFE003, lr  }
0x1b: {  	s9 =	sadd.s32 $0xFFFFFEF7, lr;
	s5 =	simm.s32 $0xFFFFFFFF;
	p2 =	slt.u32 s8, $0xFFFFF086  }
0x1c: {  	p1 =	slt.u32 s9, $0xF7A;
	s5 =	simm.s32 @!p2 $0x0  }
0x1d: {  	s5 =	simm.s32 @p1 $0x1;
	p0 =	seq.s32 s7, s2  }
0x1e: {  	s7 =	smul.u32 @!p0 $0xF7A, s2;
	p2 =	seq.s32 @!p0 s5, $0x0  }
0x1f: {  	s9 =	smul.u32 $0xF7A, s1;
	s8 =	simm.s32 @!p0 $0x1BF5;
	p2 =	por !p2, p0  }
0x20: {  	[sflag:s8] =	ssyncset.s32 @!p0 $0xFFFFF086;
	s6 =	sadd.s32 @!p0 s3, s7;
	s7 =	simm.s32 @!p0 $0x108  }
0x21: {  	s3 =	sadd.s32 s3, s9;
	s6 =	sadd.s32 @!p0 $0x88, s6;
	s7 =	simm.s32 @p2 $0x1082  }
0x22: {  	[simem:s7], [sflag:s8] =	dma.local @!p0 [hbm:s6], $0xF7A  }
0x23: {  	s9 =	sor.u32 $0xD0000000, s2;
	s6 =	simm.s32 $0x108;
	_ =	swait.ge @!p0 [sflag:s8], $0x0  }
0x24: {  	s3 =	sadd.s32 $0x88, s3;
	s6 =	simm.s32 @!p1 $0x1082;
	[sflag:s4] =	ssyncset.s32 $0xFFFFF086  }
0x25: {  	[simem:s6], [sflag:s4] =	dma.local [hbm:s3], $0xF7A  }
0x26: {  	[smem:$0x3F90] =	sst s1;
	(tag) =	ssettag s2;
	_ =	strace s9  }
0x27: {  	s1 =	sld [smem:$0x3FA0]  }
0x28: {  	s2 =	sld [smem:$0x3FA1]  }
0x29: {  	s4 =	sld [smem:$0x3FA3]  }
0x2a: {  	p0 =	seq.s32 s5, $0x0;
	s5 =	sld [smem:$0x3FA4]  }
0x2b: {  	s6 =	sld [smem:$0x3FA5]  }
0x2c: {  	s7 =	sld [smem:$0x3FA6]  }
0x2d: {  	s3 =	simm.s32 $0x108;
	s8 =	sld [smem:$0x3FA7]  }
0x2e: {  	s3 =	simm.s32 @!p0 $0x1082;
	s9 =	sld [smem:$0x3FA8]  }
0x2f: {  	lr =	sadd.s32 s0, s3;
	s0 =	sld [smem:$0x3F9F]  }
0x30: {  	s3 =	sld [smem:$0x3FA2]  }
0x31: {  	[smem:$0x3FAB] =	sst s10  }
0x32: {  	s10 =	sld [smem:$0x3FA9];
	_ =	sdelay $0x3  }
0x33: {  	p0 =	seq.s32 s10, $0x1;
	s10 =	sld [smem:$0x3FAB];
	_ =	sdelay $0x3  }
0x34: {  	[smem:$0x3FAB] =	sst s10  }
0x35: {  	s10 =	sld [smem:$0x3FAA];
	_ =	sdelay $0x3  }
0x36: {  	p1 =	seq.s32 s10, $0x1;
	s10 =	sld [smem:$0x3FAB];
	_ =	sdelay $0x3  }
0x37: {  	[smem:$0x3FAB] =	sst s10  }
0x38: {  	s10 =	sld [smem:$0x3FAC]  }
0x39: {  	_ = 	snop;
	(pc) =	sbr.ind lr, $3  }
0x3a: {  	_ = 	snop  }
0x3b: {  	_ = 	snop  }
0x3c: {  	p2 =	seq.s32 s10, $0x1;
	s10 =	sld [smem:$0x3FAB]  }
0x3d: {  	_ =	shalt  }
0x3e: {  	_ =	shalt  }
0x3f: {  	_ =	shalt  }
0x40: {  	_ =	shalt  }
0x41: {  	_ =	shalt  }
0x42: {  	_ =	shalt  }
0x43: {  	_ =	shalt  }
0x44: {  	_ =	shalt  }
0x45: {  	_ =	shalt  }
0x46: {  	_ =	shalt  }
0x47: {  	_ =	shalt  }
0x48: {  	_ =	shalt  }
0x49: {  	_ =	shalt  }
0x4a: {  	_ =	shalt  }
0x4b: {  	_ =	shalt  }
0x4c: {  	_ =	shalt  }
0x4d: {  	_ =	shalt  }
0x4e: {  	_ =	shalt  }
0x4f: {  	_ =	shalt  }
0x50: {  	_ =	shalt  }
0x51: {  	_ =	shalt  }
0x52: {  	_ =	shalt  }
0x53: {  	_ =	shalt  }
0x54: {  	_ =	shalt  }
0x55: {  	_ =	shalt  }
0x56: {  	_ =	shalt  }
0x57: {  	_ =	shalt  }
0x58: {  	_ =	shalt  }
0x59: {  	_ =	shalt  }
0x5a: {  	_ =	shalt  }
0x5b: {  	_ =	shalt  }
0x5c: {  	_ =	shalt  }
0x5d: {  	_ =	shalt  }
0x5e: {  	_ =	shalt  }
0x5f: {  	_ =	shalt  }
0x60: {  	_ =	shalt  }
0x61: {  	_ =	shalt  }
0x62: {  	_ =	shalt  }
0x63: {  	_ =	shalt  }
0x64: {  	_ =	shalt  }
0x65: {  	_ =	shalt  }
0x66: {  	_ =	shalt  }
0x67: {  	_ =	shalt  }
0x68: {  	_ =	shalt  }
0x69: {  	_ =	shalt  }
0x6a: {  	_ =	shalt  }
0x6b: {  	_ =	shalt  }
0x6c: {  	_ =	shalt  }
0x6d: {  	_ =	shalt  }
0x6e: {  	_ =	shalt  }
0x6f: {  	_ =	shalt  }
0x70: {  	_ =	shalt  }
0x71: {  	_ =	shalt  }
0x72: {  	_ =	shalt  }
0x73: {  	_ =	shalt  }
0x74: {  	_ =	shalt  }
0x75: {  	_ =	shalt  }
0x76: {  	_ =	shalt  }
0x77: {  	_ =	shalt  }
0x78: {  	_ =	shalt  }
0x79: {  	_ =	shalt  }
0x7a: {  	_ =	shalt  }
0x7b: {  	_ =	shalt  }
0x7c: {  	_ =	shalt  }
0x7d: {  	_ =	shalt  }
0x7e: {  	_ =	shalt  }
0x7f: {  	_ =	shalt  }
0x80: {  	_ =	shalt  }
0x81: {  	_ =	shalt  }
0x82: {  	_ =	shalt  }
0x83: {  	_ =	shalt  }
0x84: {  	_ =	shalt  }
0x85: {  	_ =	shalt  }
0x86: {  	_ =	shalt  }
0x87: {  	_ =	shalt  }
.Lfunc_end0:
.L_simem_size_0:
called_computation_lowered:
.L_overlay_start_0:
0x88: {  	s2 =	sld [smem:$0x3FD9]  }
0x89: {  	s3 =	sld [smem:$0x3FFE];
	_ =	sdelay $0x1  }
0x8a: {  	s1 =	srdreg.scid  }
0x8b: {  	s0 =	sand.u32 $0x1, s1  }
0x8c: {  	s17 =	sshll.u32 s0, $0xA;
	s2 =	sadd.s32 s3, s2  }
0x8d: {  	s2 =	sadd.s32 s2, s17  }
0x8e: {  	[smem:$0x3FB7] =	sst s2  }
0x8f: {  	_ = 	snop  }
0x90: {  	s2 =	sld [smem:$0x3FD0];
	(tm) =	ssettm $0x1  }
0x91: {  	s18 =	sld [smem:$0x3FFB];
	_ =	sdelay $0x3  }
0x92: {  	_ =	strace s18  }
0x93: {  	s3 =	sld [smem:$0x3FFC];
	_ =	sdelay $0x3  }
0x94: {  	_ =	strace s3  }
0x95: {  	s3 =	sld [smem:$0x3FFD];
	_ =	sdelay $0x3  }
0x96: {  	_ =	strace s3  }
0x97: {  	_ =	strace $0x8FFFFFFF  }
0x98: {  	s19 =	sld [smem:$0x3FDB];
	_ =	sdelay $0x1  }
0x99: {  	s4 =	simm.s32 $_scs_section_size  }
0x9a: {  	s5 =	simm.s32 $_size__tile_overlayer_lowered;
	s6 =	simm.s32 $_tile_overlayer_lowered  }
0x9b: {  	s22 =	simm.s32 $0x1BFF;
	s21 =	sshll.u32 s6, $0x1;
	s3 =	sadd.s32 s4, s19  }
0x9c: {  	s7 =	simm.s32 $0x0;
	s20 =	sshll.u32 s5, $0x1;
	s5 =	sadd.s32 s21, s3  }
0x9d: {  	[timem:s7], [sflag:s22] =	dma.local [hbm:s5], s20  }
0x9e: {  	_ =	swait.ge [sflag:s22], s20  }
0x9f: {  	s4 =	ssub.s32 $0x0, s20;
	[sflag:s22] =	ssyncset.done $0x0  }
0xa0: {  	[sflag:s22] =	ssyncadd.s32 s4;
	_ =	sdelay $0x1  }
0xa1: {  	s23 =	simm.s32 $0x1B8B  }
0xa2: {  	_ =	swait.ge [sflag:s23], $0x1  }
0xa3: {  	[sflag:s23] =	ssyncset.done $0x0  }
0xa4: {  	s25 =	simm.s32 $0x1B8E;
	s24 =	sld [smem:$0x3FFE];
	[sflag:s23] =	ssyncadd.s32 $0xFFFFFFFF  }
0xa5: {  	s26 =	simm.s32 $execute0_lowered;
	[smem:$0x3FD2] =	sst s25  }
0xa6: {  	s5 =	sshll.u32 s26, $0x1;
	_ =	strace $0x80000046;
	[dreg:$0x1] =	wrdreg $0xFFFFFFFF  }
0xa7: {  	s28 =	simm.s32 $_size_execute0_lowered;
	s3 =	sadd.s32 s3, s5;
	[dreg:$0x0] =	wrdreg $0x0  }
0xa8: {  	s5 =	sshll.u32 s28, $0x1;
	[dreg:$0x2] =	wrdreg s3  }
0xa9: {  	[dreg:$0x3] =	wrdreg s5  }
0xaa: {  	[dreg:$0x4] =	wrdreg $0xC0  }
0xab: {  	_ =	task [dreg:s7], $0x5FFFF  }
0xac: {  	[dreg:$0x1] =	wrdreg $0xFFFFFFFF  }
0xad: {  	[dreg:$0x0] =	wrdreg $0x60  }
0xae: {  	[dreg:$0x2] =	wrdreg s24  }
0xaf: {  	[dreg:$0x3] =	wrdreg s2  }
0xb0: {  	[dreg:$0x4] =	wrdreg $0x59000  }
0xb1: {  	[dreg:$0x5] =	wrdreg $0x9  }
0xb2: {  	_ =	task.clear_ibuf [dreg:s7], $0x6FFFF;
	_ =	strace $0x90000046  }
0xb3: {  	s29 =	simm.s32 $0x9;
	_ =	strace $0x80000048  }
0xb4: {  	_ =	swait.ge [sflag:s29], $0x1  }
0xb5: {  	[sflag:s29] =	ssyncadd.s32 $0xFFFFFFFF  }
0xb6: {  	_ =	strace $0x90000048  }
0xb7: {  	_ =	sfence  }
0xb8: {  	s30 =	sld [smem:$0x0];
	_ =	sdelay $0x2  }
0xb9: {  	s31 =	sshll.u32 s1, $0xD;
	s1 =	sshrl.u32 s1, $0x2  }
0xba: {  	s3 =	sand.u32 $0x4000, s31;
	s1 =	sadd.s32 s1, s30  }
0xbb: {  	s0 =	sor.u32 s3, s0;
	s1 =	sshll.u32 s1, $0x11  }
0xbc: {  	s0 =	sor.u32 s1, s0  }
0xbd: {  	s0 =	sadd.s32 $0x8F2B, s0  }
0xbe: {  	[sflag:s0] =	ssyncadd.remote.s32 $0x1  }
0xbf: {  	_ =	sfence.sel $0xFFFF  }
0xc0: {  	[dreg:$0x0] =	wrdreg $0xFFFFFFFF;
	(pc) =	sbr.abs _section_cstart, $3  }
0xc1: {  	[dreg:$0x1] =	wrdreg $0xFFFFFFFF  }
0xc2: {  	_ =	task.clear_ibuf [dreg:s7], $0x2FFFF;
	_ =	strace $0x9FFFFFFF  }
0xc3: {  	(tm) =	ssettm $0x7FFFFFFF  }
tec
execute0_lowered:
.L_overlay_start_1:
0x0: {  	(tag) =	ssettag $0x1  }
0x1: {  	s0 =	rddreg [dreg:$0x0]  }
0x2: {  	s13 =	rddreg [dreg:$0x1]  }
0x3: {  	s1 =	rddreg [dreg:$0x2];
	s2 =	simm.s32 $0x0  }
0x4: {  	s4 =	srdreg.scid;
	[smem:$0x7FF] =	sst s2  }
0x5: {  	s3 =	sadd.s32 $0x11F800, s0;
	s5 =	sadd.s32 $0x115A00, s0;
	s14 =	sand.u32 $0x1, s4  }
0x6: {  	s6 =	sadd.s32 $0x129600, s0;
	s4 =	stileid.u32;
	s16 =	sadd.s32 $0x155800, s0  }
0x7: {  	s7 =	sadd.s32 $0xC7600, s0;
	_ =	strace $0x80000047;
	s8 =	smul.u32 $0x2D000, s14  }
0x8: {  	s9 =	ssub.s32 $0x2, s14;
	s15 =	smul.u32 $0x16800, s4;
	p0 =	seq.s32 s14, $0x1  }
0x9: {  	s14 =	simm.s32 $0x1100;
	s30 =	sshrl.u32 s9, $0x1;
	s6 =	smov.u32 @p0 s13  }
0xa: {  	s7 =	smov.u32 @p0 s16;
	s16 =	simm.s32 $0x3;
	s0 =	sadd.s32 s8, s0  }
0xb: {  	s17 =	ssub.s32 s9, s30;
	s8 =	sadd.s32 s15, s1;
	s18 =	sadd.s32 $0x4800, s15  }
0xc: {  	s19 =	sadd.s32 $0x9000, s15;
	s20 =	sadd.s32 $0xD800, s15;
	s21 =	sadd.s32 $0x12000, s15  }
0xd: {  	s22 =	sshrl.u32 s15, $0x3;
	s15 =	simm.s32 $0x2;
	s9 =	sadd.s32 s18, s1  }
0xe: {  	s10 =	sadd.s32 s19, s1;
	s11 =	sadd.s32 s20, s1;
	s12 =	sadd.s32 s21, s1  }
0xf: {  	s0 =	sadd.s32 $0x181800, s0;
	s23 =	sshrl.u32 s18, $0x3;
	s24 =	sshrl.u32 s19, $0x3  }
.Ltmp0:
0x10: {  	s25 =	sshrl.u32 s20, $0x3;
	s26 =	sshrl.u32 s21, $0x3;
	(pc) =	sbr.rel .LBB2_1-.Ltmp0, $4  }
0x11: {  	v0 =	vimm.s32 $0x302;
	s31 =	smax.u32 s17, $0x1;
	s17 =	simm.s32 $0x80;
	s18 =	simm.s32 $0x100  }
0x12: {  	v1 =	vunpack.c.0.s8.s32 v0;
	s19 =	simm.s32 $0x900;
	[dreg:$0x4] =	wrdreg s31;
	s20 =	sadd.s32 s22, s0  }
0x13: {  	vm0 =	vcmask $0xF00;
	s21 =	sadd.s32 s23, s0;
	s22 =	sadd.s32 s24, s0;
	s23 =	sadd.s32 s25, s0  }
0x14: {  	v0 =	vimm.f32 $0.0e+00;
	v1 =	vnsel vm0, $0x0, v1;
	vm0 =	vmmov $0x3;
	s24 =	sadd.s32 s26, s0;
	s25 =	simm.s32 $0x1;
	s26 =	simm.s32 $0x0  }
.LBB2_9:
0x15: {  	s0 =	sshll.u32 s4, $0x6  }
0x16: {  	[bflag:$0x0] =	sbarrier.arrive $0xFFFF;
	s13 =	sshrl.u32 s8, $0x3;
	s0 =	sor.u32 $0x1C02, s0  }
0x17: {  	[hbm:s20], [sflag:s0] =	dma.local [spmem:s13], $0x900  }
0x18: {  	_ =	swait.ge [sflag:s15], $0x900  }
0x19: {  	[sflag:s15] =	ssyncset.done $0x0  }
0x1a: {  	s31 =	sshrl.u32 s9, $0x3;
	[sflag:s15] =	ssyncadd.s32 $0xFFFFF700  }
0x1b: {  	[hbm:s21], [sflag:s0] =	dma.local [spmem:s31], $0x900  }
0x1c: {  	_ =	swait.ge [sflag:s15], $0x900  }
0x1d: {  	[sflag:s15] =	ssyncset.done $0x0  }
0x1e: {  	s28 =	sshrl.u32 s10, $0x3;
	[sflag:s15] =	ssyncadd.s32 $0xFFFFF700  }
0x1f: {  	[hbm:s22], [sflag:s0] =	dma.local [spmem:s28], $0x900  }
0x20: {  	_ =	swait.ge [sflag:s15], $0x900  }
0x21: {  	[sflag:s15] =	ssyncset.done $0x0  }
0x22: {  	s29 =	sshrl.u32 s11, $0x3;
	[sflag:s15] =	ssyncadd.s32 $0xFFFFF700  }
0x23: {  	[hbm:s23], [sflag:s0] =	dma.local [spmem:s29], $0x900  }
0x24: {  	_ =	swait.ge [sflag:s15], $0x900  }
0x25: {  	[sflag:s15] =	ssyncset.done $0x0  }
0x26: {  	s30 =	sshrl.u32 s12, $0x3;
	[sflag:s15] =	ssyncadd.s32 $0xFFFFF700  }
0x27: {  	[hbm:s24], [sflag:s0] =	dma.local [spmem:s30], $0x900  }
0x28: {  	_ =	swait.ge [sflag:s15], $0x900  }
0x29: {  	s26 =	sadd.s32 $0x1, s26;
	s31 =	rddreg [dreg:$0x4]  }
0x2a: {  	p0 =	sne.s32 s26, s31  }
.Ltmp1:
0x2b: {  	_ = 	snop;
	(pc) =	sbr.rel @!p0 .LBB2_10-.Ltmp1, $3  }
0x2c: {  	[sflag:s15] =	ssyncset.done $0x0  }
0x2d: {  	[sflag:s15] =	ssyncadd.s32 $0xFFFFF700  }
0x2e: {  	[bflag:$0x0] =	sbarrier.arrive $0xFFFF;
	_ =	sdelay $0x1  }
.LBB2_1:
0x2f: {  	s0 =	simm.s32 $0x0;
	s13 =	simm.s32 $0x240  }
.LBB2_2:
0x30: {  	p0 =	sne.s32 s13, $0x11DC0;
	[tilespmem:s0+$0x1180] =	vst v0  }
0x31: {  	[tilespmem:s0+$0x1100] =	vst v0  }
0x32: {  	[tilespmem:s0+$0x1110] =	vst v0  }
0x33: {  	[tilespmem:s0+$0x1120] =	vst v0  }
.Ltmp2:
0x34: {  	[tilespmem:s0+$0x1130] =	vst v0;
	(pc) =	sbr.rel @p0 .LBB2_2-.Ltmp2, $4  }
0x35: {  	[tilespmem:s0+$0x1140] =	vst v0  }
0x36: {  	[tilespmem:s0+$0x1150] =	vst v0  }
0x37: {  	[tilespmem:s0+$0x1160] =	vst v0  }
0x38: {  	[tilespmem:s0+$0x1170] =	vst v0;
	s0 =	sshra.s32 s13, $0x2;
	s13 =	sadd.s32 $0x240, s13  }
0x39: {  	[tilespmem:s0+$0x1180] =	vst v0  }
0x3a: {  	[tilespmem:s0+$0x1100] =	vst v0  }
0x3b: {  	[tilespmem:s0+$0x1110] =	vst v0  }
0x3c: {  	[tilespmem:s0+$0x1120] =	vst v0  }
0x3d: {  	[tilespmem:s0+$0x1130] =	vst v0  }
0x3e: {  	[tilespmem:s0+$0x1140] =	vst v0  }
0x3f: {  	[tilespmem:s0+$0x1150] =	vst v0  }
0x40: {  	[tilespmem:s0+$0x1160] =	vst v0  }
0x41: {  	[tilespmem:s0+$0x1170] =	vst v0  }
0x42: {  	[spmem:s8] =	stream.linear.scatter [tilespmem:s14], [sflag:$0x2], $0x4800, $0x38;
	[tilespmem:$0x1C100] =	vst v63  }
0x43: {  	_ =	swait.ge [sflag:s15], $0x4800  }
0x44: {  	[sflag:s15] =	ssyncset.done $0x0  }
0x45: {  	[sflag:s15] =	ssyncadd.s32 $0xFFFFB800  }
0x46: {  	[spmem:s9] =	stream.linear.scatter [tilespmem:s14], [sflag:$0x2], $0x4800, $0x38;
	[tilespmem:$0x1C100] =	vst v63  }
0x47: {  	_ =	swait.ge [sflag:s15], $0x4800  }
0x48: {  	[sflag:s15] =	ssyncset.done $0x0  }
0x49: {  	[sflag:s15] =	ssyncadd.s32 $0xFFFFB800  }
0x4a: {  	[spmem:s10] =	stream.linear.scatter [tilespmem:s14], [sflag:$0x2], $0x4800, $0x38;
	[tilespmem:$0x1C100] =	vst v63  }
0x4b: {  	_ =	swait.ge [sflag:s15], $0x4800  }
0x4c: {  	[sflag:s15] =	ssyncset.done $0x0  }
0x4d: {  	[sflag:s15] =	ssyncadd.s32 $0xFFFFB800  }
0x4e: {  	[spmem:s11] =	stream.linear.scatter [tilespmem:s14], [sflag:$0x2], $0x4800, $0x38;
	[tilespmem:$0x1C100] =	vst v63  }
0x4f: {  	_ =	swait.ge [sflag:s15], $0x4800  }
0x50: {  	[sflag:s15] =	ssyncset.done $0x0  }
0x51: {  	[sflag:s15] =	ssyncadd.s32 $0xFFFFB800  }
0x52: {  	[spmem:s12] =	stream.linear.scatter [tilespmem:s14], [sflag:$0x2], $0x4800, $0x38;
	[tilespmem:$0x1C100] =	vst v63  }
.Ltmp3:
0x53: {  	_ =	swait.ge [sflag:s15], $0x4800;
	(pc) =	sbr.rel .LBB2_4-.Ltmp3, $4  }
0x54: {  	[sflag:s15] =	ssyncset.done $0x0  }
0x55: {  	[sflag:s15] =	ssyncadd.s32 $0xFFFFB800  }
0x56: {  	[bflag:$0x0] =	sbarrier.arrive $0xFFFF  }
0x57: {  	s28 =	simm.s32 $0x0  }
.LBB2_8:
0x58: {  	s28 =	sadd.s32 $0x1, s28  }
0x59: {  	p0 =	sne.s32 s28, $0x9D  }
.Ltmp4:
0x5a: {  	_ = 	snop;
	(pc) =	sbr.rel @!p0 .LBB2_9-.Ltmp4, $1  }
0x5b: {  	_ =	sdelay $0x3  }
.LBB2_4:
0x5c: {  	s0 =	sshll.u32 s28, $0x4  }
0x5d: {  	s0 =	sor.u32 s4, s0  }
0x5e: {  	p0 =	sgt.u32 s0, $0x9C3  }
.Ltmp5:
0x5f: {  	_ = 	snop;
	(pc) =	sbr.rel @p0 .LBB2_8-.Ltmp5, $1  }
0x60: {  	_ =	sdelay $0x3  }
0x61: {  	s0 =	sshll.u32 s0, $0x4  }
0x62: {  	s13 =	sadd.s32 s3, s0  }
0x63: {  	[tilespmem:s2], [sflag:$0x3] =	stream.linear.gather [hbm4b:s13+s2], $0x80, $0x38;
	[tilespmem:$0x1C100] =	vst v63  }
0x64: {  	_ =	swait.ge [sflag:s16], $0x80  }
0x65: {  	[sflag:s16] =	ssyncset.done $0x0  }
0x66: {  	s0 =	sadd.s32 s5, s0;
	[sflag:s16] =	ssyncadd.s32 $0xFFFFFF80  }
0x67: {  	[tilespmem:s17], [sflag:$0x3] =	stream.linear.gather [hbm4b:s0+s2], $0x80, $0x38;
	[tilespmem:$0x1C100] =	vst v63  }
0x68: {  	_ =	swait.ge [sflag:s16], $0x80  }
0x69: {  	[sflag:s16] =	ssyncset.done $0x0  }
0x6a: {  	[sflag:s16] =	ssyncadd.s32 $0xFFFFFF80  }
0x6b: {  	[tilespmem:s18], [sflag:$0x1] =	stream.indirect.gather [hbm4b:s6+s17], $0x10, s2, s17, $0xb8;
	[tilespmem:$0x1C100] =	vst v63  }
0x6c: {  	_ = 	snop  }
0x6d: {  	[tilespmem:s19], [sflag:$0x1] =	stream.indirect.gather [hbm4b:s6+s17], $0x10, s17, s17, $0xb8;
	[tilespmem:$0x1C100] =	vst v63  }
0x6e: {  	_ = 	snop  }
0x6f: {  	[tilespmem:s14], [sflag:$0x1] =	stream.indirect.gather [hbm4b:s7+s17], $0x90, s2, s17, $0xb8;
	[tilespmem:$0x1C100] =	vst v63  }
0x70: {  	_ =	swait.ge [sflag:s25], $0x800  }
0x71: {  	[sflag:s25] =	ssyncset.done $0x0  }
0x72: {  	[sflag:s25] =	ssyncadd.s32 $0xFFFFF800  }
0x73: {  	_ =	swait.ge [sflag:s25], $0x800  }
0x74: {  	[sflag:s25] =	ssyncset.done $0x0  }
0x75: {  	[sflag:s25] =	ssyncadd.s32 $0xFFFFF800  }
0x76: {  	_ =	swait.ge [sflag:s25], $0x4800  }
0x77: {  	[sflag:s25] =	ssyncset.done $0x0  }
0x78: {  	s13 =	simm.s32 $0x920;
	[sflag:s25] =	ssyncadd.s32 $0xFFFFB800  }
0x79: {  	v2 =	vld [tilespmem:s13+$0x10]  }
0x7a: {  	v3 =	vld [tilespmem:s13+$0xFFFFFFE0]  }
0x7b: {  	s30 =	simm.s32 $0x120;
	v4 =	vld [tilespmem:s13+$0xFFFFFFF0]  }
0x7c: {  	v5 =	vld [tilespmem:s30+$0x10]  }
0x7d: {  	v6 =	vld [tilespmem:s30+$0xFFFFFFF0]  }
0x7e: {  	v7 =	vld [tilespmem:s30+$0xFFFFFFE0]  }
0x7f: {  	v2 =	vperm.xlane v2, v1  }
0x80: {  	v4 =	vperm.xlane v4, v1  }
0x81: {  	v3 =	vperm.xlane v3, v1;
	v2 =	vadd.f32 v2, v5  }
0x82: {  	v4 =	vadd.f32 v4, v6  }
0x83: {  	v3 =	vadd.f32 v3, v7;
	v5 =	vmul.f32 $2.000000030e-01, v2  }
0x84: {  	v7 =	vld [tilespmem:s13+$0x0];
	vm1 =	vge.f32 v2, $0.0e+00;
	v6 =	vmul.f32 $2.000000030e-01, v4  }
0x85: {  	v2 =	vsel vm1, v2, v5;
	vm1 =	vge.f32 v4, $0.0e+00;
	v5 =	vmul.f32 $2.000000030e-01, v3  }
0x86: {  	vm2 =	vge.f32 v3, $0.0e+00;
	v2 =	vmul.f32 $1.442695020e+00, v2;
	v4 =	vsel vm1, v4, v6;
	v6 =	vld [tilespmem:s30+$0x0]  }
0x87: {  	v3 =	vsel vm2, v3, v5;
	v4 =	vmul.f32 $1.442695020e+00, v4  }
0x88: {  	(erf) = vpow2.f32 v2;
	v2 =	vmul.f32 $1.442695020e+00, v3  }
0x89: {  	v3 =	vperm.xlane v7, v1;
	(erf) = vpow2.f32 v4  }
0x8a: {  	s29 =	simm.s32 $0x1220;
	(erf) = vpow2.f32 v2  }
0x8b: {  	v8 =	vld [tilespmem:s29+$0xFFFFFF20];
	v2 =	vadd.f32 v3, v6  }
0x8c: {  	v10 =	vld [tilespmem:s29+$0xFFFFFF30]  }
0x8d: {  	v12 =	vld [tilespmem:s29+$0xFFFFFF40];
	v5 =	vmul.f32 $2.000000030e-01, v2  }
0x8e: {  	v15 =	vld [tilespmem:s29+$0xFFFFFF50];
	vm1 =	vge.f32 v2, $0.0e+00  }
0x8f: {  	v3 =	vld [tilespmem:s29+$0x100];
	v2 =	vsel vm1, v2, v5  }
0x90: {  	v19 =	vld [tilespmem:s29+$0xFFFFFF90];
	v2 =	vmul.f32 $1.442695020e+00, v2  }
0x91: {  	v4 =	vld [tilespmem:s29+$0xFFFFFEE0];
	v9 =	vpop (erf)  }
0x92: {  	v6 =	vld [tilespmem:s29+$0xFFFFFEF0];
	v11 =	vpop (erf);
	(erf) = vpow2.f32 v2;
	v2 =	vbroadcast v9, $0x1  }
0x93: {  	v7 =	vld [tilespmem:s29+$0xFFFFFF00];
	v13 =	vpop (erf);
	v20 =	vbroadcast v11, $0x0  }
0x94: {  	v5 =	vld [tilespmem:s29+$0xFFFFFF10];
	v14 =	vbroadcast v13, $0x0;
	v3 =	vmul.f32 v3, v2  }
0x95: {  	v16 =	vld [tilespmem:s29+$0xFFFFFF60];
	v19 =	vmul.f32 v20, v19  }
0x96: {  	v17 =	vld [tilespmem:s29+$0xFFFFFF70];
	v4 =	vmul.f32 v14, v4;
	[tilespmem:s29+$0x100] =	vst v3  }
0x97: {  	v18 =	vld [tilespmem:s29+$0xFFFFFF80];
	v3 =	vmul.f32 v14, v6;
	[tilespmem:s29+$0xFFFFFF90] =	vst v19  }
0x98: {  	v21 =	vld [tilespmem:s29+$0xFFFFFFC0];
	v6 =	vbroadcast v13, $0x1;
	v7 =	vmul.f32 v14, v7;
	[tilespmem:s29+$0xFFFFFEE0] =	vst v4  }
0x99: {  	v24 =	vld [tilespmem:s29+$0xFFFFFFD0];
	v22 =	vbroadcast v11, $0x1;
	v4 =	vmul.f32 v5, v14;
	[tilespmem:s29+$0xFFFFFEF0] =	vst v3  }
0x9a: {  	v25 =	vld [tilespmem:s29+$0xFFFFFFE0];
	v3 =	vbroadcast v9, $0x0;
	[tilespmem:s29+$0xFFFFFF00] =	vst v7;
	v7 =	vmul.f32 v10, v6  }
0x9b: {  	v5 =	vld [tilespmem:s29+$0xFFFFFFA0];
	v8 =	vmul.f32 v8, v6;
	[tilespmem:s29+$0xFFFFFF10] =	vst v4;
	v4 =	vmul.f32 v12, v6  }
0x9c: {  	v14 =	vld [tilespmem:s29+$0xFFFFFFB0];
	v12 =	vmul.f32 v15, v6;
	[tilespmem:s29+$0xFFFFFF30] =	vst v7;
	v7 =	vnsel vm0, $0x0, v13;
	v13 =	vmul.f32 v20, v17  }
0x9d: {  	v10 =	vld [tilespmem:s29+$0xFFFFFFF0];
	[tilespmem:s29+$0xFFFFFF20] =	vst v8;
	v15 =	vmul.f32 v20, v18;
	v23 =	vpop (erf);
	v7 =	vmul.f32 v16, v7  }
0x9e: {  	v16 =	vld [tilespmem:s29+$0x0];
	v8 =	vbroadcast v23, $0x0;
	v6 =	vbroadcast v23, $0x1;
	[tilespmem:s29+$0xFFFFFF40] =	vst v4  }
0x9f: {  	v17 =	vld [tilespmem:s29+$0x10];
	[tilespmem:s29+$0xFFFFFF50] =	vst v12;
	v4 =	vnsel vm0, $0x0, v9;
	v9 =	vnsel vm0, $0x0, v11;
	v11 =	vmul.f32 v21, v22  }
0xa0: {  	v18 =	vld [tilespmem:s29+$0x20];
	[tilespmem:s29+$0xFFFFFF80] =	vst v15;
	v15 =	vmul.f32 v24, v22;
	v12 =	vmul.f32 v5, v20  }
0xa1: {  	s31 =	simm.s32 $0x1220;
	s0 =	simm.s32 $0x0;
	s13 =	simm.s32 $0x960;
	v19 =	vld [tilespmem:s29+$0x30];
	[tilespmem:s29+$0xFFFFFF70] =	vst v13;
	v13 =	vmul.f32 v14, v22;
	v5 =	vnsel vm0, $0x0, v23;
	v14 =	vmul.f32 v25, v22  }
.LBB2_6:
0xa2: {  	v20 =	vld [tilespmem:s13+$0x10];
	s0 =	sadd.s32 $0x4, s0;
	[tilespmem:s29+$0xFFFFFFA0] =	vst v12;
	v9 =	vmul.f32 v10, v9  }
0xa3: {  	s30 =	sadd.s32 $0x40, s30;
	v10 =	vld [tilespmem:s13+$0xFFFFFFE0];
	p0 =	slt.u32 s0, $0x7C;
	[tilespmem:s29+$0xFFFFFFB0] =	vst v13;
	v12 =	vmul.f32 v8, v16  }
0xa4: {  	v13 =	vld [tilespmem:s30+$0x10];
	[tilespmem:s29+$0xFFFFFFC0] =	vst v11;
	v11 =	vmul.f32 v8, v17  }
0xa5: {  	v16 =	vld [tilespmem:s13+$0xFFFFFFF0];
	[tilespmem:s29+$0xFFFFFFD0] =	vst v15;
	v15 =	vmul.f32 v8, v18  }
0xa6: {  	v17 =	vld [tilespmem:s13+$0x0];
	[tilespmem:s29+$0xFFFFFFE0] =	vst v14;
	v8 =	vmul.f32 v19, v8  }
0xa7: {  	v14 =	vld [tilespmem:s30+$0xFFFFFFF0];
	v18 =	vperm.xlane v20, v1;
	[tilespmem:s29+$0x0] =	vst v12  }
0xa8: {  	v10 =	vperm.xlane v10, v1;
	v12 =	vld [tilespmem:s30+$0x0];
	[tilespmem:s29+$0x10] =	vst v11  }
0xa9: {  	v11 =	vld [tilespmem:s30+$0xFFFFFFE0];
	v13 =	vadd.f32 v18, v13;
	[tilespmem:s29+$0x20] =	vst v15  }
0xaa: {  	v15 =	vperm.xlane v16, v1;
	[tilespmem:s29+$0x30] =	vst v8;
	v8 =	vld [tilespmem:s29+$0x40]  }
0xab: {  	v16 =	vperm.xlane v17, v1;
	v17 =	vmul.f32 $2.000000030e-01, v13;
	[tilespmem:s29+$0xFFFFFF60] =	vst v7;
	v7 =	vld [tilespmem:s29+$0x50]  }
0xac: {  	vm1 =	vge.f32 v13, $0.0e+00;
	v14 =	vadd.f32 v15, v14;
	[tilespmem:s29+$0xFFFFFFF0] =	vst v9;
	v9 =	vld [tilespmem:s29+$0x60]  }
0xad: {  	v12 =	vadd.f32 v16, v12;
	v13 =	vsel vm1, v13, v17;
	v15 =	vld [tilespmem:s29+$0x70]  }
0xae: {  	v10 =	vadd.f32 v10, v11;
	v11 =	vmul.f32 $2.000000030e-01, v14;
	v13 =	vmul.f32 $1.442695020e+00, v13;
	v16 =	vld [tilespmem:s29+$0x80]  }
0xaf: {  	vm1 =	vge.f32 v14, $0.0e+00;
	vm2 =	vge.f32 v12, $0.0e+00;
	v17 =	vmul.f32 $2.000000030e-01, v12;
	v18 =	vld [tilespmem:s29+$0x90]  }
0xb0: {  	vm3 =	vge.f32 v10, $0.0e+00;
	v19 =	vmul.f32 $2.000000030e-01, v10;
	(erf) = vpow2.f32 v13;
	v13 =	vld [tilespmem:s29+$0xA0]  }
0xb1: {  	v8 =	vmul.f32 v8, v6;
	v11 =	vsel vm1, v14, v11;
	v12 =	vsel vm2, v12, v17;
	v14 =	vld [tilespmem:s29+$0xB0]  }
0xb2: {  	v11 =	vmul.f32 $1.442695020e+00, v11;
	v10 =	vsel vm3, v10, v19;
	v12 =	vmul.f32 $1.442695020e+00, v12;
	v17 =	vld [tilespmem:s29+$0xC0]  }
0xb3: {  	v7 =	vmul.f32 v7, v6;
	v10 =	vmul.f32 $1.442695020e+00, v10;
	[tilespmem:s29+$0x40] =	vst v8;
	v8 =	vld [tilespmem:s29+$0xD0]  }
0xb4: {  	v9 =	vmul.f32 v9, v6;
	(erf) = vpow2.f32 v11;
	v11 =	vld [tilespmem:s29+$0xE0]  }
0xb5: {  	v6 =	vmul.f32 v15, v6;
	(erf) = vpow2.f32 v10;
	[tilespmem:s29+$0x50] =	vst v7;
	v7 =	vld [tilespmem:s29+$0xF0]  }
0xb6: {  	s29 =	sadd.s32 $0x240, s29;
	(erf) = vpow2.f32 v12;
	[tilespmem:s31+$0x60] =	vst v9;
	v9 =	vmul.f32 v3, v18;
	v10 =	vld [tilespmem:s31+$0x110]  }
0xb7: {  	v12 =	vld [tilespmem:s29+$0x100];
	[tilespmem:s31+$0x70] =	vst v6;
	v6 =	vmul.f32 v3, v13;
	v13 =	vmul.f32 v3, v14  }
0xb8: {  	v14 =	vld [tilespmem:s29+$0xFFFFFEE0];
	[tilespmem:s31+$0x90] =	vst v9;
	v9 =	vmul.f32 v17, v3;
	v8 =	vmul.f32 v8, v2  }
0xb9: {  	v16 =	vmul.f32 v16, v5;
	v15 =	vld [tilespmem:s29+$0xFFFFFEF0];
	v17 =	vpop (erf);
	[tilespmem:s31+$0xA0] =	vst v6;
	v5 =	vmul.f32 v11, v2  }
0xba: {  	v11 =	vld [tilespmem:s29+$0xFFFFFF00];
	v3 =	vbroadcast v17, $0x0;
	v19 =	vbroadcast v17, $0x1;
	v17 =	vnsel vm0, $0x0, v17;
	[tilespmem:s31+$0xB0] =	vst v13  }
0xbb: {  	v7 =	vmul.f32 v7, v2;
	v13 =	vld [tilespmem:s29+$0xFFFFFF10];
	[tilespmem:s31+$0xC0] =	vst v9;
	v10 =	vmul.f32 v10, v4;
	v4 =	vmov v17  }
0xbc: {  	v17 =	vld [tilespmem:s29+$0xFFFFFF20];
	v12 =	vmul.f32 v12, v19;
	[tilespmem:s31+$0xD0] =	vst v8;
	v2 =	vmov v19  }
0xbd: {  	v18 =	vld [tilespmem:s29+$0xFFFFFF30];
	v6 =	vpop (erf);
	[tilespmem:s31+$0xE0] =	vst v5  }
0xbe: {  	v19 =	vld [tilespmem:s29+$0xFFFFFF40];
	v20 =	vbroadcast v6, $0x0;
	v21 =	vbroadcast v6, $0x1;
	v9 =	vnsel vm0, $0x0, v6;
	[tilespmem:s29+$0x100] =	vst v12;
	v5 =	vpop (erf)  }
0xbf: {  	v12 =	vbroadcast v5, $0x0;
	v22 =	vbroadcast v5, $0x1;
	v23 =	vld [tilespmem:s29+$0xFFFFFF50];
	v24 =	vnsel vm0, $0x0, v5;
	v5 =	vpop (erf);
	[tilespmem:s31+$0xF0] =	vst v7  }
0xc0: {  	v7 =	vld [tilespmem:s29+$0xFFFFFF60];
	v8 =	vbroadcast v5, $0x0;
	v6 =	vbroadcast v5, $0x1;
	v5 =	vnsel vm0, $0x0, v5;
	[tilespmem:s31+$0x80] =	vst v16  }
0xc1: {  	v14 =	vmul.f32 v12, v14;
	v15 =	vmul.f32 v12, v15;
	v16 =	vld [tilespmem:s29+$0xFFFFFF70];
	[tilespmem:s31+$0x110] =	vst v10;
	s31 =	smov.u32 s29  }
0xc2: {  	v10 =	vmul.f32 v12, v11;
	v11 =	vmul.f32 v13, v12;
	v12 =	vld [tilespmem:s29+$0xFFFFFF80]  }
0xc3: {  	v13 =	vmul.f32 v17, v22;
	[tilespmem:s29+$0xFFFFFEE0] =	vst v14;
	v14 =	vmul.f32 v18, v22;
	v17 =	vld [tilespmem:s29+$0xFFFFFF90]  }
0xc4: {  	[tilespmem:s29+$0xFFFFFEF0] =	vst v15;
	v15 =	vmul.f32 v19, v22;
	v18 =	vmul.f32 v23, v22;
	v19 =	vld [tilespmem:s29+$0xFFFFFFA0]  }
0xc5: {  	[tilespmem:s29+$0xFFFFFF00] =	vst v10;
	v7 =	vmul.f32 v7, v24;
	v22 =	vld [tilespmem:s29+$0xFFFFFFB0]  }
0xc6: {  	[tilespmem:s29+$0xFFFFFF10] =	vst v11;
	v11 =	vmul.f32 v20, v16;
	v23 =	vld [tilespmem:s29+$0xFFFFFFC0]  }
0xc7: {  	[tilespmem:s29+$0xFFFFFF20] =	vst v13;
	v24 =	vmul.f32 v20, v12;
	v25 =	vld [tilespmem:s29+$0xFFFFFFD0]  }
0xc8: {  	[tilespmem:s29+$0xFFFFFF30] =	vst v14;
	v14 =	vmul.f32 v20, v17;
	v26 =	vld [tilespmem:s29+$0xFFFFFFE0]  }
.Ltmp6:
0xc9: {  	[tilespmem:s29+$0xFFFFFF40] =	vst v15;
	v12 =	vmul.f32 v19, v20;
	v10 =	vld [tilespmem:s29+$0xFFFFFFF0];
	(pc) =	sbr.rel @p0 .LBB2_6-.Ltmp6, $4  }
0xca: {  	[tilespmem:s29+$0xFFFFFF50] =	vst v18;
	v13 =	vmul.f32 v22, v21;
	v16 =	vld [tilespmem:s29+$0x0]  }
0xcb: {  	[tilespmem:s29+$0xFFFFFF70] =	vst v11;
	v11 =	vmul.f32 v23, v21;
	v17 =	vld [tilespmem:s29+$0x10]  }
0xcc: {  	[tilespmem:s29+$0xFFFFFF80] =	vst v24;
	v15 =	vmul.f32 v25, v21;
	v18 =	vld [tilespmem:s29+$0x20]  }
0xcd: {  	s13 =	sadd.s32 $0x40, s13;
	[tilespmem:s29+$0xFFFFFF90] =	vst v14;
	v14 =	vmul.f32 v26, v21;
	v19 =	vld [tilespmem:s29+$0x30]  }
0xce: {  	[tilespmem:s29+$0xFFFFFFA0] =	vst v12  }
0xcf: {  	[tilespmem:s29+$0xFFFFFFB0] =	vst v13  }
0xd0: {  	[tilespmem:s29+$0xFFFFFFC0] =	vst v11  }
0xd1: {  	[tilespmem:s29+$0xFFFFFFD0] =	vst v15  }
0xd2: {  	v44 =	vld [tilespmem:s29+$0x40];
	v9 =	vmul.f32 v10, v9;
	[tilespmem:s29+$0xFFFFFF60] =	vst v7  }
0xd3: {  	v45 =	vld [tilespmem:s29+$0x50];
	v16 =	vmul.f32 v8, v16;
	[tilespmem:s29+$0xFFFFFFE0] =	vst v14  }
0xd4: {  	v49 =	vld [tilespmem:s29+$0x90];
	v17 =	vmul.f32 v8, v17;
	[tilespmem:s29+$0xFFFFFFF0] =	vst v9  }
0xd5: {  	v50 =	vld [tilespmem:s29+$0xA0];
	v18 =	vmul.f32 v8, v18;
	[tilespmem:s29+$0x0] =	vst v16  }
0xd6: {  	v52 =	vld [tilespmem:s29+$0xB0];
	v43 =	vmul.f32 v19, v8;
	[tilespmem:s29+$0x10] =	vst v17  }
0xd7: {  	v53 =	vld [tilespmem:s29+$0xC0];
	[tilespmem:s29+$0x20] =	vst v18;
	v51 =	vmul.f32 v44, v6  }
0xd8: {  	v55 =	vld [tilespmem:s29+$0xD0];
	v54 =	vmul.f32 v45, v6;
	[tilespmem:s29+$0x30] =	vst v43  }
0xd9: {  	v56 =	vld [tilespmem:s29+$0xE0];
	v59 =	vmul.f32 v3, v49;
	[tilespmem:s29+$0x40] =	vst v51  }
0xda: {  	v58 =	vld [tilespmem:s29+$0xF0];
	v61 =	vmul.f32 v3, v50;
	[tilespmem:s29+$0x50] =	vst v54  }
0xdb: {  	v60 =	vld [tilespmem:s31+$0x110];
	v8 =	vmul.f32 v3, v52;
	[tilespmem:s31+$0x90] =	vst v59  }
0xdc: {  	v46 =	vld [tilespmem:s29+$0x60];
	v3 =	vmul.f32 v53, v3;
	[tilespmem:s31+$0xA0] =	vst v61  }
0xdd: {  	v47 =	vld [tilespmem:s29+$0x70];
	v62 =	vmul.f32 v55, v2;
	[tilespmem:s31+$0xB0] =	vst v8  }
0xde: {  	v48 =	vld [tilespmem:s29+$0x80];
	v63 =	vmul.f32 v56, v2;
	[tilespmem:s31+$0xC0] =	vst v3  }
0xdf: {  	v2 =	vmul.f32 v58, v2;
	[tilespmem:s31+$0xD0] =	vst v62  }
0xe0: {  	v4 =	vmul.f32 v60, v4;
	[tilespmem:s31+$0xE0] =	vst v63  }
0xe1: {  	v12 =	vmul.f32 v46, v6;
	[tilespmem:s31+$0xF0] =	vst v2  }
0xe2: {  	v57 =	vmul.f32 v47, v6;
	[tilespmem:s31+$0x110] =	vst v4  }
0xe3: {  	v3 =	vmul.f32 v48, v5;
	[tilespmem:s31+$0x60] =	vst v12  }
0xe4: {  	[tilespmem:s31+$0x70] =	vst v57  }
.Ltmp7:
0xe5: {  	[tilespmem:s31+$0x80] =	vst v3;
	(pc) =	sbr.rel .LBB2_8-.Ltmp7, $4  }
0xe6: {  	[spmem:s1] =	stream.indirect.scatter.add.f32 [tilespmem:s14], [sflag:$0x2], $0x90, s17, s17, $0xb8;
	[tilespmem:$0x1C100] =	vst v63  }
0xe7: {  	_ =	swait.ge [sflag:s15], $0x4800  }
0xe8: {  	[sflag:s15] =	ssyncset.done $0x0  }
0xe9: {  	[sflag:s15] =	ssyncadd.s32 $0xFFFFB800  }
.LBB2_10:
0xea: {  	_ =	sfence.sel $0x180000  }
0xeb: {  	[bflag:$0x0] =	sbarrier.arrive $0xFFFF  }
0xec: {  	_ =	strace $0x90000047  }
0xed: {  	[bflag:$0x2] =	sbarrier.arrive $0xFFFF  }
0xee: {  	p0 =	sne.s32 s4, $0x0;
	s0 =	rddreg [dreg:$0x3]  }
0xef: {  	s0 =	sadd.s32 @!p0 $0x100000, s0  }
0xf0: {  	[sflag:s0] =	ssyncadd.tile.s32 @!p0 $0x1;
	_ =	shalt  }
.Lfunc_end2:
_tile_overlayer_lowered:
.L_overlay_start_2:
0xf1: {  	(tag) =	ssettag $0x2  }
0xf2: {  	s0 =	rddreg [dreg:$0x0];
	s2 =	stileid.u32  }
0xf3: {  	s1 =	rddreg [dreg:$0x1];
	p0 =	sne.s32 s2, $0x0  }
0xf4: {  	s3 =	rddreg [dreg:$0x2];
	[bflag:$0x3] =	sbarrier.arrive $0xFFFF;
	s2 =	simm.s32 @!p0 $0x1C02  }
0xf5: {  	[timem:s3], [sflag:s2] =	dma.local @!p0 [hbm:s0], s1  }
0xf6: {  	s0 =	simm.s32 @!p0 $0x2  }
0xf7: {  	_ =	swait.ge @!p0 [sflag:s0], s1  }
0xf8: {  	s1 =	ssub.s32 @!p0 $0x0, s1;
	[sflag:s0] =	ssyncset.done @!p0 $0x0  }
0xf9: {  	[sflag:s0] =	ssyncadd.s32 @!p0 s1  }
0xfa: {  	[bflag:$0x3] =	sbarrier.arrive $0xFFFF  }
0xfb: {  	_ =	shalt  }

// kernel: kernel.14.cloned.1.call-start
scs
__scs_entry_jumppad:
0x0: {  	(pc) =	sbr.rel $0x88, $3  }
0x1: {  	(tag) =	ssettag $0x0;
	lr =	simm.s32 $0x1  }
0x2: {  	[smem:$0x3F90] =	sst lr;
	_ =	strace $0xD0000000  }
0x3: {  	_ = 	snop  }
0x4: {  	_ = 	snop  }
0x5: {  	_ = 	snop  }
0x6: {  	_ = 	snop  }
0x7: {  	_ = 	snop  }
__scs_overlays_trampoline_lowered:
0x8: {  	[smem:$0x3F9F] =	sst s0  }
0x9: {  	[smem:$0x3FA0] =	sst s1  }
0xa: {  	[smem:$0x3FA1] =	sst s2  }
0xb: {  	[smem:$0x3FA2] =	sst s3  }
0xc: {  	[smem:$0x3FA3] =	sst s4  }
0xd: {  	[smem:$0x3FA4] =	sst s5  }
0xe: {  	[smem:$0x3FA5] =	sst s6  }
0xf: {  	[smem:$0x3FA6] =	sst s7  }
0x10: {  	[smem:$0x3FA7] =	sst s8  }
0x11: {  	[smem:$0x3FA8] =	sst s9;
	s0 =	simm.s32 @!p0 $0x0  }
0x12: {  	s1 =	sld [smem:$0x3F8E];
	s0 =	simm.s32 @p0 $0x1  }
0x13: {  	[smem:$0x3FA9] =	sst s0;
	s0 =	simm.s32 @!p1 $0x0  }
0x14: {  	s2 =	sld [smem:$0x3F8D];
	s0 =	simm.s32 @p1 $0x1  }
0x15: {  	[smem:$0x3FAA] =	sst s0;
	s0 =	simm.s32 @!p2 $0x0  }
0x16: {  	s3 =	sld [smem:$0x3FDB];
	s0 =	simm.s32 @p2 $0x1  }
0x17: {  	s4 =	simm.s32 $0x1BF5;
	[smem:$0x3FAC] =	sst s0  }
0x18: {  	s0 =	sld [smem:$0x3F8F];
	_ =	swait.ge [sflag:s4], $0x0  }
0x19: {  	s7 =	sld [smem:$0x3F90]  }
0x1a: {  	s8 =	sadd.s32 $0xFFFFE003, lr  }
0x1b: {  	s9 =	sadd.s32 $0xFFFFFEF7, lr;
	s5 =	simm.s32 $0xFFFFFFFF;
	p2 =	slt.u32 s8, $0xFFFFF086  }
0x1c: {  	p1 =	slt.u32 s9, $0xF7A;
	s5 =	simm.s32 @!p2 $0x0  }
0x1d: {  	s5 =	simm.s32 @p1 $0x1;
	p0 =	seq.s32 s7, s2  }
0x1e: {  	s7 =	smul.u32 @!p0 $0xF7A, s2;
	p2 =	seq.s32 @!p0 s5, $0x0  }
0x1f: {  	s9 =	smul.u32 $0xF7A, s1;
	s8 =	simm.s32 @!p0 $0x1BF5;
	p2 =	por !p2, p0  }
0x20: {  	[sflag:s8] =	ssyncset.s32 @!p0 $0xFFFFF086;
	s6 =	sadd.s32 @!p0 s3, s7;
	s7 =	simm.s32 @!p0 $0x108  }
0x21: {  	s3 =	sadd.s32 s3, s9;
	s6 =	sadd.s32 @!p0 $0x88, s6;
	s7 =	simm.s32 @p2 $0x1082  }
0x22: {  	[simem:s7], [sflag:s8] =	dma.local @!p0 [hbm:s6], $0xF7A  }
0x23: {  	s9 =	sor.u32 $0xD0000000, s2;
	s6 =	simm.s32 $0x108;
	_ =	swait.ge @!p0 [sflag:s8], $0x0  }
0x24: {  	s3 =	sadd.s32 $0x88, s3;
	s6 =	simm.s32 @!p1 $0x1082;
	[sflag:s4] =	ssyncset.s32 $0xFFFFF086  }
0x25: {  	[simem:s6], [sflag:s4] =	dma.local [hbm:s3], $0xF7A  }
0x26: {  	[smem:$0x3F90] =	sst s1;
	(tag) =	ssettag s2;
	_ =	strace s9  }
0x27: {  	s1 =	sld [smem:$0x3FA0]  }
0x28: {  	s2 =	sld [smem:$0x3FA1]  }
0x29: {  	s4 =	sld [smem:$0x3FA3]  }
0x2a: {  	p0 =	seq.s32 s5, $0x0;
	s5 =	sld [smem:$0x3FA4]  }
0x2b: {  	s6 =	sld [smem:$0x3FA5]  }
0x2c: {  	s7 =	sld [smem:$0x3FA6]  }
0x2d: {  	s3 =	simm.s32 $0x108;
	s8 =	sld [smem:$0x3FA7]  }
0x2e: {  	s3 =	simm.s32 @!p0 $0x1082;
	s9 =	sld [smem:$0x3FA8]  }
0x2f: {  	lr =	sadd.s32 s0, s3;
	s0 =	sld [smem:$0x3F9F]  }
0x30: {  	s3 =	sld [smem:$0x3FA2]  }
0x31: {  	[smem:$0x3FAB] =	sst s10  }
0x32: {  	s10 =	sld [smem:$0x3FA9];
	_ =	sdelay $0x3  }
0x33: {  	p0 =	seq.s32 s10, $0x1;
	s10 =	sld [smem:$0x3FAB];
	_ =	sdelay $0x3  }
0x34: {  	[smem:$0x3FAB] =	sst s10  }
0x35: {  	s10 =	sld [smem:$0x3FAA];
	_ =	sdelay $0x3  }
0x36: {  	p1 =	seq.s32 s10, $0x1;
	s10 =	sld [smem:$0x3FAB];
	_ =	sdelay $0x3  }
0x37: {  	[smem:$0x3FAB] =	sst s10  }
0x38: {  	s10 =	sld [smem:$0x3FAC]  }
0x39: {  	_ = 	snop;
	(pc) =	sbr.ind lr, $3  }
0x3a: {  	_ = 	snop  }
0x3b: {  	_ = 	snop  }
0x3c: {  	p2 =	seq.s32 s10, $0x1;
	s10 =	sld [smem:$0x3FAB]  }
0x3d: {  	_ =	shalt  }
0x3e: {  	_ =	shalt  }
0x3f: {  	_ =	shalt  }
0x40: {  	_ =	shalt  }
0x41: {  	_ =	shalt  }
0x42: {  	_ =	shalt  }
0x43: {  	_ =	shalt  }
0x44: {  	_ =	shalt  }
0x45: {  	_ =	shalt  }
0x46: {  	_ =	shalt  }
0x47: {  	_ =	shalt  }
0x48: {  	_ =	shalt  }
0x49: {  	_ =	shalt  }
0x4a: {  	_ =	shalt  }
0x4b: {  	_ =	shalt  }
0x4c: {  	_ =	shalt  }
0x4d: {  	_ =	shalt  }
0x4e: {  	_ =	shalt  }
0x4f: {  	_ =	shalt  }
0x50: {  	_ =	shalt  }
0x51: {  	_ =	shalt  }
0x52: {  	_ =	shalt  }
0x53: {  	_ =	shalt  }
0x54: {  	_ =	shalt  }
0x55: {  	_ =	shalt  }
0x56: {  	_ =	shalt  }
0x57: {  	_ =	shalt  }
0x58: {  	_ =	shalt  }
0x59: {  	_ =	shalt  }
0x5a: {  	_ =	shalt  }
0x5b: {  	_ =	shalt  }
0x5c: {  	_ =	shalt  }
0x5d: {  	_ =	shalt  }
0x5e: {  	_ =	shalt  }
0x5f: {  	_ =	shalt  }
0x60: {  	_ =	shalt  }
0x61: {  	_ =	shalt  }
0x62: {  	_ =	shalt  }
0x63: {  	_ =	shalt  }
0x64: {  	_ =	shalt  }
0x65: {  	_ =	shalt  }
0x66: {  	_ =	shalt  }
0x67: {  	_ =	shalt  }
0x68: {  	_ =	shalt  }
0x69: {  	_ =	shalt  }
0x6a: {  	_ =	shalt  }
0x6b: {  	_ =	shalt  }
0x6c: {  	_ =	shalt  }
0x6d: {  	_ =	shalt  }
0x6e: {  	_ =	shalt  }
0x6f: {  	_ =	shalt  }
0x70: {  	_ =	shalt  }
0x71: {  	_ =	shalt  }
0x72: {  	_ =	shalt  }
0x73: {  	_ =	shalt  }
0x74: {  	_ =	shalt  }
0x75: {  	_ =	shalt  }
0x76: {  	_ =	shalt  }
0x77: {  	_ =	shalt  }
0x78: {  	_ =	shalt  }
0x79: {  	_ =	shalt  }
0x7a: {  	_ =	shalt  }
0x7b: {  	_ =	shalt  }
0x7c: {  	_ =	shalt  }
0x7d: {  	_ =	shalt  }
0x7e: {  	_ =	shalt  }
0x7f: {  	_ =	shalt  }
0x80: {  	_ =	shalt  }
0x81: {  	_ =	shalt  }
0x82: {  	_ =	shalt  }
0x83: {  	_ =	shalt  }
0x84: {  	_ =	shalt  }
0x85: {  	_ =	shalt  }
0x86: {  	_ =	shalt  }
0x87: {  	_ =	shalt  }
.Lfunc_end0:
.L_simem_size_0:
called_computation.1_lowered:
.L_overlay_start_0:
0x88: {  	s2 =	sld [smem:$0x3FD9]  }
0x89: {  	s3 =	sld [smem:$0x3FFE];
	_ =	sdelay $0x1  }
0x8a: {  	s1 =	srdreg.scid  }
0x8b: {  	s0 =	sand.u32 $0x1, s1  }
0x8c: {  	s17 =	sshll.u32 s0, $0xA;
	s2 =	sadd.s32 s3, s2  }
0x8d: {  	s2 =	sadd.s32 s2, s17  }
0x8e: {  	[smem:$0x3FB7] =	sst s2  }
0x8f: {  	_ = 	snop  }
0x90: {  	s2 =	sld [smem:$0x3FD0];
	(tm) =	ssettm $0x1  }
0x91: {  	s18 =	sld [smem:$0x3FFB];
	_ =	sdelay $0x3  }
0x92: {  	_ =	strace s18  }
0x93: {  	s3 =	sld [smem:$0x3FFC];
	_ =	sdelay $0x3  }
0x94: {  	_ =	strace s3  }
0x95: {  	s3 =	sld [smem:$0x3FFD];
	_ =	sdelay $0x3  }
0x96: {  	_ =	strace s3  }
0x97: {  	_ =	strace $0x8FFFFFFF  }
0x98: {  	s19 =	sld [smem:$0x3FDB];
	_ =	sdelay $0x1  }
0x99: {  	s4 =	simm.s32 $_scs_section_size  }
0x9a: {  	s5 =	simm.s32 $_size__tile_overlayer_lowered;
	s6 =	simm.s32 $_tile_overlayer_lowered  }
0x9b: {  	s22 =	simm.s32 $0x1BFF;
	s21 =	sshll.u32 s6, $0x1;
	s3 =	sadd.s32 s4, s19  }
0x9c: {  	s7 =	simm.s32 $0x0;
	s20 =	sshll.u32 s5, $0x1;
	s5 =	sadd.s32 s21, s3  }
0x9d: {  	[timem:s7], [sflag:s22] =	dma.local [hbm:s5], s20  }
0x9e: {  	_ =	swait.ge [sflag:s22], s20  }
0x9f: {  	s4 =	ssub.s32 $0x0, s20;
	[sflag:s22] =	ssyncset.done $0x0  }
0xa0: {  	[sflag:s22] =	ssyncadd.s32 s4;
	_ =	sdelay $0x1  }
0xa1: {  	s23 =	simm.s32 $0x1B8B  }
0xa2: {  	_ =	swait.ge [sflag:s23], $0x1  }
0xa3: {  	[sflag:s23] =	ssyncset.done $0x0  }
0xa4: {  	s25 =	simm.s32 $0x1B8E;
	s24 =	sld [smem:$0x3FFE];
	[sflag:s23] =	ssyncadd.s32 $0xFFFFFFFF  }
0xa5: {  	s26 =	simm.s32 $execute0_lowered;
	[smem:$0x3FD2] =	sst s25  }
0xa6: {  	s5 =	sshll.u32 s26, $0x1;
	_ =	strace $0x80000049;
	[dreg:$0x1] =	wrdreg $0xFFFFFFFF  }
0xa7: {  	s28 =	simm.s32 $_size_execute0_lowered;
	s3 =	sadd.s32 s3, s5;
	[dreg:$0x0] =	wrdreg $0x0  }
0xa8: {  	s5 =	sshll.u32 s28, $0x1;
	[dreg:$0x2] =	wrdreg s3  }
0xa9: {  	[dreg:$0x3] =	wrdreg s5  }
0xaa: {  	[dreg:$0x4] =	wrdreg $0xC0  }
0xab: {  	_ =	task [dreg:s7], $0x5FFFF  }
0xac: {  	[dreg:$0x1] =	wrdreg $0xFFFFFFFF  }
0xad: {  	[dreg:$0x0] =	wrdreg $0x60  }
0xae: {  	[dreg:$0x2] =	wrdreg s24  }
0xaf: {  	[dreg:$0x3] =	wrdreg s2  }
0xb0: {  	[dreg:$0x4] =	wrdreg $0x59000  }
0xb1: {  	[dreg:$0x5] =	wrdreg $0x9  }
0xb2: {  	_ =	task.clear_ibuf [dreg:s7], $0x6FFFF;
	_ =	strace $0x90000049  }
0xb3: {  	s29 =	simm.s32 $0x9;
	_ =	strace $0x8000004B  }
0xb4: {  	_ =	swait.ge [sflag:s29], $0x1  }
0xb5: {  	[sflag:s29] =	ssyncadd.s32 $0xFFFFFFFF  }
0xb6: {  	_ =	strace $0x9000004B  }
0xb7: {  	_ =	sfence  }
0xb8: {  	s30 =	sld [smem:$0x0];
	_ =	sdelay $0x2  }
0xb9: {  	s31 =	sshll.u32 s1, $0xD;
	s1 =	sshrl.u32 s1, $0x2  }
0xba: {  	s3 =	sand.u32 $0x4000, s31;
	s1 =	sadd.s32 s1, s30  }
0xbb: {  	s0 =	sor.u32 s3, s0;
	s1 =	sshll.u32 s1, $0x11  }
0xbc: {  	s0 =	sor.u32 s1, s0  }
0xbd: {  	s0 =	sadd.s32 $0x8F2B, s0  }
0xbe: {  	[sflag:s0] =	ssyncadd.remote.s32 $0x1  }
0xbf: {  	_ =	sfence.sel $0xFFFF  }
0xc0: {  	[dreg:$0x0] =	wrdreg $0xFFFFFFFF;
	(pc) =	sbr.abs _section_cstart, $3  }
0xc1: {  	[dreg:$0x1] =	wrdreg $0xFFFFFFFF  }
0xc2: {  	_ =	task.clear_ibuf [dreg:s7], $0x2FFFF;
	_ =	strace $0x9FFFFFFF  }
0xc3: {  	(tm) =	ssettm $0x7FFFFFFF  }
tec
execute0_lowered:
.L_overlay_start_1:
0x0: {  	(tag) =	ssettag $0x1  }
0x1: {  	s0 =	rddreg [dreg:$0x0]  }
0x2: {  	s13 =	rddreg [dreg:$0x1]  }
0x3: {  	s1 =	rddreg [dreg:$0x2];
	s2 =	simm.s32 $0x0  }
0x4: {  	s4 =	srdreg.scid;
	[smem:$0x7FF] =	sst s2  }
0x5: {  	s3 =	sadd.s32 $0x11F800, s0;
	s5 =	sadd.s32 $0x115A00, s0;
	s14 =	sand.u32 $0x1, s4  }
0x6: {  	s6 =	sadd.s32 $0x129600, s0;
	s4 =	stileid.u32;
	s16 =	sadd.s32 $0x155800, s0  }
0x7: {  	s7 =	sadd.s32 $0xC7600, s0;
	_ =	strace $0x8000004A;
	s8 =	smul.u32 $0x2D000, s14  }
0x8: {  	s9 =	ssub.s32 $0x2, s14;
	s15 =	smul.u32 $0x16800, s4;
	p0 =	seq.s32 s14, $0x1  }
0x9: {  	s14 =	simm.s32 $0x1100;
	s30 =	sshrl.u32 s9, $0x1;
	s6 =	smov.u32 @p0 s13  }
0xa: {  	s7 =	smov.u32 @p0 s16;
	s16 =	simm.s32 $0x3;
	s0 =	sadd.s32 s8, s0  }
0xb: {  	s17 =	ssub.s32 s9, s30;
	s8 =	sadd.s32 s15, s1;
	s18 =	sadd.s32 $0x4800, s15  }
0xc: {  	s19 =	sadd.s32 $0x9000, s15;
	s20 =	sadd.s32 $0xD800, s15;
	s21 =	sadd.s32 $0x12000, s15  }
0xd: {  	s22 =	sshrl.u32 s15, $0x3;
	s15 =	simm.s32 $0x2;
	s9 =	sadd.s32 s18, s1  }
0xe: {  	s10 =	sadd.s32 s19, s1;
	s11 =	sadd.s32 s20, s1;
	s12 =	sadd.s32 s21, s1  }
0xf: {  	s0 =	sadd.s32 $0x181800, s0;
	s23 =	sshrl.u32 s18, $0x3;
	s24 =	sshrl.u32 s19, $0x3  }
.Ltmp0:
0x10: {  	s25 =	sshrl.u32 s20, $0x3;
	s26 =	sshrl.u32 s21, $0x3;
	(pc) =	sbr.rel .LBB2_1-.Ltmp0, $4  }
0x11: {  	v0 =	vimm.s32 $0x302;
	s31 =	smax.u32 s17, $0x1;
	s17 =	simm.s32 $0x80;
	s18 =	simm.s32 $0x100  }
0x12: {  	v1 =	vunpack.c.0.s8.s32 v0;
	s19 =	simm.s32 $0x900;
	[dreg:$0x4] =	wrdreg s31;
	s20 =	sadd.s32 s22, s0  }
0x13: {  	vm0 =	vcmask $0xF00;
	s21 =	sadd.s32 s23, s0;
	s22 =	sadd.s32 s24, s0;
	s23 =	sadd.s32 s25, s0  }
0x14: {  	v0 =	vimm.f32 $0.0e+00;
	v1 =	vnsel vm0, $0x0, v1;
	vm0 =	vmmov $0x3;
	s24 =	sadd.s32 s26, s0;
	s25 =	simm.s32 $0x1;
	s26 =	simm.s32 $0x0  }
.LBB2_9:
0x15: {  	s0 =	sshll.u32 s4, $0x6  }
0x16: {  	[bflag:$0x0] =	sbarrier.arrive $0xFFFF;
	s13 =	sshrl.u32 s8, $0x3;
	s0 =	sor.u32 $0x1C02, s0  }
0x17: {  	[hbm:s20], [sflag:s0] =	dma.local [spmem:s13], $0x900  }
0x18: {  	_ =	swait.ge [sflag:s15], $0x900  }
0x19: {  	[sflag:s15] =	ssyncset.done $0x0  }
0x1a: {  	s31 =	sshrl.u32 s9, $0x3;
	[sflag:s15] =	ssyncadd.s32 $0xFFFFF700  }
0x1b: {  	[hbm:s21], [sflag:s0] =	dma.local [spmem:s31], $0x900  }
0x1c: {  	_ =	swait.ge [sflag:s15], $0x900  }
0x1d: {  	[sflag:s15] =	ssyncset.done $0x0  }
0x1e: {  	s28 =	sshrl.u32 s10, $0x3;
	[sflag:s15] =	ssyncadd.s32 $0xFFFFF700  }
0x1f: {  	[hbm:s22], [sflag:s0] =	dma.local [spmem:s28], $0x900  }
0x20: {  	_ =	swait.ge [sflag:s15], $0x900  }
0x21: {  	[sflag:s15] =	ssyncset.done $0x0  }
0x22: {  	s29 =	sshrl.u32 s11, $0x3;
	[sflag:s15] =	ssyncadd.s32 $0xFFFFF700  }
0x23: {  	[hbm:s23], [sflag:s0] =	dma.local [spmem:s29], $0x900  }
0x24: {  	_ =	swait.ge [sflag:s15], $0x900  }
0x25: {  	[sflag:s15] =	ssyncset.done $0x0  }
0x26: {  	s30 =	sshrl.u32 s12, $0x3;
	[sflag:s15] =	ssyncadd.s32 $0xFFFFF700  }
0x27: {  	[hbm:s24], [sflag:s0] =	dma.local [spmem:s30], $0x900  }
0x28: {  	_ =	swait.ge [sflag:s15], $0x900  }
0x29: {  	s26 =	sadd.s32 $0x1, s26;
	s31 =	rddreg [dreg:$0x4]  }
0x2a: {  	p0 =	sne.s32 s26, s31  }
.Ltmp1:
0x2b: {  	_ = 	snop;
	(pc) =	sbr.rel @!p0 .LBB2_10-.Ltmp1, $3  }
0x2c: {  	[sflag:s15] =	ssyncset.done $0x0  }
0x2d: {  	[sflag:s15] =	ssyncadd.s32 $0xFFFFF700  }
0x2e: {  	[bflag:$0x0] =	sbarrier.arrive $0xFFFF;
	_ =	sdelay $0x1  }
.LBB2_1:
0x2f: {  	s0 =	simm.s32 $0x0;
	s13 =	simm.s32 $0x240  }
.LBB2_2:
0x30: {  	p0 =	sne.s32 s13, $0x11DC0;
	[tilespmem:s0+$0x1180] =	vst v0  }
0x31: {  	[tilespmem:s0+$0x1100] =	vst v0  }
0x32: {  	[tilespmem:s0+$0x1110] =	vst v0  }
0x33: {  	[tilespmem:s0+$0x1120] =	vst v0  }
.Ltmp2:
0x34: {  	[tilespmem:s0+$0x1130] =	vst v0;
	(pc) =	sbr.rel @p0 .LBB2_2-.Ltmp2, $4  }
0x35: {  	[tilespmem:s0+$0x1140] =	vst v0  }
0x36: {  	[tilespmem:s0+$0x1150] =	vst v0  }
0x37: {  	[tilespmem:s0+$0x1160] =	vst v0  }
0x38: {  	[tilespmem:s0+$0x1170] =	vst v0;
	s0 =	sshra.s32 s13, $0x2;
	s13 =	sadd.s32 $0x240, s13  }
0x39: {  	[tilespmem:s0+$0x1180] =	vst v0  }
0x3a: {  	[tilespmem:s0+$0x1100] =	vst v0  }
0x3b: {  	[tilespmem:s0+$0x1110] =	vst v0  }
0x3c: {  	[tilespmem:s0+$0x1120] =	vst v0  }
0x3d: {  	[tilespmem:s0+$0x1130] =	vst v0  }
0x3e: {  	[tilespmem:s0+$0x1140] =	vst v0  }
0x3f: {  	[tilespmem:s0+$0x1150] =	vst v0  }
0x40: {  	[tilespmem:s0+$0x1160] =	vst v0  }
0x41: {  	[tilespmem:s0+$0x1170] =	vst v0  }
0x42: {  	[spmem:s8] =	stream.linear.scatter [tilespmem:s14], [sflag:$0x2], $0x4800, $0x38;
	[tilespmem:$0x1C100] =	vst v63  }
0x43: {  	_ =	swait.ge [sflag:s15], $0x4800  }
0x44: {  	[sflag:s15] =	ssyncset.done $0x0  }
0x45: {  	[sflag:s15] =	ssyncadd.s32 $0xFFFFB800  }
0x46: {  	[spmem:s9] =	stream.linear.scatter [tilespmem:s14], [sflag:$0x2], $0x4800, $0x38;
	[tilespmem:$0x1C100] =	vst v63  }
0x47: {  	_ =	swait.ge [sflag:s15], $0x4800  }
0x48: {  	[sflag:s15] =	ssyncset.done $0x0  }
0x49: {  	[sflag:s15] =	ssyncadd.s32 $0xFFFFB800  }
0x4a: {  	[spmem:s10] =	stream.linear.scatter [tilespmem:s14], [sflag:$0x2], $0x4800, $0x38;
	[tilespmem:$0x1C100] =	vst v63  }
0x4b: {  	_ =	swait.ge [sflag:s15], $0x4800  }
0x4c: {  	[sflag:s15] =	ssyncset.done $0x0  }
0x4d: {  	[sflag:s15] =	ssyncadd.s32 $0xFFFFB800  }
0x4e: {  	[spmem:s11] =	stream.linear.scatter [tilespmem:s14], [sflag:$0x2], $0x4800, $0x38;
	[tilespmem:$0x1C100] =	vst v63  }
0x4f: {  	_ =	swait.ge [sflag:s15], $0x4800  }
0x50: {  	[sflag:s15] =	ssyncset.done $0x0  }
0x51: {  	[sflag:s15] =	ssyncadd.s32 $0xFFFFB800  }
0x52: {  	[spmem:s12] =	stream.linear.scatter [tilespmem:s14], [sflag:$0x2], $0x4800, $0x38;
	[tilespmem:$0x1C100] =	vst v63  }
.Ltmp3:
0x53: {  	_ =	swait.ge [sflag:s15], $0x4800;
	(pc) =	sbr.rel .LBB2_4-.Ltmp3, $4  }
0x54: {  	[sflag:s15] =	ssyncset.done $0x0  }
0x55: {  	[sflag:s15] =	ssyncadd.s32 $0xFFFFB800  }
0x56: {  	[bflag:$0x0] =	sbarrier.arrive $0xFFFF  }
0x57: {  	s28 =	simm.s32 $0x0  }
.LBB2_8:
0x58: {  	s28 =	sadd.s32 $0x1, s28  }
0x59: {  	p0 =	sne.s32 s28, $0x9D  }
.Ltmp4:
0x5a: {  	_ = 	snop;
	(pc) =	sbr.rel @!p0 .LBB2_9-.Ltmp4, $1  }
0x5b: {  	_ =	sdelay $0x3  }
.LBB2_4:
0x5c: {  	s0 =	sshll.u32 s28, $0x4  }
0x5d: {  	s0 =	sor.u32 s4, s0  }
0x5e: {  	p0 =	sgt.u32 s0, $0x9C3  }
.Ltmp5:
0x5f: {  	_ = 	snop;
	(pc) =	sbr.rel @p0 .LBB2_8-.Ltmp5, $1  }
0x60: {  	_ =	sdelay $0x3  }
0x61: {  	s0 =	sshll.u32 s0, $0x4  }
0x62: {  	s13 =	sadd.s32 s3, s0  }
0x63: {  	[tilespmem:s2], [sflag:$0x3] =	stream.linear.gather [hbm4b:s13+s2], $0x80, $0x38;
	[tilespmem:$0x1C100] =	vst v63  }
0x64: {  	_ =	swait.ge [sflag:s16], $0x80  }
0x65: {  	[sflag:s16] =	ssyncset.done $0x0  }
0x66: {  	s0 =	sadd.s32 s5, s0;
	[sflag:s16] =	ssyncadd.s32 $0xFFFFFF80  }
0x67: {  	[tilespmem:s17], [sflag:$0x3] =	stream.linear.gather [hbm4b:s0+s2], $0x80, $0x38;
	[tilespmem:$0x1C100] =	vst v63  }
0x68: {  	_ =	swait.ge [sflag:s16], $0x80  }
0x69: {  	[sflag:s16] =	ssyncset.done $0x0  }
0x6a: {  	[sflag:s16] =	ssyncadd.s32 $0xFFFFFF80  }
0x6b: {  	[tilespmem:s18], [sflag:$0x1] =	stream.indirect.gather [hbm4b:s6+s17], $0x10, s2, s17, $0xb8;
	[tilespmem:$0x1C100] =	vst v63  }
0x6c: {  	_ = 	snop  }
0x6d: {  	[tilespmem:s19], [sflag:$0x1] =	stream.indirect.gather [hbm4b:s6+s17], $0x10, s17, s17, $0xb8;
	[tilespmem:$0x1C100] =	vst v63  }
0x6e: {  	_ = 	snop  }
0x6f: {  	[tilespmem:s14], [sflag:$0x1] =	stream.indirect.gather [hbm4b:s7+s17], $0x90, s2, s17, $0xb8;
	[tilespmem:$0x1C100] =	vst v63  }
0x70: {  	_ =	swait.ge [sflag:s25], $0x800  }
0x71: {  	[sflag:s25] =	ssyncset.done $0x0  }
0x72: {  	[sflag:s25] =	ssyncadd.s32 $0xFFFFF800  }
0x73: {  	_ =	swait.ge [sflag:s25], $0x800  }
0x74: {  	[sflag:s25] =	ssyncset.done $0x0  }
0x75: {  	[sflag:s25] =	ssyncadd.s32 $0xFFFFF800  }
0x76: {  	_ =	swait.ge [sflag:s25], $0x4800  }
0x77: {  	[sflag:s25] =	ssyncset.done $0x0  }
0x78: {  	s13 =	simm.s32 $0x920;
	[sflag:s25] =	ssyncadd.s32 $0xFFFFB800  }
0x79: {  	v2 =	vld [tilespmem:s13+$0x10]  }
0x7a: {  	v3 =	vld [tilespmem:s13+$0xFFFFFFE0]  }
0x7b: {  	s30 =	simm.s32 $0x120;
	v4 =	vld [tilespmem:s13+$0xFFFFFFF0]  }
0x7c: {  	v5 =	vld [tilespmem:s30+$0x10]  }
0x7d: {  	v6 =	vld [tilespmem:s30+$0xFFFFFFF0]  }
0x7e: {  	v7 =	vld [tilespmem:s30+$0xFFFFFFE0]  }
0x7f: {  	v2 =	vperm.xlane v2, v1  }
0x80: {  	v4 =	vperm.xlane v4, v1  }
0x81: {  	v3 =	vperm.xlane v3, v1;
	v2 =	vadd.f32 v2, v5  }
0x82: {  	v4 =	vadd.f32 v4, v6  }
0x83: {  	v3 =	vadd.f32 v3, v7;
	v5 =	vmul.f32 $2.000000030e-01, v2  }
0x84: {  	v7 =	vld [tilespmem:s13+$0x0];
	vm1 =	vge.f32 v2, $0.0e+00;
	v6 =	vmul.f32 $2.000000030e-01, v4  }
0x85: {  	v2 =	vsel vm1, v2, v5;
	vm1 =	vge.f32 v4, $0.0e+00;
	v5 =	vmul.f32 $2.000000030e-01, v3  }
0x86: {  	vm2 =	vge.f32 v3, $0.0e+00;
	v2 =	vmul.f32 $1.442695020e+00, v2;
	v4 =	vsel vm1, v4, v6;
	v6 =	vld [tilespmem:s30+$0x0]  }
0x87: {  	v3 =	vsel vm2, v3, v5;
	v4 =	vmul.f32 $1.442695020e+00, v4  }
0x88: {  	(erf) = vpow2.f32 v2;
	v2 =	vmul.f32 $1.442695020e+00, v3  }
0x89: {  	v3 =	vperm.xlane v7, v1;
	(erf) = vpow2.f32 v4  }
0x8a: {  	s29 =	simm.s32 $0x1220;
	(erf) = vpow2.f32 v2  }
0x8b: {  	v8 =	vld [tilespmem:s29+$0xFFFFFF20];
	v2 =	vadd.f32 v3, v6  }
0x8c: {  	v10 =	vld [tilespmem:s29+$0xFFFFFF30]  }
0x8d: {  	v12 =	vld [tilespmem:s29+$0xFFFFFF40];
	v5 =	vmul.f32 $2.000000030e-01, v2  }
0x8e: {  	v15 =	vld [tilespmem:s29+$0xFFFFFF50];
	vm1 =	vge.f32 v2, $0.0e+00  }
0x8f: {  	v3 =	vld [tilespmem:s29+$0x100];
	v2 =	vsel vm1, v2, v5  }
0x90: {  	v19 =	vld [tilespmem:s29+$0xFFFFFF90];
	v2 =	vmul.f32 $1.442695020e+00, v2  }
0x91: {  	v4 =	vld [tilespmem:s29+$0xFFFFFEE0];
	v9 =	vpop (erf)  }
0x92: {  	v6 =	vld [tilespmem:s29+$0xFFFFFEF0];
	v11 =	vpop (erf);
	(erf) = vpow2.f32 v2;
	v2 =	vbroadcast v9, $0x1  }
0x93: {  	v7 =	vld [tilespmem:s29+$0xFFFFFF00];
	v13 =	vpop (erf);
	v20 =	vbroadcast v11, $0x0  }
0x94: {  	v5 =	vld [tilespmem:s29+$0xFFFFFF10];
	v14 =	vbroadcast v13, $0x0;
	v3 =	vmul.f32 v3, v2  }
0x95: {  	v16 =	vld [tilespmem:s29+$0xFFFFFF60];
	v19 =	vmul.f32 v20, v19  }
0x96: {  	v17 =	vld [tilespmem:s29+$0xFFFFFF70];
	v4 =	vmul.f32 v14, v4;
	[tilespmem:s29+$0x100] =	vst v3  }
0x97: {  	v18 =	vld [tilespmem:s29+$0xFFFFFF80];
	v3 =	vmul.f32 v14, v6;
	[tilespmem:s29+$0xFFFFFF90] =	vst v19  }
0x98: {  	v21 =	vld [tilespmem:s29+$0xFFFFFFC0];
	v6 =	vbroadcast v13, $0x1;
	v7 =	vmul.f32 v14, v7;
	[tilespmem:s29+$0xFFFFFEE0] =	vst v4  }
0x99: {  	v24 =	vld [tilespmem:s29+$0xFFFFFFD0];
	v22 =	vbroadcast v11, $0x1;
	v4 =	vmul.f32 v5, v14;
	[tilespmem:s29+$0xFFFFFEF0] =	vst v3  }
0x9a: {  	v25 =	vld [tilespmem:s29+$0xFFFFFFE0];
	v3 =	vbroadcast v9, $0x0;
	[tilespmem:s29+$0xFFFFFF00] =	vst v7;
	v7 =	vmul.f32 v10, v6  }
0x9b: {  	v5 =	vld [tilespmem:s29+$0xFFFFFFA0];
	v8 =	vmul.f32 v8, v6;
	[tilespmem:s29+$0xFFFFFF10] =	vst v4;
	v4 =	vmul.f32 v12, v6  }
0x9c: {  	v14 =	vld [tilespmem:s29+$0xFFFFFFB0];
	v12 =	vmul.f32 v15, v6;
	[tilespmem:s29+$0xFFFFFF30] =	vst v7;
	v7 =	vnsel vm0, $0x0, v13;
	v13 =	vmul.f32 v20, v17  }
0x9d: {  	v10 =	vld [tilespmem:s29+$0xFFFFFFF0];
	[tilespmem:s29+$0xFFFFFF20] =	vst v8;
	v15 =	vmul.f32 v20, v18;
	v23 =	vpop (erf);
	v7 =	vmul.f32 v16, v7  }
0x9e: {  	v16 =	vld [tilespmem:s29+$0x0];
	v8 =	vbroadcast v23, $0x0;
	v6 =	vbroadcast v23, $0x1;
	[tilespmem:s29+$0xFFFFFF40] =	vst v4  }
0x9f: {  	v17 =	vld [tilespmem:s29+$0x10];
	[tilespmem:s29+$0xFFFFFF50] =	vst v12;
	v4 =	vnsel vm0, $0x0, v9;
	v9 =	vnsel vm0, $0x0, v11;
	v11 =	vmul.f32 v21, v22  }
0xa0: {  	v18 =	vld [tilespmem:s29+$0x20];
	[tilespmem:s29+$0xFFFFFF80] =	vst v15;
	v15 =	vmul.f32 v24, v22;
	v12 =	vmul.f32 v5, v20  }
0xa1: {  	s31 =	simm.s32 $0x1220;
	s0 =	simm.s32 $0x0;
	s13 =	simm.s32 $0x960;
	v19 =	vld [tilespmem:s29+$0x30];
	[tilespmem:s29+$0xFFFFFF70] =	vst v13;
	v13 =	vmul.f32 v14, v22;
	v5 =	vnsel vm0, $0x0, v23;
	v14 =	vmul.f32 v25, v22  }
.LBB2_6:
0xa2: {  	v20 =	vld [tilespmem:s13+$0x10];
	s0 =	sadd.s32 $0x4, s0;
	[tilespmem:s29+$0xFFFFFFA0] =	vst v12;
	v9 =	vmul.f32 v10, v9  }
0xa3: {  	s30 =	sadd.s32 $0x40, s30;
	v10 =	vld [tilespmem:s13+$0xFFFFFFE0];
	p0 =	slt.u32 s0, $0x7C;
	[tilespmem:s29+$0xFFFFFFB0] =	vst v13;
	v12 =	vmul.f32 v8, v16  }
0xa4: {  	v13 =	vld [tilespmem:s30+$0x10];
	[tilespmem:s29+$0xFFFFFFC0] =	vst v11;
	v11 =	vmul.f32 v8, v17  }
0xa5: {  	v16 =	vld [tilespmem:s13+$0xFFFFFFF0];
	[tilespmem:s29+$0xFFFFFFD0] =	vst v15;
	v15 =	vmul.f32 v8, v18  }
0xa6: {  	v17 =	vld [tilespmem:s13+$0x0];
	[tilespmem:s29+$0xFFFFFFE0] =	vst v14;
	v8 =	vmul.f32 v19, v8  }
0xa7: {  	v14 =	vld [tilespmem:s30+$0xFFFFFFF0];
	v18 =	vperm.xlane v20, v1;
	[tilespmem:s29+$0x0] =	vst v12  }
0xa8: {  	v10 =	vperm.xlane v10, v1;
	v12 =	vld [tilespmem:s30+$0x0];
	[tilespmem:s29+$0x10] =	vst v11  }
0xa9: {  	v11 =	vld [tilespmem:s30+$0xFFFFFFE0];
	v13 =	vadd.f32 v18, v13;
	[tilespmem:s29+$0x20] =	vst v15  }
0xaa: {  	v15 =	vperm.xlane v16, v1;
	[tilespmem:s29+$0x30] =	vst v8;
	v8 =	vld [tilespmem:s29+$0x40]  }
0xab: {  	v16 =	vperm.xlane v17, v1;
	v17 =	vmul.f32 $2.000000030e-01, v13;
	[tilespmem:s29+$0xFFFFFF60] =	vst v7;
	v7 =	vld [tilespmem:s29+$0x50]  }
0xac: {  	vm1 =	vge.f32 v13, $0.0e+00;
	v14 =	vadd.f32 v15, v14;
	[tilespmem:s29+$0xFFFFFFF0] =	vst v9;
	v9 =	vld [tilespmem:s29+$0x60]  }
0xad: {  	v12 =	vadd.f32 v16, v12;
	v13 =	vsel vm1, v13, v17;
	v15 =	vld [tilespmem:s29+$0x70]  }
0xae: {  	v10 =	vadd.f32 v10, v11;
	v11 =	vmul.f32 $2.000000030e-01, v14;
	v13 =	vmul.f32 $1.442695020e+00, v13;
	v16 =	vld [tilespmem:s29+$0x80]  }
0xaf: {  	vm1 =	vge.f32 v14, $0.0e+00;
	vm2 =	vge.f32 v12, $0.0e+00;
	v17 =	vmul.f32 $2.000000030e-01, v12;
	v18 =	vld [tilespmem:s29+$0x90]  }
0xb0: {  	vm3 =	vge.f32 v10, $0.0e+00;
	v19 =	vmul.f32 $2.000000030e-01, v10;
	(erf) = vpow2.f32 v13;
	v13 =	vld [tilespmem:s29+$0xA0]  }
0xb1: {  	v8 =	vmul.f32 v8, v6;
	v11 =	vsel vm1, v14, v11;
	v12 =	vsel vm2, v12, v17;
	v14 =	vld [tilespmem:s29+$0xB0]  }
0xb2: {  	v11 =	vmul.f32 $1.442695020e+00, v11;
	v10 =	vsel vm3, v10, v19;
	v12 =	vmul.f32 $1.442695020e+00, v12;
	v17 =	vld [tilespmem:s29+$0xC0]  }
0xb3: {  	v7 =	vmul.f32 v7, v6;
	v10 =	vmul.f32 $1.442695020e+00, v10;
	[tilespmem:s29+$0x40] =	vst v8;
	v8 =	vld [tilespmem:s29+$0xD0]  }
0xb4: {  	v9 =	vmul.f32 v9, v6;
	(erf) = vpow2.f32 v11;
	v11 =	vld [tilespmem:s29+$0xE0]  }
0xb5: {  	v6 =	vmul.f32 v15, v6;
	(erf) = vpow2.f32 v10;
	[tilespmem:s29+$0x50] =	vst v7;
	v7 =	vld [tilespmem:s29+$0xF0]  }
0xb6: {  	s29 =	sadd.s32 $0x240, s29;
	(erf) = vpow2.f32 v12;
	[tilespmem:s31+$0x60] =	vst v9;
	v9 =	vmul.f32 v3, v18;
	v10 =	vld [tilespmem:s31+$0x110]  }
0xb7: {  	v12 =	vld [tilespmem:s29+$0x100];
	[tilespmem:s31+$0x70] =	vst v6;
	v6 =	vmul.f32 v3, v13;
	v13 =	vmul.f32 v3, v14  }
0xb8: {  	v14 =	vld [tilespmem:s29+$0xFFFFFEE0];
	[tilespmem:s31+$0x90] =	vst v9;
	v9 =	vmul.f32 v17, v3;
	v8 =	vmul.f32 v8, v2  }
0xb9: {  	v16 =	vmul.f32 v16, v5;
	v15 =	vld [tilespmem:s29+$0xFFFFFEF0];
	v17 =	vpop (erf);
	[tilespmem:s31+$0xA0] =	vst v6;
	v5 =	vmul.f32 v11, v2  }
0xba: {  	v11 =	vld [tilespmem:s29+$0xFFFFFF00];
	v3 =	vbroadcast v17, $0x0;
	v19 =	vbroadcast v17, $0x1;
	v17 =	vnsel vm0, $0x0, v17;
	[tilespmem:s31+$0xB0] =	vst v13  }
0xbb: {  	v7 =	vmul.f32 v7, v2;
	v13 =	vld [tilespmem:s29+$0xFFFFFF10];
	[tilespmem:s31+$0xC0] =	vst v9;
	v10 =	vmul.f32 v10, v4;
	v4 =	vmov v17  }
0xbc: {  	v17 =	vld [tilespmem:s29+$0xFFFFFF20];
	v12 =	vmul.f32 v12, v19;
	[tilespmem:s31+$0xD0] =	vst v8;
	v2 =	vmov v19  }
0xbd: {  	v18 =	vld [tilespmem:s29+$0xFFFFFF30];
	v6 =	vpop (erf);
	[tilespmem:s31+$0xE0] =	vst v5  }
0xbe: {  	v19 =	vld [tilespmem:s29+$0xFFFFFF40];
	v20 =	vbroadcast v6, $0x0;
	v21 =	vbroadcast v6, $0x1;
	v9 =	vnsel vm0, $0x0, v6;
	[tilespmem:s29+$0x100] =	vst v12;
	v5 =	vpop (erf)  }
0xbf: {  	v12 =	vbroadcast v5, $0x0;
	v22 =	vbroadcast v5, $0x1;
	v23 =	vld [tilespmem:s29+$0xFFFFFF50];
	v24 =	vnsel vm0, $0x0, v5;
	v5 =	vpop (erf);
	[tilespmem:s31+$0xF0] =	vst v7  }
0xc0: {  	v7 =	vld [tilespmem:s29+$0xFFFFFF60];
	v8 =	vbroadcast v5, $0x0;
	v6 =	vbroadcast v5, $0x1;
	v5 =	vnsel vm0, $0x0, v5;
	[tilespmem:s31+$0x80] =	vst v16  }
0xc1: {  	v14 =	vmul.f32 v12, v14;
	v15 =	vmul.f32 v12, v15;
	v16 =	vld [tilespmem:s29+$0xFFFFFF70];
	[tilespmem:s31+$0x110] =	vst v10;
	s31 =	smov.u32 s29  }
0xc2: {  	v10 =	vmul.f32 v12, v11;
	v11 =	vmul.f32 v13, v12;
	v12 =	vld [tilespmem:s29+$0xFFFFFF80]  }
0xc3: {  	v13 =	vmul.f32 v17, v22;
	[tilespmem:s29+$0xFFFFFEE0] =	vst v14;
	v14 =	vmul.f32 v18, v22;
	v17 =	vld [tilespmem:s29+$0xFFFFFF90]  }
0xc4: {  	[tilespmem:s29+$0xFFFFFEF0] =	vst v15;
	v15 =	vmul.f32 v19, v22;
	v18 =	vmul.f32 v23, v22;
	v19 =	vld [tilespmem:s29+$0xFFFFFFA0]  }
0xc5: {  	[tilespmem:s29+$0xFFFFFF00] =	vst v10;
	v7 =	vmul.f32 v7, v24;
	v22 =	vld [tilespmem:s29+$0xFFFFFFB0]  }
0xc6: {  	[tilespmem:s29+$0xFFFFFF10] =	vst v11;
	v11 =	vmul.f32 v20, v16;
	v23 =	vld [tilespmem:s29+$0xFFFFFFC0]  }
0xc7: {  	[tilespmem:s29+$0xFFFFFF20] =	vst v13;
	v24 =	vmul.f32 v20, v12;
	v25 =	vld [tilespmem:s29+$0xFFFFFFD0]  }
0xc8: {  	[tilespmem:s29+$0xFFFFFF30] =	vst v14;
	v14 =	vmul.f32 v20, v17;
	v26 =	vld [tilespmem:s29+$0xFFFFFFE0]  }
.Ltmp6:
0xc9: {  	[tilespmem:s29+$0xFFFFFF40] =	vst v15;
	v12 =	vmul.f32 v19, v20;
	v10 =	vld [tilespmem:s29+$0xFFFFFFF0];
	(pc) =	sbr.rel @p0 .LBB2_6-.Ltmp6, $4  }
0xca: {  	[tilespmem:s29+$0xFFFFFF50] =	vst v18;
	v13 =	vmul.f32 v22, v21;
	v16 =	vld [tilespmem:s29+$0x0]  }
0xcb: {  	[tilespmem:s29+$0xFFFFFF70] =	vst v11;
	v11 =	vmul.f32 v23, v21;
	v17 =	vld [tilespmem:s29+$0x10]  }
0xcc: {  	[tilespmem:s29+$0xFFFFFF80] =	vst v24;
	v15 =	vmul.f32 v25, v21;
	v18 =	vld [tilespmem:s29+$0x20]  }
0xcd: {  	s13 =	sadd.s32 $0x40, s13;
	[tilespmem:s29+$0xFFFFFF90] =	vst v14;
	v14 =	vmul.f32 v26, v21;
	v19 =	vld [tilespmem:s29+$0x30]  }
0xce: {  	[tilespmem:s29+$0xFFFFFFA0] =	vst v12  }
0xcf: {  	[tilespmem:s29+$0xFFFFFFB0] =	vst v13  }
0xd0: {  	[tilespmem:s29+$0xFFFFFFC0] =	vst v11  }
0xd1: {  	[tilespmem:s29+$0xFFFFFFD0] =	vst v15  }
0xd2: {  	v44 =	vld [tilespmem:s29+$0x40];
	v9 =	vmul.f32 v10, v9;
	[tilespmem:s29+$0xFFFFFF60] =	vst v7  }
0xd3: {  	v45 =	vld [tilespmem:s29+$0x50];
	v16 =	vmul.f32 v8, v16;
	[tilespmem:s29+$0xFFFFFFE0] =	vst v14  }
0xd4: {  	v49 =	vld [tilespmem:s29+$0x90];
	v17 =	vmul.f32 v8, v17;
	[tilespmem:s29+$0xFFFFFFF0] =	vst v9  }
0xd5: {  	v50 =	vld [tilespmem:s29+$0xA0];
	v18 =	vmul.f32 v8, v18;
	[tilespmem:s29+$0x0] =	vst v16  }
0xd6: {  	v52 =	vld [tilespmem:s29+$0xB0];
	v43 =	vmul.f32 v19, v8;
	[tilespmem:s29+$0x10] =	vst v17  }
0xd7: {  	v53 =	vld [tilespmem:s29+$0xC0];
	[tilespmem:s29+$0x20] =	vst v18;
	v51 =	vmul.f32 v44, v6  }
0xd8: {  	v55 =	vld [tilespmem:s29+$0xD0];
	v54 =	vmul.f32 v45, v6;
	[tilespmem:s29+$0x30] =	vst v43  }
0xd9: {  	v56 =	vld [tilespmem:s29+$0xE0];
	v59 =	vmul.f32 v3, v49;
	[tilespmem:s29+$0x40] =	vst v51  }
0xda: {  	v58 =	vld [tilespmem:s29+$0xF0];
	v61 =	vmul.f32 v3, v50;
	[tilespmem:s29+$0x50] =	vst v54  }
0xdb: {  	v60 =	vld [tilespmem:s31+$0x110];
	v8 =	vmul.f32 v3, v52;
	[tilespmem:s31+$0x90] =	vst v59  }
0xdc: {  	v46 =	vld [tilespmem:s29+$0x60];
	v3 =	vmul.f32 v53, v3;
	[tilespmem:s31+$0xA0] =	vst v61  }
0xdd: {  	v47 =	vld [tilespmem:s29+$0x70];
	v62 =	vmul.f32 v55, v2;
	[tilespmem:s31+$0xB0] =	vst v8  }
0xde: {  	v48 =	vld [tilespmem:s29+$0x80];
	v63 =	vmul.f32 v56, v2;
	[tilespmem:s31+$0xC0] =	vst v3  }
0xdf: {  	v2 =	vmul.f32 v58, v2;
	[tilespmem:s31+$0xD0] =	vst v62  }
0xe0: {  	v4 =	vmul.f32 v60, v4;
	[tilespmem:s31+$0xE0] =	vst v63  }
0xe1: {  	v12 =	vmul.f32 v46, v6;
	[tilespmem:s31+$0xF0] =	vst v2  }
0xe2: {  	v57 =	vmul.f32 v47, v6;
	[tilespmem:s31+$0x110] =	vst v4  }
0xe3: {  	v3 =	vmul.f32 v48, v5;
	[tilespmem:s31+$0x60] =	vst v12  }
0xe4: {  	[tilespmem:s31+$0x70] =	vst v57  }
.Ltmp7:
0xe5: {  	[tilespmem:s31+$0x80] =	vst v3;
	(pc) =	sbr.rel .LBB2_8-.Ltmp7, $4  }
0xe6: {  	[spmem:s1] =	stream.indirect.scatter.add.f32 [tilespmem:s14], [sflag:$0x2], $0x90, s17, s17, $0xb8;
	[tilespmem:$0x1C100] =	vst v63  }
0xe7: {  	_ =	swait.ge [sflag:s15], $0x4800  }
0xe8: {  	[sflag:s15] =	ssyncset.done $0x0  }
0xe9: {  	[sflag:s15] =	ssyncadd.s32 $0xFFFFB800  }
.LBB2_10:
0xea: {  	_ =	sfence.sel $0x180000  }
0xeb: {  	[bflag:$0x0] =	sbarrier.arrive $0xFFFF  }
0xec: {  	_ =	strace $0x9000004A  }
0xed: {  	[bflag:$0x2] =	sbarrier.arrive $0xFFFF  }
0xee: {  	p0 =	sne.s32 s4, $0x0;
	s0 =	rddreg [dreg:$0x3]  }
0xef: {  	s0 =	sadd.s32 @!p0 $0x100000, s0  }
0xf0: {  	[sflag:s0] =	ssyncadd.tile.s32 @!p0 $0x1;
	_ =	shalt  }
.Lfunc_end2:
_tile_overlayer_lowered:
.L_overlay_start_2:
0xf1: {  	(tag) =	ssettag $0x2  }
0xf2: {  	s0 =	rddreg [dreg:$0x0];
	s2 =	stileid.u32  }
0xf3: {  	s1 =	rddreg [dreg:$0x1];
	p0 =	sne.s32 s2, $0x0  }
0xf4: {  	s3 =	rddreg [dreg:$0x2];
	[bflag:$0x3] =	sbarrier.arrive $0xFFFF;
	s2 =	simm.s32 @!p0 $0x1C02  }
0xf5: {  	[timem:s3], [sflag:s2] =	dma.local @!p0 [hbm:s0], s1  }
0xf6: {  	s0 =	simm.s32 @!p0 $0x2  }
0xf7: {  	_ =	swait.ge @!p0 [sflag:s0], s1  }
0xf8: {  	s1 =	ssub.s32 @!p0 $0x0, s1;
	[sflag:s0] =	ssyncset.done @!p0 $0x0  }
0xf9: {  	[sflag:s0] =	ssyncadd.s32 @!p0 s1  }
0xfa: {  	[bflag:$0x3] =	sbarrier.arrive $0xFFFF  }
0xfb: {  	_ =	shalt  }

// kernel: kernel.17.cloned.1.call-start
scs
__scs_entry_jumppad:
0x0: {  	(pc) =	sbr.rel $0x88, $3  }
0x1: {  	(tag) =	ssettag $0x0;
	lr =	simm.s32 $0x1  }
0x2: {  	[smem:$0x3F90] =	sst lr;
	_ =	strace $0xD0000000  }
0x3: {  	_ = 	snop  }
0x4: {  	_ = 	snop  }
0x5: {  	_ = 	snop  }
0x6: {  	_ = 	snop  }
0x7: {  	_ = 	snop  }
__scs_overlays_trampoline_lowered:
0x8: {  	[smem:$0x3F9F] =	sst s0  }
0x9: {  	[smem:$0x3FA0] =	sst s1  }
0xa: {  	[smem:$0x3FA1] =	sst s2  }
0xb: {  	[smem:$0x3FA2] =	sst s3  }
0xc: {  	[smem:$0x3FA3] =	sst s4  }
0xd: {  	[smem:$0x3FA4] =	sst s5  }
0xe: {  	[smem:$0x3FA5] =	sst s6  }
0xf: {  	[smem:$0x3FA6] =	sst s7  }
0x10: {  	[smem:$0x3FA7] =	sst s8  }
0x11: {  	[smem:$0x3FA8] =	sst s9;
	s0 =	simm.s32 @!p0 $0x0  }
0x12: {  	s1 =	sld [smem:$0x3F8E];
	s0 =	simm.s32 @p0 $0x1  }
0x13: {  	[smem:$0x3FA9] =	sst s0;
	s0 =	simm.s32 @!p1 $0x0  }
0x14: {  	s2 =	sld [smem:$0x3F8D];
	s0 =	simm.s32 @p1 $0x1  }
0x15: {  	[smem:$0x3FAA] =	sst s0;
	s0 =	simm.s32 @!p2 $0x0  }
0x16: {  	s3 =	sld [smem:$0x3FDB];
	s0 =	simm.s32 @p2 $0x1  }
0x17: {  	s4 =	simm.s32 $0x1BF5;
	[smem:$0x3FAC] =	sst s0  }
0x18: {  	s0 =	sld [smem:$0x3F8F];
	_ =	swait.ge [sflag:s4], $0x0  }
0x19: {  	s7 =	sld [smem:$0x3F90]  }
0x1a: {  	s8 =	sadd.s32 $0xFFFFE003, lr  }
0x1b: {  	s9 =	sadd.s32 $0xFFFFFEF7, lr;
	s5 =	simm.s32 $0xFFFFFFFF;
	p2 =	slt.u32 s8, $0xFFFFF086  }
0x1c: {  	p1 =	slt.u32 s9, $0xF7A;
	s5 =	simm.s32 @!p2 $0x0  }
0x1d: {  	s5 =	simm.s32 @p1 $0x1;
	p0 =	seq.s32 s7, s2  }
0x1e: {  	s7 =	smul.u32 @!p0 $0xF7A, s2;
	p2 =	seq.s32 @!p0 s5, $0x0  }
0x1f: {  	s9 =	smul.u32 $0xF7A, s1;
	s8 =	simm.s32 @!p0 $0x1BF5;
	p2 =	por !p2, p0  }
0x20: {  	[sflag:s8] =	ssyncset.s32 @!p0 $0xFFFFF086;
	s6 =	sadd.s32 @!p0 s3, s7;
	s7 =	simm.s32 @!p0 $0x108  }
0x21: {  	s3 =	sadd.s32 s3, s9;
	s6 =	sadd.s32 @!p0 $0x88, s6;
	s7 =	simm.s32 @p2 $0x1082  }
0x22: {  	[simem:s7], [sflag:s8] =	dma.local @!p0 [hbm:s6], $0xF7A  }
0x23: {  	s9 =	sor.u32 $0xD0000000, s2;
	s6 =	simm.s32 $0x108;
	_ =	swait.ge @!p0 [sflag:s8], $0x0  }
0x24: {  	s3 =	sadd.s32 $0x88, s3;
	s6 =	simm.s32 @!p1 $0x1082;
	[sflag:s4] =	ssyncset.s32 $0xFFFFF086  }
0x25: {  	[simem:s6], [sflag:s4] =	dma.local [hbm:s3], $0xF7A  }
0x26: {  	[smem:$0x3F90] =	sst s1;
	(tag) =	ssettag s2;
	_ =	strace s9  }
0x27: {  	s1 =	sld [smem:$0x3FA0]  }
0x28: {  	s2 =	sld [smem:$0x3FA1]  }
0x29: {  	s4 =	sld [smem:$0x3FA3]  }
0x2a: {  	p0 =	seq.s32 s5, $0x0;
	s5 =	sld [smem:$0x3FA4]  }
0x2b: {  	s6 =	sld [smem:$0x3FA5]  }
0x2c: {  	s7 =	sld [smem:$0x3FA6]  }
0x2d: {  	s3 =	simm.s32 $0x108;
	s8 =	sld [smem:$0x3FA7]  }
0x2e: {  	s3 =	simm.s32 @!p0 $0x1082;
	s9 =	sld [smem:$0x3FA8]  }
0x2f: {  	lr =	sadd.s32 s0, s3;
	s0 =	sld [smem:$0x3F9F]  }
0x30: {  	s3 =	sld [smem:$0x3FA2]  }
0x31: {  	[smem:$0x3FAB] =	sst s10  }
0x32: {  	s10 =	sld [smem:$0x3FA9];
	_ =	sdelay $0x3  }
0x33: {  	p0 =	seq.s32 s10, $0x1;
	s10 =	sld [smem:$0x3FAB];
	_ =	sdelay $0x3  }
0x34: {  	[smem:$0x3FAB] =	sst s10  }
0x35: {  	s10 =	sld [smem:$0x3FAA];
	_ =	sdelay $0x3  }
0x36: {  	p1 =	seq.s32 s10, $0x1;
	s10 =	sld [smem:$0x3FAB];
	_ =	sdelay $0x3  }
0x37: {  	[smem:$0x3FAB] =	sst s10  }
0x38: {  	s10 =	sld [smem:$0x3FAC]  }
0x39: {  	_ = 	snop;
	(pc) =	sbr.ind lr, $3  }
0x3a: {  	_ = 	snop  }
0x3b: {  	_ = 	snop  }
0x3c: {  	p2 =	seq.s32 s10, $0x1;
	s10 =	sld [smem:$0x3FAB]  }
0x3d: {  	_ =	shalt  }
0x3e: {  	_ =	shalt  }
0x3f: {  	_ =	shalt  }
0x40: {  	_ =	shalt  }
0x41: {  	_ =	shalt  }
0x42: {  	_ =	shalt  }
0x43: {  	_ =	shalt  }
0x44: {  	_ =	shalt  }
0x45: {  	_ =	shalt  }
0x46: {  	_ =	shalt  }
0x47: {  	_ =	shalt  }
0x48: {  	_ =	shalt  }
0x49: {  	_ =	shalt  }
0x4a: {  	_ =	shalt  }
0x4b: {  	_ =	shalt  }
0x4c: {  	_ =	shalt  }
0x4d: {  	_ =	shalt  }
0x4e: {  	_ =	shalt  }
0x4f: {  	_ =	shalt  }
0x50: {  	_ =	shalt  }
0x51: {  	_ =	shalt  }
0x52: {  	_ =	shalt  }
0x53: {  	_ =	shalt  }
0x54: {  	_ =	shalt  }
0x55: {  	_ =	shalt  }
0x56: {  	_ =	shalt  }
0x57: {  	_ =	shalt  }
0x58: {  	_ =	shalt  }
0x59: {  	_ =	shalt  }
0x5a: {  	_ =	shalt  }
0x5b: {  	_ =	shalt  }
0x5c: {  	_ =	shalt  }
0x5d: {  	_ =	shalt  }
0x5e: {  	_ =	shalt  }
0x5f: {  	_ =	shalt  }
0x60: {  	_ =	shalt  }
0x61: {  	_ =	shalt  }
0x62: {  	_ =	shalt  }
0x63: {  	_ =	shalt  }
0x64: {  	_ =	shalt  }
0x65: {  	_ =	shalt  }
0x66: {  	_ =	shalt  }
0x67: {  	_ =	shalt  }
0x68: {  	_ =	shalt  }
0x69: {  	_ =	shalt  }
0x6a: {  	_ =	shalt  }
0x6b: {  	_ =	shalt  }
0x6c: {  	_ =	shalt  }
0x6d: {  	_ =	shalt  }
0x6e: {  	_ =	shalt  }
0x6f: {  	_ =	shalt  }
0x70: {  	_ =	shalt  }
0x71: {  	_ =	shalt  }
0x72: {  	_ =	shalt  }
0x73: {  	_ =	shalt  }
0x74: {  	_ =	shalt  }
0x75: {  	_ =	shalt  }
0x76: {  	_ =	shalt  }
0x77: {  	_ =	shalt  }
0x78: {  	_ =	shalt  }
0x79: {  	_ =	shalt  }
0x7a: {  	_ =	shalt  }
0x7b: {  	_ =	shalt  }
0x7c: {  	_ =	shalt  }
0x7d: {  	_ =	shalt  }
0x7e: {  	_ =	shalt  }
0x7f: {  	_ =	shalt  }
0x80: {  	_ =	shalt  }
0x81: {  	_ =	shalt  }
0x82: {  	_ =	shalt  }
0x83: {  	_ =	shalt  }
0x84: {  	_ =	shalt  }
0x85: {  	_ =	shalt  }
0x86: {  	_ =	shalt  }
0x87: {  	_ =	shalt  }
.Lfunc_end0:
.L_simem_size_0:
called_computation.2_lowered:
.L_overlay_start_0:
0x88: {  	s2 =	sld [smem:$0x3FD9]  }
0x89: {  	s3 =	sld [smem:$0x3FFE];
	_ =	sdelay $0x1  }
0x8a: {  	s1 =	srdreg.scid  }
0x8b: {  	s0 =	sand.u32 $0x1, s1  }
0x8c: {  	s17 =	sshll.u32 s0, $0xA;
	s2 =	sadd.s32 s3, s2  }
0x8d: {  	s2 =	sadd.s32 s2, s17  }
0x8e: {  	[smem:$0x3FB7] =	sst s2  }
0x8f: {  	_ = 	snop  }
0x90: {  	s2 =	sld [smem:$0x3FD0];
	(tm) =	ssettm $0x1  }
0x91: {  	s18 =	sld [smem:$0x3FFB];
	_ =	sdelay $0x3  }
0x92: {  	_ =	strace s18  }
0x93: {  	s3 =	sld [smem:$0x3FFC];
	_ =	sdelay $0x3  }
0x94: {  	_ =	strace s3  }
0x95: {  	s3 =	sld [smem:$0x3FFD];
	_ =	sdelay $0x3  }
0x96: {  	_ =	strace s3  }
0x97: {  	_ =	strace $0x8FFFFFFF  }
0x98: {  	s19 =	sld [smem:$0x3FDB];
	_ =	sdelay $0x1  }
0x99: {  	s4 =	simm.s32 $_scs_section_size  }
0x9a: {  	s5 =	simm.s32 $_size__tile_overlayer_lowered;
	s6 =	simm.s32 $_tile_overlayer_lowered  }
0x9b: {  	s22 =	simm.s32 $0x1BFF;
	s21 =	sshll.u32 s6, $0x1;
	s3 =	sadd.s32 s4, s19  }
0x9c: {  	s7 =	simm.s32 $0x0;
	s20 =	sshll.u32 s5, $0x1;
	s5 =	sadd.s32 s21, s3  }
0x9d: {  	[timem:s7], [sflag:s22] =	dma.local [hbm:s5], s20  }
0x9e: {  	_ =	swait.ge [sflag:s22], s20  }
0x9f: {  	s4 =	ssub.s32 $0x0, s20;
	[sflag:s22] =	ssyncset.done $0x0  }
0xa0: {  	[sflag:s22] =	ssyncadd.s32 s4;
	_ =	sdelay $0x1  }
0xa1: {  	s23 =	simm.s32 $0x1B8B  }
0xa2: {  	_ =	swait.ge [sflag:s23], $0x1  }
0xa3: {  	[sflag:s23] =	ssyncset.done $0x0  }
0xa4: {  	s25 =	simm.s32 $0x1B8E;
	s24 =	sld [smem:$0x3FFE];
	[sflag:s23] =	ssyncadd.s32 $0xFFFFFFFF  }
0xa5: {  	s26 =	simm.s32 $execute0_lowered;
	[smem:$0x3FD2] =	sst s25  }
0xa6: {  	s5 =	sshll.u32 s26, $0x1;
	_ =	strace $0x8000004C;
	[dreg:$0x1] =	wrdreg $0xFFFFFFFF  }
0xa7: {  	s28 =	simm.s32 $_size_execute0_lowered;
	s3 =	sadd.s32 s3, s5;
	[dreg:$0x0] =	wrdreg $0x0  }
0xa8: {  	s5 =	sshll.u32 s28, $0x1;
	[dreg:$0x2] =	wrdreg s3  }
0xa9: {  	[dreg:$0x3] =	wrdreg s5  }
0xaa: {  	[dreg:$0x4] =	wrdreg $0xC0  }
0xab: {  	_ =	task [dreg:s7], $0x5FFFF  }
0xac: {  	[dreg:$0x1] =	wrdreg $0xFFFFFFFF  }
0xad: {  	[dreg:$0x0] =	wrdreg $0x60  }
0xae: {  	[dreg:$0x2] =	wrdreg s24  }
0xaf: {  	[dreg:$0x3] =	wrdreg s2  }
0xb0: {  	[dreg:$0x4] =	wrdreg $0x91000  }
0xb1: {  	[dreg:$0x5] =	wrdreg $0x9  }
0xb2: {  	_ =	task.clear_ibuf [dreg:s7], $0x6FFFF;
	_ =	strace $0x9000004C  }
0xb3: {  	s29 =	simm.s32 $0x9;
	_ =	strace $0x8000004E  }
0xb4: {  	_ =	swait.ge [sflag:s29], $0x1  }
0xb5: {  	[sflag:s29] =	ssyncadd.s32 $0xFFFFFFFF  }
0xb6: {  	_ =	strace $0x9000004E  }
0xb7: {  	_ =	sfence  }
0xb8: {  	s30 =	sld [smem:$0x0];
	_ =	sdelay $0x2  }
0xb9: {  	s31 =	sshll.u32 s1, $0xD;
	s1 =	sshrl.u32 s1, $0x2  }
0xba: {  	s3 =	sand.u32 $0x4000, s31;
	s1 =	sadd.s32 s1, s30  }
0xbb: {  	s0 =	sor.u32 s3, s0;
	s1 =	sshll.u32 s1, $0x11  }
0xbc: {  	s0 =	sor.u32 s1, s0  }
0xbd: {  	s0 =	sadd.s32 $0x8F2B, s0  }
0xbe: {  	[sflag:s0] =	ssyncadd.remote.s32 $0x1  }
0xbf: {  	_ =	sfence.sel $0xFFFF  }
0xc0: {  	[dreg:$0x0] =	wrdreg $0xFFFFFFFF;
	(pc) =	sbr.abs _section_cstart, $3  }
0xc1: {  	[dreg:$0x1] =	wrdreg $0xFFFFFFFF  }
0xc2: {  	_ =	task.clear_ibuf [dreg:s7], $0x2FFFF;
	_ =	strace $0x9FFFFFFF  }
0xc3: {  	(tm) =	ssettm $0x7FFFFFFF  }
tec
execute0_lowered:
.L_overlay_start_1:
0x0: {  	(tag) =	ssettag $0x1  }
0x1: {  	s0 =	rddreg [dreg:$0x0]  }
0x2: {  	s1 =	rddreg [dreg:$0x1]  }
0x3: {  	s2 =	rddreg [dreg:$0x2];
	s3 =	simm.s32 $0x0;
	s5 =	srdreg.scid  }
0x4: {  	s18 =	simm.s32 $0x2;
	s19 =	simm.s32 $0x3;
	s20 =	simm.s32 $0x80  }
0x5: {  	s21 =	simm.s32 $0x100;
	s22 =	simm.s32 $0x900;
	s23 =	simm.s32 $0x1  }
0x6: {  	s24 =	simm.s32 $0x0;
	[smem:$0x7FF] =	sst s3;
	s4 =	sadd.s32 $0x11F800, s0  }
0x7: {  	s6 =	sadd.s32 $0x115A00, s0;
	s11 =	sand.u32 $0x1, s5;
	s12 =	sadd.s32 $0x129600, s0  }
0x8: {  	s5 =	stileid.u32;
	s7 =	sadd.s32 $0x4000, s0;
	s16 =	sadd.s32 $0x52200, s0  }
0x9: {  	_ =	strace $0x8000004D;
	s8 =	smul.u32 $0x280000, s11;
	s9 =	ssub.s32 $0x2, s11  }
0xa: {  	s13 =	smul.u32 $0x14000, s5;
	p0 =	seq.s32 s11, $0x1;
	s10 =	sshrl.u32 s9, $0x1  }
0xb: {  	s1 =	smov.u32 @p0 s12;
	s7 =	smov.u32 @p0 s16;
	s8 =	sshrl.u32 s8, $0x3  }
0xc: {  	s17 =	ssub.s32 s9, s10;
	s14 =	sadd.s32 $0x8000, s13;
	s28 =	sadd.s32 s13, s2  }
.Ltmp0:
0xd: {  	s15 =	sadd.s32 $0x10000, s13;
	s13 =	sshrl.u32 s13, $0x3;
	(pc) =	sbr.rel .LBB2_1-.Ltmp0, $4  }
0xe: {  	v0 =	vimm.s32 $0x302;
	s0 =	sadd.s32 s8, s0;
	[dreg:$0x4] =	wrdreg s28;
	s9 =	sadd.s32 s14, s2  }
0xf: {  	vm0 =	vcmask $0xF00;
	v1 =	vunpack.c.0.s8.s32 v0;
	s10 =	sadd.s32 s15, s2;
	s30 =	sshrl.u32 s14, $0x3;
	s29 =	sshrl.u32 s15, $0x3  }
0x10: {  	vm1 =	vcmask $0xF0C;
	vm2 =	vcmask $0x3F0C;
	vm3 =	vcmask $0x3F08;
	s31 =	smax.u32 s17, $0x1;
	s17 =	simm.s32 $0x1100;
	[dreg:$0x5] =	wrdreg s29  }
0x11: {  	v0 =	vimm.f32 $0.0e+00;
	v1 =	vnsel vm0, $0x0, v1;
	vm0 =	vmmov $0x1ff;
	s11 =	sadd.s32 $0x12E600, s0;
	s15 =	sadd.s32 $0x156600, s0;
	[dreg:$0x6] =	wrdreg s31  }
.LBB2_17:
0x12: {  	[bflag:$0x0] =	sbarrier.arrive $0xFFFF;
	s0 =	sadd.s32 s14, s15  }
0x13: {  	[hbm:s0], [sflag:s25] =	dma.local [spmem:s26], $0x1000  }
0x14: {  	_ =	swait.ge [sflag:s18], $0x1000  }
0x15: {  	[sflag:s18] =	ssyncset.done $0x0  }
0x16: {  	s26 =	sadd.s32 s8, s15;
	[sflag:s18] =	ssyncadd.s32 $0xFFFFF000  }
0x17: {  	[hbm:s26], [sflag:s25] =	dma.local [spmem:s28], $0x1000  }
0x18: {  	_ =	swait.ge [sflag:s18], $0x1000  }
0x19: {  	[sflag:s18] =	ssyncset.done $0x0;
	s28 =	rddreg [dreg:$0x5]  }
0x1a: {  	[sflag:s18] =	ssyncadd.s32 $0xFFFFF000;
	s0 =	sadd.s32 s28, s15  }
0x1b: {  	[hbm:s0], [sflag:s25] =	dma.local [spmem:s29], $0x800  }
0x1c: {  	_ =	swait.ge [sflag:s18], $0x800  }
0x1d: {  	s24 =	sadd.s32 $0x1, s24;
	s31 =	rddreg [dreg:$0x6]  }
0x1e: {  	p0 =	sne.s32 s24, s31  }
.Ltmp1:
0x1f: {  	_ = 	snop;
	(pc) =	sbr.rel @!p0 .LBB2_18-.Ltmp1, $4  }
0x20: {  	[sflag:s18] =	ssyncset.done $0x0  }
0x21: {  	[sflag:s18] =	ssyncadd.s32 $0xFFFFF800  }
0x22: {  	[bflag:$0x0] =	sbarrier.arrive $0xFFFF  }
0x23: {  	s13 =	smov.u32 s14;
	s30 =	smov.u32 s8  }
.LBB2_1:
0x24: {  	s0 =	simm.s32 $0x0;
	s12 =	simm.s32 $0x400  }
.LBB2_2:
0x25: {  	p0 =	sne.s32 s12, $0x1FC00;
	[tilespmem:s0+$0x11F0] =	vst v0  }
0x26: {  	[tilespmem:s0+$0x1100] =	vst v0  }
0x27: {  	[tilespmem:s0+$0x1110] =	vst v0  }
0x28: {  	[tilespmem:s0+$0x1120] =	vst v0  }
0x29: {  	[tilespmem:s0+$0x1130] =	vst v0  }
0x2a: {  	[tilespmem:s0+$0x1140] =	vst v0  }
0x2b: {  	[tilespmem:s0+$0x1150] =	vst v0  }
0x2c: {  	[tilespmem:s0+$0x1160] =	vst v0  }
0x2d: {  	[tilespmem:s0+$0x1170] =	vst v0  }
0x2e: {  	[tilespmem:s0+$0x1180] =	vst v0  }
0x2f: {  	[tilespmem:s0+$0x1190] =	vst v0  }
.Ltmp2:
0x30: {  	[tilespmem:s0+$0x11A0] =	vst v0;
	(pc) =	sbr.rel @p0 .LBB2_2-.Ltmp2, $4  }
0x31: {  	[tilespmem:s0+$0x11B0] =	vst v0  }
0x32: {  	[tilespmem:s0+$0x11C0] =	vst v0  }
0x33: {  	[tilespmem:s0+$0x11D0] =	vst v0  }
0x34: {  	[tilespmem:s0+$0x11E0] =	vst v0;
	s0 =	sshra.s32 s12, $0x2;
	s12 =	sadd.s32 $0x400, s12  }
0x35: {  	[tilespmem:s0+$0x11F0] =	vst v0  }
0x36: {  	[tilespmem:s0+$0x1100] =	vst v0  }
0x37: {  	[tilespmem:s0+$0x1110] =	vst v0  }
0x38: {  	[tilespmem:s0+$0x1120] =	vst v0  }
0x39: {  	[tilespmem:s0+$0x1130] =	vst v0  }
0x3a: {  	[tilespmem:s0+$0x1140] =	vst v0  }
0x3b: {  	[tilespmem:s0+$0x1150] =	vst v0  }
0x3c: {  	[tilespmem:s0+$0x1160] =	vst v0  }
0x3d: {  	[tilespmem:s0+$0x1170] =	vst v0  }
0x3e: {  	[tilespmem:s0+$0x1180] =	vst v0  }
0x3f: {  	[tilespmem:s0+$0x1190] =	vst v0  }
0x40: {  	[tilespmem:s0+$0x11A0] =	vst v0  }
0x41: {  	[tilespmem:s0+$0x11B0] =	vst v0  }
0x42: {  	[tilespmem:s0+$0x11C0] =	vst v0  }
0x43: {  	[tilespmem:s0+$0x11D0] =	vst v0  }
0x44: {  	[tilespmem:s0+$0x11E0] =	vst v0;
	s31 =	rddreg [dreg:$0x4]  }
0x45: {  	[spmem:s31] =	stream.linear.scatter [tilespmem:s17], [sflag:$0x2], $0x8000, $0x38;
	[tilespmem:$0x1D100] =	vst v63  }
0x46: {  	_ =	swait.ge [sflag:s18], $0x8000  }
0x47: {  	[sflag:s18] =	ssyncset.done $0x0  }
0x48: {  	[sflag:s18] =	ssyncadd.s32 $0xFFFF8000  }
0x49: {  	[spmem:s9] =	stream.linear.scatter [tilespmem:s17], [sflag:$0x2], $0x8000, $0x38;
	[tilespmem:$0x1D100] =	vst v63  }
0x4a: {  	_ =	swait.ge [sflag:s18], $0x8000  }
0x4b: {  	[sflag:s18] =	ssyncset.done $0x0  }
0x4c: {  	[sflag:s18] =	ssyncadd.s32 $0xFFFF8000  }
0x4d: {  	[spmem:s10] =	stream.linear.scatter [tilespmem:s17], [sflag:$0x2], $0x4000, $0x38;
	[tilespmem:$0x1D100] =	vst v63  }
.Ltmp3:
0x4e: {  	_ =	swait.ge [sflag:s18], $0x4000;
	(pc) =	sbr.rel .LBB2_4-.Ltmp3, $4  }
0x4f: {  	[sflag:s18] =	ssyncset.done $0x0  }
0x50: {  	[sflag:s18] =	ssyncadd.s32 $0xFFFFC000  }
0x51: {  	[bflag:$0x0] =	sbarrier.arrive $0xFFFF  }
0x52: {  	s25 =	simm.s32 $0x0  }
.LBB2_8:
0x53: {  	s25 =	sadd.s32 $0x1, s25  }
0x54: {  	p0 =	sne.s32 s25, $0x9D  }
.Ltmp4:
0x55: {  	_ = 	snop;
	(pc) =	sbr.rel @!p0 .LBB2_9-.Ltmp4, $1  }
0x56: {  	_ =	sdelay $0x3  }
.LBB2_4:
0x57: {  	s0 =	sshll.u32 s25, $0x4  }
0x58: {  	s0 =	sor.u32 s5, s0  }
0x59: {  	p0 =	sgt.u32 s0, $0x9C3  }
.Ltmp5:
0x5a: {  	_ = 	snop;
	(pc) =	sbr.rel @p0 .LBB2_8-.Ltmp5, $1  }
0x5b: {  	_ =	sdelay $0x3  }
0x5c: {  	s0 =	sshll.u32 s0, $0x4  }
0x5d: {  	s12 =	sadd.s32 s4, s0  }
0x5e: {  	[tilespmem:s3], [sflag:$0x3] =	stream.linear.gather [hbm4b:s12+s3], $0x80, $0x38;
	[tilespmem:$0x1D100] =	vst v63  }
0x5f: {  	_ =	swait.ge [sflag:s19], $0x80  }
0x60: {  	[sflag:s19] =	ssyncset.done $0x0  }
0x61: {  	s0 =	sadd.s32 s6, s0;
	[sflag:s19] =	ssyncadd.s32 $0xFFFFFF80  }
0x62: {  	[tilespmem:s20], [sflag:$0x3] =	stream.linear.gather [hbm4b:s0+s3], $0x80, $0x38;
	[tilespmem:$0x1D100] =	vst v63  }
0x63: {  	_ =	swait.ge [sflag:s19], $0x80  }
0x64: {  	[sflag:s19] =	ssyncset.done $0x0  }
0x65: {  	[sflag:s19] =	ssyncadd.s32 $0xFFFFFF80  }
0x66: {  	[tilespmem:s21], [sflag:$0x1] =	stream.indirect.gather [hbm4b:s1+s20], $0x10, s3, s20, $0xb8;
	[tilespmem:$0x1D100] =	vst v63  }
0x67: {  	_ = 	snop  }
0x68: {  	[tilespmem:s22], [sflag:$0x1] =	stream.indirect.gather [hbm4b:s1+s20], $0x10, s20, s20, $0xb8;
	[tilespmem:$0x1D100] =	vst v63  }
0x69: {  	_ = 	snop  }
0x6a: {  	[tilespmem:s17], [sflag:$0x1] =	stream.indirect.gather [hbm4b:s7+s20], $0x100, s3, s20, $0xb8;
	[tilespmem:$0x1D100] =	vst v63  }
0x6b: {  	_ =	swait.ge [sflag:s23], $0x800  }
0x6c: {  	[sflag:s23] =	ssyncset.done $0x0  }
0x6d: {  	[sflag:s23] =	ssyncadd.s32 $0xFFFFF800  }
0x6e: {  	_ =	swait.ge [sflag:s23], $0x800  }
0x6f: {  	[sflag:s23] =	ssyncset.done $0x0  }
0x70: {  	[sflag:s23] =	ssyncadd.s32 $0xFFFFF800  }
0x71: {  	_ =	swait.ge [sflag:s23], $0x8000  }
0x72: {  	[sflag:s23] =	ssyncset.done $0x0  }
0x73: {  	[sflag:s23] =	ssyncadd.s32 $0xFFFF8000  }
0x74: {  	v2 =	vld [tilespmem:$0x80]  }
0x75: {  	v3 =	vld [tilespmem:$0x90]  }
0x76: {  	v4 =	vld [tilespmem:$0xA0]  }
0x77: {  	v5 =	vld [tilespmem:$0xB0]  }
0x78: {  	v6 =	vld [tilespmem:$0xC0]  }
0x79: {  	v7 =	vld [tilespmem:$0xD0];
	vm4 =	vlt.u32 v2, $0x1388  }
0x7a: {  	v8 =	vld [tilespmem:$0xE0];
	v2 =	vnsel vm4, $0x13FF, v2;
	vm4 =	vlt.u32 v3, $0x1388  }
0x7b: {  	[tilespmem:$0x80] =	vst v2;
	v2 =	vnsel vm4, $0x13FF, v3;
	vm4 =	vlt.u32 v4, $0x1388;
	v3 =	vld [tilespmem:$0xF0]  }
0x7c: {  	[tilespmem:$0x90] =	vst v2;
	v2 =	vnsel vm4, $0x13FF, v4;
	vm4 =	vlt.u32 v5, $0x1388  }
0x7d: {  	[tilespmem:$0xA0] =	vst v2;
	v2 =	vnsel vm4, $0x13FF, v5;
	vm4 =	vlt.u32 v6, $0x1388  }
0x7e: {  	[tilespmem:$0xB0] =	vst v2;
	v2 =	vnsel vm4, $0x13FF, v6;
	vm4 =	vlt.u32 v7, $0x1388  }
0x7f: {  	[tilespmem:$0xC0] =	vst v2;
	v2 =	vnsel vm4, $0x13FF, v7;
	vm4 =	vlt.u32 v8, $0x1388  }
0x80: {  	[tilespmem:$0xD0] =	vst v2;
	v2 =	vnsel vm4, $0x13FF, v8;
	vm4 =	vlt.u32 v3, $0x1388  }
0x81: {  	[tilespmem:$0xE0] =	vst v2;
	v2 =	vnsel vm4, $0x13FF, v3  }
0x82: {  	s16 =	simm.s32 $0x920;
	[tilespmem:$0xF0] =	vst v2  }
0x83: {  	v2 =	vld [tilespmem:s16+$0x10]  }
0x84: {  	s29 =	simm.s32 $0x120;
	v4 =	vld [tilespmem:s16+$0xFFFFFFF0]  }
0x85: {  	v5 =	vld [tilespmem:s29+$0x10]  }
0x86: {  	v6 =	vld [tilespmem:s29+$0xFFFFFFF0]  }
0x87: {  	v3 =	vld [tilespmem:s16+$0xFFFFFFE0]  }
0x88: {  	s26 =	simm.s32 $0x1300;
	v7 =	vld [tilespmem:s29+$0xFFFFFFE0];
	v2 =	vperm.xlane v2, v1  }
0x89: {  	v10 =	vld [tilespmem:s26+$0xFFFFFE30];
	v4 =	vperm.xlane v4, v1  }
0x8a: {  	v11 =	vld [tilespmem:s26+$0xFFFFFE40];
	v2 =	vadd.f32 v2, v5  }
0x8b: {  	v12 =	vld [tilespmem:s26+$0xFFFFFE50];
	v4 =	vadd.f32 v4, v6  }
0x8c: {  	v14 =	vld [tilespmem:s26+$0xFFFFFE60];
	v5 =	vmul.f32 $2.000000030e-01, v2  }
0x8d: {  	v16 =	vld [tilespmem:s26+$0xFFFFFE80];
	v3 =	vperm.xlane v3, v1;
	vm4 =	vge.f32 v2, $0.0e+00;
	v6 =	vmul.f32 $2.000000030e-01, v4  }
0x8e: {  	v17 =	vld [tilespmem:s26+$0xFFFFFE90];
	v2 =	vsel vm4, v2, v5;
	vm4 =	vge.f32 v4, $0.0e+00  }
0x8f: {  	v18 =	vld [tilespmem:s26+$0xFFFFFEA0];
	v3 =	vadd.f32 v3, v7;
	v2 =	vmul.f32 $1.442695020e+00, v2;
	v4 =	vsel vm4, v4, v6  }
0x90: {  	v20 =	vld [tilespmem:s26+$0xFFFFFEB0];
	v4 =	vmul.f32 $1.442695020e+00, v4  }
0x91: {  	v21 =	vld [tilespmem:s26+$0xFFFFFEC0];
	v5 =	vmul.f32 $2.000000030e-01, v3;
	(erf) = vpow2.f32 v2  }
0x92: {  	v8 =	vld [tilespmem:s29+$0x0];
	vm5 =	vge.f32 v3, $0.0e+00;
	(erf) = vpow2.f32 v4  }
0x93: {  	v22 =	vld [tilespmem:s26+$0xFFFFFED0];
	v3 =	vsel vm5, v3, v5  }
0x94: {  	v23 =	vld [tilespmem:s26+$0x1F0];
	v2 =	vmul.f32 $1.442695020e+00, v3  }
0x95: {  	v24 =	vld [tilespmem:s26+$0xFFFFFEE0]  }
0x96: {  	v25 =	vld [tilespmem:s26+$0xFFFFFF10];
	(erf) = vpow2.f32 v2  }
0x97: {  	v26 =	vld [tilespmem:s26+$0xFFFFFF20]  }
0x98: {  	v27 =	vld [tilespmem:s26+$0xFFFFFF30]  }
0x99: {  	v28 =	vld [tilespmem:s26+$0xFFFFFF40]  }
0x9a: {  	v29 =	vld [tilespmem:s26+$0xFFFFFF50];
	v6 =	vpop (erf)  }
0x9b: {  	v30 =	vld [tilespmem:s26+$0xFFFFFF60];
	v13 =	vpop (erf)  }
0x9c: {  	v31 =	vld [tilespmem:s26+$0xFFFFFF70];
	v9 =	vbroadcast v13, $0x0  }
0x9d: {  	v2 =	vld [tilespmem:s26+$0xFFFFFE00]  }
0x9e: {  	v3 =	vld [tilespmem:s26+$0xFFFFFE10];
	v26 =	vmul.f32 v9, v26  }
0x9f: {  	v55 =	vld [tilespmem:s26+$0xFFFFFEF0];
	v5 =	vpop (erf);
	v42 =	vmul.f32 v28, v9  }
0xa0: {  	v34 =	vld [tilespmem:s26+$0x0];
	v15 =	vbroadcast v5, $0x0;
	v43 =	vmul.f32 v29, v9;
	[tilespmem:s26+$0xFFFFFF20] =	vst v26  }
0xa1: {  	v35 =	vld [tilespmem:s26+$0x10];
	v45 =	vmul.f32 v30, v9;
	[tilespmem:s26+$0xFFFFFF40] =	vst v42  }
0xa2: {  	v57 =	vld [tilespmem:s26+$0x20];
	v2 =	vmul.f32 v15, v2;
	[tilespmem:s26+$0xFFFFFF50] =	vst v43  }
0xa3: {  	v19 =	vbroadcast v5, $0x1;
	v5 =	vld [tilespmem:s16+$0x0];
	v3 =	vmul.f32 v15, v3;
	[tilespmem:s26+$0xFFFFFF60] =	vst v45  }
0xa4: {  	v36 =	vld [tilespmem:s26+$0x30];
	v10 =	vmul.f32 v10, v15;
	[tilespmem:s26+$0xFFFFFE00] =	vst v2  }
0xa5: {  	v58 =	vld [tilespmem:s26+$0x40];
	v11 =	vmul.f32 v11, v15;
	[tilespmem:s26+$0xFFFFFE10] =	vst v3  }
0xa6: {  	v7 =	vld [tilespmem:s26+$0xFFFFFE70];
	v12 =	vmul.f32 v12, v15;
	[tilespmem:s26+$0xFFFFFE30] =	vst v10  }
0xa7: {  	v37 =	vld [tilespmem:s26+$0x50];
	v14 =	vmul.f32 v14, v15;
	[tilespmem:s26+$0xFFFFFE40] =	vst v11  }
0xa8: {  	v38 =	vld [tilespmem:s26+$0x60];
	v16 =	vmul.f32 v16, v19;
	[tilespmem:s26+$0xFFFFFE50] =	vst v12;
	v3 =	vperm.xlane v5, v1  }
0xa9: {  	v39 =	vld [tilespmem:s26+$0x70];
	v18 =	vmul.f32 v18, v19;
	[tilespmem:s26+$0xFFFFFE60] =	vst v14  }
0xaa: {  	v40 =	vld [tilespmem:s26+$0xA0];
	v20 =	vmul.f32 v20, v19;
	v2 =	vsel vm0, v15, v19;
	[tilespmem:s26+$0xFFFFFE80] =	vst v16;
	v3 =	vadd.f32 v3, v8  }
0xab: {  	[tilespmem:s26+$0xFFFFFEA0] =	vst v18;
	v2 =	vmul.f32 v7, v2;
	v7 =	vld [tilespmem:s26+$0xFFFFFF90]  }
0xac: {  	v4 =	vld [tilespmem:s26+$0xFFFFFE20];
	v21 =	vmul.f32 v21, v19;
	[tilespmem:s26+$0xFFFFFEB0] =	vst v20;
	v5 =	vmul.f32 $2.000000030e-01, v3  }
0xad: {  	v22 =	vmul.f32 v22, v19;
	[tilespmem:s26+$0xFFFFFE70] =	vst v2;
	v2 =	vld [tilespmem:s26+$0xFFFFFF00];
	vm4 =	vge.f32 v3, $0.0e+00  }
0xae: {  	v63 =	vld [tilespmem:s26+$0xFFFFFFF0];
	v11 =	vbroadcast v13, $0x1;
	v12 =	vmul.f32 v17, v19;
	[tilespmem:s26+$0xFFFFFEC0] =	vst v21;
	v3 =	vsel vm4, v3, v5  }
0xaf: {  	v16 =	vmul.f32 v9, v25;
	[tilespmem:s26+$0xFFFFFED0] =	vst v22;
	v8 =	vld [tilespmem:s26+$0xFFFFFF80];
	v32 =	vmul.f32 $1.442695020e+00, v3  }
0xb0: {  	s31 =	simm.s32 $0x960;
	v50 =	vld [tilespmem:s26+$0x120];
	[tilespmem:s26+$0xFFFFFE90] =	vst v12;
	v7 =	vmul.f32 v7, v11  }
0xb1: {  	s28 =	simm.s32 $0x160;
	v60 =	vnsel vm1, $0x0, v19;
	v20 =	vld [tilespmem:s31+$0xFFFFFFE0];
	[tilespmem:s26+$0xFFFFFF10] =	vst v16;
	v5 =	vmul.f32 v15, v4;
	(erf) = vpow2.f32 v32  }
0xb2: {  	v44 =	vld [tilespmem:s28+$0xFFFFFFE0];
	v4 =	vbroadcast v6, $0x1;
	v15 =	vsel vm2, v60, v15;
	v33 =	vmul.f32 v9, v2;
	[tilespmem:s26+$0xFFFFFF90] =	vst v7  }
0xb3: {  	v60 =	vld [tilespmem:s26+$0x180];
	v2 =	vbroadcast v6, $0x0;
	v15 =	vsel vm3, v15, v19;
	v19 =	vmul.f32 v24, v19;
	[tilespmem:s26+$0xFFFFFE20] =	vst v5  }
0xb4: {  	v3 =	vld [tilespmem:s26+$0xFFFFFFA0];
	v8 =	vmul.f32 v8, v11;
	v56 =	vnsel vm1, $0x0, v4;
	[tilespmem:s26+$0xFFFFFF00] =	vst v33  }
0xb5: {  	v6 =	vld [tilespmem:s26+$0xFFFFFFC0];
	v15 =	vmul.f32 v55, v15;
	v33 =	vsel vm2, v56, v2;
	[tilespmem:s26+$0xFFFFFEE0] =	vst v19  }
0xb6: {  	v20 =	vperm.xlane v20, v1;
	v5 =	vld [tilespmem:s26+$0xFFFFFFB0];
	v21 =	vmul.f32 v2, v50;
	[tilespmem:s26+$0xFFFFFF80] =	vst v8;
	v33 =	vsel vm3, v33, v4  }
0xb7: {  	v41 =	vld [tilespmem:s31+$0xFFFFFFF0];
	[tilespmem:s26+$0xFFFFFEF0] =	vst v15;
	v23 =	vmul.f32 v23, v33  }
0xb8: {  	v46 =	vld [tilespmem:s26+$0x100];
	v20 =	vadd.f32 v20, v44;
	[tilespmem:s26+$0x120] =	vst v21;
	v44 =	vmul.f32 v60, v4  }
0xb9: {  	v48 =	vld [tilespmem:s26+$0x110];
	v3 =	vmul.f32 v3, v11;
	[tilespmem:s26+$0x1F0] =	vst v23  }
0xba: {  	v52 =	vld [tilespmem:s26+$0x130];
	v6 =	vmul.f32 v6, v11;
	[tilespmem:s26+$0x180] =	vst v44;
	v13 =	vpop (erf)  }
0xbb: {  	v14 =	vld [tilespmem:s26+$0x80];
	v59 =	vsel vm0, v9, v11;
	v5 =	vmul.f32 v5, v11;
	[tilespmem:s26+$0xFFFFFFA0] =	vst v3;
	v10 =	vbroadcast v13, $0x0  }
0xbc: {  	v17 =	vld [tilespmem:s26+$0x90];
	[tilespmem:s26+$0xFFFFFFC0] =	vst v6;
	v12 =	vbroadcast v13, $0x1;
	v13 =	vmul.f32 v31, v59  }
0xbd: {  	v18 =	vld [tilespmem:s31+$0x10];
	[tilespmem:s26+$0xFFFFFFB0] =	vst v5;
	v34 =	vmul.f32 v10, v34  }
0xbe: {  	v16 =	vld [tilespmem:s26+$0xB0];
	v61 =	vmul.f32 v10, v35;
	[tilespmem:s26+$0xFFFFFF70] =	vst v13  }
0xbf: {  	v19 =	vld [tilespmem:s28+$0xFFFFFFF0];
	v47 =	vmul.f32 v10, v57;
	[tilespmem:s26+$0x0] =	vst v34  }
0xc0: {  	v55 =	vld [tilespmem:s26+$0x140];
	v49 =	vmul.f32 v36, v10;
	[tilespmem:s26+$0x10] =	vst v61  }
0xc1: {  	v22 =	vperm.xlane v41, v1;
	v35 =	vld [tilespmem:s28+$0x10];
	v23 =	vmul.f32 v58, v10;
	[tilespmem:s26+$0x20] =	vst v47  }
0xc2: {  	v26 =	vld [tilespmem:s26+$0xD0];
	v18 =	vperm.xlane v18, v1;
	v51 =	vmul.f32 v37, v10;
	[tilespmem:s26+$0x30] =	vst v49  }
0xc3: {  	v43 =	vld [tilespmem:s28+$0x0];
	v53 =	vmul.f32 v38, v10;
	v14 =	vmul.f32 v14, v12;
	[tilespmem:s26+$0x40] =	vst v23  }
0xc4: {  	s0 =	simm.s32 $0x1700;
	v19 =	vadd.f32 v22, v19;
	v59 =	vld [tilespmem:s26+$0x170];
	v17 =	vmul.f32 v17, v12;
	v58 =	vmul.f32 v40, v12;
	[tilespmem:s26+$0x50] =	vst v51  }
0xc5: {  	v45 =	vld [tilespmem:s0+$0xFFFFFF00];
	v62 =	vsel vm0, v10, v12;
	v16 =	vmul.f32 v16, v12;
	v38 =	vmul.f32 v55, v2;
	[tilespmem:s26+$0x60] =	vst v53  }
0xc6: {  	v41 =	vld [tilespmem:s0+$0x1F0];
	v25 =	vmul.f32 v39, v62;
	v39 =	vmul.f32 v27, v9;
	[tilespmem:s26+$0x80] =	vst v14;
	v18 =	vadd.f32 v18, v35  }
0xc7: {  	v7 =	vld [tilespmem:s0+$0xFFFFFE00];
	v36 =	vsel vm0, v2, v4;
	v27 =	vmul.f32 v2, v46;
	v14 =	vmul.f32 $2.000000030e-01, v19;
	[tilespmem:s26+$0x90] =	vst v17  }
0xc8: {  	v56 =	vld [tilespmem:s26+$0x150];
	v17 =	vmul.f32 $2.000000030e-01, v20;
	[tilespmem:s26+$0xA0] =	vst v58;
	v61 =	vnsel vm1, $0x0, v11;
	v54 =	vmul.f32 $2.000000030e-01, v18  }
0xc9: {  	v13 =	vld [tilespmem:s26+$0xC0];
	[tilespmem:s26+$0xB0] =	vst v16;
	v9 =	vsel vm2, v61, v9;
	v24 =	vmul.f32 v59, v36;
	vm4 =	vge.f32 v18, $0.0e+00  }
0xca: {  	v34 =	vld [tilespmem:s26+$0xFFFFFFE0];
	[tilespmem:s26+$0x140] =	vst v38;
	v9 =	vsel vm3, v9, v11;
	v18 =	vsel vm4, v18, v54;
	vm4 =	vge.f32 v19, $0.0e+00  }
0xcb: {  	v37 =	vld [tilespmem:s26+$0x1D0];
	[tilespmem:s26+$0x70] =	vst v25;
	v18 =	vmul.f32 $1.442695020e+00, v18;
	v14 =	vsel vm4, v19, v14;
	vm4 =	vge.f32 v20, $0.0e+00  }
0xcc: {  	v15 =	vld [tilespmem:s26+$0xE0];
	[tilespmem:s26+$0xFFFFFF30] =	vst v39;
	v8 =	vmul.f32 v63, v9;
	v17 =	vsel vm4, v20, v17;
	v14 =	vmul.f32 $1.442695020e+00, v14  }
0xcd: {  	v31 =	vld [tilespmem:s26+$0xFFFFFFD0];
	[tilespmem:s26+$0x100] =	vst v27;
	(erf) = vpow2.f32 v18;
	v17 =	vmul.f32 $1.442695020e+00, v17  }
0xce: {  	v9 =	vld [tilespmem:s26+$0x1C0];
	v13 =	vmul.f32 v13, v12;
	[tilespmem:s26+$0x170] =	vst v24;
	(erf) = vpow2.f32 v14  }
0xcf: {  	v33 =	vld [tilespmem:s0+$0xFFFFFE60];
	[tilespmem:s26+$0xFFFFFFF0] =	vst v8;
	v5 =	vmul.f32 v34, v11;
	(erf) = vpow2.f32 v17  }
0xd0: {  	v60 =	vld [tilespmem:s0+$0x90];
	v28 =	vmul.f32 v37, v4;
	[tilespmem:s26+$0xC0] =	vst v13  }
0xd1: {  	[tilespmem:s26+$0xFFFFFFE0] =	vst v5;
	v5 =	vmul.f32 v26, v12;
	v20 =	vld [tilespmem:s26+$0x1A0]  }
0xd2: {  	v16 =	vld [tilespmem:s26+$0xF0];
	[tilespmem:s26+$0x1D0] =	vst v28;
	v19 =	vmul.f32 v2, v48;
	v17 =	vmul.f32 v31, v11  }
0xd3: {  	v3 =	vld [tilespmem:s0+$0xFFFFFE20];
	v9 =	vmul.f32 v9, v4;
	[tilespmem:s26+$0xD0] =	vst v5;
	v11 =	vnsel vm1, $0x0, v12  }
0xd4: {  	[tilespmem:s26+$0x110] =	vst v19;
	v14 =	vld [tilespmem:s26+$0x1B0];
	v10 =	vsel vm2, v11, v10  }
0xd5: {  	v6 =	vld [tilespmem:s0+$0xFFFFFE40];
	[tilespmem:s26+$0x1C0] =	vst v9;
	v10 =	vsel vm3, v10, v12;
	v12 =	vmul.f32 v15, v12  }
0xd6: {  	v57 =	vld [tilespmem:s26+$0x160];
	[tilespmem:s26+$0xFFFFFFD0] =	vst v17;
	v20 =	vmul.f32 v20, v4;
	v17 =	vpop (erf)  }
0xd7: {  	v8 =	vld [tilespmem:s0+$0xFFFFFE10];
	v5 =	vmul.f32 v16, v10;
	[tilespmem:s26+$0xE0] =	vst v12;
	v11 =	vpop (erf)  }
0xd8: {  	v40 =	vld [tilespmem:s0+$0xFFFFFED0];
	v12 =	vmul.f32 v52, v2;
	[tilespmem:s26+$0x1A0] =	vst v20;
	v13 =	vpop (erf);
	v48 =	vbroadcast v11, $0x0  }
0xd9: {  	v62 =	vld [tilespmem:s0+$0xFFFFFE30];
	v14 =	vmul.f32 v14, v4;
	[tilespmem:s26+$0xF0] =	vst v5;
	v10 =	vbroadcast v13, $0x0  }
0xda: {  	v46 =	vld [tilespmem:s0+$0xFFFFFF50];
	[tilespmem:s26+$0x130] =	vst v12;
	v51 =	vmul.f32 v48, v45  }
0xdb: {  	v63 =	vld [tilespmem:s0+$0xFFFFFE50];
	[tilespmem:s26+$0x1B0] =	vst v14;
	v5 =	vmul.f32 v10, v7  }
0xdc: {  	v34 =	vld [tilespmem:s0+$0xFFFFFE90];
	v8 =	vmul.f32 v10, v8;
	[tilespmem:s0+$0xFFFFFF00] =	vst v51  }
0xdd: {  	v15 =	vld [tilespmem:s0+$0xFFFFFE70];
	v42 =	vmul.f32 v10, v3;
	[tilespmem:s0+$0xFFFFFE00] =	vst v5  }
0xde: {  	v16 =	vld [tilespmem:s0+$0xFFFFFE80];
	v9 =	vmul.f32 v62, v10;
	[tilespmem:s0+$0xFFFFFE10] =	vst v8  }
0xdf: {  	v47 =	vld [tilespmem:s0+$0xFFFFFF60];
	v12 =	vbroadcast v13, $0x1;
	v6 =	vmul.f32 v6, v10;
	[tilespmem:s0+$0xFFFFFE20] =	vst v42  }
0xe0: {  	v18 =	vld [tilespmem:s26+$0x190];
	v25 =	vmul.f32 v63, v10;
	[tilespmem:s0+$0xFFFFFE30] =	vst v9  }
0xe1: {  	v49 =	vld [tilespmem:s0+$0xFFFFFF90];
	v26 =	vmul.f32 v33, v10;
	v5 =	vsel vm0, v10, v12;
	[tilespmem:s0+$0xFFFFFE40] =	vst v6  }
0xe2: {  	v19 =	vld [tilespmem:s31+$0x0];
	v3 =	vbroadcast v17, $0x0;
	[tilespmem:s0+$0xFFFFFE50] =	vst v25;
	v15 =	vmul.f32 v15, v5  }
0xe3: {  	v7 =	vld [tilespmem:s0+$0xFFFFFEA0];
	v16 =	vmul.f32 v16, v12;
	v53 =	vmul.f32 v34, v12;
	[tilespmem:s0+$0xFFFFFE60] =	vst v26  }
0xe4: {  	v8 =	vmul.f32 v56, v2;
	v9 =	vld [tilespmem:s0+$0xFFFFFF70];
	[tilespmem:s0+$0xFFFFFE70] =	vst v15;
	v15 =	vmul.f32 v57, v2  }
0xe5: {  	v39 =	vld [tilespmem:s0+$0xFFFFFEC0];
	[tilespmem:s0+$0xFFFFFE80] =	vst v16;
	v2 =	vbroadcast v17, $0x1;
	v17 =	vmul.f32 v18, v4  }
0xe6: {  	v11 =	vbroadcast v11, $0x1;
	v6 =	vld [tilespmem:s0+$0xFFFFFF80];
	[tilespmem:s0+$0xFFFFFE90] =	vst v53  }
0xe7: {  	[tilespmem:s26+$0x190] =	vst v17;
	v17 =	vld [tilespmem:s0+$0xFFFFFF10]  }
0xe8: {  	v19 =	vperm.xlane v19, v1;
	v55 =	vsel vm0, v48, v11;
	v16 =	vld [tilespmem:s0+$0xFFFFFFB0];
	[tilespmem:s26+$0x150] =	vst v8;
	v7 =	vmul.f32 v7, v12  }
0xe9: {  	v13 =	vld [tilespmem:s0+$0xFFFFFEB0];
	[tilespmem:s26+$0x160] =	vst v15;
	v9 =	vmul.f32 v9, v55  }
0xea: {  	v19 =	vadd.f32 v19, v43;
	v8 =	vld [tilespmem:s0+$0xFFFFFEE0];
	[tilespmem:s0+$0xFFFFFEA0] =	vst v7;
	v7 =	vmul.f32 v39, v12  }
0xeb: {  	v58 =	vld [tilespmem:s0+$0x70];
	v6 =	vmul.f32 v6, v11;
	[tilespmem:s0+$0xFFFFFF70] =	vst v9  }
0xec: {  	v20 =	vld [tilespmem:s0+$0xFFFFFF20];
	v54 =	vmul.f32 $2.000000030e-01, v19;
	vm4 =	vge.f32 v19, $0.0e+00;
	[tilespmem:s0+$0xFFFFFEC0] =	vst v7;
	v17 =	vmul.f32 v48, v17  }
0xed: {  	v50 =	vnsel vm1, $0x0, v12;
	v18 =	vnsel vm1, $0x0, v2;
	v15 =	vld [tilespmem:s0+$0xFFFFFEF0];
	v16 =	vmul.f32 v16, v11;
	[tilespmem:s0+$0xFFFFFF80] =	vst v6  }
0xee: {  	v52 =	vld [tilespmem:s0+$0xFFFFFFA0];
	v18 =	vsel vm2, v18, v3;
	v9 =	vmul.f32 v13, v12;
	[tilespmem:s0+$0xFFFFFF10] =	vst v17;
	v17 =	vsel vm4, v19, v54  }
0xef: {  	v14 =	vld [tilespmem:s0+$0xFFFFFF30];
	v18 =	vsel vm3, v18, v2;
	v8 =	vmul.f32 v8, v12;
	[tilespmem:s0+$0xFFFFFFB0] =	vst v16;
	v17 =	vmul.f32 $1.442695020e+00, v17  }
0xf0: {  	v10 =	vsel vm2, v50, v10;
	v13 =	vld [tilespmem:s0+$0xFFFFFFE0];
	v18 =	vmul.f32 v41, v18;
	[tilespmem:s0+$0xFFFFFEB0] =	vst v9  }
0xf1: {  	v56 =	vld [tilespmem:s0+$0x50];
	v10 =	vsel vm3, v10, v12;
	[tilespmem:s0+$0xFFFFFEE0] =	vst v8;
	v8 =	vmul.f32 v46, v48;
	(erf) = vpow2.f32 v17  }
0xf2: {  	v5 =	vld [tilespmem:s26+$0x1E0];
	[tilespmem:s0+$0x1F0] =	vst v18;
	v10 =	vmul.f32 v15, v10  }
0xf3: {  	v18 =	vld [tilespmem:s0+$0xFFFFFF40];
	[tilespmem:s0+$0xFFFFFF50] =	vst v8;
	v19 =	vmul.f32 v48, v20  }
0xf4: {  	v7 =	vld [tilespmem:s0+$0x0];
	[tilespmem:s0+$0xFFFFFEF0] =	vst v10;
	v20 =	vmul.f32 v47, v48  }
0xf5: {  	v9 =	vld [tilespmem:s0+$0xFFFFFFF0];
	v63 =	vmul.f32 v13, v11;
	[tilespmem:s0+$0xFFFFFF20] =	vst v19  }
0xf6: {  	v15 =	vld [tilespmem:s0+$0xFFFFFFC0];
	[tilespmem:s0+$0xFFFFFF60] =	vst v20;
	v17 =	vmul.f32 v40, v12  }
0xf7: {  	v10 =	vld [tilespmem:s0+$0xFFFFFFD0];
	v19 =	vnsel vm1, $0x0, v11;
	[tilespmem:s0+$0xFFFFFFE0] =	vst v63;
	v12 =	vmul.f32 v14, v48  }
0xf8: {  	v14 =	vld [tilespmem:s0+$0x10];
	v19 =	vsel vm2, v19, v48;
	[tilespmem:s0+$0xFFFFFED0] =	vst v17;
	v17 =	vmul.f32 v18, v48  }
0xf9: {  	v8 =	vsel vm3, v19, v11;
	v19 =	vmul.f32 v49, v11;
	v18 =	vld [tilespmem:s0+$0x20];
	[tilespmem:s0+$0xFFFFFF30] =	vst v12  }
0xfa: {  	v6 =	vmul.f32 v9, v8;
	[tilespmem:s0+$0xFFFFFF40] =	vst v17;
	v17 =	vld [tilespmem:s0+$0x40];
	v57 =	vpop (erf)  }
0xfb: {  	v20 =	vld [tilespmem:s0+$0x60];
	v15 =	vmul.f32 v15, v11;
	[tilespmem:s0+$0xFFFFFF90] =	vst v19;
	v59 =	vbroadcast v57, $0x0  }
0xfc: {  	v8 =	vmul.f32 v52, v11;
	v19 =	vld [tilespmem:s0+$0x80];
	[tilespmem:s0+$0xFFFFFFF0] =	vst v6;
	v6 =	vbroadcast v57, $0x1  }
0xfd: {  	v12 =	vld [tilespmem:s0+$0x30];
	v62 =	vmul.f32 v10, v11;
	[tilespmem:s0+$0xFFFFFFC0] =	vst v15;
	v61 =	vmul.f32 v59, v7  }
0xfe: {  	v9 =	vld [tilespmem:s0+$0xA0];
	[tilespmem:s0+$0xFFFFFFA0] =	vst v8;
	v7 =	vmul.f32 v5, v4;
	v5 =	vmul.f32 v59, v14;
	v16 =	vsel vm0, v59, v6  }
0xff: {  	v8 =	vld [tilespmem:s0+$0xB0];
	[tilespmem:s0+$0xFFFFFFD0] =	vst v62;
	v4 =	vsel vm0, v3, v2;
	v14 =	vmul.f32 v59, v18;
	v13 =	vmul.f32 v17, v59  }
0x100: {  	v10 =	vld [tilespmem:s0+$0xC0];
	v17 =	vmul.f32 v56, v59;
	v18 =	vmul.f32 v58, v16;
	[tilespmem:s0+$0x10] =	vst v5;
	v5 =	vnsel vm1, $0x0, v6  }
0x101: {  	v11 =	vld [tilespmem:s0+$0xD0];
	v15 =	vmul.f32 v20, v59;
	v19 =	vmul.f32 v19, v6;
	[tilespmem:s0+$0x0] =	vst v61;
	v5 =	vsel vm2, v5, v59  }
0x102: {  	s12 =	simm.s32 $0x9A0;
	s16 =	simm.s32 $0x4;
	v16 =	vmul.f32 v12, v59;
	v12 =	vld [tilespmem:s0+$0xE0];
	[tilespmem:s0+$0x70] =	vst v18;
	v18 =	vmul.f32 v60, v6;
	v5 =	vsel vm3, v5, v6  }
.LBB2_6:
0x103: {  	v20 =	vld [tilespmem:s12+$0x10];
	s16 =	sadd.s32 $0x4, s16;
	[tilespmem:s0+$0x20] =	vst v14;
	v9 =	vmul.f32 v9, v6  }
0x104: {  	s28 =	sadd.s32 $0x40, s28;
	v14 =	vld [tilespmem:s12+$0xFFFFFFE0];
	p0 =	slt.u32 s16, $0x7C;
	[tilespmem:s0+$0x30] =	vst v16;
	v8 =	vmul.f32 v8, v6  }
0x105: {  	v16 =	vld [tilespmem:s28+$0x10];
	[tilespmem:s0+$0x40] =	vst v13;
	v10 =	vmul.f32 v10, v6  }
0x106: {  	v13 =	vld [tilespmem:s12+$0xFFFFFFF0];
	[tilespmem:s0+$0x50] =	vst v17;
	v11 =	vmul.f32 v11, v6  }
0x107: {  	v17 =	vld [tilespmem:s12+$0x0];
	[tilespmem:s0+$0x60] =	vst v15;
	v6 =	vmul.f32 v12, v6  }
0x108: {  	v12 =	vld [tilespmem:s28+$0xFFFFFFF0];
	v15 =	vperm.xlane v20, v1;
	[tilespmem:s0+$0x80] =	vst v19  }
0x109: {  	v14 =	vperm.xlane v14, v1;
	v19 =	vld [tilespmem:s28+$0x0];
	[tilespmem:s0+$0x90] =	vst v18  }
0x10a: {  	v18 =	vld [tilespmem:s28+$0xFFFFFFE0];
	v15 =	vadd.f32 v15, v16;
	[tilespmem:s0+$0xA0] =	vst v9  }
0x10b: {  	v9 =	vperm.xlane v13, v1;
	[tilespmem:s0+$0xB0] =	vst v8;
	v8 =	vld [tilespmem:s0+$0xF0]  }
0x10c: {  	v13 =	vperm.xlane v17, v1;
	v16 =	vmul.f32 $2.000000030e-01, v15;
	[tilespmem:s0+$0xC0] =	vst v10;
	v10 =	vld [tilespmem:s0+$0x100]  }
0x10d: {  	vm4 =	vge.f32 v15, $0.0e+00;
	v9 =	vadd.f32 v9, v12;
	[tilespmem:s0+$0xD0] =	vst v11;
	v11 =	vld [tilespmem:s0+$0x110]  }
0x10e: {  	v12 =	vadd.f32 v13, v19;
	v13 =	vsel vm4, v15, v16;
	[tilespmem:s0+$0xE0] =	vst v6;
	v6 =	vld [tilespmem:s0+$0x120]  }
0x10f: {  	v14 =	vadd.f32 v14, v18;
	v15 =	vmul.f32 $2.000000030e-01, v9;
	v13 =	vmul.f32 $1.442695020e+00, v13;
	v16 =	vld [tilespmem:s0+$0x130];
	[tilespmem:s26+$0x1E0] =	vst v7;
	s26 =	smov.u32 s0  }
0x110: {  	vm4 =	vge.f32 v9, $0.0e+00;
	vm5 =	vge.f32 v12, $0.0e+00;
	v7 =	vmul.f32 $2.000000030e-01, v12;
	v17 =	vld [tilespmem:s0+$0x140]  }
0x111: {  	vm6 =	vge.f32 v14, $0.0e+00;
	v18 =	vmul.f32 $2.000000030e-01, v14;
	(erf) = vpow2.f32 v13;
	v13 =	vld [tilespmem:s0+$0x150]  }
0x112: {  	v5 =	vmul.f32 v8, v5;
	v9 =	vsel vm4, v9, v15;
	v7 =	vsel vm5, v12, v7;
	v8 =	vld [tilespmem:s0+$0x160]  }
0x113: {  	v9 =	vmul.f32 $1.442695020e+00, v9;
	v12 =	vsel vm6, v14, v18;
	v7 =	vmul.f32 $1.442695020e+00, v7;
	v14 =	vld [tilespmem:s0+$0x170]  }
0x114: {  	v12 =	vmul.f32 $1.442695020e+00, v12;
	[tilespmem:s0+$0xF0] =	vst v5;
	v5 =	vmul.f32 v3, v10;
	v10 =	vld [tilespmem:s0+$0x180]  }
0x115: {  	(erf) = vpow2.f32 v9;
	v9 =	vmul.f32 v3, v11;
	v11 =	vld [tilespmem:s0+$0x190]  }
0x116: {  	(erf) = vpow2.f32 v12;
	[tilespmem:s0+$0x100] =	vst v5;
	v5 =	vmul.f32 v3, v6;
	v6 =	vld [tilespmem:s0+$0x1A0]  }
0x117: {  	(erf) = vpow2.f32 v7;
	[tilespmem:s0+$0x110] =	vst v9;
	v7 =	vmul.f32 v16, v3;
	v9 =	vld [tilespmem:s0+$0x1B0]  }
0x118: {  	[tilespmem:s0+$0x120] =	vst v5;
	v5 =	vmul.f32 v17, v3;
	v4 =	vmul.f32 v14, v4;
	v12 =	vld [tilespmem:s0+$0x1C0]  }
0x119: {  	v8 =	vmul.f32 v8, v3;
	[tilespmem:s0+$0x130] =	vst v7;
	v7 =	vmul.f32 v13, v3;
	v13 =	vld [tilespmem:s0+$0x1D0]  }
0x11a: {  	v10 =	vmul.f32 v10, v2;
	s0 =	sadd.s32 $0x400, s0;
	v3 =	vpop (erf);
	[tilespmem:s26+$0x170] =	vst v4;
	v11 =	vmul.f32 v11, v2;
	v14 =	vld [tilespmem:s26+$0x1E0]  }
0x11b: {  	v15 =	vbroadcast v3, $0x1;
	v16 =	vld [tilespmem:s0+$0x1F0];
	[tilespmem:s26+$0x140] =	vst v5;
	v5 =	vmul.f32 v6, v2  }
0x11c: {  	v3 =	vbroadcast v3, $0x0;
	v17 =	vld [tilespmem:s0+$0xFFFFFE00];
	[tilespmem:s26+$0x150] =	vst v7;
	v7 =	vmul.f32 v9, v2  }
0x11d: {  	v18 =	vld [tilespmem:s0+$0xFFFFFE10];
	v6 =	vnsel vm1, $0x0, v15;
	[tilespmem:s26+$0x160] =	vst v8;
	v12 =	vmul.f32 v12, v2  }
0x11e: {  	v4 =	vsel vm0, v3, v15;
	v19 =	vld [tilespmem:s0+$0xFFFFFE20];
	v6 =	vsel vm2, v6, v3;
	v8 =	vpop (erf);
	[tilespmem:s26+$0x180] =	vst v10;
	v10 =	vmul.f32 v13, v2  }
0x11f: {  	v13 =	vld [tilespmem:s0+$0xFFFFFE30];
	v20 =	vbroadcast v8, $0x0;
	v9 =	vbroadcast v8, $0x1;
	v6 =	vsel vm3, v6, v15;
	v8 =	vpop (erf);
	[tilespmem:s26+$0x190] =	vst v11  }
0x120: {  	v11 =	vbroadcast v8, $0x1;
	v21 =	vld [tilespmem:s0+$0xFFFFFE40];
	v16 =	vmul.f32 v16, v6;
	v22 =	vpop (erf);
	[tilespmem:s26+$0x1A0] =	vst v5  }
0x121: {  	v23 =	vbroadcast v8, $0x0;
	v24 =	vld [tilespmem:s0+$0xFFFFFE50];
	v5 =	vnsel vm1, $0x0, v9;
	v6 =	vbroadcast v22, $0x1;
	[tilespmem:s26+$0x1B0] =	vst v7  }
0x122: {  	v8 =	vbroadcast v22, $0x0;
	v7 =	vld [tilespmem:s0+$0xFFFFFE60];
	v25 =	vnsel vm1, $0x0, v11;
	v5 =	vsel vm2, v5, v20;
	[tilespmem:s0+$0x1F0] =	vst v16  }
0x123: {  	v16 =	vld [tilespmem:s0+$0xFFFFFE70];
	v22 =	vsel vm2, v25, v23;
	v25 =	vsel vm3, v5, v9;
	v5 =	vnsel vm1, $0x0, v6;
	[tilespmem:s26+$0x1C0] =	vst v12  }
0x124: {  	v12 =	vsel vm0, v23, v11;
	v26 =	vld [tilespmem:s0+$0xFFFFFE80];
	v22 =	vsel vm3, v22, v11;
	v5 =	vsel vm2, v5, v8;
	[tilespmem:s26+$0x1D0] =	vst v10  }
0x125: {  	v28 =	vsel vm0, v20, v9;
	v10 =	vsel vm0, v8, v6;
	v27 =	vld [tilespmem:s0+$0xFFFFFE90];
	v5 =	vsel vm3, v5, v6  }
0x126: {  	v17 =	vmul.f32 v23, v17;
	v18 =	vmul.f32 v23, v18;
	v29 =	vld [tilespmem:s0+$0xFFFFFEA0]  }
0x127: {  	v19 =	vmul.f32 v23, v19;
	v13 =	vmul.f32 v13, v23;
	v30 =	vld [tilespmem:s0+$0xFFFFFEB0]  }
0x128: {  	[tilespmem:s0+$0xFFFFFE00] =	vst v17;
	v17 =	vmul.f32 v21, v23;
	v12 =	vmul.f32 v16, v12;
	v16 =	vld [tilespmem:s0+$0xFFFFFEC0]  }
0x129: {  	v21 =	vmul.f32 v7, v23;
	[tilespmem:s0+$0xFFFFFE10] =	vst v18;
	v18 =	vmul.f32 v24, v23;
	v23 =	vld [tilespmem:s0+$0xFFFFFED0]  }
0x12a: {  	[tilespmem:s0+$0xFFFFFE70] =	vst v12;
	v12 =	vmul.f32 v26, v11;
	v24 =	vmul.f32 v27, v11;
	v26 =	vld [tilespmem:s0+$0xFFFFFEE0]  }
0x12b: {  	v7 =	vmul.f32 v14, v2;
	v2 =	vmov v15;
	[tilespmem:s0+$0xFFFFFE20] =	vst v19;
	v19 =	vmul.f32 v29, v11;
	v27 =	vld [tilespmem:s0+$0xFFFFFEF0]  }
0x12c: {  	[tilespmem:s0+$0xFFFFFE30] =	vst v13;
	v13 =	vmul.f32 v30, v11;
	v14 =	vld [tilespmem:s0+$0xFFFFFF00]  }
0x12d: {  	[tilespmem:s0+$0xFFFFFE40] =	vst v17;
	v15 =	vmul.f32 v16, v11;
	v16 =	vld [tilespmem:s0+$0xFFFFFF10]  }
0x12e: {  	[tilespmem:s0+$0xFFFFFE50] =	vst v18;
	v17 =	vmul.f32 v23, v11;
	v18 =	vld [tilespmem:s0+$0xFFFFFF20]  }
0x12f: {  	[tilespmem:s0+$0xFFFFFE60] =	vst v21;
	v11 =	vmul.f32 v26, v11;
	v21 =	vld [tilespmem:s0+$0xFFFFFF30]  }
0x130: {  	[tilespmem:s0+$0xFFFFFE80] =	vst v12;
	v12 =	vmul.f32 v27, v22;
	v22 =	vld [tilespmem:s0+$0xFFFFFF40]  }
0x131: {  	[tilespmem:s0+$0xFFFFFE90] =	vst v24;
	v14 =	vmul.f32 v20, v14;
	v23 =	vld [tilespmem:s0+$0xFFFFFF50]  }
0x132: {  	[tilespmem:s0+$0xFFFFFEF0] =	vst v12;
	v12 =	vmul.f32 v20, v16;
	v16 =	vld [tilespmem:s0+$0xFFFFFF60]  }
0x133: {  	[tilespmem:s0+$0xFFFFFEA0] =	vst v19;
	v18 =	vmul.f32 v20, v18;
	v19 =	vld [tilespmem:s0+$0xFFFFFF70]  }
0x134: {  	[tilespmem:s0+$0xFFFFFEB0] =	vst v13;
	v13 =	vmul.f32 v21, v20;
	v21 =	vld [tilespmem:s0+$0xFFFFFF80]  }
0x135: {  	[tilespmem:s0+$0xFFFFFEC0] =	vst v15;
	v15 =	vmul.f32 v22, v20;
	v22 =	vld [tilespmem:s0+$0xFFFFFF90]  }
0x136: {  	[tilespmem:s0+$0xFFFFFED0] =	vst v17;
	v17 =	vmul.f32 v23, v20;
	v23 =	vld [tilespmem:s0+$0xFFFFFFA0]  }
0x137: {  	[tilespmem:s0+$0xFFFFFEE0] =	vst v11;
	v11 =	vmul.f32 v16, v20;
	v16 =	vld [tilespmem:s0+$0xFFFFFFB0]  }
0x138: {  	[tilespmem:s0+$0xFFFFFF00] =	vst v14;
	v14 =	vmul.f32 v19, v28;
	v19 =	vld [tilespmem:s0+$0xFFFFFFC0]  }
0x139: {  	[tilespmem:s0+$0xFFFFFF10] =	vst v12;
	v12 =	vmul.f32 v21, v9;
	v20 =	vld [tilespmem:s0+$0xFFFFFFD0]  }
0x13a: {  	[tilespmem:s0+$0xFFFFFF70] =	vst v14;
	v14 =	vmul.f32 v22, v9;
	v21 =	vld [tilespmem:s0+$0xFFFFFFE0]  }
0x13b: {  	[tilespmem:s0+$0xFFFFFF20] =	vst v18;
	v18 =	vmul.f32 v23, v9;
	v22 =	vld [tilespmem:s0+$0xFFFFFFF0]  }
0x13c: {  	[tilespmem:s0+$0xFFFFFF30] =	vst v13;
	v13 =	vmul.f32 v16, v9;
	v16 =	vld [tilespmem:s0+$0x0]  }
0x13d: {  	[tilespmem:s0+$0xFFFFFF40] =	vst v15;
	v15 =	vmul.f32 v19, v9;
	v19 =	vld [tilespmem:s0+$0x10]  }
0x13e: {  	[tilespmem:s0+$0xFFFFFF50] =	vst v17;
	v17 =	vmul.f32 v20, v9;
	v20 =	vld [tilespmem:s0+$0x20]  }
0x13f: {  	[tilespmem:s0+$0xFFFFFF60] =	vst v11;
	v11 =	vmul.f32 v21, v9;
	v9 =	vld [tilespmem:s0+$0x30]  }
0x140: {  	[tilespmem:s0+$0xFFFFFF80] =	vst v12;
	v12 =	vmul.f32 v22, v25;
	v21 =	vld [tilespmem:s0+$0x40]  }
0x141: {  	[tilespmem:s0+$0xFFFFFF90] =	vst v14;
	v22 =	vmul.f32 v8, v16;
	v23 =	vld [tilespmem:s0+$0x50]  }
0x142: {  	[tilespmem:s0+$0xFFFFFFF0] =	vst v12;
	v12 =	vmul.f32 v8, v19;
	v19 =	vld [tilespmem:s0+$0x60]  }
0x143: {  	[tilespmem:s0+$0xFFFFFFA0] =	vst v18;
	v14 =	vmul.f32 v8, v20;
	v18 =	vld [tilespmem:s0+$0x70]  }
0x144: {  	[tilespmem:s0+$0xFFFFFFB0] =	vst v13;
	v16 =	vmul.f32 v9, v8;
	v20 =	vld [tilespmem:s0+$0x80]  }
0x145: {  	[tilespmem:s0+$0xFFFFFFC0] =	vst v15;
	v13 =	vmul.f32 v21, v8;
	v21 =	vld [tilespmem:s0+$0x90]  }
.Ltmp6:
0x146: {  	[tilespmem:s0+$0xFFFFFFD0] =	vst v17;
	v17 =	vmul.f32 v23, v8;
	v9 =	vld [tilespmem:s0+$0xA0];
	(pc) =	sbr.rel @p0 .LBB2_6-.Ltmp6, $4  }
0x147: {  	[tilespmem:s0+$0xFFFFFFE0] =	vst v11;
	v15 =	vmul.f32 v19, v8;
	v8 =	vld [tilespmem:s0+$0xB0]  }
0x148: {  	[tilespmem:s0+$0x0] =	vst v22;
	v18 =	vmul.f32 v18, v10;
	v10 =	vld [tilespmem:s0+$0xC0]  }
0x149: {  	[tilespmem:s0+$0x10] =	vst v12;
	v19 =	vmul.f32 v20, v6;
	v11 =	vld [tilespmem:s0+$0xD0]  }
0x14a: {  	s12 =	sadd.s32 $0x40, s12;
	[tilespmem:s0+$0x70] =	vst v18;
	v18 =	vmul.f32 v21, v6;
	v12 =	vld [tilespmem:s0+$0xE0]  }
0x14b: {  	[tilespmem:s0+$0x20] =	vst v14  }
0x14c: {  	[tilespmem:s0+$0x30] =	vst v16  }
0x14d: {  	[tilespmem:s0+$0x40] =	vst v13  }
0x14e: {  	[tilespmem:s0+$0x50] =	vst v17  }
0x14f: {  	[tilespmem:s0+$0x60] =	vst v15  }
0x150: {  	[tilespmem:s0+$0x80] =	vst v19  }
0x151: {  	v20 =	vld [tilespmem:s0+$0x100];
	v9 =	vmul.f32 v9, v6;
	[tilespmem:s26+$0x1E0] =	vst v7  }
0x152: {  	v39 =	vld [tilespmem:s0+$0x110];
	v8 =	vmul.f32 v8, v6;
	[tilespmem:s0+$0x90] =	vst v18  }
0x153: {  	v40 =	vld [tilespmem:s0+$0x120];
	[tilespmem:s0+$0xA0] =	vst v9;
	v10 =	vmul.f32 v10, v6  }
0x154: {  	v41 =	vld [tilespmem:s0+$0x130];
	[tilespmem:s0+$0xB0] =	vst v8;
	v11 =	vmul.f32 v11, v6  }
0x155: {  	v45 =	vld [tilespmem:s0+$0x170];
	[tilespmem:s0+$0xC0] =	vst v10;
	v52 =	vmul.f32 v12, v6  }
0x156: {  	v49 =	vld [tilespmem:s0+$0xF0];
	v46 =	vmul.f32 v3, v20;
	[tilespmem:s0+$0xD0] =	vst v11  }
0x157: {  	v42 =	vld [tilespmem:s0+$0x140];
	v14 =	vmul.f32 v3, v39;
	[tilespmem:s0+$0xE0] =	vst v52  }
0x158: {  	v43 =	vld [tilespmem:s0+$0x150];
	v51 =	vmul.f32 v3, v40;
	[tilespmem:s0+$0x100] =	vst v46  }
0x159: {  	v44 =	vld [tilespmem:s0+$0x160];
	v54 =	vmul.f32 v41, v3;
	[tilespmem:s0+$0x110] =	vst v14  }
0x15a: {  	v47 =	vld [tilespmem:s0+$0x180];
	v4 =	vmul.f32 v45, v4;
	[tilespmem:s0+$0x120] =	vst v51  }
0x15b: {  	v48 =	vld [tilespmem:s0+$0x190];
	v5 =	vmul.f32 v49, v5;
	[tilespmem:s0+$0x130] =	vst v54  }
0x15c: {  	v53 =	vld [tilespmem:s0+$0x1B0];
	v57 =	vmul.f32 v42, v3;
	[tilespmem:s0+$0x170] =	vst v4  }
0x15d: {  	v50 =	vld [tilespmem:s0+$0x1A0];
	v58 =	vmul.f32 v43, v3;
	[tilespmem:s0+$0xF0] =	vst v5  }
0x15e: {  	v55 =	vld [tilespmem:s0+$0x1C0];
	v3 =	vmul.f32 v44, v3;
	[tilespmem:s0+$0x140] =	vst v57  }
0x15f: {  	v56 =	vld [tilespmem:s0+$0x1D0];
	v60 =	vmul.f32 v47, v2;
	[tilespmem:s0+$0x150] =	vst v58  }
0x160: {  	v59 =	vld [tilespmem:s0+$0x1E0];
	v61 =	vmul.f32 v48, v2;
	[tilespmem:s0+$0x160] =	vst v3  }
0x161: {  	v62 =	vmul.f32 v53, v2;
	[tilespmem:s0+$0x180] =	vst v60  }
0x162: {  	v3 =	vmul.f32 v50, v2;
	[tilespmem:s0+$0x190] =	vst v61  }
0x163: {  	v63 =	vmul.f32 v55, v2;
	[tilespmem:s0+$0x1B0] =	vst v62  }
0x164: {  	[tilespmem:s0+$0x1A0] =	vst v3;
	v3 =	vmul.f32 v56, v2  }
0x165: {  	[tilespmem:s0+$0x1C0] =	vst v63;
	v2 =	vmul.f32 v59, v2  }
0x166: {  	[tilespmem:s0+$0x1D0] =	vst v3  }
.Ltmp7:
0x167: {  	[tilespmem:s0+$0x1E0] =	vst v2;
	(pc) =	sbr.rel .LBB2_8-.Ltmp7, $4  }
0x168: {  	[spmem:s2] =	stream.indirect.scatter.add.f32 [tilespmem:s17], [sflag:$0x2], $0x100, s20, s20, $0xb8;
	[tilespmem:$0x1D100] =	vst v63  }
0x169: {  	_ =	swait.ge [sflag:s18], $0x8000  }
0x16a: {  	[sflag:s18] =	ssyncset.done $0x0  }
0x16b: {  	[sflag:s18] =	ssyncadd.s32 $0xFFFF8000  }
.LBB2_9:
0x16c: {  	[bflag:$0x0] =	sbarrier.arrive $0xFFFF  }
0x16d: {  	s0 =	sshll.u32 s5, $0x6;
	s26 =	rddreg [dreg:$0x4]  }
0x16e: {  	s12 =	sadd.s32 s13, s11;
	s25 =	sor.u32 $0x1C02, s0;
	s26 =	sshrl.u32 s26, $0x3  }
0x16f: {  	[hbm:s12], [sflag:s25] =	dma.local [spmem:s26], $0x1000  }
0x170: {  	_ =	swait.ge [sflag:s18], $0x1000  }
0x171: {  	s8 =	smov.u32 s30;
	[sflag:s18] =	ssyncset.done $0x0  }
0x172: {  	s30 =	sadd.s32 s30, s11;
	s28 =	sshrl.u32 s9, $0x3;
	[sflag:s18] =	ssyncadd.s32 $0xFFFFF000  }
0x173: {  	[hbm:s30], [sflag:s25] =	dma.local [spmem:s28], $0x1000  }
0x174: {  	_ =	swait.ge [sflag:s18], $0x1000  }
0x175: {  	[sflag:s18] =	ssyncset.done $0x0;
	s31 =	rddreg [dreg:$0x5]  }
0x176: {  	s29 =	sshrl.u32 s10, $0x3;
	[sflag:s18] =	ssyncadd.s32 $0xFFFFF000;
	s0 =	sadd.s32 s31, s11  }
0x177: {  	[hbm:s0], [sflag:s25] =	dma.local [spmem:s29], $0x800  }
0x178: {  	_ =	swait.ge [sflag:s18], $0x800  }
0x179: {  	[sflag:s18] =	ssyncset.done $0x0  }
0x17a: {  	s14 =	smov.u32 s13;
	[sflag:s18] =	ssyncadd.s32 $0xFFFFF800  }
0x17b: {  	s12 =	simm.s32 $0x400;
	s0 =	simm.s32 $0x0;
	[bflag:$0x0] =	sbarrier.arrive $0xFFFF  }
.LBB2_10:
0x17c: {  	p0 =	sne.s32 s12, $0x1FC00;
	[tilespmem:s0+$0x11F0] =	vst v0  }
0x17d: {  	[tilespmem:s0+$0x1100] =	vst v0  }
0x17e: {  	[tilespmem:s0+$0x1110] =	vst v0  }
0x17f: {  	[tilespmem:s0+$0x1120] =	vst v0  }
0x180: {  	[tilespmem:s0+$0x1130] =	vst v0  }
0x181: {  	[tilespmem:s0+$0x1140] =	vst v0  }
0x182: {  	[tilespmem:s0+$0x1150] =	vst v0  }
0x183: {  	[tilespmem:s0+$0x1160] =	vst v0  }
0x184: {  	[tilespmem:s0+$0x1170] =	vst v0  }
0x185: {  	[tilespmem:s0+$0x1180] =	vst v0  }
0x186: {  	[tilespmem:s0+$0x1190] =	vst v0  }
.Ltmp8:
0x187: {  	[tilespmem:s0+$0x11A0] =	vst v0;
	(pc) =	sbr.rel @p0 .LBB2_10-.Ltmp8, $4  }
0x188: {  	[tilespmem:s0+$0x11B0] =	vst v0  }
0x189: {  	[tilespmem:s0+$0x11C0] =	vst v0  }
0x18a: {  	[tilespmem:s0+$0x11D0] =	vst v0  }
0x18b: {  	[tilespmem:s0+$0x11E0] =	vst v0;
	s0 =	sshra.s32 s12, $0x2;
	s12 =	sadd.s32 $0x400, s12  }
0x18c: {  	[tilespmem:s0+$0x11F0] =	vst v0  }
0x18d: {  	[tilespmem:s0+$0x1100] =	vst v0  }
0x18e: {  	[tilespmem:s0+$0x1110] =	vst v0  }
0x18f: {  	[tilespmem:s0+$0x1120] =	vst v0  }
0x190: {  	[tilespmem:s0+$0x1130] =	vst v0  }
0x191: {  	[tilespmem:s0+$0x1140] =	vst v0  }
0x192: {  	[tilespmem:s0+$0x1150] =	vst v0  }
0x193: {  	[tilespmem:s0+$0x1160] =	vst v0  }
0x194: {  	[tilespmem:s0+$0x1170] =	vst v0  }
0x195: {  	[tilespmem:s0+$0x1180] =	vst v0  }
0x196: {  	[tilespmem:s0+$0x1190] =	vst v0  }
0x197: {  	[tilespmem:s0+$0x11A0] =	vst v0  }
0x198: {  	[tilespmem:s0+$0x11B0] =	vst v0  }
0x199: {  	[tilespmem:s0+$0x11C0] =	vst v0  }
0x19a: {  	[tilespmem:s0+$0x11D0] =	vst v0  }
0x19b: {  	[tilespmem:s0+$0x11E0] =	vst v0;
	s31 =	rddreg [dreg:$0x4]  }
0x19c: {  	[spmem:s31] =	stream.linear.scatter [tilespmem:s17], [sflag:$0x2], $0x8000, $0x38;
	[tilespmem:$0x1D100] =	vst v63  }
0x19d: {  	_ =	swait.ge [sflag:s18], $0x8000  }
0x19e: {  	[sflag:s18] =	ssyncset.done $0x0  }
0x19f: {  	[sflag:s18] =	ssyncadd.s32 $0xFFFF8000  }
0x1a0: {  	[spmem:s9] =	stream.linear.scatter [tilespmem:s17], [sflag:$0x2], $0x8000, $0x38;
	[tilespmem:$0x1D100] =	vst v63  }
0x1a1: {  	_ =	swait.ge [sflag:s18], $0x8000  }
0x1a2: {  	[sflag:s18] =	ssyncset.done $0x0  }
0x1a3: {  	[sflag:s18] =	ssyncadd.s32 $0xFFFF8000  }
0x1a4: {  	[spmem:s10] =	stream.linear.scatter [tilespmem:s17], [sflag:$0x2], $0x4000, $0x38;
	[tilespmem:$0x1D100] =	vst v63  }
.Ltmp9:
0x1a5: {  	_ =	swait.ge [sflag:s18], $0x4000;
	(pc) =	sbr.rel .LBB2_12-.Ltmp9, $4  }
0x1a6: {  	[sflag:s18] =	ssyncset.done $0x0  }
0x1a7: {  	[sflag:s18] =	ssyncadd.s32 $0xFFFFC000  }
0x1a8: {  	[bflag:$0x0] =	sbarrier.arrive $0xFFFF  }
0x1a9: {  	s30 =	simm.s32 $0x0  }
.LBB2_16:
0x1aa: {  	s30 =	sadd.s32 $0x1, s30  }
0x1ab: {  	p0 =	sne.s32 s30, $0x9D  }
.Ltmp10:
0x1ac: {  	_ = 	snop;
	(pc) =	sbr.rel @!p0 .LBB2_17-.Ltmp10, $1  }
0x1ad: {  	_ =	sdelay $0x3  }
.LBB2_12:
0x1ae: {  	s0 =	sshll.u32 s30, $0x4  }
0x1af: {  	s0 =	sor.u32 s5, s0  }
0x1b0: {  	p0 =	sgt.u32 s0, $0x9C3  }
.Ltmp11:
0x1b1: {  	_ = 	snop;
	(pc) =	sbr.rel @p0 .LBB2_16-.Ltmp11, $1  }
0x1b2: {  	_ =	sdelay $0x3  }
0x1b3: {  	s0 =	sshll.u32 s0, $0x4  }
0x1b4: {  	s12 =	sadd.s32 s4, s0  }
0x1b5: {  	[tilespmem:s3], [sflag:$0x3] =	stream.linear.gather [hbm4b:s12+s3], $0x80, $0x38;
	[tilespmem:$0x1D100] =	vst v63  }
0x1b6: {  	_ =	swait.ge [sflag:s19], $0x80  }
0x1b7: {  	[sflag:s19] =	ssyncset.done $0x0  }
0x1b8: {  	s0 =	sadd.s32 s6, s0;
	[sflag:s19] =	ssyncadd.s32 $0xFFFFFF80  }
0x1b9: {  	[tilespmem:s20], [sflag:$0x3] =	stream.linear.gather [hbm4b:s0+s3], $0x80, $0x38;
	[tilespmem:$0x1D100] =	vst v63  }
0x1ba: {  	_ =	swait.ge [sflag:s19], $0x80  }
0x1bb: {  	[sflag:s19] =	ssyncset.done $0x0  }
0x1bc: {  	[sflag:s19] =	ssyncadd.s32 $0xFFFFFF80  }
0x1bd: {  	[tilespmem:s21], [sflag:$0x1] =	stream.indirect.gather [hbm4b:s1+s20], $0x10, s3, s20, $0xb8;
	[tilespmem:$0x1D100] =	vst v63  }
0x1be: {  	_ = 	snop  }
0x1bf: {  	[tilespmem:s22], [sflag:$0x1] =	stream.indirect.gather [hbm4b:s1+s20], $0x10, s20, s20, $0xb8;
	[tilespmem:$0x1D100] =	vst v63  }
0x1c0: {  	_ = 	snop  }
0x1c1: {  	[tilespmem:s17], [sflag:$0x1] =	stream.indirect.gather [hbm4b:s7+s20], $0x100, s3, s20, $0xb8;
	[tilespmem:$0x1D100] =	vst v63  }
0x1c2: {  	_ =	swait.ge [sflag:s23], $0x800  }
0x1c3: {  	[sflag:s23] =	ssyncset.done $0x0  }
0x1c4: {  	[sflag:s23] =	ssyncadd.s32 $0xFFFFF800  }
0x1c5: {  	_ =	swait.ge [sflag:s23], $0x800  }
0x1c6: {  	[sflag:s23] =	ssyncset.done $0x0  }
0x1c7: {  	[sflag:s23] =	ssyncadd.s32 $0xFFFFF800  }
0x1c8: {  	_ =	swait.ge [sflag:s23], $0x8000  }
0x1c9: {  	[sflag:s23] =	ssyncset.done $0x0  }
0x1ca: {  	[sflag:s23] =	ssyncadd.s32 $0xFFFF8000  }
0x1cb: {  	v2 =	vld [tilespmem:$0x80]  }
0x1cc: {  	v3 =	vld [tilespmem:$0x90]  }
0x1cd: {  	v4 =	vld [tilespmem:$0xA0]  }
0x1ce: {  	v5 =	vld [tilespmem:$0xB0]  }
0x1cf: {  	v6 =	vld [tilespmem:$0xC0]  }
0x1d0: {  	v7 =	vld [tilespmem:$0xD0];
	v2 =	vadd.s32 $0xFFFFEC78, v2  }
0x1d1: {  	v8 =	vld [tilespmem:$0xE0];
	v3 =	vadd.s32 $0xFFFFEC78, v3;
	vm4 =	vlt.u32 v2, $0x1388  }
0x1d2: {  	v9 =	vld [tilespmem:$0xF0];
	v4 =	vadd.s32 $0xFFFFEC78, v4;
	v2 =	vnsel vm4, $0x13FF, v2;
	vm4 =	vlt.u32 v3, $0x1388  }
0x1d3: {  	[tilespmem:$0x80] =	vst v2;
	v2 =	vnsel vm4, $0x13FF, v3;
	vm4 =	vlt.u32 v4, $0x1388;
	v3 =	vadd.s32 $0xFFFFEC78, v5  }
0x1d4: {  	[tilespmem:$0x90] =	vst v2;
	v2 =	vnsel vm4, $0x13FF, v4;
	vm4 =	vlt.u32 v3, $0x1388;
	v4 =	vadd.s32 $0xFFFFEC78, v6  }
0x1d5: {  	[tilespmem:$0xA0] =	vst v2;
	v2 =	vnsel vm4, $0x13FF, v3;
	vm4 =	vlt.u32 v4, $0x1388;
	v3 =	vadd.s32 $0xFFFFEC78, v7  }
0x1d6: {  	[tilespmem:$0xB0] =	vst v2;
	v2 =	vnsel vm4, $0x13FF, v4;
	vm4 =	vlt.u32 v3, $0x1388;
	v4 =	vadd.s32 $0xFFFFEC78, v8  }
0x1d7: {  	[tilespmem:$0xC0] =	vst v2;
	v2 =	vnsel vm4, $0x13FF, v3;
	vm4 =	vlt.u32 v4, $0x1388;
	v3 =	vadd.s32 $0xFFFFEC78, v9  }
0x1d8: {  	[tilespmem:$0xD0] =	vst v2;
	v2 =	vnsel vm4, $0x13FF, v4;
	vm4 =	vlt.u32 v3, $0x1388  }
0x1d9: {  	[tilespmem:$0xE0] =	vst v2;
	v2 =	vnsel vm4, $0x13FF, v3  }
0x1da: {  	s12 =	simm.s32 $0x920;
	[tilespmem:$0xF0] =	vst v2  }
0x1db: {  	v2 =	vld [tilespmem:s12+$0x10]  }
0x1dc: {  	s13 =	simm.s32 $0x120;
	v4 =	vld [tilespmem:s12+$0xFFFFFFF0]  }
0x1dd: {  	v5 =	vld [tilespmem:s13+$0x10]  }
0x1de: {  	v6 =	vld [tilespmem:s13+$0xFFFFFFF0]  }
0x1df: {  	v3 =	vld [tilespmem:s12+$0xFFFFFFE0]  }
0x1e0: {  	s31 =	simm.s32 $0x1300;
	v7 =	vld [tilespmem:s13+$0xFFFFFFE0];
	v2 =	vperm.xlane v2, v1  }
0x1e1: {  	v10 =	vld [tilespmem:s31+$0xFFFFFE30];
	v4 =	vperm.xlane v4, v1  }
0x1e2: {  	v11 =	vld [tilespmem:s31+$0xFFFFFE40];
	v2 =	vadd.f32 v2, v5  }
0x1e3: {  	v12 =	vld [tilespmem:s31+$0xFFFFFE50];
	v4 =	vadd.f32 v4, v6  }
0x1e4: {  	v14 =	vld [tilespmem:s31+$0xFFFFFE60];
	v5 =	vmul.f32 $2.000000030e-01, v2  }
0x1e5: {  	v16 =	vld [tilespmem:s31+$0xFFFFFE80];
	v3 =	vperm.xlane v3, v1;
	vm4 =	vge.f32 v2, $0.0e+00;
	v6 =	vmul.f32 $2.000000030e-01, v4  }
0x1e6: {  	v17 =	vld [tilespmem:s31+$0xFFFFFE90];
	v2 =	vsel vm4, v2, v5;
	vm4 =	vge.f32 v4, $0.0e+00  }
0x1e7: {  	v18 =	vld [tilespmem:s31+$0xFFFFFEA0];
	v3 =	vadd.f32 v3, v7;
	v2 =	vmul.f32 $1.442695020e+00, v2;
	v4 =	vsel vm4, v4, v6  }
0x1e8: {  	v20 =	vld [tilespmem:s31+$0xFFFFFEB0];
	v4 =	vmul.f32 $1.442695020e+00, v4  }
0x1e9: {  	v21 =	vld [tilespmem:s31+$0xFFFFFEC0];
	v5 =	vmul.f32 $2.000000030e-01, v3;
	(erf) = vpow2.f32 v2  }
0x1ea: {  	v8 =	vld [tilespmem:s13+$0x0];
	vm5 =	vge.f32 v3, $0.0e+00;
	(erf) = vpow2.f32 v4  }
0x1eb: {  	v22 =	vld [tilespmem:s31+$0xFFFFFED0];
	v3 =	vsel vm5, v3, v5  }
0x1ec: {  	v23 =	vld [tilespmem:s31+$0x1F0];
	v2 =	vmul.f32 $1.442695020e+00, v3  }
0x1ed: {  	v24 =	vld [tilespmem:s31+$0xFFFFFEE0]  }
0x1ee: {  	v25 =	vld [tilespmem:s31+$0xFFFFFF10];
	(erf) = vpow2.f32 v2  }
0x1ef: {  	v26 =	vld [tilespmem:s31+$0xFFFFFF20]  }
0x1f0: {  	v27 =	vld [tilespmem:s31+$0xFFFFFF30]  }
0x1f1: {  	v28 =	vld [tilespmem:s31+$0xFFFFFF40]  }
0x1f2: {  	v29 =	vld [tilespmem:s31+$0xFFFFFF50];
	v6 =	vpop (erf)  }
0x1f3: {  	v30 =	vld [tilespmem:s31+$0xFFFFFF60];
	v13 =	vpop (erf)  }
0x1f4: {  	v31 =	vld [tilespmem:s31+$0xFFFFFF70];
	v9 =	vbroadcast v13, $0x0  }
0x1f5: {  	v2 =	vld [tilespmem:s31+$0xFFFFFE00]  }
0x1f6: {  	v3 =	vld [tilespmem:s31+$0xFFFFFE10];
	v26 =	vmul.f32 v9, v26  }
0x1f7: {  	v55 =	vld [tilespmem:s31+$0xFFFFFEF0];
	v5 =	vpop (erf);
	v42 =	vmul.f32 v28, v9  }
0x1f8: {  	v34 =	vld [tilespmem:s31+$0x0];
	v15 =	vbroadcast v5, $0x0;
	v43 =	vmul.f32 v29, v9;
	[tilespmem:s31+$0xFFFFFF20] =	vst v26  }
0x1f9: {  	v35 =	vld [tilespmem:s31+$0x10];
	v45 =	vmul.f32 v30, v9;
	[tilespmem:s31+$0xFFFFFF40] =	vst v42  }
0x1fa: {  	v57 =	vld [tilespmem:s31+$0x20];
	v2 =	vmul.f32 v15, v2;
	[tilespmem:s31+$0xFFFFFF50] =	vst v43  }
0x1fb: {  	v19 =	vbroadcast v5, $0x1;
	v5 =	vld [tilespmem:s12+$0x0];
	v3 =	vmul.f32 v15, v3;
	[tilespmem:s31+$0xFFFFFF60] =	vst v45  }
0x1fc: {  	v36 =	vld [tilespmem:s31+$0x30];
	v10 =	vmul.f32 v10, v15;
	[tilespmem:s31+$0xFFFFFE00] =	vst v2  }
0x1fd: {  	v58 =	vld [tilespmem:s31+$0x40];
	v11 =	vmul.f32 v11, v15;
	[tilespmem:s31+$0xFFFFFE10] =	vst v3  }
0x1fe: {  	v7 =	vld [tilespmem:s31+$0xFFFFFE70];
	v12 =	vmul.f32 v12, v15;
	[tilespmem:s31+$0xFFFFFE30] =	vst v10  }
0x1ff: {  	v37 =	vld [tilespmem:s31+$0x50];
	v14 =	vmul.f32 v14, v15;
	[tilespmem:s31+$0xFFFFFE40] =	vst v11  }
0x200: {  	v38 =	vld [tilespmem:s31+$0x60];
	v16 =	vmul.f32 v16, v19;
	[tilespmem:s31+$0xFFFFFE50] =	vst v12;
	v3 =	vperm.xlane v5, v1  }
0x201: {  	v39 =	vld [tilespmem:s31+$0x70];
	v18 =	vmul.f32 v18, v19;
	[tilespmem:s31+$0xFFFFFE60] =	vst v14  }
0x202: {  	v40 =	vld [tilespmem:s31+$0xA0];
	v20 =	vmul.f32 v20, v19;
	v2 =	vsel vm0, v15, v19;
	[tilespmem:s31+$0xFFFFFE80] =	vst v16;
	v3 =	vadd.f32 v3, v8  }
0x203: {  	[tilespmem:s31+$0xFFFFFEA0] =	vst v18;
	v2 =	vmul.f32 v7, v2;
	v7 =	vld [tilespmem:s31+$0xFFFFFF90]  }
0x204: {  	v4 =	vld [tilespmem:s31+$0xFFFFFE20];
	v21 =	vmul.f32 v21, v19;
	[tilespmem:s31+$0xFFFFFEB0] =	vst v20;
	v5 =	vmul.f32 $2.000000030e-01, v3  }
0x205: {  	v22 =	vmul.f32 v22, v19;
	[tilespmem:s31+$0xFFFFFE70] =	vst v2;
	v2 =	vld [tilespmem:s31+$0xFFFFFF00];
	vm4 =	vge.f32 v3, $0.0e+00  }
0x206: {  	v63 =	vld [tilespmem:s31+$0xFFFFFFF0];
	v11 =	vbroadcast v13, $0x1;
	v12 =	vmul.f32 v17, v19;
	[tilespmem:s31+$0xFFFFFEC0] =	vst v21;
	v3 =	vsel vm4, v3, v5  }
0x207: {  	v16 =	vmul.f32 v9, v25;
	[tilespmem:s31+$0xFFFFFED0] =	vst v22;
	v8 =	vld [tilespmem:s31+$0xFFFFFF80];
	v32 =	vmul.f32 $1.442695020e+00, v3  }
0x208: {  	s16 =	simm.s32 $0x960;
	v50 =	vld [tilespmem:s31+$0x120];
	[tilespmem:s31+$0xFFFFFE90] =	vst v12;
	v7 =	vmul.f32 v7, v11  }
0x209: {  	s0 =	simm.s32 $0x160;
	v60 =	vnsel vm1, $0x0, v19;
	v20 =	vld [tilespmem:s16+$0xFFFFFFE0];
	[tilespmem:s31+$0xFFFFFF10] =	vst v16;
	v5 =	vmul.f32 v15, v4;
	(erf) = vpow2.f32 v32  }
0x20a: {  	v44 =	vld [tilespmem:s0+$0xFFFFFFE0];
	v4 =	vbroadcast v6, $0x1;
	v15 =	vsel vm2, v60, v15;
	v33 =	vmul.f32 v9, v2;
	[tilespmem:s31+$0xFFFFFF90] =	vst v7  }
0x20b: {  	v60 =	vld [tilespmem:s31+$0x180];
	v2 =	vbroadcast v6, $0x0;
	v15 =	vsel vm3, v15, v19;
	v19 =	vmul.f32 v24, v19;
	[tilespmem:s31+$0xFFFFFE20] =	vst v5  }
0x20c: {  	v3 =	vld [tilespmem:s31+$0xFFFFFFA0];
	v8 =	vmul.f32 v8, v11;
	v56 =	vnsel vm1, $0x0, v4;
	[tilespmem:s31+$0xFFFFFF00] =	vst v33  }
0x20d: {  	v6 =	vld [tilespmem:s31+$0xFFFFFFC0];
	v15 =	vmul.f32 v55, v15;
	v33 =	vsel vm2, v56, v2;
	[tilespmem:s31+$0xFFFFFEE0] =	vst v19  }
0x20e: {  	v20 =	vperm.xlane v20, v1;
	v5 =	vld [tilespmem:s31+$0xFFFFFFB0];
	v21 =	vmul.f32 v2, v50;
	[tilespmem:s31+$0xFFFFFF80] =	vst v8;
	v33 =	vsel vm3, v33, v4  }
0x20f: {  	v41 =	vld [tilespmem:s16+$0xFFFFFFF0];
	[tilespmem:s31+$0xFFFFFEF0] =	vst v15;
	v23 =	vmul.f32 v23, v33  }
0x210: {  	v46 =	vld [tilespmem:s31+$0x100];
	v20 =	vadd.f32 v20, v44;
	[tilespmem:s31+$0x120] =	vst v21;
	v44 =	vmul.f32 v60, v4  }
0x211: {  	v48 =	vld [tilespmem:s31+$0x110];
	v3 =	vmul.f32 v3, v11;
	[tilespmem:s31+$0x1F0] =	vst v23  }
0x212: {  	v52 =	vld [tilespmem:s31+$0x130];
	v6 =	vmul.f32 v6, v11;
	[tilespmem:s31+$0x180] =	vst v44;
	v13 =	vpop (erf)  }
0x213: {  	v14 =	vld [tilespmem:s31+$0x80];
	v59 =	vsel vm0, v9, v11;
	v5 =	vmul.f32 v5, v11;
	[tilespmem:s31+$0xFFFFFFA0] =	vst v3;
	v10 =	vbroadcast v13, $0x0  }
0x214: {  	v17 =	vld [tilespmem:s31+$0x90];
	[tilespmem:s31+$0xFFFFFFC0] =	vst v6;
	v12 =	vbroadcast v13, $0x1;
	v13 =	vmul.f32 v31, v59  }
0x215: {  	v18 =	vld [tilespmem:s16+$0x10];
	[tilespmem:s31+$0xFFFFFFB0] =	vst v5;
	v34 =	vmul.f32 v10, v34  }
0x216: {  	v16 =	vld [tilespmem:s31+$0xB0];
	v61 =	vmul.f32 v10, v35;
	[tilespmem:s31+$0xFFFFFF70] =	vst v13  }
0x217: {  	v19 =	vld [tilespmem:s0+$0xFFFFFFF0];
	v47 =	vmul.f32 v10, v57;
	[tilespmem:s31+$0x0] =	vst v34  }
0x218: {  	v55 =	vld [tilespmem:s31+$0x140];
	v49 =	vmul.f32 v36, v10;
	[tilespmem:s31+$0x10] =	vst v61  }
0x219: {  	v22 =	vperm.xlane v41, v1;
	v35 =	vld [tilespmem:s0+$0x10];
	v23 =	vmul.f32 v58, v10;
	[tilespmem:s31+$0x20] =	vst v47  }
0x21a: {  	v26 =	vld [tilespmem:s31+$0xD0];
	v18 =	vperm.xlane v18, v1;
	v51 =	vmul.f32 v37, v10;
	[tilespmem:s31+$0x30] =	vst v49  }
0x21b: {  	v43 =	vld [tilespmem:s0+$0x0];
	v53 =	vmul.f32 v38, v10;
	v14 =	vmul.f32 v14, v12;
	[tilespmem:s31+$0x40] =	vst v23  }
0x21c: {  	v19 =	vadd.f32 v22, v19;
	v59 =	vld [tilespmem:s31+$0x170];
	v17 =	vmul.f32 v17, v12;
	v58 =	vmul.f32 v40, v12;
	[tilespmem:s31+$0x50] =	vst v51  }
0x21d: {  	v56 =	vld [tilespmem:s31+$0x150];
	v62 =	vsel vm0, v10, v12;
	v16 =	vmul.f32 v16, v12;
	v38 =	vmul.f32 v55, v2;
	[tilespmem:s31+$0x60] =	vst v53  }
0x21e: {  	v15 =	vld [tilespmem:s31+$0xE0];
	v25 =	vmul.f32 v39, v62;
	v39 =	vmul.f32 v27, v9;
	[tilespmem:s31+$0x80] =	vst v14;
	v18 =	vadd.f32 v18, v35  }
0x21f: {  	v31 =	vld [tilespmem:s31+$0xFFFFFFD0];
	v36 =	vsel vm0, v2, v4;
	v27 =	vmul.f32 v2, v46;
	v14 =	vmul.f32 $2.000000030e-01, v19;
	[tilespmem:s31+$0x90] =	vst v17  }
0x220: {  	v13 =	vld [tilespmem:s31+$0xC0];
	v17 =	vmul.f32 $2.000000030e-01, v20;
	[tilespmem:s31+$0xA0] =	vst v58;
	v61 =	vnsel vm1, $0x0, v11;
	v54 =	vmul.f32 $2.000000030e-01, v18  }
0x221: {  	v57 =	vld [tilespmem:s31+$0x160];
	[tilespmem:s31+$0xB0] =	vst v16;
	v9 =	vsel vm2, v61, v9;
	v24 =	vmul.f32 v59, v36;
	vm4 =	vge.f32 v18, $0.0e+00  }
0x222: {  	v37 =	vld [tilespmem:s31+$0x1D0];
	[tilespmem:s31+$0x140] =	vst v38;
	v9 =	vsel vm3, v9, v11;
	v18 =	vsel vm4, v18, v54;
	vm4 =	vge.f32 v19, $0.0e+00  }
0x223: {  	v34 =	vld [tilespmem:s31+$0xFFFFFFE0];
	[tilespmem:s31+$0x70] =	vst v25;
	v18 =	vmul.f32 $1.442695020e+00, v18;
	v14 =	vsel vm4, v19, v14;
	vm4 =	vge.f32 v20, $0.0e+00  }
0x224: {  	v16 =	vld [tilespmem:s31+$0xF0];
	[tilespmem:s31+$0xFFFFFF30] =	vst v39;
	v8 =	vmul.f32 v63, v9;
	v17 =	vsel vm4, v20, v17;
	v14 =	vmul.f32 $1.442695020e+00, v14  }
0x225: {  	[tilespmem:s31+$0x100] =	vst v27;
	v9 =	vld [tilespmem:s31+$0x1C0];
	(erf) = vpow2.f32 v18;
	v17 =	vmul.f32 $1.442695020e+00, v17  }
0x226: {  	[tilespmem:s31+$0x170] =	vst v24;
	v19 =	vmul.f32 v2, v48;
	v20 =	vld [tilespmem:s31+$0x1A0];
	(erf) = vpow2.f32 v14  }
0x227: {  	v13 =	vmul.f32 v13, v12;
	[tilespmem:s31+$0xFFFFFFF0] =	vst v8;
	v18 =	vld [tilespmem:s31+$0x190];
	(erf) = vpow2.f32 v17  }
0x228: {  	v5 =	vmul.f32 v34, v11;
	[tilespmem:s31+$0x110] =	vst v19;
	v19 =	vld [tilespmem:s16+$0x0]  }
0x229: {  	v28 =	vmul.f32 v37, v4;
	[tilespmem:s31+$0xC0] =	vst v13;
	s16 =	simm.s32 $0x1700;
	v14 =	vld [tilespmem:s31+$0x1B0]  }
0x22a: {  	[tilespmem:s31+$0xFFFFFFE0] =	vst v5;
	v5 =	vmul.f32 v26, v12;
	v7 =	vld [tilespmem:s16+$0xFFFFFE00];
	v17 =	vmul.f32 v31, v11  }
0x22b: {  	[tilespmem:s31+$0x1D0] =	vst v28;
	v9 =	vmul.f32 v9, v4;
	v8 =	vld [tilespmem:s16+$0xFFFFFE10];
	v11 =	vnsel vm1, $0x0, v12  }
0x22c: {  	[tilespmem:s31+$0xD0] =	vst v5;
	v3 =	vld [tilespmem:s16+$0xFFFFFE20];
	v10 =	vsel vm2, v11, v10  }
0x22d: {  	[tilespmem:s31+$0x1C0] =	vst v9;
	v45 =	vld [tilespmem:s16+$0xFFFFFF00];
	v10 =	vsel vm3, v10, v12;
	v12 =	vmul.f32 v15, v12  }
0x22e: {  	v62 =	vld [tilespmem:s16+$0xFFFFFE30];
	[tilespmem:s31+$0xFFFFFFD0] =	vst v17;
	v20 =	vmul.f32 v20, v4;
	v17 =	vpop (erf)  }
0x22f: {  	v6 =	vld [tilespmem:s16+$0xFFFFFE40];
	v5 =	vmul.f32 v16, v10;
	[tilespmem:s31+$0xE0] =	vst v12;
	v11 =	vpop (erf)  }
0x230: {  	v63 =	vld [tilespmem:s16+$0xFFFFFE50];
	v12 =	vmul.f32 v52, v2;
	[tilespmem:s31+$0x1A0] =	vst v20;
	v13 =	vpop (erf);
	v48 =	vbroadcast v11, $0x0  }
0x231: {  	v33 =	vld [tilespmem:s16+$0xFFFFFE60];
	v14 =	vmul.f32 v14, v4;
	[tilespmem:s31+$0xF0] =	vst v5;
	v10 =	vbroadcast v13, $0x0  }
0x232: {  	v34 =	vld [tilespmem:s16+$0xFFFFFE90];
	[tilespmem:s31+$0x130] =	vst v12;
	v51 =	vmul.f32 v48, v45  }
0x233: {  	v39 =	vld [tilespmem:s16+$0xFFFFFEC0];
	[tilespmem:s31+$0x1B0] =	vst v14;
	v5 =	vmul.f32 v10, v7  }
0x234: {  	v40 =	vld [tilespmem:s16+$0xFFFFFED0];
	v8 =	vmul.f32 v10, v8;
	[tilespmem:s16+$0xFFFFFF00] =	vst v51  }
0x235: {  	v15 =	vld [tilespmem:s16+$0xFFFFFE70];
	v42 =	vmul.f32 v10, v3;
	[tilespmem:s16+$0xFFFFFE00] =	vst v5  }
0x236: {  	v16 =	vld [tilespmem:s16+$0xFFFFFE80];
	v9 =	vmul.f32 v62, v10;
	[tilespmem:s16+$0xFFFFFE10] =	vst v8  }
0x237: {  	v41 =	vld [tilespmem:s16+$0x1F0];
	v12 =	vbroadcast v13, $0x1;
	v6 =	vmul.f32 v6, v10;
	[tilespmem:s16+$0xFFFFFE20] =	vst v42  }
0x238: {  	v46 =	vld [tilespmem:s16+$0xFFFFFF50];
	v25 =	vmul.f32 v63, v10;
	[tilespmem:s16+$0xFFFFFE30] =	vst v9  }
0x239: {  	v47 =	vld [tilespmem:s16+$0xFFFFFF60];
	v26 =	vmul.f32 v33, v10;
	v5 =	vsel vm0, v10, v12;
	[tilespmem:s16+$0xFFFFFE40] =	vst v6  }
0x23a: {  	v49 =	vld [tilespmem:s16+$0xFFFFFF90];
	v3 =	vbroadcast v17, $0x0;
	[tilespmem:s16+$0xFFFFFE50] =	vst v25;
	v15 =	vmul.f32 v15, v5  }
0x23b: {  	v7 =	vld [tilespmem:s16+$0xFFFFFEA0];
	v16 =	vmul.f32 v16, v12;
	v53 =	vmul.f32 v34, v12;
	[tilespmem:s16+$0xFFFFFE60] =	vst v26  }
0x23c: {  	v8 =	vmul.f32 v56, v2;
	v9 =	vld [tilespmem:s16+$0xFFFFFF70];
	[tilespmem:s16+$0xFFFFFE70] =	vst v15;
	v15 =	vmul.f32 v57, v2  }
0x23d: {  	v58 =	vld [tilespmem:s16+$0x70];
	[tilespmem:s16+$0xFFFFFE80] =	vst v16;
	v2 =	vbroadcast v17, $0x1;
	v17 =	vmul.f32 v18, v4  }
0x23e: {  	v11 =	vbroadcast v11, $0x1;
	v6 =	vld [tilespmem:s16+$0xFFFFFF80];
	[tilespmem:s16+$0xFFFFFE90] =	vst v53  }
0x23f: {  	[tilespmem:s31+$0x190] =	vst v17;
	v17 =	vld [tilespmem:s16+$0xFFFFFF10]  }
0x240: {  	v19 =	vperm.xlane v19, v1;
	v55 =	vsel vm0, v48, v11;
	v16 =	vld [tilespmem:s16+$0xFFFFFFB0];
	[tilespmem:s31+$0x150] =	vst v8;
	v7 =	vmul.f32 v7, v12  }
0x241: {  	v13 =	vld [tilespmem:s16+$0xFFFFFEB0];
	[tilespmem:s31+$0x160] =	vst v15;
	v9 =	vmul.f32 v9, v55  }
0x242: {  	v19 =	vadd.f32 v19, v43;
	v8 =	vld [tilespmem:s16+$0xFFFFFEE0];
	[tilespmem:s16+$0xFFFFFEA0] =	vst v7;
	v7 =	vmul.f32 v39, v12  }
0x243: {  	v60 =	vld [tilespmem:s16+$0x90];
	v6 =	vmul.f32 v6, v11;
	[tilespmem:s16+$0xFFFFFF70] =	vst v9  }
0x244: {  	v20 =	vld [tilespmem:s16+$0xFFFFFF20];
	v54 =	vmul.f32 $2.000000030e-01, v19;
	vm4 =	vge.f32 v19, $0.0e+00;
	[tilespmem:s16+$0xFFFFFEC0] =	vst v7;
	v17 =	vmul.f32 v48, v17  }
0x245: {  	v50 =	vnsel vm1, $0x0, v12;
	v18 =	vnsel vm1, $0x0, v2;
	v15 =	vld [tilespmem:s16+$0xFFFFFEF0];
	v16 =	vmul.f32 v16, v11;
	[tilespmem:s16+$0xFFFFFF80] =	vst v6  }
0x246: {  	v52 =	vld [tilespmem:s16+$0xFFFFFFA0];
	v18 =	vsel vm2, v18, v3;
	v9 =	vmul.f32 v13, v12;
	[tilespmem:s16+$0xFFFFFF10] =	vst v17;
	v17 =	vsel vm4, v19, v54  }
0x247: {  	v14 =	vld [tilespmem:s16+$0xFFFFFF30];
	v18 =	vsel vm3, v18, v2;
	v8 =	vmul.f32 v8, v12;
	[tilespmem:s16+$0xFFFFFFB0] =	vst v16;
	v17 =	vmul.f32 $1.442695020e+00, v17  }
0x248: {  	v10 =	vsel vm2, v50, v10;
	v13 =	vld [tilespmem:s16+$0xFFFFFFE0];
	v18 =	vmul.f32 v41, v18;
	[tilespmem:s16+$0xFFFFFEB0] =	vst v9  }
0x249: {  	v56 =	vld [tilespmem:s16+$0x50];
	v10 =	vsel vm3, v10, v12;
	[tilespmem:s16+$0xFFFFFEE0] =	vst v8;
	v8 =	vmul.f32 v46, v48;
	(erf) = vpow2.f32 v17  }
0x24a: {  	v5 =	vld [tilespmem:s31+$0x1E0];
	[tilespmem:s16+$0x1F0] =	vst v18;
	v10 =	vmul.f32 v15, v10  }
0x24b: {  	v18 =	vld [tilespmem:s16+$0xFFFFFF40];
	[tilespmem:s16+$0xFFFFFF50] =	vst v8;
	v19 =	vmul.f32 v48, v20  }
0x24c: {  	v7 =	vld [tilespmem:s16+$0x0];
	[tilespmem:s16+$0xFFFFFEF0] =	vst v10;
	v20 =	vmul.f32 v47, v48  }
0x24d: {  	v9 =	vld [tilespmem:s16+$0xFFFFFFF0];
	v63 =	vmul.f32 v13, v11;
	[tilespmem:s16+$0xFFFFFF20] =	vst v19  }
0x24e: {  	v15 =	vld [tilespmem:s16+$0xFFFFFFC0];
	[tilespmem:s16+$0xFFFFFF60] =	vst v20;
	v17 =	vmul.f32 v40, v12  }
0x24f: {  	v10 =	vld [tilespmem:s16+$0xFFFFFFD0];
	v19 =	vnsel vm1, $0x0, v11;
	[tilespmem:s16+$0xFFFFFFE0] =	vst v63;
	v12 =	vmul.f32 v14, v48  }
0x250: {  	v14 =	vld [tilespmem:s16+$0x10];
	v19 =	vsel vm2, v19, v48;
	[tilespmem:s16+$0xFFFFFED0] =	vst v17;
	v17 =	vmul.f32 v18, v48  }
0x251: {  	v8 =	vsel vm3, v19, v11;
	v19 =	vmul.f32 v49, v11;
	v18 =	vld [tilespmem:s16+$0x20];
	[tilespmem:s16+$0xFFFFFF30] =	vst v12  }
0x252: {  	v6 =	vmul.f32 v9, v8;
	[tilespmem:s16+$0xFFFFFF40] =	vst v17;
	v17 =	vld [tilespmem:s16+$0x40];
	v57 =	vpop (erf)  }
0x253: {  	v20 =	vld [tilespmem:s16+$0x60];
	v15 =	vmul.f32 v15, v11;
	[tilespmem:s16+$0xFFFFFF90] =	vst v19;
	v59 =	vbroadcast v57, $0x0  }
0x254: {  	v8 =	vmul.f32 v52, v11;
	v19 =	vld [tilespmem:s16+$0x80];
	[tilespmem:s16+$0xFFFFFFF0] =	vst v6;
	v6 =	vbroadcast v57, $0x1  }
0x255: {  	v12 =	vld [tilespmem:s16+$0x30];
	v62 =	vmul.f32 v10, v11;
	[tilespmem:s16+$0xFFFFFFC0] =	vst v15;
	v61 =	vmul.f32 v59, v7  }
0x256: {  	v9 =	vld [tilespmem:s16+$0xA0];
	[tilespmem:s16+$0xFFFFFFA0] =	vst v8;
	v7 =	vmul.f32 v5, v4;
	v5 =	vmul.f32 v59, v14;
	v16 =	vsel vm0, v59, v6  }
0x257: {  	v8 =	vld [tilespmem:s16+$0xB0];
	[tilespmem:s16+$0xFFFFFFD0] =	vst v62;
	v4 =	vsel vm0, v3, v2;
	v14 =	vmul.f32 v59, v18;
	v13 =	vmul.f32 v17, v59  }
0x258: {  	v10 =	vld [tilespmem:s16+$0xC0];
	v17 =	vmul.f32 v56, v59;
	v18 =	vmul.f32 v58, v16;
	[tilespmem:s16+$0x10] =	vst v5;
	v5 =	vnsel vm1, $0x0, v6  }
0x259: {  	v11 =	vld [tilespmem:s16+$0xD0];
	v15 =	vmul.f32 v20, v59;
	v19 =	vmul.f32 v19, v6;
	[tilespmem:s16+$0x0] =	vst v61;
	v5 =	vsel vm2, v5, v59  }
0x25a: {  	s13 =	simm.s32 $0x9A0;
	s12 =	simm.s32 $0x4;
	v16 =	vmul.f32 v12, v59;
	v12 =	vld [tilespmem:s16+$0xE0];
	[tilespmem:s16+$0x70] =	vst v18;
	v18 =	vmul.f32 v60, v6;
	v5 =	vsel vm3, v5, v6  }
.LBB2_14:
0x25b: {  	v20 =	vld [tilespmem:s13+$0x10];
	s12 =	sadd.s32 $0x4, s12;
	[tilespmem:s16+$0x20] =	vst v14;
	v9 =	vmul.f32 v9, v6  }
0x25c: {  	s0 =	sadd.s32 $0x40, s0;
	v14 =	vld [tilespmem:s13+$0xFFFFFFE0];
	p0 =	slt.u32 s12, $0x7C;
	[tilespmem:s16+$0x30] =	vst v16;
	v8 =	vmul.f32 v8, v6  }
0x25d: {  	v16 =	vld [tilespmem:s0+$0x10];
	[tilespmem:s16+$0x40] =	vst v13;
	v10 =	vmul.f32 v10, v6  }
0x25e: {  	v13 =	vld [tilespmem:s13+$0xFFFFFFF0];
	[tilespmem:s16+$0x50] =	vst v17;
	v11 =	vmul.f32 v11, v6  }
0x25f: {  	v17 =	vld [tilespmem:s13+$0x0];
	[tilespmem:s16+$0x60] =	vst v15;
	v6 =	vmul.f32 v12, v6  }
0x260: {  	v12 =	vld [tilespmem:s0+$0xFFFFFFF0];
	v15 =	vperm.xlane v20, v1;
	[tilespmem:s16+$0x80] =	vst v19  }
0x261: {  	v14 =	vperm.xlane v14, v1;
	v19 =	vld [tilespmem:s0+$0x0];
	[tilespmem:s16+$0x90] =	vst v18  }
0x262: {  	v18 =	vld [tilespmem:s0+$0xFFFFFFE0];
	v15 =	vadd.f32 v15, v16;
	[tilespmem:s16+$0xA0] =	vst v9  }
0x263: {  	v9 =	vperm.xlane v13, v1;
	[tilespmem:s16+$0xB0] =	vst v8;
	v8 =	vld [tilespmem:s16+$0xF0]  }
0x264: {  	v13 =	vperm.xlane v17, v1;
	v16 =	vmul.f32 $2.000000030e-01, v15;
	[tilespmem:s16+$0xC0] =	vst v10;
	v10 =	vld [tilespmem:s16+$0x100]  }
0x265: {  	vm4 =	vge.f32 v15, $0.0e+00;
	v9 =	vadd.f32 v9, v12;
	[tilespmem:s16+$0xD0] =	vst v11;
	v11 =	vld [tilespmem:s16+$0x110]  }
0x266: {  	v12 =	vadd.f32 v13, v19;
	v13 =	vsel vm4, v15, v16;
	[tilespmem:s16+$0xE0] =	vst v6;
	v6 =	vld [tilespmem:s16+$0x120]  }
0x267: {  	v14 =	vadd.f32 v14, v18;
	v15 =	vmul.f32 $2.000000030e-01, v9;
	v13 =	vmul.f32 $1.442695020e+00, v13;
	v16 =	vld [tilespmem:s16+$0x130];
	[tilespmem:s31+$0x1E0] =	vst v7;
	s31 =	smov.u32 s16  }
0x268: {  	vm4 =	vge.f32 v9, $0.0e+00;
	vm5 =	vge.f32 v12, $0.0e+00;
	v7 =	vmul.f32 $2.000000030e-01, v12;
	v17 =	vld [tilespmem:s16+$0x140]  }
0x269: {  	vm6 =	vge.f32 v14, $0.0e+00;
	v18 =	vmul.f32 $2.000000030e-01, v14;
	(erf) = vpow2.f32 v13;
	v13 =	vld [tilespmem:s16+$0x150]  }
0x26a: {  	v5 =	vmul.f32 v8, v5;
	v9 =	vsel vm4, v9, v15;
	v7 =	vsel vm5, v12, v7;
	v8 =	vld [tilespmem:s16+$0x160]  }
0x26b: {  	v9 =	vmul.f32 $1.442695020e+00, v9;
	v12 =	vsel vm6, v14, v18;
	v7 =	vmul.f32 $1.442695020e+00, v7;
	v14 =	vld [tilespmem:s16+$0x170]  }
0x26c: {  	v12 =	vmul.f32 $1.442695020e+00, v12;
	[tilespmem:s16+$0xF0] =	vst v5;
	v5 =	vmul.f32 v3, v10;
	v10 =	vld [tilespmem:s16+$0x180]  }
0x26d: {  	(erf) = vpow2.f32 v9;
	v9 =	vmul.f32 v3, v11;
	v11 =	vld [tilespmem:s16+$0x190]  }
0x26e: {  	(erf) = vpow2.f32 v12;
	[tilespmem:s16+$0x100] =	vst v5;
	v5 =	vmul.f32 v3, v6;
	v6 =	vld [tilespmem:s16+$0x1A0]  }
0x26f: {  	(erf) = vpow2.f32 v7;
	[tilespmem:s16+$0x110] =	vst v9;
	v7 =	vmul.f32 v16, v3;
	v9 =	vld [tilespmem:s16+$0x1B0]  }
0x270: {  	[tilespmem:s16+$0x120] =	vst v5;
	v5 =	vmul.f32 v17, v3;
	v4 =	vmul.f32 v14, v4;
	v12 =	vld [tilespmem:s16+$0x1C0]  }
0x271: {  	v8 =	vmul.f32 v8, v3;
	[tilespmem:s16+$0x130] =	vst v7;
	v7 =	vmul.f32 v13, v3;
	v13 =	vld [tilespmem:s16+$0x1D0]  }
0x272: {  	v10 =	vmul.f32 v10, v2;
	s16 =	sadd.s32 $0x400, s16;
	v3 =	vpop (erf);
	[tilespmem:s31+$0x170] =	vst v4;
	v11 =	vmul.f32 v11, v2;
	v14 =	vld [tilespmem:s31+$0x1E0]  }
0x273: {  	v15 =	vbroadcast v3, $0x1;
	v16 =	vld [tilespmem:s16+$0x1F0];
	[tilespmem:s31+$0x140] =	vst v5;
	v5 =	vmul.f32 v6, v2  }
0x274: {  	v3 =	vbroadcast v3, $0x0;
	v17 =	vld [tilespmem:s16+$0xFFFFFE00];
	[tilespmem:s31+$0x150] =	vst v7;
	v7 =	vmul.f32 v9, v2  }
0x275: {  	v18 =	vld [tilespmem:s16+$0xFFFFFE10];
	v6 =	vnsel vm1, $0x0, v15;
	[tilespmem:s31+$0x160] =	vst v8;
	v12 =	vmul.f32 v12, v2  }
0x276: {  	v4 =	vsel vm0, v3, v15;
	v19 =	vld [tilespmem:s16+$0xFFFFFE20];
	v6 =	vsel vm2, v6, v3;
	v8 =	vpop (erf);
	[tilespmem:s31+$0x180] =	vst v10;
	v10 =	vmul.f32 v13, v2  }
0x277: {  	v13 =	vld [tilespmem:s16+$0xFFFFFE30];
	v20 =	vbroadcast v8, $0x0;
	v9 =	vbroadcast v8, $0x1;
	v6 =	vsel vm3, v6, v15;
	v8 =	vpop (erf);
	[tilespmem:s31+$0x190] =	vst v11  }
0x278: {  	v11 =	vbroadcast v8, $0x1;
	v21 =	vld [tilespmem:s16+$0xFFFFFE40];
	v16 =	vmul.f32 v16, v6;
	v22 =	vpop (erf);
	[tilespmem:s31+$0x1A0] =	vst v5  }
0x279: {  	v23 =	vbroadcast v8, $0x0;
	v24 =	vld [tilespmem:s16+$0xFFFFFE50];
	v5 =	vnsel vm1, $0x0, v9;
	v6 =	vbroadcast v22, $0x1;
	[tilespmem:s31+$0x1B0] =	vst v7  }
0x27a: {  	v8 =	vbroadcast v22, $0x0;
	v7 =	vld [tilespmem:s16+$0xFFFFFE60];
	v25 =	vnsel vm1, $0x0, v11;
	v5 =	vsel vm2, v5, v20;
	[tilespmem:s16+$0x1F0] =	vst v16  }
0x27b: {  	v16 =	vld [tilespmem:s16+$0xFFFFFE70];
	v22 =	vsel vm2, v25, v23;
	v25 =	vsel vm3, v5, v9;
	v5 =	vnsel vm1, $0x0, v6;
	[tilespmem:s31+$0x1C0] =	vst v12  }
0x27c: {  	v12 =	vsel vm0, v23, v11;
	v26 =	vld [tilespmem:s16+$0xFFFFFE80];
	v22 =	vsel vm3, v22, v11;
	v5 =	vsel vm2, v5, v8;
	[tilespmem:s31+$0x1D0] =	vst v10  }
0x27d: {  	v28 =	vsel vm0, v20, v9;
	v10 =	vsel vm0, v8, v6;
	v27 =	vld [tilespmem:s16+$0xFFFFFE90];
	v5 =	vsel vm3, v5, v6  }
0x27e: {  	v17 =	vmul.f32 v23, v17;
	v18 =	vmul.f32 v23, v18;
	v29 =	vld [tilespmem:s16+$0xFFFFFEA0]  }
0x27f: {  	v19 =	vmul.f32 v23, v19;
	v13 =	vmul.f32 v13, v23;
	v30 =	vld [tilespmem:s16+$0xFFFFFEB0]  }
0x280: {  	[tilespmem:s16+$0xFFFFFE00] =	vst v17;
	v17 =	vmul.f32 v21, v23;
	v12 =	vmul.f32 v16, v12;
	v16 =	vld [tilespmem:s16+$0xFFFFFEC0]  }
0x281: {  	v21 =	vmul.f32 v7, v23;
	[tilespmem:s16+$0xFFFFFE10] =	vst v18;
	v18 =	vmul.f32 v24, v23;
	v23 =	vld [tilespmem:s16+$0xFFFFFED0]  }
0x282: {  	[tilespmem:s16+$0xFFFFFE70] =	vst v12;
	v12 =	vmul.f32 v26, v11;
	v24 =	vmul.f32 v27, v11;
	v26 =	vld [tilespmem:s16+$0xFFFFFEE0]  }
0x283: {  	v7 =	vmul.f32 v14, v2;
	v2 =	vmov v15;
	[tilespmem:s16+$0xFFFFFE20] =	vst v19;
	v19 =	vmul.f32 v29, v11;
	v27 =	vld [tilespmem:s16+$0xFFFFFEF0]  }
0x284: {  	[tilespmem:s16+$0xFFFFFE30] =	vst v13;
	v13 =	vmul.f32 v30, v11;
	v14 =	vld [tilespmem:s16+$0xFFFFFF00]  }
0x285: {  	[tilespmem:s16+$0xFFFFFE40] =	vst v17;
	v15 =	vmul.f32 v16, v11;
	v16 =	vld [tilespmem:s16+$0xFFFFFF10]  }
0x286: {  	[tilespmem:s16+$0xFFFFFE50] =	vst v18;
	v17 =	vmul.f32 v23, v11;
	v18 =	vld [tilespmem:s16+$0xFFFFFF20]  }
0x287: {  	[tilespmem:s16+$0xFFFFFE60] =	vst v21;
	v11 =	vmul.f32 v26, v11;
	v21 =	vld [tilespmem:s16+$0xFFFFFF30]  }
0x288: {  	[tilespmem:s16+$0xFFFFFE80] =	vst v12;
	v12 =	vmul.f32 v27, v22;
	v22 =	vld [tilespmem:s16+$0xFFFFFF40]  }
0x289: {  	[tilespmem:s16+$0xFFFFFE90] =	vst v24;
	v14 =	vmul.f32 v20, v14;
	v23 =	vld [tilespmem:s16+$0xFFFFFF50]  }
0x28a: {  	[tilespmem:s16+$0xFFFFFEF0] =	vst v12;
	v12 =	vmul.f32 v20, v16;
	v16 =	vld [tilespmem:s16+$0xFFFFFF60]  }
0x28b: {  	[tilespmem:s16+$0xFFFFFEA0] =	vst v19;
	v18 =	vmul.f32 v20, v18;
	v19 =	vld [tilespmem:s16+$0xFFFFFF70]  }
0x28c: {  	[tilespmem:s16+$0xFFFFFEB0] =	vst v13;
	v13 =	vmul.f32 v21, v20;
	v21 =	vld [tilespmem:s16+$0xFFFFFF80]  }
0x28d: {  	[tilespmem:s16+$0xFFFFFEC0] =	vst v15;
	v15 =	vmul.f32 v22, v20;
	v22 =	vld [tilespmem:s16+$0xFFFFFF90]  }
0x28e: {  	[tilespmem:s16+$0xFFFFFED0] =	vst v17;
	v17 =	vmul.f32 v23, v20;
	v23 =	vld [tilespmem:s16+$0xFFFFFFA0]  }
0x28f: {  	[tilespmem:s16+$0xFFFFFEE0] =	vst v11;
	v11 =	vmul.f32 v16, v20;
	v16 =	vld [tilespmem:s16+$0xFFFFFFB0]  }
0x290: {  	[tilespmem:s16+$0xFFFFFF00] =	vst v14;
	v14 =	vmul.f32 v19, v28;
	v19 =	vld [tilespmem:s16+$0xFFFFFFC0]  }
0x291: {  	[tilespmem:s16+$0xFFFFFF10] =	vst v12;
	v12 =	vmul.f32 v21, v9;
	v20 =	vld [tilespmem:s16+$0xFFFFFFD0]  }
0x292: {  	[tilespmem:s16+$0xFFFFFF70] =	vst v14;
	v14 =	vmul.f32 v22, v9;
	v21 =	vld [tilespmem:s16+$0xFFFFFFE0]  }
0x293: {  	[tilespmem:s16+$0xFFFFFF20] =	vst v18;
	v18 =	vmul.f32 v23, v9;
	v22 =	vld [tilespmem:s16+$0xFFFFFFF0]  }
0x294: {  	[tilespmem:s16+$0xFFFFFF30] =	vst v13;
	v13 =	vmul.f32 v16, v9;
	v16 =	vld [tilespmem:s16+$0x0]  }
0x295: {  	[tilespmem:s16+$0xFFFFFF40] =	vst v15;
	v15 =	vmul.f32 v19, v9;
	v19 =	vld [tilespmem:s16+$0x10]  }
0x296: {  	[tilespmem:s16+$0xFFFFFF50] =	vst v17;
	v17 =	vmul.f32 v20, v9;
	v20 =	vld [tilespmem:s16+$0x20]  }
0x297: {  	[tilespmem:s16+$0xFFFFFF60] =	vst v11;
	v11 =	vmul.f32 v21, v9;
	v9 =	vld [tilespmem:s16+$0x30]  }
0x298: {  	[tilespmem:s16+$0xFFFFFF80] =	vst v12;
	v12 =	vmul.f32 v22, v25;
	v21 =	vld [tilespmem:s16+$0x40]  }
0x299: {  	[tilespmem:s16+$0xFFFFFF90] =	vst v14;
	v22 =	vmul.f32 v8, v16;
	v23 =	vld [tilespmem:s16+$0x50]  }
0x29a: {  	[tilespmem:s16+$0xFFFFFFF0] =	vst v12;
	v12 =	vmul.f32 v8, v19;
	v19 =	vld [tilespmem:s16+$0x60]  }
0x29b: {  	[tilespmem:s16+$0xFFFFFFA0] =	vst v18;
	v14 =	vmul.f32 v8, v20;
	v18 =	vld [tilespmem:s16+$0x70]  }
0x29c: {  	[tilespmem:s16+$0xFFFFFFB0] =	vst v13;
	v16 =	vmul.f32 v9, v8;
	v20 =	vld [tilespmem:s16+$0x80]  }
0x29d: {  	[tilespmem:s16+$0xFFFFFFC0] =	vst v15;
	v13 =	vmul.f32 v21, v8;
	v21 =	vld [tilespmem:s16+$0x90]  }
.Ltmp12:
0x29e: {  	[tilespmem:s16+$0xFFFFFFD0] =	vst v17;
	v17 =	vmul.f32 v23, v8;
	v9 =	vld [tilespmem:s16+$0xA0];
	(pc) =	sbr.rel @p0 .LBB2_14-.Ltmp12, $4  }
0x29f: {  	[tilespmem:s16+$0xFFFFFFE0] =	vst v11;
	v15 =	vmul.f32 v19, v8;
	v8 =	vld [tilespmem:s16+$0xB0]  }
0x2a0: {  	[tilespmem:s16+$0x0] =	vst v22;
	v18 =	vmul.f32 v18, v10;
	v10 =	vld [tilespmem:s16+$0xC0]  }
0x2a1: {  	[tilespmem:s16+$0x10] =	vst v12;
	v19 =	vmul.f32 v20, v6;
	v11 =	vld [tilespmem:s16+$0xD0]  }
0x2a2: {  	s13 =	sadd.s32 $0x40, s13;
	[tilespmem:s16+$0x70] =	vst v18;
	v18 =	vmul.f32 v21, v6;
	v12 =	vld [tilespmem:s16+$0xE0]  }
0x2a3: {  	[tilespmem:s16+$0x20] =	vst v14  }
0x2a4: {  	[tilespmem:s16+$0x30] =	vst v16  }
0x2a5: {  	[tilespmem:s16+$0x40] =	vst v13  }
0x2a6: {  	[tilespmem:s16+$0x50] =	vst v17  }
0x2a7: {  	[tilespmem:s16+$0x60] =	vst v15  }
0x2a8: {  	[tilespmem:s16+$0x80] =	vst v19  }
0x2a9: {  	v20 =	vld [tilespmem:s16+$0x100];
	v9 =	vmul.f32 v9, v6;
	[tilespmem:s31+$0x1E0] =	vst v7  }
0x2aa: {  	v39 =	vld [tilespmem:s16+$0x110];
	v8 =	vmul.f32 v8, v6;
	[tilespmem:s16+$0x90] =	vst v18  }
0x2ab: {  	v40 =	vld [tilespmem:s16+$0x120];
	[tilespmem:s16+$0xA0] =	vst v9;
	v10 =	vmul.f32 v10, v6  }
0x2ac: {  	v41 =	vld [tilespmem:s16+$0x130];
	[tilespmem:s16+$0xB0] =	vst v8;
	v11 =	vmul.f32 v11, v6  }
0x2ad: {  	v45 =	vld [tilespmem:s16+$0x170];
	[tilespmem:s16+$0xC0] =	vst v10;
	v52 =	vmul.f32 v12, v6  }
0x2ae: {  	v49 =	vld [tilespmem:s16+$0xF0];
	v46 =	vmul.f32 v3, v20;
	[tilespmem:s16+$0xD0] =	vst v11  }
0x2af: {  	v42 =	vld [tilespmem:s16+$0x140];
	v14 =	vmul.f32 v3, v39;
	[tilespmem:s16+$0xE0] =	vst v52  }
0x2b0: {  	v43 =	vld [tilespmem:s16+$0x150];
	v51 =	vmul.f32 v3, v40;
	[tilespmem:s16+$0x100] =	vst v46  }
0x2b1: {  	v44 =	vld [tilespmem:s16+$0x160];
	v54 =	vmul.f32 v41, v3;
	[tilespmem:s16+$0x110] =	vst v14  }
0x2b2: {  	v47 =	vld [tilespmem:s16+$0x180];
	v4 =	vmul.f32 v45, v4;
	[tilespmem:s16+$0x120] =	vst v51  }
0x2b3: {  	v48 =	vld [tilespmem:s16+$0x190];
	v5 =	vmul.f32 v49, v5;
	[tilespmem:s16+$0x130] =	vst v54  }
0x2b4: {  	v53 =	vld [tilespmem:s16+$0x1B0];
	v57 =	vmul.f32 v42, v3;
	[tilespmem:s16+$0x170] =	vst v4  }
0x2b5: {  	v50 =	vld [tilespmem:s16+$0x1A0];
	v58 =	vmul.f32 v43, v3;
	[tilespmem:s16+$0xF0] =	vst v5  }
0x2b6: {  	v55 =	vld [tilespmem:s16+$0x1C0];
	v3 =	vmul.f32 v44, v3;
	[tilespmem:s16+$0x140] =	vst v57  }
0x2b7: {  	v56 =	vld [tilespmem:s16+$0x1D0];
	v60 =	vmul.f32 v47, v2;
	[tilespmem:s16+$0x150] =	vst v58  }
0x2b8: {  	v59 =	vld [tilespmem:s16+$0x1E0];
	v61 =	vmul.f32 v48, v2;
	[tilespmem:s16+$0x160] =	vst v3  }
0x2b9: {  	v62 =	vmul.f32 v53, v2;
	[tilespmem:s16+$0x180] =	vst v60  }
0x2ba: {  	v3 =	vmul.f32 v50, v2;
	[tilespmem:s16+$0x190] =	vst v61  }
0x2bb: {  	v63 =	vmul.f32 v55, v2;
	[tilespmem:s16+$0x1B0] =	vst v62  }
0x2bc: {  	[tilespmem:s16+$0x1A0] =	vst v3;
	v3 =	vmul.f32 v56, v2  }
0x2bd: {  	[tilespmem:s16+$0x1C0] =	vst v63;
	v2 =	vmul.f32 v59, v2  }
0x2be: {  	[tilespmem:s16+$0x1D0] =	vst v3  }
.Ltmp13:
0x2bf: {  	[tilespmem:s16+$0x1E0] =	vst v2;
	(pc) =	sbr.rel .LBB2_16-.Ltmp13, $4  }
0x2c0: {  	[spmem:s2] =	stream.indirect.scatter.add.f32 [tilespmem:s17], [sflag:$0x2], $0x100, s20, s20, $0xb8;
	[tilespmem:$0x1D100] =	vst v63  }
0x2c1: {  	_ =	swait.ge [sflag:s18], $0x8000  }
0x2c2: {  	[sflag:s18] =	ssyncset.done $0x0  }
0x2c3: {  	[sflag:s18] =	ssyncadd.s32 $0xFFFF8000  }
.LBB2_18:
0x2c4: {  	_ =	sfence.sel $0x180000  }
0x2c5: {  	[bflag:$0x0] =	sbarrier.arrive $0xFFFF  }
0x2c6: {  	_ =	strace $0x9000004D  }
0x2c7: {  	[bflag:$0x2] =	sbarrier.arrive $0xFFFF  }
0x2c8: {  	p0 =	sne.s32 s5, $0x0;
	s0 =	rddreg [dreg:$0x3]  }
0x2c9: {  	s0 =	sadd.s32 @!p0 $0x100000, s0  }
0x2ca: {  	[sflag:s0] =	ssyncadd.tile.s32 @!p0 $0x1;
	_ =	shalt  }
.Lfunc_end2:
_tile_overlayer_lowered:
.L_overlay_start_2:
0x2cb: {  	(tag) =	ssettag $0x2  }
0x2cc: {  	s0 =	rddreg [dreg:$0x0];
	s2 =	stileid.u32  }
0x2cd: {  	s1 =	rddreg [dreg:$0x1];
	p0 =	sne.s32 s2, $0x0  }
0x2ce: {  	s3 =	rddreg [dreg:$0x2];
	[bflag:$0x3] =	sbarrier.arrive $0xFFFF;
	s2 =	simm.s32 @!p0 $0x1C02  }
0x2cf: {  	[timem:s3], [sflag:s2] =	dma.local @!p0 [hbm:s0], s1  }
0x2d0: {  	s0 =	simm.s32 @!p0 $0x2  }
0x2d1: {  	_ =	swait.ge @!p0 [sflag:s0], s1  }
0x2d2: {  	s1 =	ssub.s32 @!p0 $0x0, s1;
	[sflag:s0] =	ssyncset.done @!p0 $0x0  }
0x2d3: {  	[sflag:s0] =	ssyncadd.s32 @!p0 s1  }
0x2d4: {  	[bflag:$0x3] =	sbarrier.arrive $0xFFFF  }
0x2d5: {  	_ =	shalt  }

</sc_bundles>
